<compile_context>
chip_gen: v7x
topology: tpu7x:2x2x1
jax: 0.10.2.dev20260603
libtpu: 0.0.44.dev20260713+nightly
codegen_flags: <defaults>
</compile_context>

<pallas_src>
import jax
import jax.numpy as jnp
from jax import lax
from jax.experimental import pallas as pl
from jax.experimental.pallas import tpu as pltpu
from jax.experimental.pallas import tpu_sc as plsc

_N = 10000
_E = 320000
_G = 64
_NC = 2
_NS = 16
_NW = _NC * _NS
_EPW = _E // _NW
_C = 80
_NCH = _EPW // _C
_RCH = _N // _C
_RT = (_RCH + _NS - 1) // _NS

_SC_PARAMS = pltpu.CompilerParams(use_tc_tiling_on_sc=False)
def _dot(a, b):
    return jax.lax.dot(a, b, preferred_element_type=jnp.float32)


def _dot_exact(a, b):
    return jax.lax.dot(a, b, precision=lax.Precision.HIGHEST,
                       preferred_element_type=jnp.float32)


def _sc_mesh():
    return plsc.VectorSubcoreMesh(core_axis_name="c", subcore_axis_name="s")


def _make_degree_kernel():

    def body(col_hbm, out_hbm, cidx_v, ones_v, zeros_v, acc_sh):
        c = lax.axis_index("c")
        s = lax.axis_index("s")
        wid = c * _NS + s

        ones16 = jnp.ones((16,), jnp.float32)
        zero16 = jnp.zeros((16,), jnp.float32)

        def fill(k, _):
            ones_v[0, pl.ds(k * 16, 16)] = ones16
            zeros_v[pl.ds(k * 16, 16)] = zero16
            return 0

        lax.fori_loop(0, _C // 16, fill, 0)

        def zinit(t, _):
            j = s + t * _NS

            @pl.when(j < _RCH)
            def _():
                pltpu.sync_copy(zeros_v, acc_sh.at[pl.ds(j * _C, _C)])

            return 0

        lax.fori_loop(0, _RT, zinit, 0)

        pltpu.sync_copy(col_hbm.at[pl.ds(wid * _NCH, _NCH)], cidx_v)
        plsc.subcore_barrier()

        def step(j, _):
            pltpu.sync_copy(ones_v.at[0], acc_sh.at[cidx_v.at[j]], add=True)
            return 0

        lax.fori_loop(0, _NCH, step, 0)
        plsc.subcore_barrier()

        def flush(t, _):
            j = s + t * _NS

            @pl.when(j < _RCH)
            def _():
                pltpu.sync_copy(acc_sh.at[pl.ds(j * _C, _C)], zeros_v)
                pltpu.sync_copy(zeros_v, out_hbm.at[pl.ds(c * _N + j * _C, _C)])

            return 0

        lax.fori_loop(0, _RT, flush, 0)

    return pl.kernel(
        body,
        out_type=jax.ShapeDtypeStruct((_NC * _N,), jnp.float32),
        mesh=_sc_mesh(),
        scratch_types=[
            pltpu.VMEM((_NCH, _C), jnp.int32),
            pltpu.VMEM((1, _C), jnp.float32),
            pltpu.VMEM((_C,), jnp.float32),
            pltpu.VMEM_SHARED((_N,), jnp.float32),
        ],
        compiler_params=_SC_PARAMS,
    )


def _make_scatter_kernel(D, C, NB):
    NCH = _EPW // C
    RCH = _N // C
    RT = (RCH + _NS - 1) // _NS

    def body(xs_hbm, row_hbm, col_hbm, out_hbm,
             ridx_v, cidx_v, *bufs_and_sems):
        bufs = bufs_and_sems[:NB]
        acc_sh = bufs_and_sems[NB]
        gsems = bufs_and_sems[NB + 1:]
        c = lax.axis_index("c")
        s = lax.axis_index("s")
        wid = c * _NS + s

        zero16 = jnp.zeros((16,), jnp.float32)

        def zrow(r, _):
            def zcol(k, _):
                bufs[0][r, pl.ds(k * 16, 16)] = zero16
                return 0

            lax.fori_loop(0, D // 16, zcol, 0)
            return 0

        lax.fori_loop(0, C, zrow, 0)

        def zinit(t, _):
            j = s + t * _NS

            @pl.when(j < RCH)
            def _():
                pltpu.sync_copy(bufs[0], acc_sh.at[pl.ds(j * C, C)])

            return 0

        lax.fori_loop(0, RT, zinit, 0)

        pltpu.sync_copy(row_hbm.at[pl.ds(wid * NCH, NCH)], ridx_v)
        pltpu.sync_copy(col_hbm.at[pl.ds(wid * NCH, NCH)], cidx_v)
        plsc.subcore_barrier()

        for b in range(NB):
            pltpu.async_copy(xs_hbm.at[ridx_v.at[b]], bufs[b], gsems[b])

        def step(g, _):
            for b in range(NB):
                j = g * NB + b
                pltpu.make_async_copy(
                    xs_hbm.at[ridx_v.at[j]], bufs[b], gsems[b]).wait()
                pltpu.sync_copy(bufs[b], acc_sh.at[cidx_v.at[j]], add=True)

                @pl.when(j + NB < NCH)
                def _():
                    pltpu.async_copy(xs_hbm.at[ridx_v.at[j + NB]],
                                     bufs[b], gsems[b])

            return 0

        lax.fori_loop(0, NCH // NB, step, 0)
        plsc.subcore_barrier()

        def flush(t, _):
            j = s + t * _NS

            @pl.when(j < RCH)
            def _():
                pltpu.sync_copy(acc_sh.at[pl.ds(j * C, C)], bufs[0])
                pltpu.sync_copy(bufs[0], out_hbm.at[pl.ds(c * _N + j * C, C)])

            return 0

        lax.fori_loop(0, RT, flush, 0)

    return pl.kernel(
        body,
        out_type=jax.ShapeDtypeStruct((_NC * _N, D), jnp.float32),
        mesh=_sc_mesh(),
        scratch_types=[
            pltpu.VMEM((NCH, C), jnp.int32),
            pltpu.VMEM((NCH, C), jnp.int32),
        ] + [pltpu.VMEM((C, D), jnp.float32)] * NB + [
            pltpu.VMEM_SHARED((_N, D), jnp.float32),
        ] + [pltpu.SemaphoreType.DMA] * NB,
        compiler_params=_SC_PARAMS,
    )


def _tc_first(x, W, degp):

    def body(x_ref, w_ref, d_ref, xs_ref, dis_ref):
        deg = d_ref[:_N, :] + d_ref[_N:, :] + 1.0
        dis = lax.rsqrt(deg)
        dis_ref[...] = dis
        xs_ref[...] = _dot(x_ref[...], w_ref[...]) * dis

    return pl.pallas_call(
        body,
        out_shape=(
            jax.ShapeDtypeStruct((_N, W.shape[1]), jnp.float32),
            jax.ShapeDtypeStruct((_N, 1), jnp.float32),
        ),
    )(x, W, degp)


def _tc_fuse(scat, xs, dis, b, W):

    def body(sc_ref, xs_ref, dis_ref, b_ref, w_ref, o_ref):
        h = sc_ref[:_N, :] + sc_ref[_N:, :] + xs_ref[...]
        h = jnp.maximum(h * dis_ref[...] + b_ref[...], 0.0)
        o_ref[...] = _dot(h, w_ref[...]) * dis_ref[...]

    return pl.pallas_call(
        body,
        out_shape=jax.ShapeDtypeStruct((_N, W.shape[1]), jnp.float32),
    )(scat, xs, dis, b, W)


def _tc_final(scat, xs, dis, b, batch_row, Wfc, bfc):

    def body(sc_ref, xs_ref, dis_ref, b_ref, bt_ref, wfc_ref, bfc_ref, o_ref):
        h = sc_ref[:_N, :] + sc_ref[_N:, :] + xs_ref[...]
        h = jnp.maximum(h * dis_ref[...] + b_ref[...], 0.0)
        gids = lax.broadcasted_iota(jnp.int32, (_G, _N), 0)
        m = (bt_ref[...] == gids).astype(jnp.float32)
        sums = _dot_exact(m, h)
        cnt = jnp.maximum(jnp.sum(m, axis=1), 1.0)
        pooled = sums / cnt[:, None]
        o_ref[...] = _dot(pooled, wfc_ref[...]) + bfc_ref[...]

    return pl.pallas_call(
        body,
        out_shape=jax.ShapeDtypeStruct((_G, 1), jnp.float32),
    )(scat, xs, dis, b, batch_row, Wfc, bfc)


def kernel(x, edge_index, batch, W1, b1, W2, b2, W3, b3, W4, b4, Wfc, bfc):
    ei = edge_index.astype(jnp.int32)
    row40 = ei[0].reshape(_E // 40, 40)
    col40 = ei[1].reshape(_E // 40, 40)
    row80 = ei[0].reshape(_E // 80, 80)
    col80 = ei[1].reshape(_E // 80, 80)

    degp = _make_degree_kernel()(col80)
    xs1, dis = _tc_first(x, W1, degp.reshape(_NC * _N, 1))

    sc1 = _make_scatter_kernel(128, 40, 5)(xs1, row40, col40)
    xs2 = _tc_fuse(sc1, xs1, dis, b1.reshape(1, -1), W2)

    sc2 = _make_scatter_kernel(64, 80, 5)(xs2, row80, col80)
    xs3 = _tc_fuse(sc2, xs2, dis, b2.reshape(1, -1), W3)

    sc3 = _make_scatter_kernel(64, 80, 5)(xs3, row80, col80)
    xs4 = _tc_fuse(sc3, xs3, dis, b3.reshape(1, -1), W4)

    sc4 = _make_scatter_kernel(32, 80, 5)(xs4, row80, col80)
    return _tc_final(sc4, xs4, dis, b4.reshape(1, -1),
                     batch.reshape(1, _N).astype(jnp.int32),
                     Wfc, bfc.reshape(1, 1))

# --- scband reference (transcript-rebuilt; emitter-appended) ---
"""Pipeline reference for scband-gcnregression-model-36498632081445 (READ-ONLY COPY).

The authoritative reference and input builder live on the scoring server;
editing this copy changes nothing except your own understanding.
"""

import jax, jax.numpy as jnp
import numpy as np

N_NODES = 10000
N_EDGES = 320000
NUM_GRAPHS = 64


def _glorot(key, shape):
    lim = np.sqrt(6.0 / (shape[0] + shape[1]))
    return jax.random.uniform(key, shape, jnp.float32, -lim, lim)


def setup_inputs(seed: int = 0) -> dict:
    key = jax.random.key(seed)
    ks = jax.random.split(key, 13)
    x = jax.random.normal(ks[0], (N_NODES, 128), jnp.float32)
    edge_index = jax.random.randint(ks[1], (2, N_EDGES), 0, N_NODES, jnp.int32)
    batch = jnp.sort(jax.random.randint(ks[2], (N_NODES,), 0, NUM_GRAPHS, jnp.int32))
    return {
        "x": x,
        "edge_index": edge_index,
        "batch": batch,
        "W1": _glorot(ks[3], (128, 128)), "b1": jnp.zeros((128,), jnp.float32),
        "W2": _glorot(ks[4], (128, 64)), "b2": jnp.zeros((64,), jnp.float32),
        "W3": _glorot(ks[5], (64, 64)), "b3": jnp.zeros((64,), jnp.float32),
        "W4": _glorot(ks[6], (64, 32)), "b4": jnp.zeros((32,), jnp.float32),
        "Wfc": _glorot(ks[7], (32, 1)), "bfc": jnp.zeros((1,), jnp.float32),
    }


def _gcn_conv(x, edge_index, W, b):
    # Faithful PyG GCNConv: linear transform, add self-loops, symmetric norm, scatter-add, bias.
    n = x.shape[0]
    loops = jnp.arange(n, dtype=edge_index.dtype)
    row = jnp.concatenate([edge_index[0], loops])
    col = jnp.concatenate([edge_index[1], loops])
    xw = x @ W
    deg = jax.ops.segment_sum(jnp.ones(row.shape, xw.dtype), col, num_segments=n)
    dis = jnp.where(deg > 0, deg ** -0.5, 0.0)
    norm = dis[row] * dis[col]
    out = jax.ops.segment_sum(xw[row] * norm[:, None], col, num_segments=n)
    return out + b


def reference(x, edge_index, batch, W1, b1, W2, b2, W3, b3, W4, b4, Wfc, bfc):
    h = jax.nn.relu(_gcn_conv(x, edge_index, W1, b1))
    h = jax.nn.relu(_gcn_conv(h, edge_index, W2, b2))
    h = jax.nn.relu(_gcn_conv(h, edge_index, W3, b3))
    h = jax.nn.relu(_gcn_conv(h, edge_index, W4, b4))
    sums = jax.ops.segment_sum(h, batch, num_segments=NUM_GRAPHS)
    counts = jax.ops.segment_sum(jnp.ones((h.shape[0],), h.dtype), batch, num_segments=NUM_GRAPHS)
    pooled = sums / jnp.maximum(counts, 1.0)[:, None]
    return pooled @ Wfc + bfc

if __name__ == "__main__":
    import jax
    _d = setup_inputs()
    print(jax.jit(kernel)(*tuple(_d.values())))

</pallas_src>

<mosaic_0001>
#map = affine_map<(d0, d1) -> (0, 0)>
#map1 = affine_map<(d0, d1) -> (0)>
module attributes {stable_mosaic.version = 14 : i64} {
  func.func @body(%arg0: i32, %arg1: i32, %arg2: memref<4000x80xi32, #tpu.memory_space<hbm>>, %arg3: memref<20000xf32, #tpu.memory_space<hbm>>, %arg4: memref<125x80xi32, #tpu.memory_space<vmem>>, %arg5: memref<1x80xf32, #tpu.memory_space<vmem>>, %arg6: memref<80xf32, #tpu.memory_space<vmem>>, %arg7: memref<10000xf32, #tpu.memory_space<vmem_shared>>) attributes {dimension_semantics = [#tpu.dimension_semantics<core_parallel>, #tpu.dimension_semantics<subcore_parallel>], iteration_bounds = array<i64: 2, 16>, scalar_prefetch = 0 : i64, scratch_operands = 4 : i64, tpu.core_type = #tpu.core_type<sc_vector_subcore>, window_params = [{transform_indices = #map}, {transform_indices = #map1}]} {
    %mul3A = arith.constant 16 : i32
    %mul3A_0 = arith.muli %arg0, %mul3A : i32
    %add3A = arith.addi %mul3A_0, %arg1 : i32
    %broadcast_in_dim3A = arith.constant 1.000000e+00 : f32
    %broadcast_in_dim3A_1 = vector.broadcast %broadcast_in_dim3A : f32 to vector<16xf32>
    %broadcast_in_dim3A_2 = arith.constant 0.000000e+00 : f32
    %broadcast_in_dim3A_3 = vector.broadcast %broadcast_in_dim3A_2 : f32 to vector<16xf32>
    %scan3A = arith.constant 0 : i32
    %scan3A_4 = arith.constant 0 : i32
    %scan3A_5 = arith.constant 5 : i32
    %scan3A_6 = arith.addi %scan3A_4, %scan3A_5 : i32
    %scan3A_7 = arith.constant 1 : i32
    %scan3A_8 = scf.for %scan3A_34 = %scan3A_4 to %scan3A_6 step %scan3A_7 iter_args(%scan3A_35 = %scan3A) -> (i32)  : i32 {
      %mul3A_36 = arith.constant 16 : i32
      %mul3A_37 = arith.muli %scan3A_34, %mul3A_36 : i32
      %swap3A = arith.constant 0 : i32
      %swap3A_38 = arith.index_cast %swap3A : i32 to index
      %swap3A_39 = arith.index_cast %mul3A_37 : i32 to index
      %swap3A_40 = tpu.vector_load %arg5[%swap3A_38, %swap3A_39] {strides = array<i32>} : memref<1x80xf32, #tpu.memory_space<vmem>>, vector<1x16xf32>,
      %swap3A_41 = vector.shape_cast %swap3A_40 : vector<1x16xf32> to vector<16xf32>
      %swap3A_42 = vector.shape_cast %broadcast_in_dim3A_1 : vector<16xf32> to vector<1x16xf32>
      tpu.vector_store %arg5[%swap3A_38, %swap3A_39], %swap3A_42 {strides = array<i32>} : memref<1x80xf32, #tpu.memory_space<vmem>>, vector<1x16xf32>,
      %mul3A_43 = arith.constant 16 : i32
      %mul3A_44 = arith.muli %scan3A_34, %mul3A_43 : i32
      %swap3A_45 = arith.index_cast %mul3A_44 : i32 to index
      %swap3A_46 = tpu.vector_load %arg6[%swap3A_45] {strides = array<i32>} : memref<80xf32, #tpu.memory_space<vmem>>, vector<16xf32>,
      %swap3A_47 = vector.shape_cast %swap3A_46 : vector<16xf32> to vector<16xf32>
      %swap3A_48 = vector.shape_cast %broadcast_in_dim3A_3 : vector<16xf32> to vector<16xf32>
      tpu.vector_store %arg6[%swap3A_45], %swap3A_48 {strides = array<i32>} : memref<80xf32, #tpu.memory_space<vmem>>, vector<16xf32>,
      %scan3A_49 = arith.constant 0 : i32
      scf.yield %scan3A_49 : i32
    }
    %scan3A_9 = arith.constant 5 : i32
    %scan3A_10 = arith.constant 0 : i32
    %scan3A_11 = arith.constant 0 : i32
    %scan3A_12 = arith.constant 8 : i32
    %scan3A_13 = arith.addi %scan3A_11, %scan3A_12 : i32
    %scan3A_14 = arith.constant 1 : i32
    %scan3A_15 = scf.for %scan3A_34 = %scan3A_11 to %scan3A_13 step %scan3A_14 iter_args(%scan3A_35 = %scan3A_10) -> (i32)  : i32 {
      %mul3A_36 = arith.constant 16 : i32
      %mul3A_37 = arith.muli %scan3A_34, %mul3A_36 : i32
      %add3A_38 = arith.addi %arg1, %mul3A_37 : i32
      %lt3A = arith.constant 125 : i32
      %lt3A_39 = arith.cmpi slt, %add3A_38, %lt3A : i32
      %convert_element_type3A = arith.extui %lt3A_39 : i1 to i32
      %cond3A = arith.constant 0 : i32
      %cond3A_40 = arith.cmpi ne, %convert_element_type3A, %cond3A : i32
      scf.if %cond3A_40 {
        %mul3A_42 = arith.constant 80 : i32
        %mul3A_43 = arith.muli %add3A_38, %mul3A_42 : i32
        "tpu.region"() ({
          %run_scoped3A = tpu.sem_alloc : memref<!tpu.dma_semaphore, #tpu.memory_space<semaphore_mem>>
          %dma_start3A = tpu.memref_slice %arg7[%mul3A_43] : memref<10000xf32, #tpu.memory_space<vmem_shared>> -> memref<80xf32, #tpu.memory_space<vmem_shared>>
          %dma_start3A_44 = tpu.memref_slice %arg7[%mul3A_43] : memref<10000xf32, #tpu.memory_space<vmem_shared>> -> memref<80xf32, #tpu.memory_space<vmem_shared>>
          tpu.enqueue_dma source(%arg6 : memref<80xf32, #tpu.memory_space<vmem>>) target(%dma_start3A_44 : memref<80xf32, #tpu.memory_space<vmem_shared>>) target_semaphore(%run_scoped3A : memref<!tpu.dma_semaphore, #tpu.memory_space<semaphore_mem>>)
          %dma_wait3A = tpu.memref_slice %arg7[%mul3A_43] : memref<10000xf32, #tpu.memory_space<vmem_shared>> -> memref<80xf32, #tpu.memory_space<vmem_shared>>
          %dma_wait3A_45 = tpu.memref_slice %arg7[%mul3A_43] : memref<10000xf32, #tpu.memory_space<vmem_shared>> -> memref<80xf32, #tpu.memory_space<vmem_shared>>
          tpu.wait_dma2 semaphore(%run_scoped3A : memref<!tpu.dma_semaphore, #tpu.memory_space<semaphore_mem>>) src(%arg6 : memref<80xf32, #tpu.memory_space<vmem>>) dst(%dma_wait3A_45 : memref<80xf32, #tpu.memory_space<vmem_shared>>)
          tpu.yield
        }) : () -> ()
      } else {
      }
      %scan3A_41 = arith.constant 0 : i32
      scf.yield %scan3A_41 : i32
    }
    %scan3A_16 = arith.constant 8 : i32
    %mul3A_17 = arith.constant 125 : i32
    %mul3A_18 = arith.muli %add3A, %mul3A_17 : i32
    "tpu.region"() ({
      %run_scoped3A = tpu.sem_alloc : memref<!tpu.dma_semaphore, #tpu.memory_space<semaphore_mem>>
      %dma_start3A = arith.constant 0 : i32
      %dma_start3A_34 = tpu.memref_slice %arg2[%mul3A_18, %dma_start3A] : memref<4000x80xi32, #tpu.memory_space<hbm>> -> memref<125x80xi32, #tpu.memory_space<hbm>>
      %dma_start3A_35 = arith.constant 0 : i32
      %dma_start3A_36 = tpu.memref_slice %arg2[%mul3A_18, %dma_start3A_35] : memref<4000x80xi32, #tpu.memory_space<hbm>> -> memref<125x80xi32, #tpu.memory_space<hbm>>
      tpu.enqueue_dma source(%dma_start3A_36 : memref<125x80xi32, #tpu.memory_space<hbm>>) target(%arg4 : memref<125x80xi32, #tpu.memory_space<vmem>>) target_semaphore(%run_scoped3A : memref<!tpu.dma_semaphore, #tpu.memory_space<semaphore_mem>>)
      %dma_wait3A = arith.constant 0 : i32
      %dma_wait3A_37 = tpu.memref_slice %arg2[%mul3A_18, %dma_wait3A] : memref<4000x80xi32, #tpu.memory_space<hbm>> -> memref<125x80xi32, #tpu.memory_space<hbm>>
      %dma_wait3A_38 = arith.constant 0 : i32
      %dma_wait3A_39 = tpu.memref_slice %arg2[%mul3A_18, %dma_wait3A_38] : memref<4000x80xi32, #tpu.memory_space<hbm>> -> memref<125x80xi32, #tpu.memory_space<hbm>>
      tpu.wait_dma2 semaphore(%run_scoped3A : memref<!tpu.dma_semaphore, #tpu.memory_space<semaphore_mem>>) src(%dma_wait3A_39 : memref<125x80xi32, #tpu.memory_space<hbm>>) dst(%arg4 : memref<125x80xi32, #tpu.memory_space<vmem>>)
      tpu.yield
    }) : () -> ()
    %barrier3A = arith.constant 0 : index
    tpu.barrier barrier_id(%barrier3A)
    %scan3A_19 = arith.constant 0 : i32
    %scan3A_20 = arith.constant 0 : i32
    %scan3A_21 = arith.constant 125 : i32
    %scan3A_22 = arith.addi %scan3A_20, %scan3A_21 : i32
    %scan3A_23 = arith.constant 1 : i32
    %scan3A_24 = scf.for %scan3A_34 = %scan3A_20 to %scan3A_22 step %scan3A_23 iter_args(%scan3A_35 = %scan3A_19) -> (i32)  : i32 {
      %run_scoped3A = arith.constant 0 : i32
      "tpu.region"() ({
        %run_scoped3A_37 = tpu.sem_alloc : memref<!tpu.dma_semaphore, #tpu.memory_space<semaphore_mem>>
        %dma_start3A = arith.constant 0 : i32
        %dma_start3A_38 = tpu.memref_slice %arg5[%run_scoped3A, %dma_start3A] : memref<1x80xf32, #tpu.memory_space<vmem>> -> memref<1x80xf32, #tpu.memory_space<vmem>>
        %dma_start3A_39 = tpu.memref_squeeze %dma_start3A_38 : memref<1x80xf32, #tpu.memory_space<vmem>> -> memref<80xf32, #tpu.memory_space<vmem>>
        %dma_start3A_40 = arith.constant 0 : i32
        %dma_start3A_41 = tpu.memref_slice %arg4[%scan3A_34, %dma_start3A_40] : memref<125x80xi32, #tpu.memory_space<vmem>> -> memref<1x80xi32, #tpu.memory_space<vmem>>
        %dma_start3A_42 = tpu.memref_squeeze %dma_start3A_41 : memref<1x80xi32, #tpu.memory_space<vmem>> -> memref<80xi32, #tpu.memory_space<vmem>>
        %dma_start3A_43 = arith.constant 0 : i32
        %dma_start3A_44 = tpu.memref_slice %arg7[%dma_start3A_43] : memref<10000xf32, #tpu.memory_space<vmem_shared>> -> memref<10000xf32, #tpu.memory_space<vmem_shared>>
        tpu.enqueue_indirect_dma source(%dma_start3A_39 : memref<80xf32, #tpu.memory_space<vmem>>) target(%dma_start3A_44 : memref<10000xf32, #tpu.memory_space<vmem_shared>>) offsets(%dma_start3A_42 : memref<80xi32, #tpu.memory_space<vmem>>) semaphore(%run_scoped3A_37 : memref<!tpu.dma_semaphore, #tpu.memory_space<semaphore_mem>>) {add = true}
        %dma_wait3A = arith.constant 0 : i32
        %dma_wait3A_45 = tpu.memref_slice %arg5[%run_scoped3A, %dma_wait3A] : memref<1x80xf32, #tpu.memory_space<vmem>> -> memref<1x80xf32, #tpu.memory_space<vmem>>
        %dma_wait3A_46 = tpu.memref_squeeze %dma_wait3A_45 : memref<1x80xf32, #tpu.memory_space<vmem>> -> memref<80xf32, #tpu.memory_space<vmem>>
        %dma_wait3A_47 = arith.constant 0 : i32
        %dma_wait3A_48 = tpu.memref_slice %arg4[%scan3A_34, %dma_wait3A_47] : memref<125x80xi32, #tpu.memory_space<vmem>> -> memref<1x80xi32, #tpu.memory_space<vmem>>
        %dma_wait3A_49 = tpu.memref_squeeze %dma_wait3A_48 : memref<1x80xi32, #tpu.memory_space<vmem>> -> memref<80xi32, #tpu.memory_space<vmem>>
        %dma_wait3A_50 = arith.constant 0 : i32
        %dma_wait3A_51 = tpu.memref_slice %arg7[%dma_wait3A_50] : memref<10000xf32, #tpu.memory_space<vmem_shared>> -> memref<10000xf32, #tpu.memory_space<vmem_shared>>
        tpu.wait_indirect_dma semaphore(%run_scoped3A_37 : memref<!tpu.dma_semaphore, #tpu.memory_space<semaphore_mem>>) src(%dma_wait3A_46 : memref<80xf32, #tpu.memory_space<vmem>>) dst(%dma_wait3A_51 : memref<10000xf32, #tpu.memory_space<vmem_shared>>)
        tpu.yield
      }) : () -> ()
      %scan3A_36 = arith.constant 0 : i32
      scf.yield %scan3A_36 : i32
    }
    %scan3A_25 = arith.constant 125 : i32
    %barrier3A_26 = arith.constant 0 : index
    tpu.barrier barrier_id(%barrier3A_26)
    %scan3A_27 = arith.constant 0 : i32
    %scan3A_28 = arith.constant 0 : i32
    %scan3A_29 = arith.constant 8 : i32
    %scan3A_30 = arith.addi %scan3A_28, %scan3A_29 : i32
    %scan3A_31 = arith.constant 1 : i32
    %scan3A_32 = scf.for %scan3A_34 = %scan3A_28 to %scan3A_30 step %scan3A_31 iter_args(%scan3A_35 = %scan3A_27) -> (i32)  : i32 {
      %mul3A_36 = arith.constant 16 : i32
      %mul3A_37 = arith.muli %scan3A_34, %mul3A_36 : i32
      %add3A_38 = arith.addi %arg1, %mul3A_37 : i32
      %lt3A = arith.constant 125 : i32
      %lt3A_39 = arith.cmpi slt, %add3A_38, %lt3A : i32
      %convert_element_type3A = arith.extui %lt3A_39 : i1 to i32
      %cond3A = arith.constant 0 : i32
      %cond3A_40 = arith.cmpi ne, %convert_element_type3A, %cond3A : i32
      scf.if %cond3A_40 {
        %mul3A_42 = arith.constant 80 : i32
        %mul3A_43 = arith.muli %add3A_38, %mul3A_42 : i32
        "tpu.region"() ({
          %run_scoped3A = tpu.sem_alloc : memref<!tpu.dma_semaphore, #tpu.memory_space<semaphore_mem>>
          %dma_start3A = tpu.memref_slice %arg7[%mul3A_43] : memref<10000xf32, #tpu.memory_space<vmem_shared>> -> memref<80xf32, #tpu.memory_space<vmem_shared>>
          %dma_start3A_49 = tpu.memref_slice %arg7[%mul3A_43] : memref<10000xf32, #tpu.memory_space<vmem_shared>> -> memref<80xf32, #tpu.memory_space<vmem_shared>>
          tpu.enqueue_dma source(%dma_start3A_49 : memref<80xf32, #tpu.memory_space<vmem_shared>>) target(%arg6 : memref<80xf32, #tpu.memory_space<vmem>>) target_semaphore(%run_scoped3A : memref<!tpu.dma_semaphore, #tpu.memory_space<semaphore_mem>>)
          %dma_wait3A = tpu.memref_slice %arg7[%mul3A_43] : memref<10000xf32, #tpu.memory_space<vmem_shared>> -> memref<80xf32, #tpu.memory_space<vmem_shared>>
          %dma_wait3A_50 = tpu.memref_slice %arg7[%mul3A_43] : memref<10000xf32, #tpu.memory_space<vmem_shared>> -> memref<80xf32, #tpu.memory_space<vmem_shared>>
          tpu.wait_dma2 semaphore(%run_scoped3A : memref<!tpu.dma_semaphore, #tpu.memory_space<semaphore_mem>>) src(%dma_wait3A_50 : memref<80xf32, #tpu.memory_space<vmem_shared>>) dst(%arg6 : memref<80xf32, #tpu.memory_space<vmem>>)
          tpu.yield
        }) : () -> ()
        %mul3A_44 = arith.constant 10000 : i32
        %mul3A_45 = arith.muli %arg0, %mul3A_44 : i32
        %mul3A_46 = arith.constant 80 : i32
        %mul3A_47 = arith.muli %add3A_38, %mul3A_46 : i32
        %add3A_48 = arith.addi %mul3A_45, %mul3A_47 : i32
        "tpu.region"() ({
          %run_scoped3A = tpu.sem_alloc : memref<!tpu.dma_semaphore, #tpu.memory_space<semaphore_mem>>
          %dma_start3A = tpu.memref_slice %arg3[%add3A_48] : memref<20000xf32, #tpu.memory_space<hbm>> -> memref<80xf32, #tpu.memory_space<hbm>>
          %dma_start3A_49 = tpu.memref_slice %arg3[%add3A_48] : memref<20000xf32, #tpu.memory_space<hbm>> -> memref<80xf32, #tpu.memory_space<hbm>>
          tpu.enqueue_dma source(%arg6 : memref<80xf32, #tpu.memory_space<vmem>>) target(%dma_start3A_49 : memref<80xf32, #tpu.memory_space<hbm>>) target_semaphore(%run_scoped3A : memref<!tpu.dma_semaphore, #tpu.memory_space<semaphore_mem>>)
          %dma_wait3A = tpu.memref_slice %arg3[%add3A_48] : memref<20000xf32, #tpu.memory_space<hbm>> -> memref<80xf32, #tpu.memory_space<hbm>>
          %dma_wait3A_50 = tpu.memref_slice %arg3[%add3A_48] : memref<20000xf32, #tpu.memory_space<hbm>> -> memref<80xf32, #tpu.memory_space<hbm>>
          tpu.wait_dma2 semaphore(%run_scoped3A : memref<!tpu.dma_semaphore, #tpu.memory_space<semaphore_mem>>) src(%arg6 : memref<80xf32, #tpu.memory_space<vmem>>) dst(%dma_wait3A_50 : memref<80xf32, #tpu.memory_space<hbm>>)
          tpu.yield
        }) : () -> ()
      } else {
      }
      %scan3A_41 = arith.constant 0 : i32
      scf.yield %scan3A_41 : i32
    }
    %scan3A_33 = arith.constant 8 : i32
    return
  }
}

#map = affine_map<(d0, d1) -> (0, 0)>
module attributes {stable_mosaic.version = 14 : i64} {
  func.func @body(%arg0: i32, %arg1: i32, %arg2: memref<10000x64xf32, #tpu.memory_space<hbm>>, %arg3: memref<4000x80xi32, #tpu.memory_space<hbm>>, %arg4: memref<4000x80xi32, #tpu.memory_space<hbm>>, %arg5: memref<20000x64xf32, #tpu.memory_space<hbm>>, %arg6: memref<125x80xi32, #tpu.memory_space<vmem>>, %arg7: memref<125x80xi32, #tpu.memory_space<vmem>>, %arg8: memref<80x64xf32, #tpu.memory_space<vmem>>, %arg9: memref<80x64xf32, #tpu.memory_space<vmem>>, %arg10: memref<80x64xf32, #tpu.memory_space<vmem>>, %arg11: memref<80x64xf32, #tpu.memory_space<vmem>>, %arg12: memref<80x64xf32, #tpu.memory_space<vmem>>, %arg13: memref<10000x64xf32, #tpu.memory_space<vmem_shared>>, %arg14: memref<!tpu.dma_semaphore, #tpu.memory_space<semaphore_mem>>, %arg15: memref<!tpu.dma_semaphore, #tpu.memory_space<semaphore_mem>>, %arg16: memref<!tpu.dma_semaphore, #tpu.memory_space<semaphore_mem>>, %arg17: memref<!tpu.dma_semaphore, #tpu.memory_space<semaphore_mem>>, %arg18: memref<!tpu.dma_semaphore, #tpu.memory_space<semaphore_mem>>) attributes {dimension_semantics = [#tpu.dimension_semantics<core_parallel>, #tpu.dimension_semantics<subcore_parallel>], iteration_bounds = array<i64: 2, 16>, scalar_prefetch = 0 : i64, scratch_operands = 13 : i64, tpu.core_type = #tpu.core_type<sc_vector_subcore>, window_params = [{transform_indices = #map}, {transform_indices = #map}, {transform_indices = #map}, {transform_indices = #map}]} {
    %mul3A = arith.constant 16 : i32
    %mul3A_0 = arith.muli %arg0, %mul3A : i32
    %add3A = arith.addi %mul3A_0, %arg1 : i32
    %broadcast_in_dim3A = arith.constant 0.000000e+00 : f32
    %broadcast_in_dim3A_1 = vector.broadcast %broadcast_in_dim3A : f32 to vector<16xf32>
    %scan3A = arith.constant 0 : i32
    %scan3A_2 = arith.constant 0 : i32
    %scan3A_3 = arith.constant 80 : i32
    %scan3A_4 = arith.addi %scan3A_2, %scan3A_3 : i32
    %scan3A_5 = arith.constant 1 : i32
    %scan3A_6 = scf.for %scan3A_68 = %scan3A_2 to %scan3A_4 step %scan3A_5 iter_args(%scan3A_69 = %scan3A) -> (i32)  : i32 {
      %scan3A_70 = arith.constant 0 : i32
      %scan3A_71 = arith.constant 0 : i32
      %scan3A_72 = arith.constant 4 : i32
      %scan3A_73 = arith.addi %scan3A_71, %scan3A_72 : i32
      %scan3A_74 = arith.constant 1 : i32
      %scan3A_75 = scf.for %scan3A_78 = %scan3A_71 to %scan3A_73 step %scan3A_74 iter_args(%scan3A_79 = %scan3A_70) -> (i32)  : i32 {
        %mul3A_80 = arith.constant 16 : i32
        %mul3A_81 = arith.muli %scan3A_78, %mul3A_80 : i32
        %swap3A = arith.index_cast %scan3A_68 : i32 to index
        %swap3A_82 = arith.index_cast %mul3A_81 : i32 to index
        %swap3A_83 = tpu.vector_load %arg8[%swap3A, %swap3A_82] {strides = array<i32>} : memref<80x64xf32, #tpu.memory_space<vmem>>, vector<1x16xf32>,
        %swap3A_84 = vector.shape_cast %swap3A_83 : vector<1x16xf32> to vector<16xf32>
        %swap3A_85 = vector.shape_cast %broadcast_in_dim3A_1 : vector<16xf32> to vector<1x16xf32>
        tpu.vector_store %arg8[%swap3A, %swap3A_82], %swap3A_85 {strides = array<i32>} : memref<80x64xf32, #tpu.memory_space<vmem>>, vector<1x16xf32>,
        %scan3A_86 = arith.constant 0 : i32
        scf.yield %scan3A_86 : i32
      }
      %scan3A_76 = arith.constant 4 : i32
      %scan3A_77 = arith.constant 0 : i32
      scf.yield %scan3A_77 : i32
    }
    %scan3A_7 = arith.constant 80 : i32
    %scan3A_8 = arith.constant 0 : i32
    %scan3A_9 = arith.constant 0 : i32
    %scan3A_10 = arith.constant 8 : i32
    %scan3A_11 = arith.addi %scan3A_9, %scan3A_10 : i32
    %scan3A_12 = arith.constant 1 : i32
    %scan3A_13 = scf.for %scan3A_68 = %scan3A_9 to %scan3A_11 step %scan3A_12 iter_args(%scan3A_69 = %scan3A_8) -> (i32)  : i32 {
      %mul3A_70 = arith.constant 16 : i32
      %mul3A_71 = arith.muli %scan3A_68, %mul3A_70 : i32
      %add3A_72 = arith.addi %arg1, %mul3A_71 : i32
      %lt3A = arith.constant 125 : i32
      %lt3A_73 = arith.cmpi slt, %add3A_72, %lt3A : i32
      %convert_element_type3A = arith.extui %lt3A_73 : i1 to i32
      %cond3A = arith.constant 0 : i32
      %cond3A_74 = arith.cmpi ne, %convert_element_type3A, %cond3A : i32
      scf.if %cond3A_74 {
        %mul3A_76 = arith.constant 80 : i32
        %mul3A_77 = arith.muli %add3A_72, %mul3A_76 : i32
        "tpu.region"() ({
          %run_scoped3A = tpu.sem_alloc : memref<!tpu.dma_semaphore, #tpu.memory_space<semaphore_mem>>
          %dma_start3A_78 = arith.constant 0 : i32
          %dma_start3A_79 = tpu.memref_slice %arg13[%mul3A_77, %dma_start3A_78] : memref<10000x64xf32, #tpu.memory_space<vmem_shared>> -> memref<80x64xf32, #tpu.memory_space<vmem_shared>>
          %dma_start3A_80 = arith.constant 0 : i32
          %dma_start3A_81 = tpu.memref_slice %arg13[%mul3A_77, %dma_start3A_80] : memref<10000x64xf32, #tpu.memory_space<vmem_shared>> -> memref<80x64xf32, #tpu.memory_space<vmem_shared>>
          tpu.enqueue_dma source(%arg8 : memref<80x64xf32, #tpu.memory_space<vmem>>) target(%dma_start3A_81 : memref<80x64xf32, #tpu.memory_space<vmem_shared>>) target_semaphore(%run_scoped3A : memref<!tpu.dma_semaphore, #tpu.memory_space<semaphore_mem>>)
          %dma_wait3A = arith.constant 0 : i32
          %dma_wait3A_82 = tpu.memref_slice %arg13[%mul3A_77, %dma_wait3A] : memref<10000x64xf32, #tpu.memory_space<vmem_shared>> -> memref<80x64xf32, #tpu.memory_space<vmem_shared>>
          %dma_wait3A_83 = arith.constant 0 : i32
          %dma_wait3A_84 = tpu.memref_slice %arg13[%mul3A_77, %dma_wait3A_83] : memref<10000x64xf32, #tpu.memory_space<vmem_shared>> -> memref<80x64xf32, #tpu.memory_space<vmem_shared>>
          tpu.wait_dma2 semaphore(%run_scoped3A : memref<!tpu.dma_semaphore, #tpu.memory_space<semaphore_mem>>) src(%arg8 : memref<80x64xf32, #tpu.memory_space<vmem>>) dst(%dma_wait3A_84 : memref<80x64xf32, #tpu.memory_space<vmem_shared>>)
          tpu.yield
        }) : () -> ()
      } else {
      }
      %scan3A_75 = arith.constant 0 : i32
      scf.yield %scan3A_75 : i32
    }
    %scan3A_14 = arith.constant 8 : i32
    %mul3A_15 = arith.constant 125 : i32
    %mul3A_16 = arith.muli %add3A, %mul3A_15 : i32
    "tpu.region"() ({
      %run_scoped3A = tpu.sem_alloc : memref<!tpu.dma_semaphore, #tpu.memory_space<semaphore_mem>>
      %dma_start3A_68 = arith.constant 0 : i32
      %dma_start3A_69 = tpu.memref_slice %arg3[%mul3A_16, %dma_start3A_68] : memref<4000x80xi32, #tpu.memory_space<hbm>> -> memref<125x80xi32, #tpu.memory_space<hbm>>
      %dma_start3A_70 = arith.constant 0 : i32
      %dma_start3A_71 = tpu.memref_slice %arg3[%mul3A_16, %dma_start3A_70] : memref<4000x80xi32, #tpu.memory_space<hbm>> -> memref<125x80xi32, #tpu.memory_space<hbm>>
      tpu.enqueue_dma source(%dma_start3A_71 : memref<125x80xi32, #tpu.memory_space<hbm>>) target(%arg6 : memref<125x80xi32, #tpu.memory_space<vmem>>) target_semaphore(%run_scoped3A : memref<!tpu.dma_semaphore, #tpu.memory_space<semaphore_mem>>)
      %dma_wait3A = arith.constant 0 : i32
      %dma_wait3A_72 = tpu.memref_slice %arg3[%mul3A_16, %dma_wait3A] : memref<4000x80xi32, #tpu.memory_space<hbm>> -> memref<125x80xi32, #tpu.memory_space<hbm>>
      %dma_wait3A_73 = arith.constant 0 : i32
      %dma_wait3A_74 = tpu.memref_slice %arg3[%mul3A_16, %dma_wait3A_73] : memref<4000x80xi32, #tpu.memory_space<hbm>> -> memref<125x80xi32, #tpu.memory_space<hbm>>
      tpu.wait_dma2 semaphore(%run_scoped3A : memref<!tpu.dma_semaphore, #tpu.memory_space<semaphore_mem>>) src(%dma_wait3A_74 : memref<125x80xi32, #tpu.memory_space<hbm>>) dst(%arg6 : memref<125x80xi32, #tpu.memory_space<vmem>>)
      tpu.yield
    }) : () -> ()
    %mul3A_17 = arith.constant 125 : i32
    %mul3A_18 = arith.muli %add3A, %mul3A_17 : i32
    "tpu.region"() ({
      %run_scoped3A = tpu.sem_alloc : memref<!tpu.dma_semaphore, #tpu.memory_space<semaphore_mem>>
      %dma_start3A_68 = arith.constant 0 : i32
      %dma_start3A_69 = tpu.memref_slice %arg4[%mul3A_18, %dma_start3A_68] : memref<4000x80xi32, #tpu.memory_space<hbm>> -> memref<125x80xi32, #tpu.memory_space<hbm>>
      %dma_start3A_70 = arith.constant 0 : i32
      %dma_start3A_71 = tpu.memref_slice %arg4[%mul3A_18, %dma_start3A_70] : memref<4000x80xi32, #tpu.memory_space<hbm>> -> memref<125x80xi32, #tpu.memory_space<hbm>>
      tpu.enqueue_dma source(%dma_start3A_71 : memref<125x80xi32, #tpu.memory_space<hbm>>) target(%arg7 : memref<125x80xi32, #tpu.memory_space<vmem>>) target_semaphore(%run_scoped3A : memref<!tpu.dma_semaphore, #tpu.memory_space<semaphore_mem>>)
      %dma_wait3A = arith.constant 0 : i32
      %dma_wait3A_72 = tpu.memref_slice %arg4[%mul3A_18, %dma_wait3A] : memref<4000x80xi32, #tpu.memory_space<hbm>> -> memref<125x80xi32, #tpu.memory_space<hbm>>
      %dma_wait3A_73 = arith.constant 0 : i32
      %dma_wait3A_74 = tpu.memref_slice %arg4[%mul3A_18, %dma_wait3A_73] : memref<4000x80xi32, #tpu.memory_space<hbm>> -> memref<125x80xi32, #tpu.memory_space<hbm>>
      tpu.wait_dma2 semaphore(%run_scoped3A : memref<!tpu.dma_semaphore, #tpu.memory_space<semaphore_mem>>) src(%dma_wait3A_74 : memref<125x80xi32, #tpu.memory_space<hbm>>) dst(%arg7 : memref<125x80xi32, #tpu.memory_space<vmem>>)
      tpu.yield
    }) : () -> ()
    %barrier3A = arith.constant 0 : index
    tpu.barrier barrier_id(%barrier3A)
    %dma_start3A = arith.constant 0 : i32
    %dma_start3A_19 = arith.constant 0 : i32
    %dma_start3A_20 = tpu.memref_slice %arg6[%dma_start3A, %dma_start3A_19] : memref<125x80xi32, #tpu.memory_space<vmem>> -> memref<1x80xi32, #tpu.memory_space<vmem>>
    %dma_start3A_21 = tpu.memref_squeeze %dma_start3A_20 : memref<1x80xi32, #tpu.memory_space<vmem>> -> memref<80xi32, #tpu.memory_space<vmem>>
    %dma_start3A_22 = arith.constant 0 : i32
    %dma_start3A_23 = arith.constant 0 : i32
    %dma_start3A_24 = tpu.memref_slice %arg2[%dma_start3A_22, %dma_start3A_23] : memref<10000x64xf32, #tpu.memory_space<hbm>> -> memref<10000x64xf32, #tpu.memory_space<hbm>>
    tpu.enqueue_indirect_dma source(%dma_start3A_24 : memref<10000x64xf32, #tpu.memory_space<hbm>>) target(%arg8 : memref<80x64xf32, #tpu.memory_space<vmem>>) offsets(%dma_start3A_21 : memref<80xi32, #tpu.memory_space<vmem>>) semaphore(%arg14 : memref<!tpu.dma_semaphore, #tpu.memory_space<semaphore_mem>>)
    %dma_start3A_25 = arith.constant 1 : i32
    %dma_start3A_26 = arith.constant 0 : i32
    %dma_start3A_27 = tpu.memref_slice %arg6[%dma_start3A_25, %dma_start3A_26] : memref<125x80xi32, #tpu.memory_space<vmem>> -> memref<1x80xi32, #tpu.memory_space<vmem>>
    %dma_start3A_28 = tpu.memref_squeeze %dma_start3A_27 : memref<1x80xi32, #tpu.memory_space<vmem>> -> memref<80xi32, #tpu.memory_space<vmem>>
    %dma_start3A_29 = arith.constant 0 : i32
    %dma_start3A_30 = arith.constant 0 : i32
    %dma_start3A_31 = tpu.memref_slice %arg2[%dma_start3A_29, %dma_start3A_30] : memref<10000x64xf32, #tpu.memory_space<hbm>> -> memref<10000x64xf32, #tpu.memory_space<hbm>>
    tpu.enqueue_indirect_dma source(%dma_start3A_31 : memref<10000x64xf32, #tpu.memory_space<hbm>>) target(%arg9 : memref<80x64xf32, #tpu.memory_space<vmem>>) offsets(%dma_start3A_28 : memref<80xi32, #tpu.memory_space<vmem>>) semaphore(%arg15 : memref<!tpu.dma_semaphore, #tpu.memory_space<semaphore_mem>>)
    %dma_start3A_32 = arith.constant 2 : i32
    %dma_start3A_33 = arith.constant 0 : i32
    %dma_start3A_34 = tpu.memref_slice %arg6[%dma_start3A_32, %dma_start3A_33] : memref<125x80xi32, #tpu.memory_space<vmem>> -> memref<1x80xi32, #tpu.memory_space<vmem>>
    %dma_start3A_35 = tpu.memref_squeeze %dma_start3A_34 : memref<1x80xi32, #tpu.memory_space<vmem>> -> memref<80xi32, #tpu.memory_space<vmem>>
    %dma_start3A_36 = arith.constant 0 : i32
    %dma_start3A_37 = arith.constant 0 : i32
    %dma_start3A_38 = tpu.memref_slice %arg2[%dma_start3A_36, %dma_start3A_37] : memref<10000x64xf32, #tpu.memory_space<hbm>> -> memref<10000x64xf32, #tpu.memory_space<hbm>>
    tpu.enqueue_indirect_dma source(%dma_start3A_38 : memref<10000x64xf32, #tpu.memory_space<hbm>>) target(%arg10 : memref<80x64xf32, #tpu.memory_space<vmem>>) offsets(%dma_start3A_35 : memref<80xi32, #tpu.memory_space<vmem>>) semaphore(%arg16 : memref<!tpu.dma_semaphore, #tpu.memory_space<semaphore_mem>>)
    %dma_start3A_39 = arith.constant 3 : i32
    %dma_start3A_40 = arith.constant 0 : i32
    %dma_start3A_41 = tpu.memref_slice %arg6[%dma_start3A_39, %dma_start3A_40] : memref<125x80xi32, #tpu.memory_space<vmem>> -> memref<1x80xi32, #tpu.memory_space<vmem>>
    %dma_start3A_42 = tpu.memref_squeeze %dma_start3A_41 : memref<1x80xi32, #tpu.memory_space<vmem>> -> memref<80xi32, #tpu.memory_space<vmem>>
    %dma_start3A_43 = arith.constant 0 : i32
    %dma_start3A_44 = arith.constant 0 : i32
    %dma_start3A_45 = tpu.memref_slice %arg2[%dma_start3A_43, %dma_start3A_44] : memref<10000x64xf32, #tpu.memory_space<hbm>> -> memref<10000x64xf32, #tpu.memory_space<hbm>>
    tpu.enqueue_indirect_dma source(%dma_start3A_45 : memref<10000x64xf32, #tpu.memory_space<hbm>>) target(%arg11 : memref<80x64xf32, #tpu.memory_space<vmem>>) offsets(%dma_start3A_42 : memref<80xi32, #tpu.memory_space<vmem>>) semaphore(%arg17 : memref<!tpu.dma_semaphore, #tpu.memory_space<semaphore_mem>>)
    %dma_start3A_46 = arith.constant 4 : i32
    %dma_start3A_47 = arith.constant 0 : i32
    %dma_start3A_48 = tpu.memref_slice %arg6[%dma_start3A_46, %dma_start3A_47] : memref<125x80xi32, #tpu.memory_space<vmem>> -> memref<1x80xi32, #tpu.memory_space<vmem>>
    %dma_start3A_49 = tpu.memref_squeeze %dma_start3A_48 : memref<1x80xi32, #tpu.memory_space<vmem>> -> memref<80xi32, #tpu.memory_space<vmem>>
    %dma_start3A_50 = arith.constant 0 : i32
    %dma_start3A_51 = arith.constant 0 : i32
    %dma_start3A_52 = tpu.memref_slice %arg2[%dma_start3A_50, %dma_start3A_51] : memref<10000x64xf32, #tpu.memory_space<hbm>> -> memref<10000x64xf32, #tpu.memory_space<hbm>>
    tpu.enqueue_indirect_dma source(%dma_start3A_52 : memref<10000x64xf32, #tpu.memory_space<hbm>>) target(%arg12 : memref<80x64xf32, #tpu.memory_space<vmem>>) offsets(%dma_start3A_49 : memref<80xi32, #tpu.memory_space<vmem>>) semaphore(%arg18 : memref<!tpu.dma_semaphore, #tpu.memory_space<semaphore_mem>>)
    %scan3A_53 = arith.constant 0 : i32
    %scan3A_54 = arith.constant 0 : i32
    %scan3A_55 = arith.constant 25 : i32
    %scan3A_56 = arith.addi %scan3A_54, %scan3A_55 : i32
    %scan3A_57 = arith.constant 1 : i32
    %scan3A_58 = scf.for %scan3A_68 = %scan3A_54 to %scan3A_56 step %scan3A_57 iter_args(%scan3A_69 = %scan3A_53) -> (i32)  : i32 {
      %mul3A_70 = arith.constant 5 : i32
      %mul3A_71 = arith.muli %scan3A_68, %mul3A_70 : i32
      %add3A_72 = arith.constant 0 : i32
      %add3A_73 = arith.addi %mul3A_71, %add3A_72 : i32
      %dma_wait3A = arith.constant 0 : i32
      %dma_wait3A_74 = tpu.memref_slice %arg6[%add3A_73, %dma_wait3A] : memref<125x80xi32, #tpu.memory_space<vmem>> -> memref<1x80xi32, #tpu.memory_space<vmem>>
      %dma_wait3A_75 = tpu.memref_squeeze %dma_wait3A_74 : memref<1x80xi32, #tpu.memory_space<vmem>> -> memref<80xi32, #tpu.memory_space<vmem>>
      %dma_wait3A_76 = arith.constant 0 : i32
      %dma_wait3A_77 = arith.constant 0 : i32
      %dma_wait3A_78 = tpu.memref_slice %arg2[%dma_wait3A_76, %dma_wait3A_77] : memref<10000x64xf32, #tpu.memory_space<hbm>> -> memref<10000x64xf32, #tpu.memory_space<hbm>>
      tpu.wait_indirect_dma semaphore(%arg14 : memref<!tpu.dma_semaphore, #tpu.memory_space<semaphore_mem>>) src(%dma_wait3A_78 : memref<10000x64xf32, #tpu.memory_space<hbm>>) dst(%arg8 : memref<80x64xf32, #tpu.memory_space<vmem>>)
      "tpu.region"() ({
        %run_scoped3A = tpu.sem_alloc : memref<!tpu.dma_semaphore, #tpu.memory_space<semaphore_mem>>
        %dma_start3A_152 = arith.constant 0 : i32
        %dma_start3A_153 = tpu.memref_slice %arg7[%add3A_73, %dma_start3A_152] : memref<125x80xi32, #tpu.memory_space<vmem>> -> memref<1x80xi32, #tpu.memory_space<vmem>>
        %dma_start3A_154 = tpu.memref_squeeze %dma_start3A_153 : memref<1x80xi32, #tpu.memory_space<vmem>> -> memref<80xi32, #tpu.memory_space<vmem>>
        %dma_start3A_155 = arith.constant 0 : i32
        %dma_start3A_156 = arith.constant 0 : i32
        %dma_start3A_157 = tpu.memref_slice %arg13[%dma_start3A_155, %dma_start3A_156] : memref<10000x64xf32, #tpu.memory_space<vmem_shared>> -> memref<10000x64xf32, #tpu.memory_space<vmem_shared>>
        tpu.enqueue_indirect_dma source(%arg8 : memref<80x64xf32, #tpu.memory_space<vmem>>) target(%dma_start3A_157 : memref<10000x64xf32, #tpu.memory_space<vmem_shared>>) offsets(%dma_start3A_154 : memref<80xi32, #tpu.memory_space<vmem>>) semaphore(%run_scoped3A : memref<!tpu.dma_semaphore, #tpu.memory_space<semaphore_mem>>) {add = true}
        %dma_wait3A_158 = arith.constant 0 : i32
        %dma_wait3A_159 = tpu.memref_slice %arg7[%add3A_73, %dma_wait3A_158] : memref<125x80xi32, #tpu.memory_space<vmem>> -> memref<1x80xi32, #tpu.memory_space<vmem>>
        %dma_wait3A_160 = tpu.memref_squeeze %dma_wait3A_159 : memref<1x80xi32, #tpu.memory_space<vmem>> -> memref<80xi32, #tpu.memory_space<vmem>>
        %dma_wait3A_161 = arith.constant 0 : i32
        %dma_wait3A_162 = arith.constant 0 : i32
        %dma_wait3A_163 = tpu.memref_slice %arg13[%dma_wait3A_161, %dma_wait3A_162] : memref<10000x64xf32, #tpu.memory_space<vmem_shared>> -> memref<10000x64xf32, #tpu.memory_space<vmem_shared>>
        tpu.wait_indirect_dma semaphore(%run_scoped3A : memref<!tpu.dma_semaphore, #tpu.memory_space<semaphore_mem>>) src(%arg8 : memref<80x64xf32, #tpu.memory_space<vmem>>) dst(%dma_wait3A_163 : memref<10000x64xf32, #tpu.memory_space<vmem_shared>>)
        tpu.yield
      }) : () -> ()
      %add3A_79 = arith.constant 5 : i32
      %add3A_80 = arith.addi %add3A_73, %add3A_79 : i32
      %lt3A = arith.constant 125 : i32
      %lt3A_81 = arith.cmpi slt, %add3A_80, %lt3A : i32
      %convert_element_type3A = arith.extui %lt3A_81 : i1 to i32
      %cond3A = arith.constant 0 : i32
      %cond3A_82 = arith.cmpi ne, %convert_element_type3A, %cond3A : i32
      scf.if %cond3A_82 {
        %add3A_152 = arith.constant 5 : i32
        %add3A_153 = arith.addi %add3A_73, %add3A_152 : i32
        %dma_start3A_154 = arith.constant 0 : i32
        %dma_start3A_155 = tpu.memref_slice %arg6[%add3A_153, %dma_start3A_154] : memref<125x80xi32, #tpu.memory_space<vmem>> -> memref<1x80xi32, #tpu.memory_space<vmem>>
        %dma_start3A_156 = tpu.memref_squeeze %dma_start3A_155 : memref<1x80xi32, #tpu.memory_space<vmem>> -> memref<80xi32, #tpu.memory_space<vmem>>
        %dma_start3A_157 = arith.constant 0 : i32
        %dma_start3A_158 = arith.constant 0 : i32
        %dma_start3A_159 = tpu.memref_slice %arg2[%dma_start3A_157, %dma_start3A_158] : memref<10000x64xf32, #tpu.memory_space<hbm>> -> memref<10000x64xf32, #tpu.memory_space<hbm>>
        tpu.enqueue_indirect_dma source(%dma_start3A_159 : memref<10000x64xf32, #tpu.memory_space<hbm>>) target(%arg8 : memref<80x64xf32, #tpu.memory_space<vmem>>) offsets(%dma_start3A_156 : memref<80xi32, #tpu.memory_space<vmem>>) semaphore(%arg14 : memref<!tpu.dma_semaphore, #tpu.memory_space<semaphore_mem>>)
      } else {
      }
      %mul3A_83 = arith.constant 5 : i32
      %mul3A_84 = arith.muli %scan3A_68, %mul3A_83 : i32
      %add3A_85 = arith.constant 1 : i32
      %add3A_86 = arith.addi %mul3A_84, %add3A_85 : i32
      %dma_wait3A_87 = arith.constant 0 : i32
      %dma_wait3A_88 = tpu.memref_slice %arg6[%add3A_86, %dma_wait3A_87] : memref<125x80xi32, #tpu.memory_space<vmem>> -> memref<1x80xi32, #tpu.memory_space<vmem>>
      %dma_wait3A_89 = tpu.memref_squeeze %dma_wait3A_88 : memref<1x80xi32, #tpu.memory_space<vmem>> -> memref<80xi32, #tpu.memory_space<vmem>>
      %dma_wait3A_90 = arith.constant 0 : i32
      %dma_wait3A_91 = arith.constant 0 : i32
      %dma_wait3A_92 = tpu.memref_slice %arg2[%dma_wait3A_90, %dma_wait3A_91] : memref<10000x64xf32, #tpu.memory_space<hbm>> -> memref<10000x64xf32, #tpu.memory_space<hbm>>
      tpu.wait_indirect_dma semaphore(%arg15 : memref<!tpu.dma_semaphore, #tpu.memory_space<semaphore_mem>>) src(%dma_wait3A_92 : memref<10000x64xf32, #tpu.memory_space<hbm>>) dst(%arg9 : memref<80x64xf32, #tpu.memory_space<vmem>>)
      "tpu.region"() ({
        %run_scoped3A = tpu.sem_alloc : memref<!tpu.dma_semaphore, #tpu.memory_space<semaphore_mem>>
        %dma_start3A_152 = arith.constant 0 : i32
        %dma_start3A_153 = tpu.memref_slice %arg7[%add3A_86, %dma_start3A_152] : memref<125x80xi32, #tpu.memory_space<vmem>> -> memref<1x80xi32, #tpu.memory_space<vmem>>
        %dma_start3A_154 = tpu.memref_squeeze %dma_start3A_153 : memref<1x80xi32, #tpu.memory_space<vmem>> -> memref<80xi32, #tpu.memory_space<vmem>>
        %dma_start3A_155 = arith.constant 0 : i32
        %dma_start3A_156 = arith.constant 0 : i32
        %dma_start3A_157 = tpu.memref_slice %arg13[%dma_start3A_155, %dma_start3A_156] : memref<10000x64xf32, #tpu.memory_space<vmem_shared>> -> memref<10000x64xf32, #tpu.memory_space<vmem_shared>>
        tpu.enqueue_indirect_dma source(%arg9 : memref<80x64xf32, #tpu.memory_space<vmem>>) target(%dma_start3A_157 : memref<10000x64xf32, #tpu.memory_space<vmem_shared>>) offsets(%dma_start3A_154 : memref<80xi32, #tpu.memory_space<vmem>>) semaphore(%run_scoped3A : memref<!tpu.dma_semaphore, #tpu.memory_space<semaphore_mem>>) {add = true}
        %dma_wait3A_158 = arith.constant 0 : i32
        %dma_wait3A_159 = tpu.memref_slice %arg7[%add3A_86, %dma_wait3A_158] : memref<125x80xi32, #tpu.memory_space<vmem>> -> memref<1x80xi32, #tpu.memory_space<vmem>>
        %dma_wait3A_160 = tpu.memref_squeeze %dma_wait3A_159 : memref<1x80xi32, #tpu.memory_space<vmem>> -> memref<80xi32, #tpu.memory_space<vmem>>
        %dma_wait3A_161 = arith.constant 0 : i32
        %dma_wait3A_162 = arith.constant 0 : i32
        %dma_wait3A_163 = tpu.memref_slice %arg13[%dma_wait3A_161, %dma_wait3A_162] : memref<10000x64xf32, #tpu.memory_space<vmem_shared>> -> memref<10000x64xf32, #tpu.memory_space<vmem_shared>>
        tpu.wait_indirect_dma semaphore(%run_scoped3A : memref<!tpu.dma_semaphore, #tpu.memory_space<semaphore_mem>>) src(%arg9 : memref<80x64xf32, #tpu.memory_space<vmem>>) dst(%dma_wait3A_163 : memref<10000x64xf32, #tpu.memory_space<vmem_shared>>)
        tpu.yield
      }) : () -> ()
      %add3A_93 = arith.constant 5 : i32
      %add3A_94 = arith.addi %add3A_86, %add3A_93 : i32
      %lt3A_95 = arith.constant 125 : i32
      %lt3A_96 = arith.cmpi slt, %add3A_94, %lt3A_95 : i32
      %convert_element_type3A_97 = arith.extui %lt3A_96 : i1 to i32
      %cond3A_98 = arith.constant 0 : i32
      %cond3A_99 = arith.cmpi ne, %convert_element_type3A_97, %cond3A_98 : i32
      scf.if %cond3A_99 {
        %add3A_152 = arith.constant 5 : i32
        %add3A_153 = arith.addi %add3A_86, %add3A_152 : i32
        %dma_start3A_154 = arith.constant 0 : i32
        %dma_start3A_155 = tpu.memref_slice %arg6[%add3A_153, %dma_start3A_154] : memref<125x80xi32, #tpu.memory_space<vmem>> -> memref<1x80xi32, #tpu.memory_space<vmem>>
        %dma_start3A_156 = tpu.memref_squeeze %dma_start3A_155 : memref<1x80xi32, #tpu.memory_space<vmem>> -> memref<80xi32, #tpu.memory_space<vmem>>
        %dma_start3A_157 = arith.constant 0 : i32
        %dma_start3A_158 = arith.constant 0 : i32
        %dma_start3A_159 = tpu.memref_slice %arg2[%dma_start3A_157, %dma_start3A_158] : memref<10000x64xf32, #tpu.memory_space<hbm>> -> memref<10000x64xf32, #tpu.memory_space<hbm>>
        tpu.enqueue_indirect_dma source(%dma_start3A_159 : memref<10000x64xf32, #tpu.memory_space<hbm>>) target(%arg9 : memref<80x64xf32, #tpu.memory_space<vmem>>) offsets(%dma_start3A_156 : memref<80xi32, #tpu.memory_space<vmem>>) semaphore(%arg15 : memref<!tpu.dma_semaphore, #tpu.memory_space<semaphore_mem>>)
      } else {
      }
      %mul3A_100 = arith.constant 5 : i32
      %mul3A_101 = arith.muli %scan3A_68, %mul3A_100 : i32
      %add3A_102 = arith.constant 2 : i32
      %add3A_103 = arith.addi %mul3A_101, %add3A_102 : i32
      %dma_wait3A_104 = arith.constant 0 : i32
      %dma_wait3A_105 = tpu.memref_slice %arg6[%add3A_103, %dma_wait3A_104] : memref<125x80xi32, #tpu.memory_space<vmem>> -> memref<1x80xi32, #tpu.memory_space<vmem>>
      %dma_wait3A_106 = tpu.memref_squeeze %dma_wait3A_105 : memref<1x80xi32, #tpu.memory_space<vmem>> -> memref<80xi32, #tpu.memory_space<vmem>>
      %dma_wait3A_107 = arith.constant 0 : i32
      %dma_wait3A_108 = arith.constant 0 : i32
      %dma_wait3A_109 = tpu.memref_slice %arg2[%dma_wait3A_107, %dma_wait3A_108] : memref<10000x64xf32, #tpu.memory_space<hbm>> -> memref<10000x64xf32, #tpu.memory_space<hbm>>
      tpu.wait_indirect_dma semaphore(%arg16 : memref<!tpu.dma_semaphore, #tpu.memory_space<semaphore_mem>>) src(%dma_wait3A_109 : memref<10000x64xf32, #tpu.memory_space<hbm>>) dst(%arg10 : memref<80x64xf32, #tpu.memory_space<vmem>>)
      "tpu.region"() ({
        %run_scoped3A = tpu.sem_alloc : memref<!tpu.dma_semaphore, #tpu.memory_space<semaphore_mem>>
        %dma_start3A_152 = arith.constant 0 : i32
        %dma_start3A_153 = tpu.memref_slice %arg7[%add3A_103, %dma_start3A_152] : memref<125x80xi32, #tpu.memory_space<vmem>> -> memref<1x80xi32, #tpu.memory_space<vmem>>
        %dma_start3A_154 = tpu.memref_squeeze %dma_start3A_153 : memref<1x80xi32, #tpu.memory_space<vmem>> -> memref<80xi32, #tpu.memory_space<vmem>>
        %dma_start3A_155 = arith.constant 0 : i32
        %dma_start3A_156 = arith.constant 0 : i32
        %dma_start3A_157 = tpu.memref_slice %arg13[%dma_start3A_155, %dma_start3A_156] : memref<10000x64xf32, #tpu.memory_space<vmem_shared>> -> memref<10000x64xf32, #tpu.memory_space<vmem_shared>>
        tpu.enqueue_indirect_dma source(%arg10 : memref<80x64xf32, #tpu.memory_space<vmem>>) target(%dma_start3A_157 : memref<10000x64xf32, #tpu.memory_space<vmem_shared>>) offsets(%dma_start3A_154 : memref<80xi32, #tpu.memory_space<vmem>>) semaphore(%run_scoped3A : memref<!tpu.dma_semaphore, #tpu.memory_space<semaphore_mem>>) {add = true}
        %dma_wait3A_158 = arith.constant 0 : i32
        %dma_wait3A_159 = tpu.memref_slice %arg7[%add3A_103, %dma_wait3A_158] : memref<125x80xi32, #tpu.memory_space<vmem>> -> memref<1x80xi32, #tpu.memory_space<vmem>>
        %dma_wait3A_160 = tpu.memref_squeeze %dma_wait3A_159 : memref<1x80xi32, #tpu.memory_space<vmem>> -> memref<80xi32, #tpu.memory_space<vmem>>
        %dma_wait3A_161 = arith.constant 0 : i32
        %dma_wait3A_162 = arith.constant 0 : i32
        %dma_wait3A_163 = tpu.memref_slice %arg13[%dma_wait3A_161, %dma_wait3A_162] : memref<10000x64xf32, #tpu.memory_space<vmem_shared>> -> memref<10000x64xf32, #tpu.memory_space<vmem_shared>>
        tpu.wait_indirect_dma semaphore(%run_scoped3A : memref<!tpu.dma_semaphore, #tpu.memory_space<semaphore_mem>>) src(%arg10 : memref<80x64xf32, #tpu.memory_space<vmem>>) dst(%dma_wait3A_163 : memref<10000x64xf32, #tpu.memory_space<vmem_shared>>)
        tpu.yield
      }) : () -> ()
      %add3A_110 = arith.constant 5 : i32
      %add3A_111 = arith.addi %add3A_103, %add3A_110 : i32
      %lt3A_112 = arith.constant 125 : i32
      %lt3A_113 = arith.cmpi slt, %add3A_111, %lt3A_112 : i32
      %convert_element_type3A_114 = arith.extui %lt3A_113 : i1 to i32
      %cond3A_115 = arith.constant 0 : i32
      %cond3A_116 = arith.cmpi ne, %convert_element_type3A_114, %cond3A_115 : i32
      scf.if %cond3A_116 {
        %add3A_152 = arith.constant 5 : i32
        %add3A_153 = arith.addi %add3A_103, %add3A_152 : i32
        %dma_start3A_154 = arith.constant 0 : i32
        %dma_start3A_155 = tpu.memref_slice %arg6[%add3A_153, %dma_start3A_154] : memref<125x80xi32, #tpu.memory_space<vmem>> -> memref<1x80xi32, #tpu.memory_space<vmem>>
        %dma_start3A_156 = tpu.memref_squeeze %dma_start3A_155 : memref<1x80xi32, #tpu.memory_space<vmem>> -> memref<80xi32, #tpu.memory_space<vmem>>
        %dma_start3A_157 = arith.constant 0 : i32
        %dma_start3A_158 = arith.constant 0 : i32
        %dma_start3A_159 = tpu.memref_slice %arg2[%dma_start3A_157, %dma_start3A_158] : memref<10000x64xf32, #tpu.memory_space<hbm>> -> memref<10000x64xf32, #tpu.memory_space<hbm>>
        tpu.enqueue_indirect_dma source(%dma_start3A_159 : memref<10000x64xf32, #tpu.memory_space<hbm>>) target(%arg10 : memref<80x64xf32, #tpu.memory_space<vmem>>) offsets(%dma_start3A_156 : memref<80xi32, #tpu.memory_space<vmem>>) semaphore(%arg16 : memref<!tpu.dma_semaphore, #tpu.memory_space<semaphore_mem>>)
      } else {
      }
      %mul3A_117 = arith.constant 5 : i32
      %mul3A_118 = arith.muli %scan3A_68, %mul3A_117 : i32
      %add3A_119 = arith.constant 3 : i32
      %add3A_120 = arith.addi %mul3A_118, %add3A_119 : i32
      %dma_wait3A_121 = arith.constant 0 : i32
      %dma_wait3A_122 = tpu.memref_slice %arg6[%add3A_120, %dma_wait3A_121] : memref<125x80xi32, #tpu.memory_space<vmem>> -> memref<1x80xi32, #tpu.memory_space<vmem>>
      %dma_wait3A_123 = tpu.memref_squeeze %dma_wait3A_122 : memref<1x80xi32, #tpu.memory_space<vmem>> -> memref<80xi32, #tpu.memory_space<vmem>>
      %dma_wait3A_124 = arith.constant 0 : i32
      %dma_wait3A_125 = arith.constant 0 : i32
      %dma_wait3A_126 = tpu.memref_slice %arg2[%dma_wait3A_124, %dma_wait3A_125] : memref<10000x64xf32, #tpu.memory_space<hbm>> -> memref<10000x64xf32, #tpu.memory_space<hbm>>
      tpu.wait_indirect_dma semaphore(%arg17 : memref<!tpu.dma_semaphore, #tpu.memory_space<semaphore_mem>>) src(%dma_wait3A_126 : memref<10000x64xf32, #tpu.memory_space<hbm>>) dst(%arg11 : memref<80x64xf32, #tpu.memory_space<vmem>>)
      "tpu.region"() ({
        %run_scoped3A = tpu.sem_alloc : memref<!tpu.dma_semaphore, #tpu.memory_space<semaphore_mem>>
        %dma_start3A_152 = arith.constant 0 : i32
        %dma_start3A_153 = tpu.memref_slice %arg7[%add3A_120, %dma_start3A_152] : memref<125x80xi32, #tpu.memory_space<vmem>> -> memref<1x80xi32, #tpu.memory_space<vmem>>
        %dma_start3A_154 = tpu.memref_squeeze %dma_start3A_153 : memref<1x80xi32, #tpu.memory_space<vmem>> -> memref<80xi32, #tpu.memory_space<vmem>>
        %dma_start3A_155 = arith.constant 0 : i32
        %dma_start3A_156 = arith.constant 0 : i32
        %dma_start3A_157 = tpu.memref_slice %arg13[%dma_start3A_155, %dma_start3A_156] : memref<10000x64xf32, #tpu.memory_space<vmem_shared>> -> memref<10000x64xf32, #tpu.memory_space<vmem_shared>>
        tpu.enqueue_indirect_dma source(%arg11 : memref<80x64xf32, #tpu.memory_space<vmem>>) target(%dma_start3A_157 : memref<10000x64xf32, #tpu.memory_space<vmem_shared>>) offsets(%dma_start3A_154 : memref<80xi32, #tpu.memory_space<vmem>>) semaphore(%run_scoped3A : memref<!tpu.dma_semaphore, #tpu.memory_space<semaphore_mem>>) {add = true}
        %dma_wait3A_158 = arith.constant 0 : i32
        %dma_wait3A_159 = tpu.memref_slice %arg7[%add3A_120, %dma_wait3A_158] : memref<125x80xi32, #tpu.memory_space<vmem>> -> memref<1x80xi32, #tpu.memory_space<vmem>>
        %dma_wait3A_160 = tpu.memref_squeeze %dma_wait3A_159 : memref<1x80xi32, #tpu.memory_space<vmem>> -> memref<80xi32, #tpu.memory_space<vmem>>
        %dma_wait3A_161 = arith.constant 0 : i32
        %dma_wait3A_162 = arith.constant 0 : i32
        %dma_wait3A_163 = tpu.memref_slice %arg13[%dma_wait3A_161, %dma_wait3A_162] : memref<10000x64xf32, #tpu.memory_space<vmem_shared>> -> memref<10000x64xf32, #tpu.memory_space<vmem_shared>>
        tpu.wait_indirect_dma semaphore(%run_scoped3A : memref<!tpu.dma_semaphore, #tpu.memory_space<semaphore_mem>>) src(%arg11 : memref<80x64xf32, #tpu.memory_space<vmem>>) dst(%dma_wait3A_163 : memref<10000x64xf32, #tpu.memory_space<vmem_shared>>)
        tpu.yield
      }) : () -> ()
      %add3A_127 = arith.constant 5 : i32
      %add3A_128 = arith.addi %add3A_120, %add3A_127 : i32
      %lt3A_129 = arith.constant 125 : i32
      %lt3A_130 = arith.cmpi slt, %add3A_128, %lt3A_129 : i32
      %convert_element_type3A_131 = arith.extui %lt3A_130 : i1 to i32
      %cond3A_132 = arith.constant 0 : i32
      %cond3A_133 = arith.cmpi ne, %convert_element_type3A_131, %cond3A_132 : i32
      scf.if %cond3A_133 {
        %add3A_152 = arith.constant 5 : i32
        %add3A_153 = arith.addi %add3A_120, %add3A_152 : i32
        %dma_start3A_154 = arith.constant 0 : i32
        %dma_start3A_155 = tpu.memref_slice %arg6[%add3A_153, %dma_start3A_154] : memref<125x80xi32, #tpu.memory_space<vmem>> -> memref<1x80xi32, #tpu.memory_space<vmem>>
        %dma_start3A_156 = tpu.memref_squeeze %dma_start3A_155 : memref<1x80xi32, #tpu.memory_space<vmem>> -> memref<80xi32, #tpu.memory_space<vmem>>
        %dma_start3A_157 = arith.constant 0 : i32
        %dma_start3A_158 = arith.constant 0 : i32
        %dma_start3A_159 = tpu.memref_slice %arg2[%dma_start3A_157, %dma_start3A_158] : memref<10000x64xf32, #tpu.memory_space<hbm>> -> memref<10000x64xf32, #tpu.memory_space<hbm>>
        tpu.enqueue_indirect_dma source(%dma_start3A_159 : memref<10000x64xf32, #tpu.memory_space<hbm>>) target(%arg11 : memref<80x64xf32, #tpu.memory_space<vmem>>) offsets(%dma_start3A_156 : memref<80xi32, #tpu.memory_space<vmem>>) semaphore(%arg17 : memref<!tpu.dma_semaphore, #tpu.memory_space<semaphore_mem>>)
      } else {
      }
      %mul3A_134 = arith.constant 5 : i32
      %mul3A_135 = arith.muli %scan3A_68, %mul3A_134 : i32
      %add3A_136 = arith.constant 4 : i32
      %add3A_137 = arith.addi %mul3A_135, %add3A_136 : i32
      %dma_wait3A_138 = arith.constant 0 : i32
      %dma_wait3A_139 = tpu.memref_slice %arg6[%add3A_137, %dma_wait3A_138] : memref<125x80xi32, #tpu.memory_space<vmem>> -> memref<1x80xi32, #tpu.memory_space<vmem>>
      %dma_wait3A_140 = tpu.memref_squeeze %dma_wait3A_139 : memref<1x80xi32, #tpu.memory_space<vmem>> -> memref<80xi32, #tpu.memory_space<vmem>>
      %dma_wait3A_141 = arith.constant 0 : i32
      %dma_wait3A_142 = arith.constant 0 : i32
      %dma_wait3A_143 = tpu.memref_slice %arg2[%dma_wait3A_141, %dma_wait3A_142] : memref<10000x64xf32, #tpu.memory_space<hbm>> -> memref<10000x64xf32, #tpu.memory_space<hbm>>
      tpu.wait_indirect_dma semaphore(%arg18 : memref<!tpu.dma_semaphore, #tpu.memory_space<semaphore_mem>>) src(%dma_wait3A_143 : memref<10000x64xf32, #tpu.memory_space<hbm>>) dst(%arg12 : memref<80x64xf32, #tpu.memory_space<vmem>>)
      "tpu.region"() ({
        %run_scoped3A = tpu.sem_alloc : memref<!tpu.dma_semaphore, #tpu.memory_space<semaphore_mem>>
        %dma_start3A_152 = arith.constant 0 : i32
        %dma_start3A_153 = tpu.memref_slice %arg7[%add3A_137, %dma_start3A_152] : memref<125x80xi32, #tpu.memory_space<vmem>> -> memref<1x80xi32, #tpu.memory_space<vmem>>
        %dma_start3A_154 = tpu.memref_squeeze %dma_start3A_153 : memref<1x80xi32, #tpu.memory_space<vmem>> -> memref<80xi32, #tpu.memory_space<vmem>>
        %dma_start3A_155 = arith.constant 0 : i32
        %dma_start3A_156 = arith.constant 0 : i32
        %dma_start3A_157 = tpu.memref_slice %arg13[%dma_start3A_155, %dma_start3A_156] : memref<10000x64xf32, #tpu.memory_space<vmem_shared>> -> memref<10000x64xf32, #tpu.memory_space<vmem_shared>>
        tpu.enqueue_indirect_dma source(%arg12 : memref<80x64xf32, #tpu.memory_space<vmem>>) target(%dma_start3A_157 : memref<10000x64xf32, #tpu.memory_space<vmem_shared>>) offsets(%dma_start3A_154 : memref<80xi32, #tpu.memory_space<vmem>>) semaphore(%run_scoped3A : memref<!tpu.dma_semaphore, #tpu.memory_space<semaphore_mem>>) {add = true}
        %dma_wait3A_158 = arith.constant 0 : i32
        %dma_wait3A_159 = tpu.memref_slice %arg7[%add3A_137, %dma_wait3A_158] : memref<125x80xi32, #tpu.memory_space<vmem>> -> memref<1x80xi32, #tpu.memory_space<vmem>>
        %dma_wait3A_160 = tpu.memref_squeeze %dma_wait3A_159 : memref<1x80xi32, #tpu.memory_space<vmem>> -> memref<80xi32, #tpu.memory_space<vmem>>
        %dma_wait3A_161 = arith.constant 0 : i32
        %dma_wait3A_162 = arith.constant 0 : i32
        %dma_wait3A_163 = tpu.memref_slice %arg13[%dma_wait3A_161, %dma_wait3A_162] : memref<10000x64xf32, #tpu.memory_space<vmem_shared>> -> memref<10000x64xf32, #tpu.memory_space<vmem_shared>>
        tpu.wait_indirect_dma semaphore(%run_scoped3A : memref<!tpu.dma_semaphore, #tpu.memory_space<semaphore_mem>>) src(%arg12 : memref<80x64xf32, #tpu.memory_space<vmem>>) dst(%dma_wait3A_163 : memref<10000x64xf32, #tpu.memory_space<vmem_shared>>)
        tpu.yield
      }) : () -> ()
      %add3A_144 = arith.constant 5 : i32
      %add3A_145 = arith.addi %add3A_137, %add3A_144 : i32
      %lt3A_146 = arith.constant 125 : i32
      %lt3A_147 = arith.cmpi slt, %add3A_145, %lt3A_146 : i32
      %convert_element_type3A_148 = arith.extui %lt3A_147 : i1 to i32
      %cond3A_149 = arith.constant 0 : i32
      %cond3A_150 = arith.cmpi ne, %convert_element_type3A_148, %cond3A_149 : i32
      scf.if %cond3A_150 {
        %add3A_152 = arith.constant 5 : i32
        %add3A_153 = arith.addi %add3A_137, %add3A_152 : i32
        %dma_start3A_154 = arith.constant 0 : i32
        %dma_start3A_155 = tpu.memref_slice %arg6[%add3A_153, %dma_start3A_154] : memref<125x80xi32, #tpu.memory_space<vmem>> -> memref<1x80xi32, #tpu.memory_space<vmem>>
        %dma_start3A_156 = tpu.memref_squeeze %dma_start3A_155 : memref<1x80xi32, #tpu.memory_space<vmem>> -> memref<80xi32, #tpu.memory_space<vmem>>
        %dma_start3A_157 = arith.constant 0 : i32
        %dma_start3A_158 = arith.constant 0 : i32
        %dma_start3A_159 = tpu.memref_slice %arg2[%dma_start3A_157, %dma_start3A_158] : memref<10000x64xf32, #tpu.memory_space<hbm>> -> memref<10000x64xf32, #tpu.memory_space<hbm>>
        tpu.enqueue_indirect_dma source(%dma_start3A_159 : memref<10000x64xf32, #tpu.memory_space<hbm>>) target(%arg12 : memref<80x64xf32, #tpu.memory_space<vmem>>) offsets(%dma_start3A_156 : memref<80xi32, #tpu.memory_space<vmem>>) semaphore(%arg18 : memref<!tpu.dma_semaphore, #tpu.memory_space<semaphore_mem>>)
      } else {
      }
      %scan3A_151 = arith.constant 0 : i32
      scf.yield %scan3A_151 : i32
    }
    %scan3A_59 = arith.constant 25 : i32
    %barrier3A_60 = arith.constant 0 : index
    tpu.barrier barrier_id(%barrier3A_60)
    %scan3A_61 = arith.constant 0 : i32
    %scan3A_62 = arith.constant 0 : i32
    %scan3A_63 = arith.constant 8 : i32
    %scan3A_64 = arith.addi %scan3A_62, %scan3A_63 : i32
    %scan3A_65 = arith.constant 1 : i32
    %scan3A_66 = scf.for %scan3A_68 = %scan3A_62 to %scan3A_64 step %scan3A_65 iter_args(%scan3A_69 = %scan3A_61) -> (i32)  : i32 {
      %mul3A_70 = arith.constant 16 : i32
      %mul3A_71 = arith.muli %scan3A_68, %mul3A_70 : i32
      %add3A_72 = arith.addi %arg1, %mul3A_71 : i32
      %lt3A = arith.constant 125 : i32
      %lt3A_73 = arith.cmpi slt, %add3A_72, %lt3A : i32
      %convert_element_type3A = arith.extui %lt3A_73 : i1 to i32
      %cond3A = arith.constant 0 : i32
      %cond3A_74 = arith.cmpi ne, %convert_element_type3A, %cond3A : i32
      scf.if %cond3A_74 {
        %mul3A_76 = arith.constant 80 : i32
        %mul3A_77 = arith.muli %add3A_72, %mul3A_76 : i32
        "tpu.region"() ({
          %run_scoped3A = tpu.sem_alloc : memref<!tpu.dma_semaphore, #tpu.memory_space<semaphore_mem>>
          %dma_start3A_83 = arith.constant 0 : i32
          %dma_start3A_84 = tpu.memref_slice %arg13[%mul3A_77, %dma_start3A_83] : memref<10000x64xf32, #tpu.memory_space<vmem_shared>> -> memref<80x64xf32, #tpu.memory_space<vmem_shared>>
          %dma_start3A_85 = arith.constant 0 : i32
          %dma_start3A_86 = tpu.memref_slice %arg13[%mul3A_77, %dma_start3A_85] : memref<10000x64xf32, #tpu.memory_space<vmem_shared>> -> memref<80x64xf32, #tpu.memory_space<vmem_shared>>
          tpu.enqueue_dma source(%dma_start3A_86 : memref<80x64xf32, #tpu.memory_space<vmem_shared>>) target(%arg8 : memref<80x64xf32, #tpu.memory_space<vmem>>) target_semaphore(%run_scoped3A : memref<!tpu.dma_semaphore, #tpu.memory_space<semaphore_mem>>)
          %dma_wait3A = arith.constant 0 : i32
          %dma_wait3A_87 = tpu.memref_slice %arg13[%mul3A_77, %dma_wait3A] : memref<10000x64xf32, #tpu.memory_space<vmem_shared>> -> memref<80x64xf32, #tpu.memory_space<vmem_shared>>
          %dma_wait3A_88 = arith.constant 0 : i32
          %dma_wait3A_89 = tpu.memref_slice %arg13[%mul3A_77, %dma_wait3A_88] : memref<10000x64xf32, #tpu.memory_space<vmem_shared>> -> memref<80x64xf32, #tpu.memory_space<vmem_shared>>
          tpu.wait_dma2 semaphore(%run_scoped3A : memref<!tpu.dma_semaphore, #tpu.memory_space<semaphore_mem>>) src(%dma_wait3A_89 : memref<80x64xf32, #tpu.memory_space<vmem_shared>>) dst(%arg8 : memref<80x64xf32, #tpu.memory_space<vmem>>)
          tpu.yield
        }) : () -> ()
        %mul3A_78 = arith.constant 10000 : i32
        %mul3A_79 = arith.muli %arg0, %mul3A_78 : i32
        %mul3A_80 = arith.constant 80 : i32
        %mul3A_81 = arith.muli %add3A_72, %mul3A_80 : i32
        %add3A_82 = arith.addi %mul3A_79, %mul3A_81 : i32
        "tpu.region"() ({
          %run_scoped3A = tpu.sem_alloc : memref<!tpu.dma_semaphore, #tpu.memory_space<semaphore_mem>>
          %dma_start3A_83 = arith.constant 0 : i32
          %dma_start3A_84 = tpu.memref_slice %arg5[%add3A_82, %dma_start3A_83] : memref<20000x64xf32, #tpu.memory_space<hbm>> -> memref<80x64xf32, #tpu.memory_space<hbm>>
          %dma_start3A_85 = arith.constant 0 : i32
          %dma_start3A_86 = tpu.memref_slice %arg5[%add3A_82, %dma_start3A_85] : memref<20000x64xf32, #tpu.memory_space<hbm>> -> memref<80x64xf32, #tpu.memory_space<hbm>>
          tpu.enqueue_dma source(%arg8 : memref<80x64xf32, #tpu.memory_space<vmem>>) target(%dma_start3A_86 : memref<80x64xf32, #tpu.memory_space<hbm>>) target_semaphore(%run_scoped3A : memref<!tpu.dma_semaphore, #tpu.memory_space<semaphore_mem>>)
          %dma_wait3A = arith.constant 0 : i32
          %dma_wait3A_87 = tpu.memref_slice %arg5[%add3A_82, %dma_wait3A] : memref<20000x64xf32, #tpu.memory_space<hbm>> -> memref<80x64xf32, #tpu.memory_space<hbm>>
          %dma_wait3A_88 = arith.constant 0 : i32
          %dma_wait3A_89 = tpu.memref_slice %arg5[%add3A_82, %dma_wait3A_88] : memref<20000x64xf32, #tpu.memory_space<hbm>> -> memref<80x64xf32, #tpu.memory_space<hbm>>
          tpu.wait_dma2 semaphore(%run_scoped3A : memref<!tpu.dma_semaphore, #tpu.memory_space<semaphore_mem>>) src(%arg8 : memref<80x64xf32, #tpu.memory_space<vmem>>) dst(%dma_wait3A_89 : memref<80x64xf32, #tpu.memory_space<hbm>>)
          tpu.yield
        }) : () -> ()
      } else {
      }
      %scan3A_75 = arith.constant 0 : i32
      scf.yield %scan3A_75 : i32
    }
    %scan3A_67 = arith.constant 8 : i32
    return
  }
}

#map = affine_map<(d0, d1) -> (0, 0)>
module attributes {stable_mosaic.version = 14 : i64} {
  func.func @body(%arg0: i32, %arg1: i32, %arg2: memref<10000x128xf32, #tpu.memory_space<hbm>>, %arg3: memref<8000x40xi32, #tpu.memory_space<hbm>>, %arg4: memref<8000x40xi32, #tpu.memory_space<hbm>>, %arg5: memref<20000x128xf32, #tpu.memory_space<hbm>>, %arg6: memref<250x40xi32, #tpu.memory_space<vmem>>, %arg7: memref<250x40xi32, #tpu.memory_space<vmem>>, %arg8: memref<40x128xf32, #tpu.memory_space<vmem>>, %arg9: memref<40x128xf32, #tpu.memory_space<vmem>>, %arg10: memref<40x128xf32, #tpu.memory_space<vmem>>, %arg11: memref<40x128xf32, #tpu.memory_space<vmem>>, %arg12: memref<40x128xf32, #tpu.memory_space<vmem>>, %arg13: memref<10000x128xf32, #tpu.memory_space<vmem_shared>>, %arg14: memref<!tpu.dma_semaphore, #tpu.memory_space<semaphore_mem>>, %arg15: memref<!tpu.dma_semaphore, #tpu.memory_space<semaphore_mem>>, %arg16: memref<!tpu.dma_semaphore, #tpu.memory_space<semaphore_mem>>, %arg17: memref<!tpu.dma_semaphore, #tpu.memory_space<semaphore_mem>>, %arg18: memref<!tpu.dma_semaphore, #tpu.memory_space<semaphore_mem>>) attributes {dimension_semantics = [#tpu.dimension_semantics<core_parallel>, #tpu.dimension_semantics<subcore_parallel>], iteration_bounds = array<i64: 2, 16>, scalar_prefetch = 0 : i64, scratch_operands = 13 : i64, tpu.core_type = #tpu.core_type<sc_vector_subcore>, window_params = [{transform_indices = #map}, {transform_indices = #map}, {transform_indices = #map}, {transform_indices = #map}]} {
    %mul3A = arith.constant 16 : i32
    %mul3A_0 = arith.muli %arg0, %mul3A : i32
    %add3A = arith.addi %mul3A_0, %arg1 : i32
    %broadcast_in_dim3A = arith.constant 0.000000e+00 : f32
    %broadcast_in_dim3A_1 = vector.broadcast %broadcast_in_dim3A : f32 to vector<16xf32>
    %scan3A = arith.constant 0 : i32
    %scan3A_2 = arith.constant 0 : i32
    %scan3A_3 = arith.constant 40 : i32
    %scan3A_4 = arith.addi %scan3A_2, %scan3A_3 : i32
    %scan3A_5 = arith.constant 1 : i32
    %scan3A_6 = scf.for %scan3A_68 = %scan3A_2 to %scan3A_4 step %scan3A_5 iter_args(%scan3A_69 = %scan3A) -> (i32)  : i32 {
      %scan3A_70 = arith.constant 0 : i32
      %scan3A_71 = arith.constant 0 : i32
      %scan3A_72 = arith.constant 8 : i32
      %scan3A_73 = arith.addi %scan3A_71, %scan3A_72 : i32
      %scan3A_74 = arith.constant 1 : i32
      %scan3A_75 = scf.for %scan3A_78 = %scan3A_71 to %scan3A_73 step %scan3A_74 iter_args(%scan3A_79 = %scan3A_70) -> (i32)  : i32 {
        %mul3A_80 = arith.constant 16 : i32
        %mul3A_81 = arith.muli %scan3A_78, %mul3A_80 : i32
        %swap3A = arith.index_cast %scan3A_68 : i32 to index
        %swap3A_82 = arith.index_cast %mul3A_81 : i32 to index
        %swap3A_83 = tpu.vector_load %arg8[%swap3A, %swap3A_82] {strides = array<i32>} : memref<40x128xf32, #tpu.memory_space<vmem>>, vector<1x16xf32>,
        %swap3A_84 = vector.shape_cast %swap3A_83 : vector<1x16xf32> to vector<16xf32>
        %swap3A_85 = vector.shape_cast %broadcast_in_dim3A_1 : vector<16xf32> to vector<1x16xf32>
        tpu.vector_store %arg8[%swap3A, %swap3A_82], %swap3A_85 {strides = array<i32>} : memref<40x128xf32, #tpu.memory_space<vmem>>, vector<1x16xf32>,
        %scan3A_86 = arith.constant 0 : i32
        scf.yield %scan3A_86 : i32
      }
      %scan3A_76 = arith.constant 8 : i32
      %scan3A_77 = arith.constant 0 : i32
      scf.yield %scan3A_77 : i32
    }
    %scan3A_7 = arith.constant 40 : i32
    %scan3A_8 = arith.constant 0 : i32
    %scan3A_9 = arith.constant 0 : i32
    %scan3A_10 = arith.constant 16 : i32
    %scan3A_11 = arith.addi %scan3A_9, %scan3A_10 : i32
    %scan3A_12 = arith.constant 1 : i32
    %scan3A_13 = scf.for %scan3A_68 = %scan3A_9 to %scan3A_11 step %scan3A_12 iter_args(%scan3A_69 = %scan3A_8) -> (i32)  : i32 {
      %mul3A_70 = arith.constant 16 : i32
      %mul3A_71 = arith.muli %scan3A_68, %mul3A_70 : i32
      %add3A_72 = arith.addi %arg1, %mul3A_71 : i32
      %lt3A = arith.constant 250 : i32
      %lt3A_73 = arith.cmpi slt, %add3A_72, %lt3A : i32
      %convert_element_type3A = arith.extui %lt3A_73 : i1 to i32
      %cond3A = arith.constant 0 : i32
      %cond3A_74 = arith.cmpi ne, %convert_element_type3A, %cond3A : i32
      scf.if %cond3A_74 {
        %mul3A_76 = arith.constant 40 : i32
        %mul3A_77 = arith.muli %add3A_72, %mul3A_76 : i32
        "tpu.region"() ({
          %run_scoped3A = tpu.sem_alloc : memref<!tpu.dma_semaphore, #tpu.memory_space<semaphore_mem>>
          %dma_start3A_78 = arith.constant 0 : i32
          %dma_start3A_79 = tpu.memref_slice %arg13[%mul3A_77, %dma_start3A_78] : memref<10000x128xf32, #tpu.memory_space<vmem_shared>> -> memref<40x128xf32, #tpu.memory_space<vmem_shared>>
          %dma_start3A_80 = arith.constant 0 : i32
          %dma_start3A_81 = tpu.memref_slice %arg13[%mul3A_77, %dma_start3A_80] : memref<10000x128xf32, #tpu.memory_space<vmem_shared>> -> memref<40x128xf32, #tpu.memory_space<vmem_shared>>
          tpu.enqueue_dma source(%arg8 : memref<40x128xf32, #tpu.memory_space<vmem>>) target(%dma_start3A_81 : memref<40x128xf32, #tpu.memory_space<vmem_shared>>) target_semaphore(%run_scoped3A : memref<!tpu.dma_semaphore, #tpu.memory_space<semaphore_mem>>)
          %dma_wait3A = arith.constant 0 : i32
          %dma_wait3A_82 = tpu.memref_slice %arg13[%mul3A_77, %dma_wait3A] : memref<10000x128xf32, #tpu.memory_space<vmem_shared>> -> memref<40x128xf32, #tpu.memory_space<vmem_shared>>
          %dma_wait3A_83 = arith.constant 0 : i32
          %dma_wait3A_84 = tpu.memref_slice %arg13[%mul3A_77, %dma_wait3A_83] : memref<10000x128xf32, #tpu.memory_space<vmem_shared>> -> memref<40x128xf32, #tpu.memory_space<vmem_shared>>
          tpu.wait_dma2 semaphore(%run_scoped3A : memref<!tpu.dma_semaphore, #tpu.memory_space<semaphore_mem>>) src(%arg8 : memref<40x128xf32, #tpu.memory_space<vmem>>) dst(%dma_wait3A_84 : memref<40x128xf32, #tpu.memory_space<vmem_shared>>)
          tpu.yield
        }) : () -> ()
      } else {
      }
      %scan3A_75 = arith.constant 0 : i32
      scf.yield %scan3A_75 : i32
    }
    %scan3A_14 = arith.constant 16 : i32
    %mul3A_15 = arith.constant 250 : i32
    %mul3A_16 = arith.muli %add3A, %mul3A_15 : i32
    "tpu.region"() ({
      %run_scoped3A = tpu.sem_alloc : memref<!tpu.dma_semaphore, #tpu.memory_space<semaphore_mem>>
      %dma_start3A_68 = arith.constant 0 : i32
      %dma_start3A_69 = tpu.memref_slice %arg3[%mul3A_16, %dma_start3A_68] : memref<8000x40xi32, #tpu.memory_space<hbm>> -> memref<250x40xi32, #tpu.memory_space<hbm>>
      %dma_start3A_70 = arith.constant 0 : i32
      %dma_start3A_71 = tpu.memref_slice %arg3[%mul3A_16, %dma_start3A_70] : memref<8000x40xi32, #tpu.memory_space<hbm>> -> memref<250x40xi32, #tpu.memory_space<hbm>>
      tpu.enqueue_dma source(%dma_start3A_71 : memref<250x40xi32, #tpu.memory_space<hbm>>) target(%arg6 : memref<250x40xi32, #tpu.memory_space<vmem>>) target_semaphore(%run_scoped3A : memref<!tpu.dma_semaphore, #tpu.memory_space<semaphore_mem>>)
      %dma_wait3A = arith.constant 0 : i32
      %dma_wait3A_72 = tpu.memref_slice %arg3[%mul3A_16, %dma_wait3A] : memref<8000x40xi32, #tpu.memory_space<hbm>> -> memref<250x40xi32, #tpu.memory_space<hbm>>
      %dma_wait3A_73 = arith.constant 0 : i32
      %dma_wait3A_74 = tpu.memref_slice %arg3[%mul3A_16, %dma_wait3A_73] : memref<8000x40xi32, #tpu.memory_space<hbm>> -> memref<250x40xi32, #tpu.memory_space<hbm>>
      tpu.wait_dma2 semaphore(%run_scoped3A : memref<!tpu.dma_semaphore, #tpu.memory_space<semaphore_mem>>) src(%dma_wait3A_74 : memref<250x40xi32, #tpu.memory_space<hbm>>) dst(%arg6 : memref<250x40xi32, #tpu.memory_space<vmem>>)
      tpu.yield
    }) : () -> ()
    %mul3A_17 = arith.constant 250 : i32
    %mul3A_18 = arith.muli %add3A, %mul3A_17 : i32
    "tpu.region"() ({
      %run_scoped3A = tpu.sem_alloc : memref<!tpu.dma_semaphore, #tpu.memory_space<semaphore_mem>>
      %dma_start3A_68 = arith.constant 0 : i32
      %dma_start3A_69 = tpu.memref_slice %arg4[%mul3A_18, %dma_start3A_68] : memref<8000x40xi32, #tpu.memory_space<hbm>> -> memref<250x40xi32, #tpu.memory_space<hbm>>
      %dma_start3A_70 = arith.constant 0 : i32
      %dma_start3A_71 = tpu.memref_slice %arg4[%mul3A_18, %dma_start3A_70] : memref<8000x40xi32, #tpu.memory_space<hbm>> -> memref<250x40xi32, #tpu.memory_space<hbm>>
      tpu.enqueue_dma source(%dma_start3A_71 : memref<250x40xi32, #tpu.memory_space<hbm>>) target(%arg7 : memref<250x40xi32, #tpu.memory_space<vmem>>) target_semaphore(%run_scoped3A : memref<!tpu.dma_semaphore, #tpu.memory_space<semaphore_mem>>)
      %dma_wait3A = arith.constant 0 : i32
      %dma_wait3A_72 = tpu.memref_slice %arg4[%mul3A_18, %dma_wait3A] : memref<8000x40xi32, #tpu.memory_space<hbm>> -> memref<250x40xi32, #tpu.memory_space<hbm>>
      %dma_wait3A_73 = arith.constant 0 : i32
      %dma_wait3A_74 = tpu.memref_slice %arg4[%mul3A_18, %dma_wait3A_73] : memref<8000x40xi32, #tpu.memory_space<hbm>> -> memref<250x40xi32, #tpu.memory_space<hbm>>
      tpu.wait_dma2 semaphore(%run_scoped3A : memref<!tpu.dma_semaphore, #tpu.memory_space<semaphore_mem>>) src(%dma_wait3A_74 : memref<250x40xi32, #tpu.memory_space<hbm>>) dst(%arg7 : memref<250x40xi32, #tpu.memory_space<vmem>>)
      tpu.yield
    }) : () -> ()
    %barrier3A = arith.constant 0 : index
    tpu.barrier barrier_id(%barrier3A)
    %dma_start3A = arith.constant 0 : i32
    %dma_start3A_19 = arith.constant 0 : i32
    %dma_start3A_20 = tpu.memref_slice %arg6[%dma_start3A, %dma_start3A_19] : memref<250x40xi32, #tpu.memory_space<vmem>> -> memref<1x40xi32, #tpu.memory_space<vmem>>
    %dma_start3A_21 = tpu.memref_squeeze %dma_start3A_20 : memref<1x40xi32, #tpu.memory_space<vmem>> -> memref<40xi32, #tpu.memory_space<vmem>>
    %dma_start3A_22 = arith.constant 0 : i32
    %dma_start3A_23 = arith.constant 0 : i32
    %dma_start3A_24 = tpu.memref_slice %arg2[%dma_start3A_22, %dma_start3A_23] : memref<10000x128xf32, #tpu.memory_space<hbm>> -> memref<10000x128xf32, #tpu.memory_space<hbm>>
    tpu.enqueue_indirect_dma source(%dma_start3A_24 : memref<10000x128xf32, #tpu.memory_space<hbm>>) target(%arg8 : memref<40x128xf32, #tpu.memory_space<vmem>>) offsets(%dma_start3A_21 : memref<40xi32, #tpu.memory_space<vmem>>) semaphore(%arg14 : memref<!tpu.dma_semaphore, #tpu.memory_space<semaphore_mem>>)
    %dma_start3A_25 = arith.constant 1 : i32
    %dma_start3A_26 = arith.constant 0 : i32
    %dma_start3A_27 = tpu.memref_slice %arg6[%dma_start3A_25, %dma_start3A_26] : memref<250x40xi32, #tpu.memory_space<vmem>> -> memref<1x40xi32, #tpu.memory_space<vmem>>
    %dma_start3A_28 = tpu.memref_squeeze %dma_start3A_27 : memref<1x40xi32, #tpu.memory_space<vmem>> -> memref<40xi32, #tpu.memory_space<vmem>>
    %dma_start3A_29 = arith.constant 0 : i32
    %dma_start3A_30 = arith.constant 0 : i32
    %dma_start3A_31 = tpu.memref_slice %arg2[%dma_start3A_29, %dma_start3A_30] : memref<10000x128xf32, #tpu.memory_space<hbm>> -> memref<10000x128xf32, #tpu.memory_space<hbm>>
    tpu.enqueue_indirect_dma source(%dma_start3A_31 : memref<10000x128xf32, #tpu.memory_space<hbm>>) target(%arg9 : memref<40x128xf32, #tpu.memory_space<vmem>>) offsets(%dma_start3A_28 : memref<40xi32, #tpu.memory_space<vmem>>) semaphore(%arg15 : memref<!tpu.dma_semaphore, #tpu.memory_space<semaphore_mem>>)
    %dma_start3A_32 = arith.constant 2 : i32
    %dma_start3A_33 = arith.constant 0 : i32
    %dma_start3A_34 = tpu.memref_slice %arg6[%dma_start3A_32, %dma_start3A_33] : memref<250x40xi32, #tpu.memory_space<vmem>> -> memref<1x40xi32, #tpu.memory_space<vmem>>
    %dma_start3A_35 = tpu.memref_squeeze %dma_start3A_34 : memref<1x40xi32, #tpu.memory_space<vmem>> -> memref<40xi32, #tpu.memory_space<vmem>>
    %dma_start3A_36 = arith.constant 0 : i32
    %dma_start3A_37 = arith.constant 0 : i32
    %dma_start3A_38 = tpu.memref_slice %arg2[%dma_start3A_36, %dma_start3A_37] : memref<10000x128xf32, #tpu.memory_space<hbm>> -> memref<10000x128xf32, #tpu.memory_space<hbm>>
    tpu.enqueue_indirect_dma source(%dma_start3A_38 : memref<10000x128xf32, #tpu.memory_space<hbm>>) target(%arg10 : memref<40x128xf32, #tpu.memory_space<vmem>>) offsets(%dma_start3A_35 : memref<40xi32, #tpu.memory_space<vmem>>) semaphore(%arg16 : memref<!tpu.dma_semaphore, #tpu.memory_space<semaphore_mem>>)
    %dma_start3A_39 = arith.constant 3 : i32
    %dma_start3A_40 = arith.constant 0 : i32
    %dma_start3A_41 = tpu.memref_slice %arg6[%dma_start3A_39, %dma_start3A_40] : memref<250x40xi32, #tpu.memory_space<vmem>> -> memref<1x40xi32, #tpu.memory_space<vmem>>
    %dma_start3A_42 = tpu.memref_squeeze %dma_start3A_41 : memref<1x40xi32, #tpu.memory_space<vmem>> -> memref<40xi32, #tpu.memory_space<vmem>>
    %dma_start3A_43 = arith.constant 0 : i32
    %dma_start3A_44 = arith.constant 0 : i32
    %dma_start3A_45 = tpu.memref_slice %arg2[%dma_start3A_43, %dma_start3A_44] : memref<10000x128xf32, #tpu.memory_space<hbm>> -> memref<10000x128xf32, #tpu.memory_space<hbm>>
    tpu.enqueue_indirect_dma source(%dma_start3A_45 : memref<10000x128xf32, #tpu.memory_space<hbm>>) target(%arg11 : memref<40x128xf32, #tpu.memory_space<vmem>>) offsets(%dma_start3A_42 : memref<40xi32, #tpu.memory_space<vmem>>) semaphore(%arg17 : memref<!tpu.dma_semaphore, #tpu.memory_space<semaphore_mem>>)
    %dma_start3A_46 = arith.constant 4 : i32
    %dma_start3A_47 = arith.constant 0 : i32
    %dma_start3A_48 = tpu.memref_slice %arg6[%dma_start3A_46, %dma_start3A_47] : memref<250x40xi32, #tpu.memory_space<vmem>> -> memref<1x40xi32, #tpu.memory_space<vmem>>
    %dma_start3A_49 = tpu.memref_squeeze %dma_start3A_48 : memref<1x40xi32, #tpu.memory_space<vmem>> -> memref<40xi32, #tpu.memory_space<vmem>>
    %dma_start3A_50 = arith.constant 0 : i32
    %dma_start3A_51 = arith.constant 0 : i32
    %dma_start3A_52 = tpu.memref_slice %arg2[%dma_start3A_50, %dma_start3A_51] : memref<10000x128xf32, #tpu.memory_space<hbm>> -> memref<10000x128xf32, #tpu.memory_space<hbm>>
    tpu.enqueue_indirect_dma source(%dma_start3A_52 : memref<10000x128xf32, #tpu.memory_space<hbm>>) target(%arg12 : memref<40x128xf32, #tpu.memory_space<vmem>>) offsets(%dma_start3A_49 : memref<40xi32, #tpu.memory_space<vmem>>) semaphore(%arg18 : memref<!tpu.dma_semaphore, #tpu.memory_space<semaphore_mem>>)
    %scan3A_53 = arith.constant 0 : i32
    %scan3A_54 = arith.constant 0 : i32
    %scan3A_55 = arith.constant 50 : i32
    %scan3A_56 = arith.addi %scan3A_54, %scan3A_55 : i32
    %scan3A_57 = arith.constant 1 : i32
    %scan3A_58 = scf.for %scan3A_68 = %scan3A_54 to %scan3A_56 step %scan3A_57 iter_args(%scan3A_69 = %scan3A_53) -> (i32)  : i32 {
      %mul3A_70 = arith.constant 5 : i32
      %mul3A_71 = arith.muli %scan3A_68, %mul3A_70 : i32
      %add3A_72 = arith.constant 0 : i32
      %add3A_73 = arith.addi %mul3A_71, %add3A_72 : i32
      %dma_wait3A = arith.constant 0 : i32
      %dma_wait3A_74 = tpu.memref_slice %arg6[%add3A_73, %dma_wait3A] : memref<250x40xi32, #tpu.memory_space<vmem>> -> memref<1x40xi32, #tpu.memory_space<vmem>>
      %dma_wait3A_75 = tpu.memref_squeeze %dma_wait3A_74 : memref<1x40xi32, #tpu.memory_space<vmem>> -> memref<40xi32, #tpu.memory_space<vmem>>
      %dma_wait3A_76 = arith.constant 0 : i32
      %dma_wait3A_77 = arith.constant 0 : i32
      %dma_wait3A_78 = tpu.memref_slice %arg2[%dma_wait3A_76, %dma_wait3A_77] : memref<10000x128xf32, #tpu.memory_space<hbm>> -> memref<10000x128xf32, #tpu.memory_space<hbm>>
      tpu.wait_indirect_dma semaphore(%arg14 : memref<!tpu.dma_semaphore, #tpu.memory_space<semaphore_mem>>) src(%dma_wait3A_78 : memref<10000x128xf32, #tpu.memory_space<hbm>>) dst(%arg8 : memref<40x128xf32, #tpu.memory_space<vmem>>)
      "tpu.region"() ({
        %run_scoped3A = tpu.sem_alloc : memref<!tpu.dma_semaphore, #tpu.memory_space<semaphore_mem>>
        %dma_start3A_152 = arith.constant 0 : i32
        %dma_start3A_153 = tpu.memref_slice %arg7[%add3A_73, %dma_start3A_152] : memref<250x40xi32, #tpu.memory_space<vmem>> -> memref<1x40xi32, #tpu.memory_space<vmem>>
        %dma_start3A_154 = tpu.memref_squeeze %dma_start3A_153 : memref<1x40xi32, #tpu.memory_space<vmem>> -> memref<40xi32, #tpu.memory_space<vmem>>
        %dma_start3A_155 = arith.constant 0 : i32
        %dma_start3A_156 = arith.constant 0 : i32
        %dma_start3A_157 = tpu.memref_slice %arg13[%dma_start3A_155, %dma_start3A_156] : memref<10000x128xf32, #tpu.memory_space<vmem_shared>> -> memref<10000x128xf32, #tpu.memory_space<vmem_shared>>
        tpu.enqueue_indirect_dma source(%arg8 : memref<40x128xf32, #tpu.memory_space<vmem>>) target(%dma_start3A_157 : memref<10000x128xf32, #tpu.memory_space<vmem_shared>>) offsets(%dma_start3A_154 : memref<40xi32, #tpu.memory_space<vmem>>) semaphore(%run_scoped3A : memref<!tpu.dma_semaphore, #tpu.memory_space<semaphore_mem>>) {add = true}
        %dma_wait3A_158 = arith.constant 0 : i32
        %dma_wait3A_159 = tpu.memref_slice %arg7[%add3A_73, %dma_wait3A_158] : memref<250x40xi32, #tpu.memory_space<vmem>> -> memref<1x40xi32, #tpu.memory_space<vmem>>
        %dma_wait3A_160 = tpu.memref_squeeze %dma_wait3A_159 : memref<1x40xi32, #tpu.memory_space<vmem>> -> memref<40xi32, #tpu.memory_space<vmem>>
        %dma_wait3A_161 = arith.constant 0 : i32
        %dma_wait3A_162 = arith.constant 0 : i32
        %dma_wait3A_163 = tpu.memref_slice %arg13[%dma_wait3A_161, %dma_wait3A_162] : memref<10000x128xf32, #tpu.memory_space<vmem_shared>> -> memref<10000x128xf32, #tpu.memory_space<vmem_shared>>
        tpu.wait_indirect_dma semaphore(%run_scoped3A : memref<!tpu.dma_semaphore, #tpu.memory_space<semaphore_mem>>) src(%arg8 : memref<40x128xf32, #tpu.memory_space<vmem>>) dst(%dma_wait3A_163 : memref<10000x128xf32, #tpu.memory_space<vmem_shared>>)
        tpu.yield
      }) : () -> ()
      %add3A_79 = arith.constant 5 : i32
      %add3A_80 = arith.addi %add3A_73, %add3A_79 : i32
      %lt3A = arith.constant 250 : i32
      %lt3A_81 = arith.cmpi slt, %add3A_80, %lt3A : i32
      %convert_element_type3A = arith.extui %lt3A_81 : i1 to i32
      %cond3A = arith.constant 0 : i32
      %cond3A_82 = arith.cmpi ne, %convert_element_type3A, %cond3A : i32
      scf.if %cond3A_82 {
        %add3A_152 = arith.constant 5 : i32
        %add3A_153 = arith.addi %add3A_73, %add3A_152 : i32
        %dma_start3A_154 = arith.constant 0 : i32
        %dma_start3A_155 = tpu.memref_slice %arg6[%add3A_153, %dma_start3A_154] : memref<250x40xi32, #tpu.memory_space<vmem>> -> memref<1x40xi32, #tpu.memory_space<vmem>>
        %dma_start3A_156 = tpu.memref_squeeze %dma_start3A_155 : memref<1x40xi32, #tpu.memory_space<vmem>> -> memref<40xi32, #tpu.memory_space<vmem>>
        %dma_start3A_157 = arith.constant 0 : i32
        %dma_start3A_158 = arith.constant 0 : i32
        %dma_start3A_159 = tpu.memref_slice %arg2[%dma_start3A_157, %dma_start3A_158] : memref<10000x128xf32, #tpu.memory_space<hbm>> -> memref<10000x128xf32, #tpu.memory_space<hbm>>
        tpu.enqueue_indirect_dma source(%dma_start3A_159 : memref<10000x128xf32, #tpu.memory_space<hbm>>) target(%arg8 : memref<40x128xf32, #tpu.memory_space<vmem>>) offsets(%dma_start3A_156 : memref<40xi32, #tpu.memory_space<vmem>>) semaphore(%arg14 : memref<!tpu.dma_semaphore, #tpu.memory_space<semaphore_mem>>)
      } else {
      }
      %mul3A_83 = arith.constant 5 : i32
      %mul3A_84 = arith.muli %scan3A_68, %mul3A_83 : i32
      %add3A_85 = arith.constant 1 : i32
      %add3A_86 = arith.addi %mul3A_84, %add3A_85 : i32
      %dma_wait3A_87 = arith.constant 0 : i32
      %dma_wait3A_88 = tpu.memref_slice %arg6[%add3A_86, %dma_wait3A_87] : memref<250x40xi32, #tpu.memory_space<vmem>> -> memref<1x40xi32, #tpu.memory_space<vmem>>
      %dma_wait3A_89 = tpu.memref_squeeze %dma_wait3A_88 : memref<1x40xi32, #tpu.memory_space<vmem>> -> memref<40xi32, #tpu.memory_space<vmem>>
      %dma_wait3A_90 = arith.constant 0 : i32
      %dma_wait3A_91 = arith.constant 0 : i32
      %dma_wait3A_92 = tpu.memref_slice %arg2[%dma_wait3A_90, %dma_wait3A_91] : memref<10000x128xf32, #tpu.memory_space<hbm>> -> memref<10000x128xf32, #tpu.memory_space<hbm>>
      tpu.wait_indirect_dma semaphore(%arg15 : memref<!tpu.dma_semaphore, #tpu.memory_space<semaphore_mem>>) src(%dma_wait3A_92 : memref<10000x128xf32, #tpu.memory_space<hbm>>) dst(%arg9 : memref<40x128xf32, #tpu.memory_space<vmem>>)
      "tpu.region"() ({
        %run_scoped3A = tpu.sem_alloc : memref<!tpu.dma_semaphore, #tpu.memory_space<semaphore_mem>>
        %dma_start3A_152 = arith.constant 0 : i32
        %dma_start3A_153 = tpu.memref_slice %arg7[%add3A_86, %dma_start3A_152] : memref<250x40xi32, #tpu.memory_space<vmem>> -> memref<1x40xi32, #tpu.memory_space<vmem>>
        %dma_start3A_154 = tpu.memref_squeeze %dma_start3A_153 : memref<1x40xi32, #tpu.memory_space<vmem>> -> memref<40xi32, #tpu.memory_space<vmem>>
        %dma_start3A_155 = arith.constant 0 : i32
        %dma_start3A_156 = arith.constant 0 : i32
        %dma_start3A_157 = tpu.memref_slice %arg13[%dma_start3A_155, %dma_start3A_156] : memref<10000x128xf32, #tpu.memory_space<vmem_shared>> -> memref<10000x128xf32, #tpu.memory_space<vmem_shared>>
        tpu.enqueue_indirect_dma source(%arg9 : memref<40x128xf32, #tpu.memory_space<vmem>>) target(%dma_start3A_157 : memref<10000x128xf32, #tpu.memory_space<vmem_shared>>) offsets(%dma_start3A_154 : memref<40xi32, #tpu.memory_space<vmem>>) semaphore(%run_scoped3A : memref<!tpu.dma_semaphore, #tpu.memory_space<semaphore_mem>>) {add = true}
        %dma_wait3A_158 = arith.constant 0 : i32
        %dma_wait3A_159 = tpu.memref_slice %arg7[%add3A_86, %dma_wait3A_158] : memref<250x40xi32, #tpu.memory_space<vmem>> -> memref<1x40xi32, #tpu.memory_space<vmem>>
        %dma_wait3A_160 = tpu.memref_squeeze %dma_wait3A_159 : memref<1x40xi32, #tpu.memory_space<vmem>> -> memref<40xi32, #tpu.memory_space<vmem>>
        %dma_wait3A_161 = arith.constant 0 : i32
        %dma_wait3A_162 = arith.constant 0 : i32
        %dma_wait3A_163 = tpu.memref_slice %arg13[%dma_wait3A_161, %dma_wait3A_162] : memref<10000x128xf32, #tpu.memory_space<vmem_shared>> -> memref<10000x128xf32, #tpu.memory_space<vmem_shared>>
        tpu.wait_indirect_dma semaphore(%run_scoped3A : memref<!tpu.dma_semaphore, #tpu.memory_space<semaphore_mem>>) src(%arg9 : memref<40x128xf32, #tpu.memory_space<vmem>>) dst(%dma_wait3A_163 : memref<10000x128xf32, #tpu.memory_space<vmem_shared>>)
        tpu.yield
      }) : () -> ()
      %add3A_93 = arith.constant 5 : i32
      %add3A_94 = arith.addi %add3A_86, %add3A_93 : i32
      %lt3A_95 = arith.constant 250 : i32
      %lt3A_96 = arith.cmpi slt, %add3A_94, %lt3A_95 : i32
      %convert_element_type3A_97 = arith.extui %lt3A_96 : i1 to i32
      %cond3A_98 = arith.constant 0 : i32
      %cond3A_99 = arith.cmpi ne, %convert_element_type3A_97, %cond3A_98 : i32
      scf.if %cond3A_99 {
        %add3A_152 = arith.constant 5 : i32
        %add3A_153 = arith.addi %add3A_86, %add3A_152 : i32
        %dma_start3A_154 = arith.constant 0 : i32
        %dma_start3A_155 = tpu.memref_slice %arg6[%add3A_153, %dma_start3A_154] : memref<250x40xi32, #tpu.memory_space<vmem>> -> memref<1x40xi32, #tpu.memory_space<vmem>>
        %dma_start3A_156 = tpu.memref_squeeze %dma_start3A_155 : memref<1x40xi32, #tpu.memory_space<vmem>> -> memref<40xi32, #tpu.memory_space<vmem>>
        %dma_start3A_157 = arith.constant 0 : i32
        %dma_start3A_158 = arith.constant 0 : i32
        %dma_start3A_159 = tpu.memref_slice %arg2[%dma_start3A_157, %dma_start3A_158] : memref<10000x128xf32, #tpu.memory_space<hbm>> -> memref<10000x128xf32, #tpu.memory_space<hbm>>
        tpu.enqueue_indirect_dma source(%dma_start3A_159 : memref<10000x128xf32, #tpu.memory_space<hbm>>) target(%arg9 : memref<40x128xf32, #tpu.memory_space<vmem>>) offsets(%dma_start3A_156 : memref<40xi32, #tpu.memory_space<vmem>>) semaphore(%arg15 : memref<!tpu.dma_semaphore, #tpu.memory_space<semaphore_mem>>)
      } else {
      }
      %mul3A_100 = arith.constant 5 : i32
      %mul3A_101 = arith.muli %scan3A_68, %mul3A_100 : i32
      %add3A_102 = arith.constant 2 : i32
      %add3A_103 = arith.addi %mul3A_101, %add3A_102 : i32
      %dma_wait3A_104 = arith.constant 0 : i32
      %dma_wait3A_105 = tpu.memref_slice %arg6[%add3A_103, %dma_wait3A_104] : memref<250x40xi32, #tpu.memory_space<vmem>> -> memref<1x40xi32, #tpu.memory_space<vmem>>
      %dma_wait3A_106 = tpu.memref_squeeze %dma_wait3A_105 : memref<1x40xi32, #tpu.memory_space<vmem>> -> memref<40xi32, #tpu.memory_space<vmem>>
      %dma_wait3A_107 = arith.constant 0 : i32
      %dma_wait3A_108 = arith.constant 0 : i32
      %dma_wait3A_109 = tpu.memref_slice %arg2[%dma_wait3A_107, %dma_wait3A_108] : memref<10000x128xf32, #tpu.memory_space<hbm>> -> memref<10000x128xf32, #tpu.memory_space<hbm>>
      tpu.wait_indirect_dma semaphore(%arg16 : memref<!tpu.dma_semaphore, #tpu.memory_space<semaphore_mem>>) src(%dma_wait3A_109 : memref<10000x128xf32, #tpu.memory_space<hbm>>) dst(%arg10 : memref<40x128xf32, #tpu.memory_space<vmem>>)
      "tpu.region"() ({
        %run_scoped3A = tpu.sem_alloc : memref<!tpu.dma_semaphore, #tpu.memory_space<semaphore_mem>>
        %dma_start3A_152 = arith.constant 0 : i32
        %dma_start3A_153 = tpu.memref_slice %arg7[%add3A_103, %dma_start3A_152] : memref<250x40xi32, #tpu.memory_space<vmem>> -> memref<1x40xi32, #tpu.memory_space<vmem>>
        %dma_start3A_154 = tpu.memref_squeeze %dma_start3A_153 : memref<1x40xi32, #tpu.memory_space<vmem>> -> memref<40xi32, #tpu.memory_space<vmem>>
        %dma_start3A_155 = arith.constant 0 : i32
        %dma_start3A_156 = arith.constant 0 : i32
        %dma_start3A_157 = tpu.memref_slice %arg13[%dma_start3A_155, %dma_start3A_156] : memref<10000x128xf32, #tpu.memory_space<vmem_shared>> -> memref<10000x128xf32, #tpu.memory_space<vmem_shared>>
        tpu.enqueue_indirect_dma source(%arg10 : memref<40x128xf32, #tpu.memory_space<vmem>>) target(%dma_start3A_157 : memref<10000x128xf32, #tpu.memory_space<vmem_shared>>) offsets(%dma_start3A_154 : memref<40xi32, #tpu.memory_space<vmem>>) semaphore(%run_scoped3A : memref<!tpu.dma_semaphore, #tpu.memory_space<semaphore_mem>>) {add = true}
        %dma_wait3A_158 = arith.constant 0 : i32
        %dma_wait3A_159 = tpu.memref_slice %arg7[%add3A_103, %dma_wait3A_158] : memref<250x40xi32, #tpu.memory_space<vmem>> -> memref<1x40xi32, #tpu.memory_space<vmem>>
        %dma_wait3A_160 = tpu.memref_squeeze %dma_wait3A_159 : memref<1x40xi32, #tpu.memory_space<vmem>> -> memref<40xi32, #tpu.memory_space<vmem>>
        %dma_wait3A_161 = arith.constant 0 : i32
        %dma_wait3A_162 = arith.constant 0 : i32
        %dma_wait3A_163 = tpu.memref_slice %arg13[%dma_wait3A_161, %dma_wait3A_162] : memref<10000x128xf32, #tpu.memory_space<vmem_shared>> -> memref<10000x128xf32, #tpu.memory_space<vmem_shared>>
        tpu.wait_indirect_dma semaphore(%run_scoped3A : memref<!tpu.dma_semaphore, #tpu.memory_space<semaphore_mem>>) src(%arg10 : memref<40x128xf32, #tpu.memory_space<vmem>>) dst(%dma_wait3A_163 : memref<10000x128xf32, #tpu.memory_space<vmem_shared>>)
        tpu.yield
      }) : () -> ()
      %add3A_110 = arith.constant 5 : i32
      %add3A_111 = arith.addi %add3A_103, %add3A_110 : i32
      %lt3A_112 = arith.constant 250 : i32
      %lt3A_113 = arith.cmpi slt, %add3A_111, %lt3A_112 : i32
      %convert_element_type3A_114 = arith.extui %lt3A_113 : i1 to i32
      %cond3A_115 = arith.constant 0 : i32
      %cond3A_116 = arith.cmpi ne, %convert_element_type3A_114, %cond3A_115 : i32
      scf.if %cond3A_116 {
        %add3A_152 = arith.constant 5 : i32
        %add3A_153 = arith.addi %add3A_103, %add3A_152 : i32
        %dma_start3A_154 = arith.constant 0 : i32
        %dma_start3A_155 = tpu.memref_slice %arg6[%add3A_153, %dma_start3A_154] : memref<250x40xi32, #tpu.memory_space<vmem>> -> memref<1x40xi32, #tpu.memory_space<vmem>>
        %dma_start3A_156 = tpu.memref_squeeze %dma_start3A_155 : memref<1x40xi32, #tpu.memory_space<vmem>> -> memref<40xi32, #tpu.memory_space<vmem>>
        %dma_start3A_157 = arith.constant 0 : i32
        %dma_start3A_158 = arith.constant 0 : i32
        %dma_start3A_159 = tpu.memref_slice %arg2[%dma_start3A_157, %dma_start3A_158] : memref<10000x128xf32, #tpu.memory_space<hbm>> -> memref<10000x128xf32, #tpu.memory_space<hbm>>
        tpu.enqueue_indirect_dma source(%dma_start3A_159 : memref<10000x128xf32, #tpu.memory_space<hbm>>) target(%arg10 : memref<40x128xf32, #tpu.memory_space<vmem>>) offsets(%dma_start3A_156 : memref<40xi32, #tpu.memory_space<vmem>>) semaphore(%arg16 : memref<!tpu.dma_semaphore, #tpu.memory_space<semaphore_mem>>)
      } else {
      }
      %mul3A_117 = arith.constant 5 : i32
      %mul3A_118 = arith.muli %scan3A_68, %mul3A_117 : i32
      %add3A_119 = arith.constant 3 : i32
      %add3A_120 = arith.addi %mul3A_118, %add3A_119 : i32
      %dma_wait3A_121 = arith.constant 0 : i32
      %dma_wait3A_122 = tpu.memref_slice %arg6[%add3A_120, %dma_wait3A_121] : memref<250x40xi32, #tpu.memory_space<vmem>> -> memref<1x40xi32, #tpu.memory_space<vmem>>
      %dma_wait3A_123 = tpu.memref_squeeze %dma_wait3A_122 : memref<1x40xi32, #tpu.memory_space<vmem>> -> memref<40xi32, #tpu.memory_space<vmem>>
      %dma_wait3A_124 = arith.constant 0 : i32
      %dma_wait3A_125 = arith.constant 0 : i32
      %dma_wait3A_126 = tpu.memref_slice %arg2[%dma_wait3A_124, %dma_wait3A_125] : memref<10000x128xf32, #tpu.memory_space<hbm>> -> memref<10000x128xf32, #tpu.memory_space<hbm>>
      tpu.wait_indirect_dma semaphore(%arg17 : memref<!tpu.dma_semaphore, #tpu.memory_space<semaphore_mem>>) src(%dma_wait3A_126 : memref<10000x128xf32, #tpu.memory_space<hbm>>) dst(%arg11 : memref<40x128xf32, #tpu.memory_space<vmem>>)
      "tpu.region"() ({
        %run_scoped3A = tpu.sem_alloc : memref<!tpu.dma_semaphore, #tpu.memory_space<semaphore_mem>>
        %dma_start3A_152 = arith.constant 0 : i32
        %dma_start3A_153 = tpu.memref_slice %arg7[%add3A_120, %dma_start3A_152] : memref<250x40xi32, #tpu.memory_space<vmem>> -> memref<1x40xi32, #tpu.memory_space<vmem>>
        %dma_start3A_154 = tpu.memref_squeeze %dma_start3A_153 : memref<1x40xi32, #tpu.memory_space<vmem>> -> memref<40xi32, #tpu.memory_space<vmem>>
        %dma_start3A_155 = arith.constant 0 : i32
        %dma_start3A_156 = arith.constant 0 : i32
        %dma_start3A_157 = tpu.memref_slice %arg13[%dma_start3A_155, %dma_start3A_156] : memref<10000x128xf32, #tpu.memory_space<vmem_shared>> -> memref<10000x128xf32, #tpu.memory_space<vmem_shared>>
        tpu.enqueue_indirect_dma source(%arg11 : memref<40x128xf32, #tpu.memory_space<vmem>>) target(%dma_start3A_157 : memref<10000x128xf32, #tpu.memory_space<vmem_shared>>) offsets(%dma_start3A_154 : memref<40xi32, #tpu.memory_space<vmem>>) semaphore(%run_scoped3A : memref<!tpu.dma_semaphore, #tpu.memory_space<semaphore_mem>>) {add = true}
        %dma_wait3A_158 = arith.constant 0 : i32
        %dma_wait3A_159 = tpu.memref_slice %arg7[%add3A_120, %dma_wait3A_158] : memref<250x40xi32, #tpu.memory_space<vmem>> -> memref<1x40xi32, #tpu.memory_space<vmem>>
        %dma_wait3A_160 = tpu.memref_squeeze %dma_wait3A_159 : memref<1x40xi32, #tpu.memory_space<vmem>> -> memref<40xi32, #tpu.memory_space<vmem>>
        %dma_wait3A_161 = arith.constant 0 : i32
        %dma_wait3A_162 = arith.constant 0 : i32
        %dma_wait3A_163 = tpu.memref_slice %arg13[%dma_wait3A_161, %dma_wait3A_162] : memref<10000x128xf32, #tpu.memory_space<vmem_shared>> -> memref<10000x128xf32, #tpu.memory_space<vmem_shared>>
        tpu.wait_indirect_dma semaphore(%run_scoped3A : memref<!tpu.dma_semaphore, #tpu.memory_space<semaphore_mem>>) src(%arg11 : memref<40x128xf32, #tpu.memory_space<vmem>>) dst(%dma_wait3A_163 : memref<10000x128xf32, #tpu.memory_space<vmem_shared>>)
        tpu.yield
      }) : () -> ()
      %add3A_127 = arith.constant 5 : i32
      %add3A_128 = arith.addi %add3A_120, %add3A_127 : i32
      %lt3A_129 = arith.constant 250 : i32
      %lt3A_130 = arith.cmpi slt, %add3A_128, %lt3A_129 : i32
      %convert_element_type3A_131 = arith.extui %lt3A_130 : i1 to i32
      %cond3A_132 = arith.constant 0 : i32
      %cond3A_133 = arith.cmpi ne, %convert_element_type3A_131, %cond3A_132 : i32
      scf.if %cond3A_133 {
        %add3A_152 = arith.constant 5 : i32
        %add3A_153 = arith.addi %add3A_120, %add3A_152 : i32
        %dma_start3A_154 = arith.constant 0 : i32
        %dma_start3A_155 = tpu.memref_slice %arg6[%add3A_153, %dma_start3A_154] : memref<250x40xi32, #tpu.memory_space<vmem>> -> memref<1x40xi32, #tpu.memory_space<vmem>>
        %dma_start3A_156 = tpu.memref_squeeze %dma_start3A_155 : memref<1x40xi32, #tpu.memory_space<vmem>> -> memref<40xi32, #tpu.memory_space<vmem>>
        %dma_start3A_157 = arith.constant 0 : i32
        %dma_start3A_158 = arith.constant 0 : i32
        %dma_start3A_159 = tpu.memref_slice %arg2[%dma_start3A_157, %dma_start3A_158] : memref<10000x128xf32, #tpu.memory_space<hbm>> -> memref<10000x128xf32, #tpu.memory_space<hbm>>
        tpu.enqueue_indirect_dma source(%dma_start3A_159 : memref<10000x128xf32, #tpu.memory_space<hbm>>) target(%arg11 : memref<40x128xf32, #tpu.memory_space<vmem>>) offsets(%dma_start3A_156 : memref<40xi32, #tpu.memory_space<vmem>>) semaphore(%arg17 : memref<!tpu.dma_semaphore, #tpu.memory_space<semaphore_mem>>)
      } else {
      }
      %mul3A_134 = arith.constant 5 : i32
      %mul3A_135 = arith.muli %scan3A_68, %mul3A_134 : i32
      %add3A_136 = arith.constant 4 : i32
      %add3A_137 = arith.addi %mul3A_135, %add3A_136 : i32
      %dma_wait3A_138 = arith.constant 0 : i32
      %dma_wait3A_139 = tpu.memref_slice %arg6[%add3A_137, %dma_wait3A_138] : memref<250x40xi32, #tpu.memory_space<vmem>> -> memref<1x40xi32, #tpu.memory_space<vmem>>
      %dma_wait3A_140 = tpu.memref_squeeze %dma_wait3A_139 : memref<1x40xi32, #tpu.memory_space<vmem>> -> memref<40xi32, #tpu.memory_space<vmem>>
      %dma_wait3A_141 = arith.constant 0 : i32
      %dma_wait3A_142 = arith.constant 0 : i32
      %dma_wait3A_143 = tpu.memref_slice %arg2[%dma_wait3A_141, %dma_wait3A_142] : memref<10000x128xf32, #tpu.memory_space<hbm>> -> memref<10000x128xf32, #tpu.memory_space<hbm>>
      tpu.wait_indirect_dma semaphore(%arg18 : memref<!tpu.dma_semaphore, #tpu.memory_space<semaphore_mem>>) src(%dma_wait3A_143 : memref<10000x128xf32, #tpu.memory_space<hbm>>) dst(%arg12 : memref<40x128xf32, #tpu.memory_space<vmem>>)
      "tpu.region"() ({
        %run_scoped3A = tpu.sem_alloc : memref<!tpu.dma_semaphore, #tpu.memory_space<semaphore_mem>>
        %dma_start3A_152 = arith.constant 0 : i32
        %dma_start3A_153 = tpu.memref_slice %arg7[%add3A_137, %dma_start3A_152] : memref<250x40xi32, #tpu.memory_space<vmem>> -> memref<1x40xi32, #tpu.memory_space<vmem>>
        %dma_start3A_154 = tpu.memref_squeeze %dma_start3A_153 : memref<1x40xi32, #tpu.memory_space<vmem>> -> memref<40xi32, #tpu.memory_space<vmem>>
        %dma_start3A_155 = arith.constant 0 : i32
        %dma_start3A_156 = arith.constant 0 : i32
        %dma_start3A_157 = tpu.memref_slice %arg13[%dma_start3A_155, %dma_start3A_156] : memref<10000x128xf32, #tpu.memory_space<vmem_shared>> -> memref<10000x128xf32, #tpu.memory_space<vmem_shared>>
        tpu.enqueue_indirect_dma source(%arg12 : memref<40x128xf32, #tpu.memory_space<vmem>>) target(%dma_start3A_157 : memref<10000x128xf32, #tpu.memory_space<vmem_shared>>) offsets(%dma_start3A_154 : memref<40xi32, #tpu.memory_space<vmem>>) semaphore(%run_scoped3A : memref<!tpu.dma_semaphore, #tpu.memory_space<semaphore_mem>>) {add = true}
        %dma_wait3A_158 = arith.constant 0 : i32
        %dma_wait3A_159 = tpu.memref_slice %arg7[%add3A_137, %dma_wait3A_158] : memref<250x40xi32, #tpu.memory_space<vmem>> -> memref<1x40xi32, #tpu.memory_space<vmem>>
        %dma_wait3A_160 = tpu.memref_squeeze %dma_wait3A_159 : memref<1x40xi32, #tpu.memory_space<vmem>> -> memref<40xi32, #tpu.memory_space<vmem>>
        %dma_wait3A_161 = arith.constant 0 : i32
        %dma_wait3A_162 = arith.constant 0 : i32
        %dma_wait3A_163 = tpu.memref_slice %arg13[%dma_wait3A_161, %dma_wait3A_162] : memref<10000x128xf32, #tpu.memory_space<vmem_shared>> -> memref<10000x128xf32, #tpu.memory_space<vmem_shared>>
        tpu.wait_indirect_dma semaphore(%run_scoped3A : memref<!tpu.dma_semaphore, #tpu.memory_space<semaphore_mem>>) src(%arg12 : memref<40x128xf32, #tpu.memory_space<vmem>>) dst(%dma_wait3A_163 : memref<10000x128xf32, #tpu.memory_space<vmem_shared>>)
        tpu.yield
      }) : () -> ()
      %add3A_144 = arith.constant 5 : i32
      %add3A_145 = arith.addi %add3A_137, %add3A_144 : i32
      %lt3A_146 = arith.constant 250 : i32
      %lt3A_147 = arith.cmpi slt, %add3A_145, %lt3A_146 : i32
      %convert_element_type3A_148 = arith.extui %lt3A_147 : i1 to i32
      %cond3A_149 = arith.constant 0 : i32
      %cond3A_150 = arith.cmpi ne, %convert_element_type3A_148, %cond3A_149 : i32
      scf.if %cond3A_150 {
        %add3A_152 = arith.constant 5 : i32
        %add3A_153 = arith.addi %add3A_137, %add3A_152 : i32
        %dma_start3A_154 = arith.constant 0 : i32
        %dma_start3A_155 = tpu.memref_slice %arg6[%add3A_153, %dma_start3A_154] : memref<250x40xi32, #tpu.memory_space<vmem>> -> memref<1x40xi32, #tpu.memory_space<vmem>>
        %dma_start3A_156 = tpu.memref_squeeze %dma_start3A_155 : memref<1x40xi32, #tpu.memory_space<vmem>> -> memref<40xi32, #tpu.memory_space<vmem>>
        %dma_start3A_157 = arith.constant 0 : i32
        %dma_start3A_158 = arith.constant 0 : i32
        %dma_start3A_159 = tpu.memref_slice %arg2[%dma_start3A_157, %dma_start3A_158] : memref<10000x128xf32, #tpu.memory_space<hbm>> -> memref<10000x128xf32, #tpu.memory_space<hbm>>
        tpu.enqueue_indirect_dma source(%dma_start3A_159 : memref<10000x128xf32, #tpu.memory_space<hbm>>) target(%arg12 : memref<40x128xf32, #tpu.memory_space<vmem>>) offsets(%dma_start3A_156 : memref<40xi32, #tpu.memory_space<vmem>>) semaphore(%arg18 : memref<!tpu.dma_semaphore, #tpu.memory_space<semaphore_mem>>)
      } else {
      }
      %scan3A_151 = arith.constant 0 : i32
      scf.yield %scan3A_151 : i32
    }
    %scan3A_59 = arith.constant 50 : i32
    %barrier3A_60 = arith.constant 0 : index
    tpu.barrier barrier_id(%barrier3A_60)
    %scan3A_61 = arith.constant 0 : i32
    %scan3A_62 = arith.constant 0 : i32
    %scan3A_63 = arith.constant 16 : i32
    %scan3A_64 = arith.addi %scan3A_62, %scan3A_63 : i32
    %scan3A_65 = arith.constant 1 : i32
    %scan3A_66 = scf.for %scan3A_68 = %scan3A_62 to %scan3A_64 step %scan3A_65 iter_args(%scan3A_69 = %scan3A_61) -> (i32)  : i32 {
      %mul3A_70 = arith.constant 16 : i32
      %mul3A_71 = arith.muli %scan3A_68, %mul3A_70 : i32
      %add3A_72 = arith.addi %arg1, %mul3A_71 : i32
      %lt3A = arith.constant 250 : i32
      %lt3A_73 = arith.cmpi slt, %add3A_72, %lt3A : i32
      %convert_element_type3A = arith.extui %lt3A_73 : i1 to i32
      %cond3A = arith.constant 0 : i32
      %cond3A_74 = arith.cmpi ne, %convert_element_type3A, %cond3A : i32
      scf.if %cond3A_74 {
        %mul3A_76 = arith.constant 40 : i32
        %mul3A_77 = arith.muli %add3A_72, %mul3A_76 : i32
        "tpu.region"() ({
          %run_scoped3A = tpu.sem_alloc : memref<!tpu.dma_semaphore, #tpu.memory_space<semaphore_mem>>
          %dma_start3A_83 = arith.constant 0 : i32
          %dma_start3A_84 = tpu.memref_slice %arg13[%mul3A_77, %dma_start3A_83] : memref<10000x128xf32, #tpu.memory_space<vmem_shared>> -> memref<40x128xf32, #tpu.memory_space<vmem_shared>>
          %dma_start3A_85 = arith.constant 0 : i32
          %dma_start3A_86 = tpu.memref_slice %arg13[%mul3A_77, %dma_start3A_85] : memref<10000x128xf32, #tpu.memory_space<vmem_shared>> -> memref<40x128xf32, #tpu.memory_space<vmem_shared>>
          tpu.enqueue_dma source(%dma_start3A_86 : memref<40x128xf32, #tpu.memory_space<vmem_shared>>) target(%arg8 : memref<40x128xf32, #tpu.memory_space<vmem>>) target_semaphore(%run_scoped3A : memref<!tpu.dma_semaphore, #tpu.memory_space<semaphore_mem>>)
          %dma_wait3A = arith.constant 0 : i32
          %dma_wait3A_87 = tpu.memref_slice %arg13[%mul3A_77, %dma_wait3A] : memref<10000x128xf32, #tpu.memory_space<vmem_shared>> -> memref<40x128xf32, #tpu.memory_space<vmem_shared>>
          %dma_wait3A_88 = arith.constant 0 : i32
          %dma_wait3A_89 = tpu.memref_slice %arg13[%mul3A_77, %dma_wait3A_88] : memref<10000x128xf32, #tpu.memory_space<vmem_shared>> -> memref<40x128xf32, #tpu.memory_space<vmem_shared>>
          tpu.wait_dma2 semaphore(%run_scoped3A : memref<!tpu.dma_semaphore, #tpu.memory_space<semaphore_mem>>) src(%dma_wait3A_89 : memref<40x128xf32, #tpu.memory_space<vmem_shared>>) dst(%arg8 : memref<40x128xf32, #tpu.memory_space<vmem>>)
          tpu.yield
        }) : () -> ()
        %mul3A_78 = arith.constant 10000 : i32
        %mul3A_79 = arith.muli %arg0, %mul3A_78 : i32
        %mul3A_80 = arith.constant 40 : i32
        %mul3A_81 = arith.muli %add3A_72, %mul3A_80 : i32
        %add3A_82 = arith.addi %mul3A_79, %mul3A_81 : i32
        "tpu.region"() ({
          %run_scoped3A = tpu.sem_alloc : memref<!tpu.dma_semaphore, #tpu.memory_space<semaphore_mem>>
          %dma_start3A_83 = arith.constant 0 : i32
          %dma_start3A_84 = tpu.memref_slice %arg5[%add3A_82, %dma_start3A_83] : memref<20000x128xf32, #tpu.memory_space<hbm>> -> memref<40x128xf32, #tpu.memory_space<hbm>>
          %dma_start3A_85 = arith.constant 0 : i32
          %dma_start3A_86 = tpu.memref_slice %arg5[%add3A_82, %dma_start3A_85] : memref<20000x128xf32, #tpu.memory_space<hbm>> -> memref<40x128xf32, #tpu.memory_space<hbm>>
          tpu.enqueue_dma source(%arg8 : memref<40x128xf32, #tpu.memory_space<vmem>>) target(%dma_start3A_86 : memref<40x128xf32, #tpu.memory_space<hbm>>) target_semaphore(%run_scoped3A : memref<!tpu.dma_semaphore, #tpu.memory_space<semaphore_mem>>)
          %dma_wait3A = arith.constant 0 : i32
          %dma_wait3A_87 = tpu.memref_slice %arg5[%add3A_82, %dma_wait3A] : memref<20000x128xf32, #tpu.memory_space<hbm>> -> memref<40x128xf32, #tpu.memory_space<hbm>>
          %dma_wait3A_88 = arith.constant 0 : i32
          %dma_wait3A_89 = tpu.memref_slice %arg5[%add3A_82, %dma_wait3A_88] : memref<20000x128xf32, #tpu.memory_space<hbm>> -> memref<40x128xf32, #tpu.memory_space<hbm>>
          tpu.wait_dma2 semaphore(%run_scoped3A : memref<!tpu.dma_semaphore, #tpu.memory_space<semaphore_mem>>) src(%arg8 : memref<40x128xf32, #tpu.memory_space<vmem>>) dst(%dma_wait3A_89 : memref<40x128xf32, #tpu.memory_space<hbm>>)
          tpu.yield
        }) : () -> ()
      } else {
      }
      %scan3A_75 = arith.constant 0 : i32
      scf.yield %scan3A_75 : i32
    }
    %scan3A_67 = arith.constant 16 : i32
    return
  }
}

#map = affine_map<(d0, d1) -> (0, 0)>
module attributes {stable_mosaic.version = 14 : i64} {
  func.func @body(%arg0: i32, %arg1: i32, %arg2: memref<10000x64xf32, #tpu.memory_space<hbm>>, %arg3: memref<4000x80xi32, #tpu.memory_space<hbm>>, %arg4: memref<4000x80xi32, #tpu.memory_space<hbm>>, %arg5: memref<20000x64xf32, #tpu.memory_space<hbm>>, %arg6: memref<125x80xi32, #tpu.memory_space<vmem>>, %arg7: memref<125x80xi32, #tpu.memory_space<vmem>>, %arg8: memref<80x64xf32, #tpu.memory_space<vmem>>, %arg9: memref<80x64xf32, #tpu.memory_space<vmem>>, %arg10: memref<80x64xf32, #tpu.memory_space<vmem>>, %arg11: memref<80x64xf32, #tpu.memory_space<vmem>>, %arg12: memref<80x64xf32, #tpu.memory_space<vmem>>, %arg13: memref<10000x64xf32, #tpu.memory_space<vmem_shared>>, %arg14: memref<!tpu.dma_semaphore, #tpu.memory_space<semaphore_mem>>, %arg15: memref<!tpu.dma_semaphore, #tpu.memory_space<semaphore_mem>>, %arg16: memref<!tpu.dma_semaphore, #tpu.memory_space<semaphore_mem>>, %arg17: memref<!tpu.dma_semaphore, #tpu.memory_space<semaphore_mem>>, %arg18: memref<!tpu.dma_semaphore, #tpu.memory_space<semaphore_mem>>) attributes {dimension_semantics = [#tpu.dimension_semantics<core_parallel>, #tpu.dimension_semantics<subcore_parallel>], iteration_bounds = array<i64: 2, 16>, scalar_prefetch = 0 : i64, scratch_operands = 13 : i64, tpu.core_type = #tpu.core_type<sc_vector_subcore>, window_params = [{transform_indices = #map}, {transform_indices = #map}, {transform_indices = #map}, {transform_indices = #map}]} {
    %mul3A = arith.constant 16 : i32
    %mul3A_0 = arith.muli %arg0, %mul3A : i32
    %add3A = arith.addi %mul3A_0, %arg1 : i32
    %broadcast_in_dim3A = arith.constant 0.000000e+00 : f32
    %broadcast_in_dim3A_1 = vector.broadcast %broadcast_in_dim3A : f32 to vector<16xf32>
    %scan3A = arith.constant 0 : i32
    %scan3A_2 = arith.constant 0 : i32
    %scan3A_3 = arith.constant 80 : i32
    %scan3A_4 = arith.addi %scan3A_2, %scan3A_3 : i32
    %scan3A_5 = arith.constant 1 : i32
    %scan3A_6 = scf.for %scan3A_68 = %scan3A_2 to %scan3A_4 step %scan3A_5 iter_args(%scan3A_69 = %scan3A) -> (i32)  : i32 {
      %scan3A_70 = arith.constant 0 : i32
      %scan3A_71 = arith.constant 0 : i32
      %scan3A_72 = arith.constant 4 : i32
      %scan3A_73 = arith.addi %scan3A_71, %scan3A_72 : i32
      %scan3A_74 = arith.constant 1 : i32
      %scan3A_75 = scf.for %scan3A_78 = %scan3A_71 to %scan3A_73 step %scan3A_74 iter_args(%scan3A_79 = %scan3A_70) -> (i32)  : i32 {
        %mul3A_80 = arith.constant 16 : i32
        %mul3A_81 = arith.muli %scan3A_78, %mul3A_80 : i32
        %swap3A = arith.index_cast %scan3A_68 : i32 to index
        %swap3A_82 = arith.index_cast %mul3A_81 : i32 to index
        %swap3A_83 = tpu.vector_load %arg8[%swap3A, %swap3A_82] {strides = array<i32>} : memref<80x64xf32, #tpu.memory_space<vmem>>, vector<1x16xf32>,
        %swap3A_84 = vector.shape_cast %swap3A_83 : vector<1x16xf32> to vector<16xf32>
        %swap3A_85 = vector.shape_cast %broadcast_in_dim3A_1 : vector<16xf32> to vector<1x16xf32>
        tpu.vector_store %arg8[%swap3A, %swap3A_82], %swap3A_85 {strides = array<i32>} : memref<80x64xf32, #tpu.memory_space<vmem>>, vector<1x16xf32>,
        %scan3A_86 = arith.constant 0 : i32
        scf.yield %scan3A_86 : i32
      }
      %scan3A_76 = arith.constant 4 : i32
      %scan3A_77 = arith.constant 0 : i32
      scf.yield %scan3A_77 : i32
    }
    %scan3A_7 = arith.constant 80 : i32
    %scan3A_8 = arith.constant 0 : i32
    %scan3A_9 = arith.constant 0 : i32
    %scan3A_10 = arith.constant 8 : i32
    %scan3A_11 = arith.addi %scan3A_9, %scan3A_10 : i32
    %scan3A_12 = arith.constant 1 : i32
    %scan3A_13 = scf.for %scan3A_68 = %scan3A_9 to %scan3A_11 step %scan3A_12 iter_args(%scan3A_69 = %scan3A_8) -> (i32)  : i32 {
      %mul3A_70 = arith.constant 16 : i32
      %mul3A_71 = arith.muli %scan3A_68, %mul3A_70 : i32
      %add3A_72 = arith.addi %arg1, %mul3A_71 : i32
      %lt3A = arith.constant 125 : i32
      %lt3A_73 = arith.cmpi slt, %add3A_72, %lt3A : i32
      %convert_element_type3A = arith.extui %lt3A_73 : i1 to i32
      %cond3A = arith.constant 0 : i32
      %cond3A_74 = arith.cmpi ne, %convert_element_type3A, %cond3A : i32
      scf.if %cond3A_74 {
        %mul3A_76 = arith.constant 80 : i32
        %mul3A_77 = arith.muli %add3A_72, %mul3A_76 : i32
        "tpu.region"() ({
          %run_scoped3A = tpu.sem_alloc : memref<!tpu.dma_semaphore, #tpu.memory_space<semaphore_mem>>
          %dma_start3A_78 = arith.constant 0 : i32
          %dma_start3A_79 = tpu.memref_slice %arg13[%mul3A_77, %dma_start3A_78] : memref<10000x64xf32, #tpu.memory_space<vmem_shared>> -> memref<80x64xf32, #tpu.memory_space<vmem_shared>>
          %dma_start3A_80 = arith.constant 0 : i32
          %dma_start3A_81 = tpu.memref_slice %arg13[%mul3A_77, %dma_start3A_80] : memref<10000x64xf32, #tpu.memory_space<vmem_shared>> -> memref<80x64xf32, #tpu.memory_space<vmem_shared>>
          tpu.enqueue_dma source(%arg8 : memref<80x64xf32, #tpu.memory_space<vmem>>) target(%dma_start3A_81 : memref<80x64xf32, #tpu.memory_space<vmem_shared>>) target_semaphore(%run_scoped3A : memref<!tpu.dma_semaphore, #tpu.memory_space<semaphore_mem>>)
          %dma_wait3A = arith.constant 0 : i32
          %dma_wait3A_82 = tpu.memref_slice %arg13[%mul3A_77, %dma_wait3A] : memref<10000x64xf32, #tpu.memory_space<vmem_shared>> -> memref<80x64xf32, #tpu.memory_space<vmem_shared>>
          %dma_wait3A_83 = arith.constant 0 : i32
          %dma_wait3A_84 = tpu.memref_slice %arg13[%mul3A_77, %dma_wait3A_83] : memref<10000x64xf32, #tpu.memory_space<vmem_shared>> -> memref<80x64xf32, #tpu.memory_space<vmem_shared>>
          tpu.wait_dma2 semaphore(%run_scoped3A : memref<!tpu.dma_semaphore, #tpu.memory_space<semaphore_mem>>) src(%arg8 : memref<80x64xf32, #tpu.memory_space<vmem>>) dst(%dma_wait3A_84 : memref<80x64xf32, #tpu.memory_space<vmem_shared>>)
          tpu.yield
        }) : () -> ()
      } else {
      }
      %scan3A_75 = arith.constant 0 : i32
      scf.yield %scan3A_75 : i32
    }
    %scan3A_14 = arith.constant 8 : i32
    %mul3A_15 = arith.constant 125 : i32
    %mul3A_16 = arith.muli %add3A, %mul3A_15 : i32
    "tpu.region"() ({
      %run_scoped3A = tpu.sem_alloc : memref<!tpu.dma_semaphore, #tpu.memory_space<semaphore_mem>>
      %dma_start3A_68 = arith.constant 0 : i32
      %dma_start3A_69 = tpu.memref_slice %arg3[%mul3A_16, %dma_start3A_68] : memref<4000x80xi32, #tpu.memory_space<hbm>> -> memref<125x80xi32, #tpu.memory_space<hbm>>
      %dma_start3A_70 = arith.constant 0 : i32
      %dma_start3A_71 = tpu.memref_slice %arg3[%mul3A_16, %dma_start3A_70] : memref<4000x80xi32, #tpu.memory_space<hbm>> -> memref<125x80xi32, #tpu.memory_space<hbm>>
      tpu.enqueue_dma source(%dma_start3A_71 : memref<125x80xi32, #tpu.memory_space<hbm>>) target(%arg6 : memref<125x80xi32, #tpu.memory_space<vmem>>) target_semaphore(%run_scoped3A : memref<!tpu.dma_semaphore, #tpu.memory_space<semaphore_mem>>)
      %dma_wait3A = arith.constant 0 : i32
      %dma_wait3A_72 = tpu.memref_slice %arg3[%mul3A_16, %dma_wait3A] : memref<4000x80xi32, #tpu.memory_space<hbm>> -> memref<125x80xi32, #tpu.memory_space<hbm>>
      %dma_wait3A_73 = arith.constant 0 : i32
      %dma_wait3A_74 = tpu.memref_slice %arg3[%mul3A_16, %dma_wait3A_73] : memref<4000x80xi32, #tpu.memory_space<hbm>> -> memref<125x80xi32, #tpu.memory_space<hbm>>
      tpu.wait_dma2 semaphore(%run_scoped3A : memref<!tpu.dma_semaphore, #tpu.memory_space<semaphore_mem>>) src(%dma_wait3A_74 : memref<125x80xi32, #tpu.memory_space<hbm>>) dst(%arg6 : memref<125x80xi32, #tpu.memory_space<vmem>>)
      tpu.yield
    }) : () -> ()
    %mul3A_17 = arith.constant 125 : i32
    %mul3A_18 = arith.muli %add3A, %mul3A_17 : i32
    "tpu.region"() ({
      %run_scoped3A = tpu.sem_alloc : memref<!tpu.dma_semaphore, #tpu.memory_space<semaphore_mem>>
      %dma_start3A_68 = arith.constant 0 : i32
      %dma_start3A_69 = tpu.memref_slice %arg4[%mul3A_18, %dma_start3A_68] : memref<4000x80xi32, #tpu.memory_space<hbm>> -> memref<125x80xi32, #tpu.memory_space<hbm>>
      %dma_start3A_70 = arith.constant 0 : i32
      %dma_start3A_71 = tpu.memref_slice %arg4[%mul3A_18, %dma_start3A_70] : memref<4000x80xi32, #tpu.memory_space<hbm>> -> memref<125x80xi32, #tpu.memory_space<hbm>>
      tpu.enqueue_dma source(%dma_start3A_71 : memref<125x80xi32, #tpu.memory_space<hbm>>) target(%arg7 : memref<125x80xi32, #tpu.memory_space<vmem>>) target_semaphore(%run_scoped3A : memref<!tpu.dma_semaphore, #tpu.memory_space<semaphore_mem>>)
      %dma_wait3A = arith.constant 0 : i32
      %dma_wait3A_72 = tpu.memref_slice %arg4[%mul3A_18, %dma_wait3A] : memref<4000x80xi32, #tpu.memory_space<hbm>> -> memref<125x80xi32, #tpu.memory_space<hbm>>
      %dma_wait3A_73 = arith.constant 0 : i32
      %dma_wait3A_74 = tpu.memref_slice %arg4[%mul3A_18, %dma_wait3A_73] : memref<4000x80xi32, #tpu.memory_space<hbm>> -> memref<125x80xi32, #tpu.memory_space<hbm>>
      tpu.wait_dma2 semaphore(%run_scoped3A : memref<!tpu.dma_semaphore, #tpu.memory_space<semaphore_mem>>) src(%dma_wait3A_74 : memref<125x80xi32, #tpu.memory_space<hbm>>) dst(%arg7 : memref<125x80xi32, #tpu.memory_space<vmem>>)
      tpu.yield
    }) : () -> ()
    %barrier3A = arith.constant 0 : index
    tpu.barrier barrier_id(%barrier3A)
    %dma_start3A = arith.constant 0 : i32
    %dma_start3A_19 = arith.constant 0 : i32
    %dma_start3A_20 = tpu.memref_slice %arg6[%dma_start3A, %dma_start3A_19] : memref<125x80xi32, #tpu.memory_space<vmem>> -> memref<1x80xi32, #tpu.memory_space<vmem>>
    %dma_start3A_21 = tpu.memref_squeeze %dma_start3A_20 : memref<1x80xi32, #tpu.memory_space<vmem>> -> memref<80xi32, #tpu.memory_space<vmem>>
    %dma_start3A_22 = arith.constant 0 : i32
    %dma_start3A_23 = arith.constant 0 : i32
    %dma_start3A_24 = tpu.memref_slice %arg2[%dma_start3A_22, %dma_start3A_23] : memref<10000x64xf32, #tpu.memory_space<hbm>> -> memref<10000x64xf32, #tpu.memory_space<hbm>>
    tpu.enqueue_indirect_dma source(%dma_start3A_24 : memref<10000x64xf32, #tpu.memory_space<hbm>>) target(%arg8 : memref<80x64xf32, #tpu.memory_space<vmem>>) offsets(%dma_start3A_21 : memref<80xi32, #tpu.memory_space<vmem>>) semaphore(%arg14 : memref<!tpu.dma_semaphore, #tpu.memory_space<semaphore_mem>>)
    %dma_start3A_25 = arith.constant 1 : i32
    %dma_start3A_26 = arith.constant 0 : i32
    %dma_start3A_27 = tpu.memref_slice %arg6[%dma_start3A_25, %dma_start3A_26] : memref<125x80xi32, #tpu.memory_space<vmem>> -> memref<1x80xi32, #tpu.memory_space<vmem>>
    %dma_start3A_28 = tpu.memref_squeeze %dma_start3A_27 : memref<1x80xi32, #tpu.memory_space<vmem>> -> memref<80xi32, #tpu.memory_space<vmem>>
    %dma_start3A_29 = arith.constant 0 : i32
    %dma_start3A_30 = arith.constant 0 : i32
    %dma_start3A_31 = tpu.memref_slice %arg2[%dma_start3A_29, %dma_start3A_30] : memref<10000x64xf32, #tpu.memory_space<hbm>> -> memref<10000x64xf32, #tpu.memory_space<hbm>>
    tpu.enqueue_indirect_dma source(%dma_start3A_31 : memref<10000x64xf32, #tpu.memory_space<hbm>>) target(%arg9 : memref<80x64xf32, #tpu.memory_space<vmem>>) offsets(%dma_start3A_28 : memref<80xi32, #tpu.memory_space<vmem>>) semaphore(%arg15 : memref<!tpu.dma_semaphore, #tpu.memory_space<semaphore_mem>>)
    %dma_start3A_32 = arith.constant 2 : i32
    %dma_start3A_33 = arith.constant 0 : i32
    %dma_start3A_34 = tpu.memref_slice %arg6[%dma_start3A_32, %dma_start3A_33] : memref<125x80xi32, #tpu.memory_space<vmem>> -> memref<1x80xi32, #tpu.memory_space<vmem>>
    %dma_start3A_35 = tpu.memref_squeeze %dma_start3A_34 : memref<1x80xi32, #tpu.memory_space<vmem>> -> memref<80xi32, #tpu.memory_space<vmem>>
    %dma_start3A_36 = arith.constant 0 : i32
    %dma_start3A_37 = arith.constant 0 : i32
    %dma_start3A_38 = tpu.memref_slice %arg2[%dma_start3A_36, %dma_start3A_37] : memref<10000x64xf32, #tpu.memory_space<hbm>> -> memref<10000x64xf32, #tpu.memory_space<hbm>>
    tpu.enqueue_indirect_dma source(%dma_start3A_38 : memref<10000x64xf32, #tpu.memory_space<hbm>>) target(%arg10 : memref<80x64xf32, #tpu.memory_space<vmem>>) offsets(%dma_start3A_35 : memref<80xi32, #tpu.memory_space<vmem>>) semaphore(%arg16 : memref<!tpu.dma_semaphore, #tpu.memory_space<semaphore_mem>>)
    %dma_start3A_39 = arith.constant 3 : i32
    %dma_start3A_40 = arith.constant 0 : i32
    %dma_start3A_41 = tpu.memref_slice %arg6[%dma_start3A_39, %dma_start3A_40] : memref<125x80xi32, #tpu.memory_space<vmem>> -> memref<1x80xi32, #tpu.memory_space<vmem>>
    %dma_start3A_42 = tpu.memref_squeeze %dma_start3A_41 : memref<1x80xi32, #tpu.memory_space<vmem>> -> memref<80xi32, #tpu.memory_space<vmem>>
    %dma_start3A_43 = arith.constant 0 : i32
    %dma_start3A_44 = arith.constant 0 : i32
    %dma_start3A_45 = tpu.memref_slice %arg2[%dma_start3A_43, %dma_start3A_44] : memref<10000x64xf32, #tpu.memory_space<hbm>> -> memref<10000x64xf32, #tpu.memory_space<hbm>>
    tpu.enqueue_indirect_dma source(%dma_start3A_45 : memref<10000x64xf32, #tpu.memory_space<hbm>>) target(%arg11 : memref<80x64xf32, #tpu.memory_space<vmem>>) offsets(%dma_start3A_42 : memref<80xi32, #tpu.memory_space<vmem>>) semaphore(%arg17 : memref<!tpu.dma_semaphore, #tpu.memory_space<semaphore_mem>>)
    %dma_start3A_46 = arith.constant 4 : i32
    %dma_start3A_47 = arith.constant 0 : i32
    %dma_start3A_48 = tpu.memref_slice %arg6[%dma_start3A_46, %dma_start3A_47] : memref<125x80xi32, #tpu.memory_space<vmem>> -> memref<1x80xi32, #tpu.memory_space<vmem>>
    %dma_start3A_49 = tpu.memref_squeeze %dma_start3A_48 : memref<1x80xi32, #tpu.memory_space<vmem>> -> memref<80xi32, #tpu.memory_space<vmem>>
    %dma_start3A_50 = arith.constant 0 : i32
    %dma_start3A_51 = arith.constant 0 : i32
    %dma_start3A_52 = tpu.memref_slice %arg2[%dma_start3A_50, %dma_start3A_51] : memref<10000x64xf32, #tpu.memory_space<hbm>> -> memref<10000x64xf32, #tpu.memory_space<hbm>>
    tpu.enqueue_indirect_dma source(%dma_start3A_52 : memref<10000x64xf32, #tpu.memory_space<hbm>>) target(%arg12 : memref<80x64xf32, #tpu.memory_space<vmem>>) offsets(%dma_start3A_49 : memref<80xi32, #tpu.memory_space<vmem>>) semaphore(%arg18 : memref<!tpu.dma_semaphore, #tpu.memory_space<semaphore_mem>>)
    %scan3A_53 = arith.constant 0 : i32
    %scan3A_54 = arith.constant 0 : i32
    %scan3A_55 = arith.constant 25 : i32
    %scan3A_56 = arith.addi %scan3A_54, %scan3A_55 : i32
    %scan3A_57 = arith.constant 1 : i32
    %scan3A_58 = scf.for %scan3A_68 = %scan3A_54 to %scan3A_56 step %scan3A_57 iter_args(%scan3A_69 = %scan3A_53) -> (i32)  : i32 {
      %mul3A_70 = arith.constant 5 : i32
      %mul3A_71 = arith.muli %scan3A_68, %mul3A_70 : i32
      %add3A_72 = arith.constant 0 : i32
      %add3A_73 = arith.addi %mul3A_71, %add3A_72 : i32
      %dma_wait3A = arith.constant 0 : i32
      %dma_wait3A_74 = tpu.memref_slice %arg6[%add3A_73, %dma_wait3A] : memref<125x80xi32, #tpu.memory_space<vmem>> -> memref<1x80xi32, #tpu.memory_space<vmem>>
      %dma_wait3A_75 = tpu.memref_squeeze %dma_wait3A_74 : memref<1x80xi32, #tpu.memory_space<vmem>> -> memref<80xi32, #tpu.memory_space<vmem>>
      %dma_wait3A_76 = arith.constant 0 : i32
      %dma_wait3A_77 = arith.constant 0 : i32
      %dma_wait3A_78 = tpu.memref_slice %arg2[%dma_wait3A_76, %dma_wait3A_77] : memref<10000x64xf32, #tpu.memory_space<hbm>> -> memref<10000x64xf32, #tpu.memory_space<hbm>>
      tpu.wait_indirect_dma semaphore(%arg14 : memref<!tpu.dma_semaphore, #tpu.memory_space<semaphore_mem>>) src(%dma_wait3A_78 : memref<10000x64xf32, #tpu.memory_space<hbm>>) dst(%arg8 : memref<80x64xf32, #tpu.memory_space<vmem>>)
      "tpu.region"() ({
        %run_scoped3A = tpu.sem_alloc : memref<!tpu.dma_semaphore, #tpu.memory_space<semaphore_mem>>
        %dma_start3A_152 = arith.constant 0 : i32
        %dma_start3A_153 = tpu.memref_slice %arg7[%add3A_73, %dma_start3A_152] : memref<125x80xi32, #tpu.memory_space<vmem>> -> memref<1x80xi32, #tpu.memory_space<vmem>>
        %dma_start3A_154 = tpu.memref_squeeze %dma_start3A_153 : memref<1x80xi32, #tpu.memory_space<vmem>> -> memref<80xi32, #tpu.memory_space<vmem>>
        %dma_start3A_155 = arith.constant 0 : i32
        %dma_start3A_156 = arith.constant 0 : i32
        %dma_start3A_157 = tpu.memref_slice %arg13[%dma_start3A_155, %dma_start3A_156] : memref<10000x64xf32, #tpu.memory_space<vmem_shared>> -> memref<10000x64xf32, #tpu.memory_space<vmem_shared>>
        tpu.enqueue_indirect_dma source(%arg8 : memref<80x64xf32, #tpu.memory_space<vmem>>) target(%dma_start3A_157 : memref<10000x64xf32, #tpu.memory_space<vmem_shared>>) offsets(%dma_start3A_154 : memref<80xi32, #tpu.memory_space<vmem>>) semaphore(%run_scoped3A : memref<!tpu.dma_semaphore, #tpu.memory_space<semaphore_mem>>) {add = true}
        %dma_wait3A_158 = arith.constant 0 : i32
        %dma_wait3A_159 = tpu.memref_slice %arg7[%add3A_73, %dma_wait3A_158] : memref<125x80xi32, #tpu.memory_space<vmem>> -> memref<1x80xi32, #tpu.memory_space<vmem>>
        %dma_wait3A_160 = tpu.memref_squeeze %dma_wait3A_159 : memref<1x80xi32, #tpu.memory_space<vmem>> -> memref<80xi32, #tpu.memory_space<vmem>>
        %dma_wait3A_161 = arith.constant 0 : i32
        %dma_wait3A_162 = arith.constant 0 : i32
        %dma_wait3A_163 = tpu.memref_slice %arg13[%dma_wait3A_161, %dma_wait3A_162] : memref<10000x64xf32, #tpu.memory_space<vmem_shared>> -> memref<10000x64xf32, #tpu.memory_space<vmem_shared>>
        tpu.wait_indirect_dma semaphore(%run_scoped3A : memref<!tpu.dma_semaphore, #tpu.memory_space<semaphore_mem>>) src(%arg8 : memref<80x64xf32, #tpu.memory_space<vmem>>) dst(%dma_wait3A_163 : memref<10000x64xf32, #tpu.memory_space<vmem_shared>>)
        tpu.yield
      }) : () -> ()
      %add3A_79 = arith.constant 5 : i32
      %add3A_80 = arith.addi %add3A_73, %add3A_79 : i32
      %lt3A = arith.constant 125 : i32
      %lt3A_81 = arith.cmpi slt, %add3A_80, %lt3A : i32
      %convert_element_type3A = arith.extui %lt3A_81 : i1 to i32
      %cond3A = arith.constant 0 : i32
      %cond3A_82 = arith.cmpi ne, %convert_element_type3A, %cond3A : i32
      scf.if %cond3A_82 {
        %add3A_152 = arith.constant 5 : i32
        %add3A_153 = arith.addi %add3A_73, %add3A_152 : i32
        %dma_start3A_154 = arith.constant 0 : i32
        %dma_start3A_155 = tpu.memref_slice %arg6[%add3A_153, %dma_start3A_154] : memref<125x80xi32, #tpu.memory_space<vmem>> -> memref<1x80xi32, #tpu.memory_space<vmem>>
        %dma_start3A_156 = tpu.memref_squeeze %dma_start3A_155 : memref<1x80xi32, #tpu.memory_space<vmem>> -> memref<80xi32, #tpu.memory_space<vmem>>
        %dma_start3A_157 = arith.constant 0 : i32
        %dma_start3A_158 = arith.constant 0 : i32
        %dma_start3A_159 = tpu.memref_slice %arg2[%dma_start3A_157, %dma_start3A_158] : memref<10000x64xf32, #tpu.memory_space<hbm>> -> memref<10000x64xf32, #tpu.memory_space<hbm>>
        tpu.enqueue_indirect_dma source(%dma_start3A_159 : memref<10000x64xf32, #tpu.memory_space<hbm>>) target(%arg8 : memref<80x64xf32, #tpu.memory_space<vmem>>) offsets(%dma_start3A_156 : memref<80xi32, #tpu.memory_space<vmem>>) semaphore(%arg14 : memref<!tpu.dma_semaphore, #tpu.memory_space<semaphore_mem>>)
      } else {
      }
      %mul3A_83 = arith.constant 5 : i32
      %mul3A_84 = arith.muli %scan3A_68, %mul3A_83 : i32
      %add3A_85 = arith.constant 1 : i32
      %add3A_86 = arith.addi %mul3A_84, %add3A_85 : i32
      %dma_wait3A_87 = arith.constant 0 : i32
      %dma_wait3A_88 = tpu.memref_slice %arg6[%add3A_86, %dma_wait3A_87] : memref<125x80xi32, #tpu.memory_space<vmem>> -> memref<1x80xi32, #tpu.memory_space<vmem>>
      %dma_wait3A_89 = tpu.memref_squeeze %dma_wait3A_88 : memref<1x80xi32, #tpu.memory_space<vmem>> -> memref<80xi32, #tpu.memory_space<vmem>>
      %dma_wait3A_90 = arith.constant 0 : i32
      %dma_wait3A_91 = arith.constant 0 : i32
      %dma_wait3A_92 = tpu.memref_slice %arg2[%dma_wait3A_90, %dma_wait3A_91] : memref<10000x64xf32, #tpu.memory_space<hbm>> -> memref<10000x64xf32, #tpu.memory_space<hbm>>
      tpu.wait_indirect_dma semaphore(%arg15 : memref<!tpu.dma_semaphore, #tpu.memory_space<semaphore_mem>>) src(%dma_wait3A_92 : memref<10000x64xf32, #tpu.memory_space<hbm>>) dst(%arg9 : memref<80x64xf32, #tpu.memory_space<vmem>>)
      "tpu.region"() ({
        %run_scoped3A = tpu.sem_alloc : memref<!tpu.dma_semaphore, #tpu.memory_space<semaphore_mem>>
        %dma_start3A_152 = arith.constant 0 : i32
        %dma_start3A_153 = tpu.memref_slice %arg7[%add3A_86, %dma_start3A_152] : memref<125x80xi32, #tpu.memory_space<vmem>> -> memref<1x80xi32, #tpu.memory_space<vmem>>
        %dma_start3A_154 = tpu.memref_squeeze %dma_start3A_153 : memref<1x80xi32, #tpu.memory_space<vmem>> -> memref<80xi32, #tpu.memory_space<vmem>>
        %dma_start3A_155 = arith.constant 0 : i32
        %dma_start3A_156 = arith.constant 0 : i32
        %dma_start3A_157 = tpu.memref_slice %arg13[%dma_start3A_155, %dma_start3A_156] : memref<10000x64xf32, #tpu.memory_space<vmem_shared>> -> memref<10000x64xf32, #tpu.memory_space<vmem_shared>>
        tpu.enqueue_indirect_dma source(%arg9 : memref<80x64xf32, #tpu.memory_space<vmem>>) target(%dma_start3A_157 : memref<10000x64xf32, #tpu.memory_space<vmem_shared>>) offsets(%dma_start3A_154 : memref<80xi32, #tpu.memory_space<vmem>>) semaphore(%run_scoped3A : memref<!tpu.dma_semaphore, #tpu.memory_space<semaphore_mem>>) {add = true}
        %dma_wait3A_158 = arith.constant 0 : i32
        %dma_wait3A_159 = tpu.memref_slice %arg7[%add3A_86, %dma_wait3A_158] : memref<125x80xi32, #tpu.memory_space<vmem>> -> memref<1x80xi32, #tpu.memory_space<vmem>>
        %dma_wait3A_160 = tpu.memref_squeeze %dma_wait3A_159 : memref<1x80xi32, #tpu.memory_space<vmem>> -> memref<80xi32, #tpu.memory_space<vmem>>
        %dma_wait3A_161 = arith.constant 0 : i32
        %dma_wait3A_162 = arith.constant 0 : i32
        %dma_wait3A_163 = tpu.memref_slice %arg13[%dma_wait3A_161, %dma_wait3A_162] : memref<10000x64xf32, #tpu.memory_space<vmem_shared>> -> memref<10000x64xf32, #tpu.memory_space<vmem_shared>>
        tpu.wait_indirect_dma semaphore(%run_scoped3A : memref<!tpu.dma_semaphore, #tpu.memory_space<semaphore_mem>>) src(%arg9 : memref<80x64xf32, #tpu.memory_space<vmem>>) dst(%dma_wait3A_163 : memref<10000x64xf32, #tpu.memory_space<vmem_shared>>)
        tpu.yield
      }) : () -> ()
      %add3A_93 = arith.constant 5 : i32
      %add3A_94 = arith.addi %add3A_86, %add3A_93 : i32
      %lt3A_95 = arith.constant 125 : i32
      %lt3A_96 = arith.cmpi slt, %add3A_94, %lt3A_95 : i32
      %convert_element_type3A_97 = arith.extui %lt3A_96 : i1 to i32
      %cond3A_98 = arith.constant 0 : i32
      %cond3A_99 = arith.cmpi ne, %convert_element_type3A_97, %cond3A_98 : i32
      scf.if %cond3A_99 {
        %add3A_152 = arith.constant 5 : i32
        %add3A_153 = arith.addi %add3A_86, %add3A_152 : i32
        %dma_start3A_154 = arith.constant 0 : i32
        %dma_start3A_155 = tpu.memref_slice %arg6[%add3A_153, %dma_start3A_154] : memref<125x80xi32, #tpu.memory_space<vmem>> -> memref<1x80xi32, #tpu.memory_space<vmem>>
        %dma_start3A_156 = tpu.memref_squeeze %dma_start3A_155 : memref<1x80xi32, #tpu.memory_space<vmem>> -> memref<80xi32, #tpu.memory_space<vmem>>
        %dma_start3A_157 = arith.constant 0 : i32
        %dma_start3A_158 = arith.constant 0 : i32
        %dma_start3A_159 = tpu.memref_slice %arg2[%dma_start3A_157, %dma_start3A_158] : memref<10000x64xf32, #tpu.memory_space<hbm>> -> memref<10000x64xf32, #tpu.memory_space<hbm>>
        tpu.enqueue_indirect_dma source(%dma_start3A_159 : memref<10000x64xf32, #tpu.memory_space<hbm>>) target(%arg9 : memref<80x64xf32, #tpu.memory_space<vmem>>) offsets(%dma_start3A_156 : memref<80xi32, #tpu.memory_space<vmem>>) semaphore(%arg15 : memref<!tpu.dma_semaphore, #tpu.memory_space<semaphore_mem>>)
      } else {
      }
      %mul3A_100 = arith.constant 5 : i32
      %mul3A_101 = arith.muli %scan3A_68, %mul3A_100 : i32
      %add3A_102 = arith.constant 2 : i32
      %add3A_103 = arith.addi %mul3A_101, %add3A_102 : i32
      %dma_wait3A_104 = arith.constant 0 : i32
      %dma_wait3A_105 = tpu.memref_slice %arg6[%add3A_103, %dma_wait3A_104] : memref<125x80xi32, #tpu.memory_space<vmem>> -> memref<1x80xi32, #tpu.memory_space<vmem>>
      %dma_wait3A_106 = tpu.memref_squeeze %dma_wait3A_105 : memref<1x80xi32, #tpu.memory_space<vmem>> -> memref<80xi32, #tpu.memory_space<vmem>>
      %dma_wait3A_107 = arith.constant 0 : i32
      %dma_wait3A_108 = arith.constant 0 : i32
      %dma_wait3A_109 = tpu.memref_slice %arg2[%dma_wait3A_107, %dma_wait3A_108] : memref<10000x64xf32, #tpu.memory_space<hbm>> -> memref<10000x64xf32, #tpu.memory_space<hbm>>
      tpu.wait_indirect_dma semaphore(%arg16 : memref<!tpu.dma_semaphore, #tpu.memory_space<semaphore_mem>>) src(%dma_wait3A_109 : memref<10000x64xf32, #tpu.memory_space<hbm>>) dst(%arg10 : memref<80x64xf32, #tpu.memory_space<vmem>>)
      "tpu.region"() ({
        %run_scoped3A = tpu.sem_alloc : memref<!tpu.dma_semaphore, #tpu.memory_space<semaphore_mem>>
        %dma_start3A_152 = arith.constant 0 : i32
        %dma_start3A_153 = tpu.memref_slice %arg7[%add3A_103, %dma_start3A_152] : memref<125x80xi32, #tpu.memory_space<vmem>> -> memref<1x80xi32, #tpu.memory_space<vmem>>
        %dma_start3A_154 = tpu.memref_squeeze %dma_start3A_153 : memref<1x80xi32, #tpu.memory_space<vmem>> -> memref<80xi32, #tpu.memory_space<vmem>>
        %dma_start3A_155 = arith.constant 0 : i32
        %dma_start3A_156 = arith.constant 0 : i32
        %dma_start3A_157 = tpu.memref_slice %arg13[%dma_start3A_155, %dma_start3A_156] : memref<10000x64xf32, #tpu.memory_space<vmem_shared>> -> memref<10000x64xf32, #tpu.memory_space<vmem_shared>>
        tpu.enqueue_indirect_dma source(%arg10 : memref<80x64xf32, #tpu.memory_space<vmem>>) target(%dma_start3A_157 : memref<10000x64xf32, #tpu.memory_space<vmem_shared>>) offsets(%dma_start3A_154 : memref<80xi32, #tpu.memory_space<vmem>>) semaphore(%run_scoped3A : memref<!tpu.dma_semaphore, #tpu.memory_space<semaphore_mem>>) {add = true}
        %dma_wait3A_158 = arith.constant 0 : i32
        %dma_wait3A_159 = tpu.memref_slice %arg7[%add3A_103, %dma_wait3A_158] : memref<125x80xi32, #tpu.memory_space<vmem>> -> memref<1x80xi32, #tpu.memory_space<vmem>>
        %dma_wait3A_160 = tpu.memref_squeeze %dma_wait3A_159 : memref<1x80xi32, #tpu.memory_space<vmem>> -> memref<80xi32, #tpu.memory_space<vmem>>
        %dma_wait3A_161 = arith.constant 0 : i32
        %dma_wait3A_162 = arith.constant 0 : i32
        %dma_wait3A_163 = tpu.memref_slice %arg13[%dma_wait3A_161, %dma_wait3A_162] : memref<10000x64xf32, #tpu.memory_space<vmem_shared>> -> memref<10000x64xf32, #tpu.memory_space<vmem_shared>>
        tpu.wait_indirect_dma semaphore(%run_scoped3A : memref<!tpu.dma_semaphore, #tpu.memory_space<semaphore_mem>>) src(%arg10 : memref<80x64xf32, #tpu.memory_space<vmem>>) dst(%dma_wait3A_163 : memref<10000x64xf32, #tpu.memory_space<vmem_shared>>)
        tpu.yield
      }) : () -> ()
      %add3A_110 = arith.constant 5 : i32
      %add3A_111 = arith.addi %add3A_103, %add3A_110 : i32
      %lt3A_112 = arith.constant 125 : i32
      %lt3A_113 = arith.cmpi slt, %add3A_111, %lt3A_112 : i32
      %convert_element_type3A_114 = arith.extui %lt3A_113 : i1 to i32
      %cond3A_115 = arith.constant 0 : i32
      %cond3A_116 = arith.cmpi ne, %convert_element_type3A_114, %cond3A_115 : i32
      scf.if %cond3A_116 {
        %add3A_152 = arith.constant 5 : i32
        %add3A_153 = arith.addi %add3A_103, %add3A_152 : i32
        %dma_start3A_154 = arith.constant 0 : i32
        %dma_start3A_155 = tpu.memref_slice %arg6[%add3A_153, %dma_start3A_154] : memref<125x80xi32, #tpu.memory_space<vmem>> -> memref<1x80xi32, #tpu.memory_space<vmem>>
        %dma_start3A_156 = tpu.memref_squeeze %dma_start3A_155 : memref<1x80xi32, #tpu.memory_space<vmem>> -> memref<80xi32, #tpu.memory_space<vmem>>
        %dma_start3A_157 = arith.constant 0 : i32
        %dma_start3A_158 = arith.constant 0 : i32
        %dma_start3A_159 = tpu.memref_slice %arg2[%dma_start3A_157, %dma_start3A_158] : memref<10000x64xf32, #tpu.memory_space<hbm>> -> memref<10000x64xf32, #tpu.memory_space<hbm>>
        tpu.enqueue_indirect_dma source(%dma_start3A_159 : memref<10000x64xf32, #tpu.memory_space<hbm>>) target(%arg10 : memref<80x64xf32, #tpu.memory_space<vmem>>) offsets(%dma_start3A_156 : memref<80xi32, #tpu.memory_space<vmem>>) semaphore(%arg16 : memref<!tpu.dma_semaphore, #tpu.memory_space<semaphore_mem>>)
      } else {
      }
      %mul3A_117 = arith.constant 5 : i32
      %mul3A_118 = arith.muli %scan3A_68, %mul3A_117 : i32
      %add3A_119 = arith.constant 3 : i32
      %add3A_120 = arith.addi %mul3A_118, %add3A_119 : i32
      %dma_wait3A_121 = arith.constant 0 : i32
      %dma_wait3A_122 = tpu.memref_slice %arg6[%add3A_120, %dma_wait3A_121] : memref<125x80xi32, #tpu.memory_space<vmem>> -> memref<1x80xi32, #tpu.memory_space<vmem>>
      %dma_wait3A_123 = tpu.memref_squeeze %dma_wait3A_122 : memref<1x80xi32, #tpu.memory_space<vmem>> -> memref<80xi32, #tpu.memory_space<vmem>>
      %dma_wait3A_124 = arith.constant 0 : i32
      %dma_wait3A_125 = arith.constant 0 : i32
      %dma_wait3A_126 = tpu.memref_slice %arg2[%dma_wait3A_124, %dma_wait3A_125] : memref<10000x64xf32, #tpu.memory_space<hbm>> -> memref<10000x64xf32, #tpu.memory_space<hbm>>
      tpu.wait_indirect_dma semaphore(%arg17 : memref<!tpu.dma_semaphore, #tpu.memory_space<semaphore_mem>>) src(%dma_wait3A_126 : memref<10000x64xf32, #tpu.memory_space<hbm>>) dst(%arg11 : memref<80x64xf32, #tpu.memory_space<vmem>>)
      "tpu.region"() ({
        %run_scoped3A = tpu.sem_alloc : memref<!tpu.dma_semaphore, #tpu.memory_space<semaphore_mem>>
        %dma_start3A_152 = arith.constant 0 : i32
        %dma_start3A_153 = tpu.memref_slice %arg7[%add3A_120, %dma_start3A_152] : memref<125x80xi32, #tpu.memory_space<vmem>> -> memref<1x80xi32, #tpu.memory_space<vmem>>
        %dma_start3A_154 = tpu.memref_squeeze %dma_start3A_153 : memref<1x80xi32, #tpu.memory_space<vmem>> -> memref<80xi32, #tpu.memory_space<vmem>>
        %dma_start3A_155 = arith.constant 0 : i32
        %dma_start3A_156 = arith.constant 0 : i32
        %dma_start3A_157 = tpu.memref_slice %arg13[%dma_start3A_155, %dma_start3A_156] : memref<10000x64xf32, #tpu.memory_space<vmem_shared>> -> memref<10000x64xf32, #tpu.memory_space<vmem_shared>>
        tpu.enqueue_indirect_dma source(%arg11 : memref<80x64xf32, #tpu.memory_space<vmem>>) target(%dma_start3A_157 : memref<10000x64xf32, #tpu.memory_space<vmem_shared>>) offsets(%dma_start3A_154 : memref<80xi32, #tpu.memory_space<vmem>>) semaphore(%run_scoped3A : memref<!tpu.dma_semaphore, #tpu.memory_space<semaphore_mem>>) {add = true}
        %dma_wait3A_158 = arith.constant 0 : i32
        %dma_wait3A_159 = tpu.memref_slice %arg7[%add3A_120, %dma_wait3A_158] : memref<125x80xi32, #tpu.memory_space<vmem>> -> memref<1x80xi32, #tpu.memory_space<vmem>>
        %dma_wait3A_160 = tpu.memref_squeeze %dma_wait3A_159 : memref<1x80xi32, #tpu.memory_space<vmem>> -> memref<80xi32, #tpu.memory_space<vmem>>
        %dma_wait3A_161 = arith.constant 0 : i32
        %dma_wait3A_162 = arith.constant 0 : i32
        %dma_wait3A_163 = tpu.memref_slice %arg13[%dma_wait3A_161, %dma_wait3A_162] : memref<10000x64xf32, #tpu.memory_space<vmem_shared>> -> memref<10000x64xf32, #tpu.memory_space<vmem_shared>>
        tpu.wait_indirect_dma semaphore(%run_scoped3A : memref<!tpu.dma_semaphore, #tpu.memory_space<semaphore_mem>>) src(%arg11 : memref<80x64xf32, #tpu.memory_space<vmem>>) dst(%dma_wait3A_163 : memref<10000x64xf32, #tpu.memory_space<vmem_shared>>)
        tpu.yield
      }) : () -> ()
      %add3A_127 = arith.constant 5 : i32
      %add3A_128 = arith.addi %add3A_120, %add3A_127 : i32
      %lt3A_129 = arith.constant 125 : i32
      %lt3A_130 = arith.cmpi slt, %add3A_128, %lt3A_129 : i32
      %convert_element_type3A_131 = arith.extui %lt3A_130 : i1 to i32
      %cond3A_132 = arith.constant 0 : i32
      %cond3A_133 = arith.cmpi ne, %convert_element_type3A_131, %cond3A_132 : i32
      scf.if %cond3A_133 {
        %add3A_152 = arith.constant 5 : i32
        %add3A_153 = arith.addi %add3A_120, %add3A_152 : i32
        %dma_start3A_154 = arith.constant 0 : i32
        %dma_start3A_155 = tpu.memref_slice %arg6[%add3A_153, %dma_start3A_154] : memref<125x80xi32, #tpu.memory_space<vmem>> -> memref<1x80xi32, #tpu.memory_space<vmem>>
        %dma_start3A_156 = tpu.memref_squeeze %dma_start3A_155 : memref<1x80xi32, #tpu.memory_space<vmem>> -> memref<80xi32, #tpu.memory_space<vmem>>
        %dma_start3A_157 = arith.constant 0 : i32
        %dma_start3A_158 = arith.constant 0 : i32
        %dma_start3A_159 = tpu.memref_slice %arg2[%dma_start3A_157, %dma_start3A_158] : memref<10000x64xf32, #tpu.memory_space<hbm>> -> memref<10000x64xf32, #tpu.memory_space<hbm>>
        tpu.enqueue_indirect_dma source(%dma_start3A_159 : memref<10000x64xf32, #tpu.memory_space<hbm>>) target(%arg11 : memref<80x64xf32, #tpu.memory_space<vmem>>) offsets(%dma_start3A_156 : memref<80xi32, #tpu.memory_space<vmem>>) semaphore(%arg17 : memref<!tpu.dma_semaphore, #tpu.memory_space<semaphore_mem>>)
      } else {
      }
      %mul3A_134 = arith.constant 5 : i32
      %mul3A_135 = arith.muli %scan3A_68, %mul3A_134 : i32
      %add3A_136 = arith.constant 4 : i32
      %add3A_137 = arith.addi %mul3A_135, %add3A_136 : i32
      %dma_wait3A_138 = arith.constant 0 : i32
      %dma_wait3A_139 = tpu.memref_slice %arg6[%add3A_137, %dma_wait3A_138] : memref<125x80xi32, #tpu.memory_space<vmem>> -> memref<1x80xi32, #tpu.memory_space<vmem>>
      %dma_wait3A_140 = tpu.memref_squeeze %dma_wait3A_139 : memref<1x80xi32, #tpu.memory_space<vmem>> -> memref<80xi32, #tpu.memory_space<vmem>>
      %dma_wait3A_141 = arith.constant 0 : i32
      %dma_wait3A_142 = arith.constant 0 : i32
      %dma_wait3A_143 = tpu.memref_slice %arg2[%dma_wait3A_141, %dma_wait3A_142] : memref<10000x64xf32, #tpu.memory_space<hbm>> -> memref<10000x64xf32, #tpu.memory_space<hbm>>
      tpu.wait_indirect_dma semaphore(%arg18 : memref<!tpu.dma_semaphore, #tpu.memory_space<semaphore_mem>>) src(%dma_wait3A_143 : memref<10000x64xf32, #tpu.memory_space<hbm>>) dst(%arg12 : memref<80x64xf32, #tpu.memory_space<vmem>>)
      "tpu.region"() ({
        %run_scoped3A = tpu.sem_alloc : memref<!tpu.dma_semaphore, #tpu.memory_space<semaphore_mem>>
        %dma_start3A_152 = arith.constant 0 : i32
        %dma_start3A_153 = tpu.memref_slice %arg7[%add3A_137, %dma_start3A_152] : memref<125x80xi32, #tpu.memory_space<vmem>> -> memref<1x80xi32, #tpu.memory_space<vmem>>
        %dma_start3A_154 = tpu.memref_squeeze %dma_start3A_153 : memref<1x80xi32, #tpu.memory_space<vmem>> -> memref<80xi32, #tpu.memory_space<vmem>>
        %dma_start3A_155 = arith.constant 0 : i32
        %dma_start3A_156 = arith.constant 0 : i32
        %dma_start3A_157 = tpu.memref_slice %arg13[%dma_start3A_155, %dma_start3A_156] : memref<10000x64xf32, #tpu.memory_space<vmem_shared>> -> memref<10000x64xf32, #tpu.memory_space<vmem_shared>>
        tpu.enqueue_indirect_dma source(%arg12 : memref<80x64xf32, #tpu.memory_space<vmem>>) target(%dma_start3A_157 : memref<10000x64xf32, #tpu.memory_space<vmem_shared>>) offsets(%dma_start3A_154 : memref<80xi32, #tpu.memory_space<vmem>>) semaphore(%run_scoped3A : memref<!tpu.dma_semaphore, #tpu.memory_space<semaphore_mem>>) {add = true}
        %dma_wait3A_158 = arith.constant 0 : i32
        %dma_wait3A_159 = tpu.memref_slice %arg7[%add3A_137, %dma_wait3A_158] : memref<125x80xi32, #tpu.memory_space<vmem>> -> memref<1x80xi32, #tpu.memory_space<vmem>>
        %dma_wait3A_160 = tpu.memref_squeeze %dma_wait3A_159 : memref<1x80xi32, #tpu.memory_space<vmem>> -> memref<80xi32, #tpu.memory_space<vmem>>
        %dma_wait3A_161 = arith.constant 0 : i32
        %dma_wait3A_162 = arith.constant 0 : i32
        %dma_wait3A_163 = tpu.memref_slice %arg13[%dma_wait3A_161, %dma_wait3A_162] : memref<10000x64xf32, #tpu.memory_space<vmem_shared>> -> memref<10000x64xf32, #tpu.memory_space<vmem_shared>>
        tpu.wait_indirect_dma semaphore(%run_scoped3A : memref<!tpu.dma_semaphore, #tpu.memory_space<semaphore_mem>>) src(%arg12 : memref<80x64xf32, #tpu.memory_space<vmem>>) dst(%dma_wait3A_163 : memref<10000x64xf32, #tpu.memory_space<vmem_shared>>)
        tpu.yield
      }) : () -> ()
      %add3A_144 = arith.constant 5 : i32
      %add3A_145 = arith.addi %add3A_137, %add3A_144 : i32
      %lt3A_146 = arith.constant 125 : i32
      %lt3A_147 = arith.cmpi slt, %add3A_145, %lt3A_146 : i32
      %convert_element_type3A_148 = arith.extui %lt3A_147 : i1 to i32
      %cond3A_149 = arith.constant 0 : i32
      %cond3A_150 = arith.cmpi ne, %convert_element_type3A_148, %cond3A_149 : i32
      scf.if %cond3A_150 {
        %add3A_152 = arith.constant 5 : i32
        %add3A_153 = arith.addi %add3A_137, %add3A_152 : i32
        %dma_start3A_154 = arith.constant 0 : i32
        %dma_start3A_155 = tpu.memref_slice %arg6[%add3A_153, %dma_start3A_154] : memref<125x80xi32, #tpu.memory_space<vmem>> -> memref<1x80xi32, #tpu.memory_space<vmem>>
        %dma_start3A_156 = tpu.memref_squeeze %dma_start3A_155 : memref<1x80xi32, #tpu.memory_space<vmem>> -> memref<80xi32, #tpu.memory_space<vmem>>
        %dma_start3A_157 = arith.constant 0 : i32
        %dma_start3A_158 = arith.constant 0 : i32
        %dma_start3A_159 = tpu.memref_slice %arg2[%dma_start3A_157, %dma_start3A_158] : memref<10000x64xf32, #tpu.memory_space<hbm>> -> memref<10000x64xf32, #tpu.memory_space<hbm>>
        tpu.enqueue_indirect_dma source(%dma_start3A_159 : memref<10000x64xf32, #tpu.memory_space<hbm>>) target(%arg12 : memref<80x64xf32, #tpu.memory_space<vmem>>) offsets(%dma_start3A_156 : memref<80xi32, #tpu.memory_space<vmem>>) semaphore(%arg18 : memref<!tpu.dma_semaphore, #tpu.memory_space<semaphore_mem>>)
      } else {
      }
      %scan3A_151 = arith.constant 0 : i32
      scf.yield %scan3A_151 : i32
    }
    %scan3A_59 = arith.constant 25 : i32
    %barrier3A_60 = arith.constant 0 : index
    tpu.barrier barrier_id(%barrier3A_60)
    %scan3A_61 = arith.constant 0 : i32
    %scan3A_62 = arith.constant 0 : i32
    %scan3A_63 = arith.constant 8 : i32
    %scan3A_64 = arith.addi %scan3A_62, %scan3A_63 : i32
    %scan3A_65 = arith.constant 1 : i32
    %scan3A_66 = scf.for %scan3A_68 = %scan3A_62 to %scan3A_64 step %scan3A_65 iter_args(%scan3A_69 = %scan3A_61) -> (i32)  : i32 {
      %mul3A_70 = arith.constant 16 : i32
      %mul3A_71 = arith.muli %scan3A_68, %mul3A_70 : i32
      %add3A_72 = arith.addi %arg1, %mul3A_71 : i32
      %lt3A = arith.constant 125 : i32
      %lt3A_73 = arith.cmpi slt, %add3A_72, %lt3A : i32
      %convert_element_type3A = arith.extui %lt3A_73 : i1 to i32
      %cond3A = arith.constant 0 : i32
      %cond3A_74 = arith.cmpi ne, %convert_element_type3A, %cond3A : i32
      scf.if %cond3A_74 {
        %mul3A_76 = arith.constant 80 : i32
        %mul3A_77 = arith.muli %add3A_72, %mul3A_76 : i32
        "tpu.region"() ({
          %run_scoped3A = tpu.sem_alloc : memref<!tpu.dma_semaphore, #tpu.memory_space<semaphore_mem>>
          %dma_start3A_83 = arith.constant 0 : i32
          %dma_start3A_84 = tpu.memref_slice %arg13[%mul3A_77, %dma_start3A_83] : memref<10000x64xf32, #tpu.memory_space<vmem_shared>> -> memref<80x64xf32, #tpu.memory_space<vmem_shared>>
          %dma_start3A_85 = arith.constant 0 : i32
          %dma_start3A_86 = tpu.memref_slice %arg13[%mul3A_77, %dma_start3A_85] : memref<10000x64xf32, #tpu.memory_space<vmem_shared>> -> memref<80x64xf32, #tpu.memory_space<vmem_shared>>
          tpu.enqueue_dma source(%dma_start3A_86 : memref<80x64xf32, #tpu.memory_space<vmem_shared>>) target(%arg8 : memref<80x64xf32, #tpu.memory_space<vmem>>) target_semaphore(%run_scoped3A : memref<!tpu.dma_semaphore, #tpu.memory_space<semaphore_mem>>)
          %dma_wait3A = arith.constant 0 : i32
          %dma_wait3A_87 = tpu.memref_slice %arg13[%mul3A_77, %dma_wait3A] : memref<10000x64xf32, #tpu.memory_space<vmem_shared>> -> memref<80x64xf32, #tpu.memory_space<vmem_shared>>
          %dma_wait3A_88 = arith.constant 0 : i32
          %dma_wait3A_89 = tpu.memref_slice %arg13[%mul3A_77, %dma_wait3A_88] : memref<10000x64xf32, #tpu.memory_space<vmem_shared>> -> memref<80x64xf32, #tpu.memory_space<vmem_shared>>
          tpu.wait_dma2 semaphore(%run_scoped3A : memref<!tpu.dma_semaphore, #tpu.memory_space<semaphore_mem>>) src(%dma_wait3A_89 : memref<80x64xf32, #tpu.memory_space<vmem_shared>>) dst(%arg8 : memref<80x64xf32, #tpu.memory_space<vmem>>)
          tpu.yield
        }) : () -> ()
        %mul3A_78 = arith.constant 10000 : i32
        %mul3A_79 = arith.muli %arg0, %mul3A_78 : i32
        %mul3A_80 = arith.constant 80 : i32
        %mul3A_81 = arith.muli %add3A_72, %mul3A_80 : i32
        %add3A_82 = arith.addi %mul3A_79, %mul3A_81 : i32
        "tpu.region"() ({
          %run_scoped3A = tpu.sem_alloc : memref<!tpu.dma_semaphore, #tpu.memory_space<semaphore_mem>>
          %dma_start3A_83 = arith.constant 0 : i32
          %dma_start3A_84 = tpu.memref_slice %arg5[%add3A_82, %dma_start3A_83] : memref<20000x64xf32, #tpu.memory_space<hbm>> -> memref<80x64xf32, #tpu.memory_space<hbm>>
          %dma_start3A_85 = arith.constant 0 : i32
          %dma_start3A_86 = tpu.memref_slice %arg5[%add3A_82, %dma_start3A_85] : memref<20000x64xf32, #tpu.memory_space<hbm>> -> memref<80x64xf32, #tpu.memory_space<hbm>>
          tpu.enqueue_dma source(%arg8 : memref<80x64xf32, #tpu.memory_space<vmem>>) target(%dma_start3A_86 : memref<80x64xf32, #tpu.memory_space<hbm>>) target_semaphore(%run_scoped3A : memref<!tpu.dma_semaphore, #tpu.memory_space<semaphore_mem>>)
          %dma_wait3A = arith.constant 0 : i32
          %dma_wait3A_87 = tpu.memref_slice %arg5[%add3A_82, %dma_wait3A] : memref<20000x64xf32, #tpu.memory_space<hbm>> -> memref<80x64xf32, #tpu.memory_space<hbm>>
          %dma_wait3A_88 = arith.constant 0 : i32
          %dma_wait3A_89 = tpu.memref_slice %arg5[%add3A_82, %dma_wait3A_88] : memref<20000x64xf32, #tpu.memory_space<hbm>> -> memref<80x64xf32, #tpu.memory_space<hbm>>
          tpu.wait_dma2 semaphore(%run_scoped3A : memref<!tpu.dma_semaphore, #tpu.memory_space<semaphore_mem>>) src(%arg8 : memref<80x64xf32, #tpu.memory_space<vmem>>) dst(%dma_wait3A_89 : memref<80x64xf32, #tpu.memory_space<hbm>>)
          tpu.yield
        }) : () -> ()
      } else {
      }
      %scan3A_75 = arith.constant 0 : i32
      scf.yield %scan3A_75 : i32
    }
    %scan3A_67 = arith.constant 8 : i32
    return
  }
}

#map = affine_map<(d0, d1) -> (0, 0)>
module attributes {stable_mosaic.version = 14 : i64} {
  func.func @body(%arg0: i32, %arg1: i32, %arg2: memref<10000x32xf32, #tpu.memory_space<hbm>>, %arg3: memref<4000x80xi32, #tpu.memory_space<hbm>>, %arg4: memref<4000x80xi32, #tpu.memory_space<hbm>>, %arg5: memref<20000x32xf32, #tpu.memory_space<hbm>>, %arg6: memref<125x80xi32, #tpu.memory_space<vmem>>, %arg7: memref<125x80xi32, #tpu.memory_space<vmem>>, %arg8: memref<80x32xf32, #tpu.memory_space<vmem>>, %arg9: memref<80x32xf32, #tpu.memory_space<vmem>>, %arg10: memref<80x32xf32, #tpu.memory_space<vmem>>, %arg11: memref<80x32xf32, #tpu.memory_space<vmem>>, %arg12: memref<80x32xf32, #tpu.memory_space<vmem>>, %arg13: memref<10000x32xf32, #tpu.memory_space<vmem_shared>>, %arg14: memref<!tpu.dma_semaphore, #tpu.memory_space<semaphore_mem>>, %arg15: memref<!tpu.dma_semaphore, #tpu.memory_space<semaphore_mem>>, %arg16: memref<!tpu.dma_semaphore, #tpu.memory_space<semaphore_mem>>, %arg17: memref<!tpu.dma_semaphore, #tpu.memory_space<semaphore_mem>>, %arg18: memref<!tpu.dma_semaphore, #tpu.memory_space<semaphore_mem>>) attributes {dimension_semantics = [#tpu.dimension_semantics<core_parallel>, #tpu.dimension_semantics<subcore_parallel>], iteration_bounds = array<i64: 2, 16>, scalar_prefetch = 0 : i64, scratch_operands = 13 : i64, tpu.core_type = #tpu.core_type<sc_vector_subcore>, window_params = [{transform_indices = #map}, {transform_indices = #map}, {transform_indices = #map}, {transform_indices = #map}]} {
    %mul3A = arith.constant 16 : i32
    %mul3A_0 = arith.muli %arg0, %mul3A : i32
    %add3A = arith.addi %mul3A_0, %arg1 : i32
    %broadcast_in_dim3A = arith.constant 0.000000e+00 : f32
    %broadcast_in_dim3A_1 = vector.broadcast %broadcast_in_dim3A : f32 to vector<16xf32>
    %scan3A = arith.constant 0 : i32
    %scan3A_2 = arith.constant 0 : i32
    %scan3A_3 = arith.constant 80 : i32
    %scan3A_4 = arith.addi %scan3A_2, %scan3A_3 : i32
    %scan3A_5 = arith.constant 1 : i32
    %scan3A_6 = scf.for %scan3A_68 = %scan3A_2 to %scan3A_4 step %scan3A_5 iter_args(%scan3A_69 = %scan3A) -> (i32)  : i32 {
      %scan3A_70 = arith.constant 0 : i32
      %scan3A_71 = arith.constant 0 : i32
      %scan3A_72 = arith.constant 2 : i32
      %scan3A_73 = arith.addi %scan3A_71, %scan3A_72 : i32
      %scan3A_74 = arith.constant 1 : i32
      %scan3A_75 = scf.for %scan3A_78 = %scan3A_71 to %scan3A_73 step %scan3A_74 iter_args(%scan3A_79 = %scan3A_70) -> (i32)  : i32 {
        %mul3A_80 = arith.constant 16 : i32
        %mul3A_81 = arith.muli %scan3A_78, %mul3A_80 : i32
        %swap3A = arith.index_cast %scan3A_68 : i32 to index
        %swap3A_82 = arith.index_cast %mul3A_81 : i32 to index
        %swap3A_83 = tpu.vector_load %arg8[%swap3A, %swap3A_82] {strides = array<i32>} : memref<80x32xf32, #tpu.memory_space<vmem>>, vector<1x16xf32>,
        %swap3A_84 = vector.shape_cast %swap3A_83 : vector<1x16xf32> to vector<16xf32>
        %swap3A_85 = vector.shape_cast %broadcast_in_dim3A_1 : vector<16xf32> to vector<1x16xf32>
        tpu.vector_store %arg8[%swap3A, %swap3A_82], %swap3A_85 {strides = array<i32>} : memref<80x32xf32, #tpu.memory_space<vmem>>, vector<1x16xf32>,
        %scan3A_86 = arith.constant 0 : i32
        scf.yield %scan3A_86 : i32
      }
      %scan3A_76 = arith.constant 2 : i32
      %scan3A_77 = arith.constant 0 : i32
      scf.yield %scan3A_77 : i32
    }
    %scan3A_7 = arith.constant 80 : i32
    %scan3A_8 = arith.constant 0 : i32
    %scan3A_9 = arith.constant 0 : i32
    %scan3A_10 = arith.constant 8 : i32
    %scan3A_11 = arith.addi %scan3A_9, %scan3A_10 : i32
    %scan3A_12 = arith.constant 1 : i32
    %scan3A_13 = scf.for %scan3A_68 = %scan3A_9 to %scan3A_11 step %scan3A_12 iter_args(%scan3A_69 = %scan3A_8) -> (i32)  : i32 {
      %mul3A_70 = arith.constant 16 : i32
      %mul3A_71 = arith.muli %scan3A_68, %mul3A_70 : i32
      %add3A_72 = arith.addi %arg1, %mul3A_71 : i32
      %lt3A = arith.constant 125 : i32
      %lt3A_73 = arith.cmpi slt, %add3A_72, %lt3A : i32
      %convert_element_type3A = arith.extui %lt3A_73 : i1 to i32
      %cond3A = arith.constant 0 : i32
      %cond3A_74 = arith.cmpi ne, %convert_element_type3A, %cond3A : i32
      scf.if %cond3A_74 {
        %mul3A_76 = arith.constant 80 : i32
        %mul3A_77 = arith.muli %add3A_72, %mul3A_76 : i32
        "tpu.region"() ({
          %run_scoped3A = tpu.sem_alloc : memref<!tpu.dma_semaphore, #tpu.memory_space<semaphore_mem>>
          %dma_start3A_78 = arith.constant 0 : i32
          %dma_start3A_79 = tpu.memref_slice %arg13[%mul3A_77, %dma_start3A_78] : memref<10000x32xf32, #tpu.memory_space<vmem_shared>> -> memref<80x32xf32, #tpu.memory_space<vmem_shared>>
          %dma_start3A_80 = arith.constant 0 : i32
          %dma_start3A_81 = tpu.memref_slice %arg13[%mul3A_77, %dma_start3A_80] : memref<10000x32xf32, #tpu.memory_space<vmem_shared>> -> memref<80x32xf32, #tpu.memory_space<vmem_shared>>
          tpu.enqueue_dma source(%arg8 : memref<80x32xf32, #tpu.memory_space<vmem>>) target(%dma_start3A_81 : memref<80x32xf32, #tpu.memory_space<vmem_shared>>) target_semaphore(%run_scoped3A : memref<!tpu.dma_semaphore, #tpu.memory_space<semaphore_mem>>)
          %dma_wait3A = arith.constant 0 : i32
          %dma_wait3A_82 = tpu.memref_slice %arg13[%mul3A_77, %dma_wait3A] : memref<10000x32xf32, #tpu.memory_space<vmem_shared>> -> memref<80x32xf32, #tpu.memory_space<vmem_shared>>
          %dma_wait3A_83 = arith.constant 0 : i32
          %dma_wait3A_84 = tpu.memref_slice %arg13[%mul3A_77, %dma_wait3A_83] : memref<10000x32xf32, #tpu.memory_space<vmem_shared>> -> memref<80x32xf32, #tpu.memory_space<vmem_shared>>
          tpu.wait_dma2 semaphore(%run_scoped3A : memref<!tpu.dma_semaphore, #tpu.memory_space<semaphore_mem>>) src(%arg8 : memref<80x32xf32, #tpu.memory_space<vmem>>) dst(%dma_wait3A_84 : memref<80x32xf32, #tpu.memory_space<vmem_shared>>)
          tpu.yield
        }) : () -> ()
      } else {
      }
      %scan3A_75 = arith.constant 0 : i32
      scf.yield %scan3A_75 : i32
    }
    %scan3A_14 = arith.constant 8 : i32
    %mul3A_15 = arith.constant 125 : i32
    %mul3A_16 = arith.muli %add3A, %mul3A_15 : i32
    "tpu.region"() ({
      %run_scoped3A = tpu.sem_alloc : memref<!tpu.dma_semaphore, #tpu.memory_space<semaphore_mem>>
      %dma_start3A_68 = arith.constant 0 : i32
      %dma_start3A_69 = tpu.memref_slice %arg3[%mul3A_16, %dma_start3A_68] : memref<4000x80xi32, #tpu.memory_space<hbm>> -> memref<125x80xi32, #tpu.memory_space<hbm>>
      %dma_start3A_70 = arith.constant 0 : i32
      %dma_start3A_71 = tpu.memref_slice %arg3[%mul3A_16, %dma_start3A_70] : memref<4000x80xi32, #tpu.memory_space<hbm>> -> memref<125x80xi32, #tpu.memory_space<hbm>>
      tpu.enqueue_dma source(%dma_start3A_71 : memref<125x80xi32, #tpu.memory_space<hbm>>) target(%arg6 : memref<125x80xi32, #tpu.memory_space<vmem>>) target_semaphore(%run_scoped3A : memref<!tpu.dma_semaphore, #tpu.memory_space<semaphore_mem>>)
      %dma_wait3A = arith.constant 0 : i32
      %dma_wait3A_72 = tpu.memref_slice %arg3[%mul3A_16, %dma_wait3A] : memref<4000x80xi32, #tpu.memory_space<hbm>> -> memref<125x80xi32, #tpu.memory_space<hbm>>
      %dma_wait3A_73 = arith.constant 0 : i32
      %dma_wait3A_74 = tpu.memref_slice %arg3[%mul3A_16, %dma_wait3A_73] : memref<4000x80xi32, #tpu.memory_space<hbm>> -> memref<125x80xi32, #tpu.memory_space<hbm>>
      tpu.wait_dma2 semaphore(%run_scoped3A : memref<!tpu.dma_semaphore, #tpu.memory_space<semaphore_mem>>) src(%dma_wait3A_74 : memref<125x80xi32, #tpu.memory_space<hbm>>) dst(%arg6 : memref<125x80xi32, #tpu.memory_space<vmem>>)
      tpu.yield
    }) : () -> ()
    %mul3A_17 = arith.constant 125 : i32
    %mul3A_18 = arith.muli %add3A, %mul3A_17 : i32
    "tpu.region"() ({
      %run_scoped3A = tpu.sem_alloc : memref<!tpu.dma_semaphore, #tpu.memory_space<semaphore_mem>>
      %dma_start3A_68 = arith.constant 0 : i32
      %dma_start3A_69 = tpu.memref_slice %arg4[%mul3A_18, %dma_start3A_68] : memref<4000x80xi32, #tpu.memory_space<hbm>> -> memref<125x80xi32, #tpu.memory_space<hbm>>
      %dma_start3A_70 = arith.constant 0 : i32
      %dma_start3A_71 = tpu.memref_slice %arg4[%mul3A_18, %dma_start3A_70] : memref<4000x80xi32, #tpu.memory_space<hbm>> -> memref<125x80xi32, #tpu.memory_space<hbm>>
      tpu.enqueue_dma source(%dma_start3A_71 : memref<125x80xi32, #tpu.memory_space<hbm>>) target(%arg7 : memref<125x80xi32, #tpu.memory_space<vmem>>) target_semaphore(%run_scoped3A : memref<!tpu.dma_semaphore, #tpu.memory_space<semaphore_mem>>)
      %dma_wait3A = arith.constant 0 : i32
      %dma_wait3A_72 = tpu.memref_slice %arg4[%mul3A_18, %dma_wait3A] : memref<4000x80xi32, #tpu.memory_space<hbm>> -> memref<125x80xi32, #tpu.memory_space<hbm>>
      %dma_wait3A_73 = arith.constant 0 : i32
      %dma_wait3A_74 = tpu.memref_slice %arg4[%mul3A_18, %dma_wait3A_73] : memref<4000x80xi32, #tpu.memory_space<hbm>> -> memref<125x80xi32, #tpu.memory_space<hbm>>
      tpu.wait_dma2 semaphore(%run_scoped3A : memref<!tpu.dma_semaphore, #tpu.memory_space<semaphore_mem>>) src(%dma_wait3A_74 : memref<125x80xi32, #tpu.memory_space<hbm>>) dst(%arg7 : memref<125x80xi32, #tpu.memory_space<vmem>>)
      tpu.yield
    }) : () -> ()
    %barrier3A = arith.constant 0 : index
    tpu.barrier barrier_id(%barrier3A)
    %dma_start3A = arith.constant 0 : i32
    %dma_start3A_19 = arith.constant 0 : i32
    %dma_start3A_20 = tpu.memref_slice %arg6[%dma_start3A, %dma_start3A_19] : memref<125x80xi32, #tpu.memory_space<vmem>> -> memref<1x80xi32, #tpu.memory_space<vmem>>
    %dma_start3A_21 = tpu.memref_squeeze %dma_start3A_20 : memref<1x80xi32, #tpu.memory_space<vmem>> -> memref<80xi32, #tpu.memory_space<vmem>>
    %dma_start3A_22 = arith.constant 0 : i32
    %dma_start3A_23 = arith.constant 0 : i32
    %dma_start3A_24 = tpu.memref_slice %arg2[%dma_start3A_22, %dma_start3A_23] : memref<10000x32xf32, #tpu.memory_space<hbm>> -> memref<10000x32xf32, #tpu.memory_space<hbm>>
    tpu.enqueue_indirect_dma source(%dma_start3A_24 : memref<10000x32xf32, #tpu.memory_space<hbm>>) target(%arg8 : memref<80x32xf32, #tpu.memory_space<vmem>>) offsets(%dma_start3A_21 : memref<80xi32, #tpu.memory_space<vmem>>) semaphore(%arg14 : memref<!tpu.dma_semaphore, #tpu.memory_space<semaphore_mem>>)
    %dma_start3A_25 = arith.constant 1 : i32
    %dma_start3A_26 = arith.constant 0 : i32
    %dma_start3A_27 = tpu.memref_slice %arg6[%dma_start3A_25, %dma_start3A_26] : memref<125x80xi32, #tpu.memory_space<vmem>> -> memref<1x80xi32, #tpu.memory_space<vmem>>
    %dma_start3A_28 = tpu.memref_squeeze %dma_start3A_27 : memref<1x80xi32, #tpu.memory_space<vmem>> -> memref<80xi32, #tpu.memory_space<vmem>>
    %dma_start3A_29 = arith.constant 0 : i32
    %dma_start3A_30 = arith.constant 0 : i32
    %dma_start3A_31 = tpu.memref_slice %arg2[%dma_start3A_29, %dma_start3A_30] : memref<10000x32xf32, #tpu.memory_space<hbm>> -> memref<10000x32xf32, #tpu.memory_space<hbm>>
    tpu.enqueue_indirect_dma source(%dma_start3A_31 : memref<10000x32xf32, #tpu.memory_space<hbm>>) target(%arg9 : memref<80x32xf32, #tpu.memory_space<vmem>>) offsets(%dma_start3A_28 : memref<80xi32, #tpu.memory_space<vmem>>) semaphore(%arg15 : memref<!tpu.dma_semaphore, #tpu.memory_space<semaphore_mem>>)
    %dma_start3A_32 = arith.constant 2 : i32
    %dma_start3A_33 = arith.constant 0 : i32
    %dma_start3A_34 = tpu.memref_slice %arg6[%dma_start3A_32, %dma_start3A_33] : memref<125x80xi32, #tpu.memory_space<vmem>> -> memref<1x80xi32, #tpu.memory_space<vmem>>
    %dma_start3A_35 = tpu.memref_squeeze %dma_start3A_34 : memref<1x80xi32, #tpu.memory_space<vmem>> -> memref<80xi32, #tpu.memory_space<vmem>>
    %dma_start3A_36 = arith.constant 0 : i32
    %dma_start3A_37 = arith.constant 0 : i32
    %dma_start3A_38 = tpu.memref_slice %arg2[%dma_start3A_36, %dma_start3A_37] : memref<10000x32xf32, #tpu.memory_space<hbm>> -> memref<10000x32xf32, #tpu.memory_space<hbm>>
    tpu.enqueue_indirect_dma source(%dma_start3A_38 : memref<10000x32xf32, #tpu.memory_space<hbm>>) target(%arg10 : memref<80x32xf32, #tpu.memory_space<vmem>>) offsets(%dma_start3A_35 : memref<80xi32, #tpu.memory_space<vmem>>) semaphore(%arg16 : memref<!tpu.dma_semaphore, #tpu.memory_space<semaphore_mem>>)
    %dma_start3A_39 = arith.constant 3 : i32
    %dma_start3A_40 = arith.constant 0 : i32
    %dma_start3A_41 = tpu.memref_slice %arg6[%dma_start3A_39, %dma_start3A_40] : memref<125x80xi32, #tpu.memory_space<vmem>> -> memref<1x80xi32, #tpu.memory_space<vmem>>
    %dma_start3A_42 = tpu.memref_squeeze %dma_start3A_41 : memref<1x80xi32, #tpu.memory_space<vmem>> -> memref<80xi32, #tpu.memory_space<vmem>>
    %dma_start3A_43 = arith.constant 0 : i32
    %dma_start3A_44 = arith.constant 0 : i32
    %dma_start3A_45 = tpu.memref_slice %arg2[%dma_start3A_43, %dma_start3A_44] : memref<10000x32xf32, #tpu.memory_space<hbm>> -> memref<10000x32xf32, #tpu.memory_space<hbm>>
    tpu.enqueue_indirect_dma source(%dma_start3A_45 : memref<10000x32xf32, #tpu.memory_space<hbm>>) target(%arg11 : memref<80x32xf32, #tpu.memory_space<vmem>>) offsets(%dma_start3A_42 : memref<80xi32, #tpu.memory_space<vmem>>) semaphore(%arg17 : memref<!tpu.dma_semaphore, #tpu.memory_space<semaphore_mem>>)
    %dma_start3A_46 = arith.constant 4 : i32
    %dma_start3A_47 = arith.constant 0 : i32
    %dma_start3A_48 = tpu.memref_slice %arg6[%dma_start3A_46, %dma_start3A_47] : memref<125x80xi32, #tpu.memory_space<vmem>> -> memref<1x80xi32, #tpu.memory_space<vmem>>
    %dma_start3A_49 = tpu.memref_squeeze %dma_start3A_48 : memref<1x80xi32, #tpu.memory_space<vmem>> -> memref<80xi32, #tpu.memory_space<vmem>>
    %dma_start3A_50 = arith.constant 0 : i32
    %dma_start3A_51 = arith.constant 0 : i32
    %dma_start3A_52 = tpu.memref_slice %arg2[%dma_start3A_50, %dma_start3A_51] : memref<10000x32xf32, #tpu.memory_space<hbm>> -> memref<10000x32xf32, #tpu.memory_space<hbm>>
    tpu.enqueue_indirect_dma source(%dma_start3A_52 : memref<10000x32xf32, #tpu.memory_space<hbm>>) target(%arg12 : memref<80x32xf32, #tpu.memory_space<vmem>>) offsets(%dma_start3A_49 : memref<80xi32, #tpu.memory_space<vmem>>) semaphore(%arg18 : memref<!tpu.dma_semaphore, #tpu.memory_space<semaphore_mem>>)
    %scan3A_53 = arith.constant 0 : i32
    %scan3A_54 = arith.constant 0 : i32
    %scan3A_55 = arith.constant 25 : i32
    %scan3A_56 = arith.addi %scan3A_54, %scan3A_55 : i32
    %scan3A_57 = arith.constant 1 : i32
    %scan3A_58 = scf.for %scan3A_68 = %scan3A_54 to %scan3A_56 step %scan3A_57 iter_args(%scan3A_69 = %scan3A_53) -> (i32)  : i32 {
      %mul3A_70 = arith.constant 5 : i32
      %mul3A_71 = arith.muli %scan3A_68, %mul3A_70 : i32
      %add3A_72 = arith.constant 0 : i32
      %add3A_73 = arith.addi %mul3A_71, %add3A_72 : i32
      %dma_wait3A = arith.constant 0 : i32
      %dma_wait3A_74 = tpu.memref_slice %arg6[%add3A_73, %dma_wait3A] : memref<125x80xi32, #tpu.memory_space<vmem>> -> memref<1x80xi32, #tpu.memory_space<vmem>>
      %dma_wait3A_75 = tpu.memref_squeeze %dma_wait3A_74 : memref<1x80xi32, #tpu.memory_space<vmem>> -> memref<80xi32, #tpu.memory_space<vmem>>
      %dma_wait3A_76 = arith.constant 0 : i32
      %dma_wait3A_77 = arith.constant 0 : i32
      %dma_wait3A_78 = tpu.memref_slice %arg2[%dma_wait3A_76, %dma_wait3A_77] : memref<10000x32xf32, #tpu.memory_space<hbm>> -> memref<10000x32xf32, #tpu.memory_space<hbm>>
      tpu.wait_indirect_dma semaphore(%arg14 : memref<!tpu.dma_semaphore, #tpu.memory_space<semaphore_mem>>) src(%dma_wait3A_78 : memref<10000x32xf32, #tpu.memory_space<hbm>>) dst(%arg8 : memref<80x32xf32, #tpu.memory_space<vmem>>)
      "tpu.region"() ({
        %run_scoped3A = tpu.sem_alloc : memref<!tpu.dma_semaphore, #tpu.memory_space<semaphore_mem>>
        %dma_start3A_152 = arith.constant 0 : i32
        %dma_start3A_153 = tpu.memref_slice %arg7[%add3A_73, %dma_start3A_152] : memref<125x80xi32, #tpu.memory_space<vmem>> -> memref<1x80xi32, #tpu.memory_space<vmem>>
        %dma_start3A_154 = tpu.memref_squeeze %dma_start3A_153 : memref<1x80xi32, #tpu.memory_space<vmem>> -> memref<80xi32, #tpu.memory_space<vmem>>
        %dma_start3A_155 = arith.constant 0 : i32
        %dma_start3A_156 = arith.constant 0 : i32
        %dma_start3A_157 = tpu.memref_slice %arg13[%dma_start3A_155, %dma_start3A_156] : memref<10000x32xf32, #tpu.memory_space<vmem_shared>> -> memref<10000x32xf32, #tpu.memory_space<vmem_shared>>
        tpu.enqueue_indirect_dma source(%arg8 : memref<80x32xf32, #tpu.memory_space<vmem>>) target(%dma_start3A_157 : memref<10000x32xf32, #tpu.memory_space<vmem_shared>>) offsets(%dma_start3A_154 : memref<80xi32, #tpu.memory_space<vmem>>) semaphore(%run_scoped3A : memref<!tpu.dma_semaphore, #tpu.memory_space<semaphore_mem>>) {add = true}
        %dma_wait3A_158 = arith.constant 0 : i32
        %dma_wait3A_159 = tpu.memref_slice %arg7[%add3A_73, %dma_wait3A_158] : memref<125x80xi32, #tpu.memory_space<vmem>> -> memref<1x80xi32, #tpu.memory_space<vmem>>
        %dma_wait3A_160 = tpu.memref_squeeze %dma_wait3A_159 : memref<1x80xi32, #tpu.memory_space<vmem>> -> memref<80xi32, #tpu.memory_space<vmem>>
        %dma_wait3A_161 = arith.constant 0 : i32
        %dma_wait3A_162 = arith.constant 0 : i32
        %dma_wait3A_163 = tpu.memref_slice %arg13[%dma_wait3A_161, %dma_wait3A_162] : memref<10000x32xf32, #tpu.memory_space<vmem_shared>> -> memref<10000x32xf32, #tpu.memory_space<vmem_shared>>
        tpu.wait_indirect_dma semaphore(%run_scoped3A : memref<!tpu.dma_semaphore, #tpu.memory_space<semaphore_mem>>) src(%arg8 : memref<80x32xf32, #tpu.memory_space<vmem>>) dst(%dma_wait3A_163 : memref<10000x32xf32, #tpu.memory_space<vmem_shared>>)
        tpu.yield
      }) : () -> ()
      %add3A_79 = arith.constant 5 : i32
      %add3A_80 = arith.addi %add3A_73, %add3A_79 : i32
      %lt3A = arith.constant 125 : i32
      %lt3A_81 = arith.cmpi slt, %add3A_80, %lt3A : i32
      %convert_element_type3A = arith.extui %lt3A_81 : i1 to i32
      %cond3A = arith.constant 0 : i32
      %cond3A_82 = arith.cmpi ne, %convert_element_type3A, %cond3A : i32
      scf.if %cond3A_82 {
        %add3A_152 = arith.constant 5 : i32
        %add3A_153 = arith.addi %add3A_73, %add3A_152 : i32
        %dma_start3A_154 = arith.constant 0 : i32
        %dma_start3A_155 = tpu.memref_slice %arg6[%add3A_153, %dma_start3A_154] : memref<125x80xi32, #tpu.memory_space<vmem>> -> memref<1x80xi32, #tpu.memory_space<vmem>>
        %dma_start3A_156 = tpu.memref_squeeze %dma_start3A_155 : memref<1x80xi32, #tpu.memory_space<vmem>> -> memref<80xi32, #tpu.memory_space<vmem>>
        %dma_start3A_157 = arith.constant 0 : i32
        %dma_start3A_158 = arith.constant 0 : i32
        %dma_start3A_159 = tpu.memref_slice %arg2[%dma_start3A_157, %dma_start3A_158] : memref<10000x32xf32, #tpu.memory_space<hbm>> -> memref<10000x32xf32, #tpu.memory_space<hbm>>
        tpu.enqueue_indirect_dma source(%dma_start3A_159 : memref<10000x32xf32, #tpu.memory_space<hbm>>) target(%arg8 : memref<80x32xf32, #tpu.memory_space<vmem>>) offsets(%dma_start3A_156 : memref<80xi32, #tpu.memory_space<vmem>>) semaphore(%arg14 : memref<!tpu.dma_semaphore, #tpu.memory_space<semaphore_mem>>)
      } else {
      }
      %mul3A_83 = arith.constant 5 : i32
      %mul3A_84 = arith.muli %scan3A_68, %mul3A_83 : i32
      %add3A_85 = arith.constant 1 : i32
      %add3A_86 = arith.addi %mul3A_84, %add3A_85 : i32
      %dma_wait3A_87 = arith.constant 0 : i32
      %dma_wait3A_88 = tpu.memref_slice %arg6[%add3A_86, %dma_wait3A_87] : memref<125x80xi32, #tpu.memory_space<vmem>> -> memref<1x80xi32, #tpu.memory_space<vmem>>
      %dma_wait3A_89 = tpu.memref_squeeze %dma_wait3A_88 : memref<1x80xi32, #tpu.memory_space<vmem>> -> memref<80xi32, #tpu.memory_space<vmem>>
      %dma_wait3A_90 = arith.constant 0 : i32
      %dma_wait3A_91 = arith.constant 0 : i32
      %dma_wait3A_92 = tpu.memref_slice %arg2[%dma_wait3A_90, %dma_wait3A_91] : memref<10000x32xf32, #tpu.memory_space<hbm>> -> memref<10000x32xf32, #tpu.memory_space<hbm>>
      tpu.wait_indirect_dma semaphore(%arg15 : memref<!tpu.dma_semaphore, #tpu.memory_space<semaphore_mem>>) src(%dma_wait3A_92 : memref<10000x32xf32, #tpu.memory_space<hbm>>) dst(%arg9 : memref<80x32xf32, #tpu.memory_space<vmem>>)
      "tpu.region"() ({
        %run_scoped3A = tpu.sem_alloc : memref<!tpu.dma_semaphore, #tpu.memory_space<semaphore_mem>>
        %dma_start3A_152 = arith.constant 0 : i32
        %dma_start3A_153 = tpu.memref_slice %arg7[%add3A_86, %dma_start3A_152] : memref<125x80xi32, #tpu.memory_space<vmem>> -> memref<1x80xi32, #tpu.memory_space<vmem>>
        %dma_start3A_154 = tpu.memref_squeeze %dma_start3A_153 : memref<1x80xi32, #tpu.memory_space<vmem>> -> memref<80xi32, #tpu.memory_space<vmem>>
        %dma_start3A_155 = arith.constant 0 : i32
        %dma_start3A_156 = arith.constant 0 : i32
        %dma_start3A_157 = tpu.memref_slice %arg13[%dma_start3A_155, %dma_start3A_156] : memref<10000x32xf32, #tpu.memory_space<vmem_shared>> -> memref<10000x32xf32, #tpu.memory_space<vmem_shared>>
        tpu.enqueue_indirect_dma source(%arg9 : memref<80x32xf32, #tpu.memory_space<vmem>>) target(%dma_start3A_157 : memref<10000x32xf32, #tpu.memory_space<vmem_shared>>) offsets(%dma_start3A_154 : memref<80xi32, #tpu.memory_space<vmem>>) semaphore(%run_scoped3A : memref<!tpu.dma_semaphore, #tpu.memory_space<semaphore_mem>>) {add = true}
        %dma_wait3A_158 = arith.constant 0 : i32
        %dma_wait3A_159 = tpu.memref_slice %arg7[%add3A_86, %dma_wait3A_158] : memref<125x80xi32, #tpu.memory_space<vmem>> -> memref<1x80xi32, #tpu.memory_space<vmem>>
        %dma_wait3A_160 = tpu.memref_squeeze %dma_wait3A_159 : memref<1x80xi32, #tpu.memory_space<vmem>> -> memref<80xi32, #tpu.memory_space<vmem>>
        %dma_wait3A_161 = arith.constant 0 : i32
        %dma_wait3A_162 = arith.constant 0 : i32
        %dma_wait3A_163 = tpu.memref_slice %arg13[%dma_wait3A_161, %dma_wait3A_162] : memref<10000x32xf32, #tpu.memory_space<vmem_shared>> -> memref<10000x32xf32, #tpu.memory_space<vmem_shared>>
        tpu.wait_indirect_dma semaphore(%run_scoped3A : memref<!tpu.dma_semaphore, #tpu.memory_space<semaphore_mem>>) src(%arg9 : memref<80x32xf32, #tpu.memory_space<vmem>>) dst(%dma_wait3A_163 : memref<10000x32xf32, #tpu.memory_space<vmem_shared>>)
        tpu.yield
      }) : () -> ()
      %add3A_93 = arith.constant 5 : i32
      %add3A_94 = arith.addi %add3A_86, %add3A_93 : i32
      %lt3A_95 = arith.constant 125 : i32
      %lt3A_96 = arith.cmpi slt, %add3A_94, %lt3A_95 : i32
      %convert_element_type3A_97 = arith.extui %lt3A_96 : i1 to i32
      %cond3A_98 = arith.constant 0 : i32
      %cond3A_99 = arith.cmpi ne, %convert_element_type3A_97, %cond3A_98 : i32
      scf.if %cond3A_99 {
        %add3A_152 = arith.constant 5 : i32
        %add3A_153 = arith.addi %add3A_86, %add3A_152 : i32
        %dma_start3A_154 = arith.constant 0 : i32
        %dma_start3A_155 = tpu.memref_slice %arg6[%add3A_153, %dma_start3A_154] : memref<125x80xi32, #tpu.memory_space<vmem>> -> memref<1x80xi32, #tpu.memory_space<vmem>>
        %dma_start3A_156 = tpu.memref_squeeze %dma_start3A_155 : memref<1x80xi32, #tpu.memory_space<vmem>> -> memref<80xi32, #tpu.memory_space<vmem>>
        %dma_start3A_157 = arith.constant 0 : i32
        %dma_start3A_158 = arith.constant 0 : i32
        %dma_start3A_159 = tpu.memref_slice %arg2[%dma_start3A_157, %dma_start3A_158] : memref<10000x32xf32, #tpu.memory_space<hbm>> -> memref<10000x32xf32, #tpu.memory_space<hbm>>
        tpu.enqueue_indirect_dma source(%dma_start3A_159 : memref<10000x32xf32, #tpu.memory_space<hbm>>) target(%arg9 : memref<80x32xf32, #tpu.memory_space<vmem>>) offsets(%dma_start3A_156 : memref<80xi32, #tpu.memory_space<vmem>>) semaphore(%arg15 : memref<!tpu.dma_semaphore, #tpu.memory_space<semaphore_mem>>)
      } else {
      }
      %mul3A_100 = arith.constant 5 : i32
      %mul3A_101 = arith.muli %scan3A_68, %mul3A_100 : i32
      %add3A_102 = arith.constant 2 : i32
      %add3A_103 = arith.addi %mul3A_101, %add3A_102 : i32
      %dma_wait3A_104 = arith.constant 0 : i32
      %dma_wait3A_105 = tpu.memref_slice %arg6[%add3A_103, %dma_wait3A_104] : memref<125x80xi32, #tpu.memory_space<vmem>> -> memref<1x80xi32, #tpu.memory_space<vmem>>
      %dma_wait3A_106 = tpu.memref_squeeze %dma_wait3A_105 : memref<1x80xi32, #tpu.memory_space<vmem>> -> memref<80xi32, #tpu.memory_space<vmem>>
      %dma_wait3A_107 = arith.constant 0 : i32
      %dma_wait3A_108 = arith.constant 0 : i32
      %dma_wait3A_109 = tpu.memref_slice %arg2[%dma_wait3A_107, %dma_wait3A_108] : memref<10000x32xf32, #tpu.memory_space<hbm>> -> memref<10000x32xf32, #tpu.memory_space<hbm>>
      tpu.wait_indirect_dma semaphore(%arg16 : memref<!tpu.dma_semaphore, #tpu.memory_space<semaphore_mem>>) src(%dma_wait3A_109 : memref<10000x32xf32, #tpu.memory_space<hbm>>) dst(%arg10 : memref<80x32xf32, #tpu.memory_space<vmem>>)
      "tpu.region"() ({
        %run_scoped3A = tpu.sem_alloc : memref<!tpu.dma_semaphore, #tpu.memory_space<semaphore_mem>>
        %dma_start3A_152 = arith.constant 0 : i32
        %dma_start3A_153 = tpu.memref_slice %arg7[%add3A_103, %dma_start3A_152] : memref<125x80xi32, #tpu.memory_space<vmem>> -> memref<1x80xi32, #tpu.memory_space<vmem>>
        %dma_start3A_154 = tpu.memref_squeeze %dma_start3A_153 : memref<1x80xi32, #tpu.memory_space<vmem>> -> memref<80xi32, #tpu.memory_space<vmem>>
        %dma_start3A_155 = arith.constant 0 : i32
        %dma_start3A_156 = arith.constant 0 : i32
        %dma_start3A_157 = tpu.memref_slice %arg13[%dma_start3A_155, %dma_start3A_156] : memref<10000x32xf32, #tpu.memory_space<vmem_shared>> -> memref<10000x32xf32, #tpu.memory_space<vmem_shared>>
        tpu.enqueue_indirect_dma source(%arg10 : memref<80x32xf32, #tpu.memory_space<vmem>>) target(%dma_start3A_157 : memref<10000x32xf32, #tpu.memory_space<vmem_shared>>) offsets(%dma_start3A_154 : memref<80xi32, #tpu.memory_space<vmem>>) semaphore(%run_scoped3A : memref<!tpu.dma_semaphore, #tpu.memory_space<semaphore_mem>>) {add = true}
        %dma_wait3A_158 = arith.constant 0 : i32
        %dma_wait3A_159 = tpu.memref_slice %arg7[%add3A_103, %dma_wait3A_158] : memref<125x80xi32, #tpu.memory_space<vmem>> -> memref<1x80xi32, #tpu.memory_space<vmem>>
        %dma_wait3A_160 = tpu.memref_squeeze %dma_wait3A_159 : memref<1x80xi32, #tpu.memory_space<vmem>> -> memref<80xi32, #tpu.memory_space<vmem>>
        %dma_wait3A_161 = arith.constant 0 : i32
        %dma_wait3A_162 = arith.constant 0 : i32
        %dma_wait3A_163 = tpu.memref_slice %arg13[%dma_wait3A_161, %dma_wait3A_162] : memref<10000x32xf32, #tpu.memory_space<vmem_shared>> -> memref<10000x32xf32, #tpu.memory_space<vmem_shared>>
        tpu.wait_indirect_dma semaphore(%run_scoped3A : memref<!tpu.dma_semaphore, #tpu.memory_space<semaphore_mem>>) src(%arg10 : memref<80x32xf32, #tpu.memory_space<vmem>>) dst(%dma_wait3A_163 : memref<10000x32xf32, #tpu.memory_space<vmem_shared>>)
        tpu.yield
      }) : () -> ()
      %add3A_110 = arith.constant 5 : i32
      %add3A_111 = arith.addi %add3A_103, %add3A_110 : i32
      %lt3A_112 = arith.constant 125 : i32
      %lt3A_113 = arith.cmpi slt, %add3A_111, %lt3A_112 : i32
      %convert_element_type3A_114 = arith.extui %lt3A_113 : i1 to i32
      %cond3A_115 = arith.constant 0 : i32
      %cond3A_116 = arith.cmpi ne, %convert_element_type3A_114, %cond3A_115 : i32
      scf.if %cond3A_116 {
        %add3A_152 = arith.constant 5 : i32
        %add3A_153 = arith.addi %add3A_103, %add3A_152 : i32
        %dma_start3A_154 = arith.constant 0 : i32
        %dma_start3A_155 = tpu.memref_slice %arg6[%add3A_153, %dma_start3A_154] : memref<125x80xi32, #tpu.memory_space<vmem>> -> memref<1x80xi32, #tpu.memory_space<vmem>>
        %dma_start3A_156 = tpu.memref_squeeze %dma_start3A_155 : memref<1x80xi32, #tpu.memory_space<vmem>> -> memref<80xi32, #tpu.memory_space<vmem>>
        %dma_start3A_157 = arith.constant 0 : i32
        %dma_start3A_158 = arith.constant 0 : i32
        %dma_start3A_159 = tpu.memref_slice %arg2[%dma_start3A_157, %dma_start3A_158] : memref<10000x32xf32, #tpu.memory_space<hbm>> -> memref<10000x32xf32, #tpu.memory_space<hbm>>
        tpu.enqueue_indirect_dma source(%dma_start3A_159 : memref<10000x32xf32, #tpu.memory_space<hbm>>) target(%arg10 : memref<80x32xf32, #tpu.memory_space<vmem>>) offsets(%dma_start3A_156 : memref<80xi32, #tpu.memory_space<vmem>>) semaphore(%arg16 : memref<!tpu.dma_semaphore, #tpu.memory_space<semaphore_mem>>)
      } else {
      }
      %mul3A_117 = arith.constant 5 : i32
      %mul3A_118 = arith.muli %scan3A_68, %mul3A_117 : i32
      %add3A_119 = arith.constant 3 : i32
      %add3A_120 = arith.addi %mul3A_118, %add3A_119 : i32
      %dma_wait3A_121 = arith.constant 0 : i32
      %dma_wait3A_122 = tpu.memref_slice %arg6[%add3A_120, %dma_wait3A_121] : memref<125x80xi32, #tpu.memory_space<vmem>> -> memref<1x80xi32, #tpu.memory_space<vmem>>
      %dma_wait3A_123 = tpu.memref_squeeze %dma_wait3A_122 : memref<1x80xi32, #tpu.memory_space<vmem>> -> memref<80xi32, #tpu.memory_space<vmem>>
      %dma_wait3A_124 = arith.constant 0 : i32
      %dma_wait3A_125 = arith.constant 0 : i32
      %dma_wait3A_126 = tpu.memref_slice %arg2[%dma_wait3A_124, %dma_wait3A_125] : memref<10000x32xf32, #tpu.memory_space<hbm>> -> memref<10000x32xf32, #tpu.memory_space<hbm>>
      tpu.wait_indirect_dma semaphore(%arg17 : memref<!tpu.dma_semaphore, #tpu.memory_space<semaphore_mem>>) src(%dma_wait3A_126 : memref<10000x32xf32, #tpu.memory_space<hbm>>) dst(%arg11 : memref<80x32xf32, #tpu.memory_space<vmem>>)
      "tpu.region"() ({
        %run_scoped3A = tpu.sem_alloc : memref<!tpu.dma_semaphore, #tpu.memory_space<semaphore_mem>>
        %dma_start3A_152 = arith.constant 0 : i32
        %dma_start3A_153 = tpu.memref_slice %arg7[%add3A_120, %dma_start3A_152] : memref<125x80xi32, #tpu.memory_space<vmem>> -> memref<1x80xi32, #tpu.memory_space<vmem>>
        %dma_start3A_154 = tpu.memref_squeeze %dma_start3A_153 : memref<1x80xi32, #tpu.memory_space<vmem>> -> memref<80xi32, #tpu.memory_space<vmem>>
        %dma_start3A_155 = arith.constant 0 : i32
        %dma_start3A_156 = arith.constant 0 : i32
        %dma_start3A_157 = tpu.memref_slice %arg13[%dma_start3A_155, %dma_start3A_156] : memref<10000x32xf32, #tpu.memory_space<vmem_shared>> -> memref<10000x32xf32, #tpu.memory_space<vmem_shared>>
        tpu.enqueue_indirect_dma source(%arg11 : memref<80x32xf32, #tpu.memory_space<vmem>>) target(%dma_start3A_157 : memref<10000x32xf32, #tpu.memory_space<vmem_shared>>) offsets(%dma_start3A_154 : memref<80xi32, #tpu.memory_space<vmem>>) semaphore(%run_scoped3A : memref<!tpu.dma_semaphore, #tpu.memory_space<semaphore_mem>>) {add = true}
        %dma_wait3A_158 = arith.constant 0 : i32
        %dma_wait3A_159 = tpu.memref_slice %arg7[%add3A_120, %dma_wait3A_158] : memref<125x80xi32, #tpu.memory_space<vmem>> -> memref<1x80xi32, #tpu.memory_space<vmem>>
        %dma_wait3A_160 = tpu.memref_squeeze %dma_wait3A_159 : memref<1x80xi32, #tpu.memory_space<vmem>> -> memref<80xi32, #tpu.memory_space<vmem>>
        %dma_wait3A_161 = arith.constant 0 : i32
        %dma_wait3A_162 = arith.constant 0 : i32
        %dma_wait3A_163 = tpu.memref_slice %arg13[%dma_wait3A_161, %dma_wait3A_162] : memref<10000x32xf32, #tpu.memory_space<vmem_shared>> -> memref<10000x32xf32, #tpu.memory_space<vmem_shared>>
        tpu.wait_indirect_dma semaphore(%run_scoped3A : memref<!tpu.dma_semaphore, #tpu.memory_space<semaphore_mem>>) src(%arg11 : memref<80x32xf32, #tpu.memory_space<vmem>>) dst(%dma_wait3A_163 : memref<10000x32xf32, #tpu.memory_space<vmem_shared>>)
        tpu.yield
      }) : () -> ()
      %add3A_127 = arith.constant 5 : i32
      %add3A_128 = arith.addi %add3A_120, %add3A_127 : i32
      %lt3A_129 = arith.constant 125 : i32
      %lt3A_130 = arith.cmpi slt, %add3A_128, %lt3A_129 : i32
      %convert_element_type3A_131 = arith.extui %lt3A_130 : i1 to i32
      %cond3A_132 = arith.constant 0 : i32
      %cond3A_133 = arith.cmpi ne, %convert_element_type3A_131, %cond3A_132 : i32
      scf.if %cond3A_133 {
        %add3A_152 = arith.constant 5 : i32
        %add3A_153 = arith.addi %add3A_120, %add3A_152 : i32
        %dma_start3A_154 = arith.constant 0 : i32
        %dma_start3A_155 = tpu.memref_slice %arg6[%add3A_153, %dma_start3A_154] : memref<125x80xi32, #tpu.memory_space<vmem>> -> memref<1x80xi32, #tpu.memory_space<vmem>>
        %dma_start3A_156 = tpu.memref_squeeze %dma_start3A_155 : memref<1x80xi32, #tpu.memory_space<vmem>> -> memref<80xi32, #tpu.memory_space<vmem>>
        %dma_start3A_157 = arith.constant 0 : i32
        %dma_start3A_158 = arith.constant 0 : i32
        %dma_start3A_159 = tpu.memref_slice %arg2[%dma_start3A_157, %dma_start3A_158] : memref<10000x32xf32, #tpu.memory_space<hbm>> -> memref<10000x32xf32, #tpu.memory_space<hbm>>
        tpu.enqueue_indirect_dma source(%dma_start3A_159 : memref<10000x32xf32, #tpu.memory_space<hbm>>) target(%arg11 : memref<80x32xf32, #tpu.memory_space<vmem>>) offsets(%dma_start3A_156 : memref<80xi32, #tpu.memory_space<vmem>>) semaphore(%arg17 : memref<!tpu.dma_semaphore, #tpu.memory_space<semaphore_mem>>)
      } else {
      }
      %mul3A_134 = arith.constant 5 : i32
      %mul3A_135 = arith.muli %scan3A_68, %mul3A_134 : i32
      %add3A_136 = arith.constant 4 : i32
      %add3A_137 = arith.addi %mul3A_135, %add3A_136 : i32
      %dma_wait3A_138 = arith.constant 0 : i32
      %dma_wait3A_139 = tpu.memref_slice %arg6[%add3A_137, %dma_wait3A_138] : memref<125x80xi32, #tpu.memory_space<vmem>> -> memref<1x80xi32, #tpu.memory_space<vmem>>
      %dma_wait3A_140 = tpu.memref_squeeze %dma_wait3A_139 : memref<1x80xi32, #tpu.memory_space<vmem>> -> memref<80xi32, #tpu.memory_space<vmem>>
      %dma_wait3A_141 = arith.constant 0 : i32
      %dma_wait3A_142 = arith.constant 0 : i32
      %dma_wait3A_143 = tpu.memref_slice %arg2[%dma_wait3A_141, %dma_wait3A_142] : memref<10000x32xf32, #tpu.memory_space<hbm>> -> memref<10000x32xf32, #tpu.memory_space<hbm>>
      tpu.wait_indirect_dma semaphore(%arg18 : memref<!tpu.dma_semaphore, #tpu.memory_space<semaphore_mem>>) src(%dma_wait3A_143 : memref<10000x32xf32, #tpu.memory_space<hbm>>) dst(%arg12 : memref<80x32xf32, #tpu.memory_space<vmem>>)
      "tpu.region"() ({
        %run_scoped3A = tpu.sem_alloc : memref<!tpu.dma_semaphore, #tpu.memory_space<semaphore_mem>>
        %dma_start3A_152 = arith.constant 0 : i32
        %dma_start3A_153 = tpu.memref_slice %arg7[%add3A_137, %dma_start3A_152] : memref<125x80xi32, #tpu.memory_space<vmem>> -> memref<1x80xi32, #tpu.memory_space<vmem>>
        %dma_start3A_154 = tpu.memref_squeeze %dma_start3A_153 : memref<1x80xi32, #tpu.memory_space<vmem>> -> memref<80xi32, #tpu.memory_space<vmem>>
        %dma_start3A_155 = arith.constant 0 : i32
        %dma_start3A_156 = arith.constant 0 : i32
        %dma_start3A_157 = tpu.memref_slice %arg13[%dma_start3A_155, %dma_start3A_156] : memref<10000x32xf32, #tpu.memory_space<vmem_shared>> -> memref<10000x32xf32, #tpu.memory_space<vmem_shared>>
        tpu.enqueue_indirect_dma source(%arg12 : memref<80x32xf32, #tpu.memory_space<vmem>>) target(%dma_start3A_157 : memref<10000x32xf32, #tpu.memory_space<vmem_shared>>) offsets(%dma_start3A_154 : memref<80xi32, #tpu.memory_space<vmem>>) semaphore(%run_scoped3A : memref<!tpu.dma_semaphore, #tpu.memory_space<semaphore_mem>>) {add = true}
        %dma_wait3A_158 = arith.constant 0 : i32
        %dma_wait3A_159 = tpu.memref_slice %arg7[%add3A_137, %dma_wait3A_158] : memref<125x80xi32, #tpu.memory_space<vmem>> -> memref<1x80xi32, #tpu.memory_space<vmem>>
        %dma_wait3A_160 = tpu.memref_squeeze %dma_wait3A_159 : memref<1x80xi32, #tpu.memory_space<vmem>> -> memref<80xi32, #tpu.memory_space<vmem>>
        %dma_wait3A_161 = arith.constant 0 : i32
        %dma_wait3A_162 = arith.constant 0 : i32
        %dma_wait3A_163 = tpu.memref_slice %arg13[%dma_wait3A_161, %dma_wait3A_162] : memref<10000x32xf32, #tpu.memory_space<vmem_shared>> -> memref<10000x32xf32, #tpu.memory_space<vmem_shared>>
        tpu.wait_indirect_dma semaphore(%run_scoped3A : memref<!tpu.dma_semaphore, #tpu.memory_space<semaphore_mem>>) src(%arg12 : memref<80x32xf32, #tpu.memory_space<vmem>>) dst(%dma_wait3A_163 : memref<10000x32xf32, #tpu.memory_space<vmem_shared>>)
        tpu.yield
      }) : () -> ()
      %add3A_144 = arith.constant 5 : i32
      %add3A_145 = arith.addi %add3A_137, %add3A_144 : i32
      %lt3A_146 = arith.constant 125 : i32
      %lt3A_147 = arith.cmpi slt, %add3A_145, %lt3A_146 : i32
      %convert_element_type3A_148 = arith.extui %lt3A_147 : i1 to i32
      %cond3A_149 = arith.constant 0 : i32
      %cond3A_150 = arith.cmpi ne, %convert_element_type3A_148, %cond3A_149 : i32
      scf.if %cond3A_150 {
        %add3A_152 = arith.constant 5 : i32
        %add3A_153 = arith.addi %add3A_137, %add3A_152 : i32
        %dma_start3A_154 = arith.constant 0 : i32
        %dma_start3A_155 = tpu.memref_slice %arg6[%add3A_153, %dma_start3A_154] : memref<125x80xi32, #tpu.memory_space<vmem>> -> memref<1x80xi32, #tpu.memory_space<vmem>>
        %dma_start3A_156 = tpu.memref_squeeze %dma_start3A_155 : memref<1x80xi32, #tpu.memory_space<vmem>> -> memref<80xi32, #tpu.memory_space<vmem>>
        %dma_start3A_157 = arith.constant 0 : i32
        %dma_start3A_158 = arith.constant 0 : i32
        %dma_start3A_159 = tpu.memref_slice %arg2[%dma_start3A_157, %dma_start3A_158] : memref<10000x32xf32, #tpu.memory_space<hbm>> -> memref<10000x32xf32, #tpu.memory_space<hbm>>
        tpu.enqueue_indirect_dma source(%dma_start3A_159 : memref<10000x32xf32, #tpu.memory_space<hbm>>) target(%arg12 : memref<80x32xf32, #tpu.memory_space<vmem>>) offsets(%dma_start3A_156 : memref<80xi32, #tpu.memory_space<vmem>>) semaphore(%arg18 : memref<!tpu.dma_semaphore, #tpu.memory_space<semaphore_mem>>)
      } else {
      }
      %scan3A_151 = arith.constant 0 : i32
      scf.yield %scan3A_151 : i32
    }
    %scan3A_59 = arith.constant 25 : i32
    %barrier3A_60 = arith.constant 0 : index
    tpu.barrier barrier_id(%barrier3A_60)
    %scan3A_61 = arith.constant 0 : i32
    %scan3A_62 = arith.constant 0 : i32
    %scan3A_63 = arith.constant 8 : i32
    %scan3A_64 = arith.addi %scan3A_62, %scan3A_63 : i32
    %scan3A_65 = arith.constant 1 : i32
    %scan3A_66 = scf.for %scan3A_68 = %scan3A_62 to %scan3A_64 step %scan3A_65 iter_args(%scan3A_69 = %scan3A_61) -> (i32)  : i32 {
      %mul3A_70 = arith.constant 16 : i32
      %mul3A_71 = arith.muli %scan3A_68, %mul3A_70 : i32
      %add3A_72 = arith.addi %arg1, %mul3A_71 : i32
      %lt3A = arith.constant 125 : i32
      %lt3A_73 = arith.cmpi slt, %add3A_72, %lt3A : i32
      %convert_element_type3A = arith.extui %lt3A_73 : i1 to i32
      %cond3A = arith.constant 0 : i32
      %cond3A_74 = arith.cmpi ne, %convert_element_type3A, %cond3A : i32
      scf.if %cond3A_74 {
        %mul3A_76 = arith.constant 80 : i32
        %mul3A_77 = arith.muli %add3A_72, %mul3A_76 : i32
        "tpu.region"() ({
          %run_scoped3A = tpu.sem_alloc : memref<!tpu.dma_semaphore, #tpu.memory_space<semaphore_mem>>
          %dma_start3A_83 = arith.constant 0 : i32
          %dma_start3A_84 = tpu.memref_slice %arg13[%mul3A_77, %dma_start3A_83] : memref<10000x32xf32, #tpu.memory_space<vmem_shared>> -> memref<80x32xf32, #tpu.memory_space<vmem_shared>>
          %dma_start3A_85 = arith.constant 0 : i32
          %dma_start3A_86 = tpu.memref_slice %arg13[%mul3A_77, %dma_start3A_85] : memref<10000x32xf32, #tpu.memory_space<vmem_shared>> -> memref<80x32xf32, #tpu.memory_space<vmem_shared>>
          tpu.enqueue_dma source(%dma_start3A_86 : memref<80x32xf32, #tpu.memory_space<vmem_shared>>) target(%arg8 : memref<80x32xf32, #tpu.memory_space<vmem>>) target_semaphore(%run_scoped3A : memref<!tpu.dma_semaphore, #tpu.memory_space<semaphore_mem>>)
          %dma_wait3A = arith.constant 0 : i32
          %dma_wait3A_87 = tpu.memref_slice %arg13[%mul3A_77, %dma_wait3A] : memref<10000x32xf32, #tpu.memory_space<vmem_shared>> -> memref<80x32xf32, #tpu.memory_space<vmem_shared>>
          %dma_wait3A_88 = arith.constant 0 : i32
          %dma_wait3A_89 = tpu.memref_slice %arg13[%mul3A_77, %dma_wait3A_88] : memref<10000x32xf32, #tpu.memory_space<vmem_shared>> -> memref<80x32xf32, #tpu.memory_space<vmem_shared>>
          tpu.wait_dma2 semaphore(%run_scoped3A : memref<!tpu.dma_semaphore, #tpu.memory_space<semaphore_mem>>) src(%dma_wait3A_89 : memref<80x32xf32, #tpu.memory_space<vmem_shared>>) dst(%arg8 : memref<80x32xf32, #tpu.memory_space<vmem>>)
          tpu.yield
        }) : () -> ()
        %mul3A_78 = arith.constant 10000 : i32
        %mul3A_79 = arith.muli %arg0, %mul3A_78 : i32
        %mul3A_80 = arith.constant 80 : i32
        %mul3A_81 = arith.muli %add3A_72, %mul3A_80 : i32
        %add3A_82 = arith.addi %mul3A_79, %mul3A_81 : i32
        "tpu.region"() ({
          %run_scoped3A = tpu.sem_alloc : memref<!tpu.dma_semaphore, #tpu.memory_space<semaphore_mem>>
          %dma_start3A_83 = arith.constant 0 : i32
          %dma_start3A_84 = tpu.memref_slice %arg5[%add3A_82, %dma_start3A_83] : memref<20000x32xf32, #tpu.memory_space<hbm>> -> memref<80x32xf32, #tpu.memory_space<hbm>>
          %dma_start3A_85 = arith.constant 0 : i32
          %dma_start3A_86 = tpu.memref_slice %arg5[%add3A_82, %dma_start3A_85] : memref<20000x32xf32, #tpu.memory_space<hbm>> -> memref<80x32xf32, #tpu.memory_space<hbm>>
          tpu.enqueue_dma source(%arg8 : memref<80x32xf32, #tpu.memory_space<vmem>>) target(%dma_start3A_86 : memref<80x32xf32, #tpu.memory_space<hbm>>) target_semaphore(%run_scoped3A : memref<!tpu.dma_semaphore, #tpu.memory_space<semaphore_mem>>)
          %dma_wait3A = arith.constant 0 : i32
          %dma_wait3A_87 = tpu.memref_slice %arg5[%add3A_82, %dma_wait3A] : memref<20000x32xf32, #tpu.memory_space<hbm>> -> memref<80x32xf32, #tpu.memory_space<hbm>>
          %dma_wait3A_88 = arith.constant 0 : i32
          %dma_wait3A_89 = tpu.memref_slice %arg5[%add3A_82, %dma_wait3A_88] : memref<20000x32xf32, #tpu.memory_space<hbm>> -> memref<80x32xf32, #tpu.memory_space<hbm>>
          tpu.wait_dma2 semaphore(%run_scoped3A : memref<!tpu.dma_semaphore, #tpu.memory_space<semaphore_mem>>) src(%arg8 : memref<80x32xf32, #tpu.memory_space<vmem>>) dst(%dma_wait3A_89 : memref<80x32xf32, #tpu.memory_space<hbm>>)
          tpu.yield
        }) : () -> ()
      } else {
      }
      %scan3A_75 = arith.constant 0 : i32
      scf.yield %scan3A_75 : i32
    }
    %scan3A_67 = arith.constant 8 : i32
    return
  }
}

module attributes {stable_mosaic.version = 14 : i64} {
  func.func @body(%arg0: memref<10000x128xf32, #tpu.memory_space<vmem>>, %arg1: memref<128x128xf32, #tpu.memory_space<vmem>>, %arg2: memref<20000x1xf32, #tpu.memory_space<vmem>>, %arg3: memref<10000x128xf32, #tpu.memory_space<vmem>>, %arg4: memref<10000x1xf32, #tpu.memory_space<vmem>>) attributes {dimension_semantics = [], scalar_prefetch = 0 : i64, scratch_operands = 0 : i64, tpu.core_type = #tpu.core_type<tc>} {
    %get3A = arith.constant 0 : index
    %get3A_0 = arith.constant 0 : index
    %get3A_1 = vector.load %arg2[%get3A, %get3A_0] : memref<20000x1xf32, #tpu.memory_space<vmem>>, vector<10000x1xf32>
    %get3A_2 = arith.constant 10000 : index
    %get3A_3 = arith.constant 0 : index
    %get3A_4 = vector.load %arg2[%get3A_2, %get3A_3] : memref<20000x1xf32, #tpu.memory_space<vmem>>, vector<10000x1xf32>
    %add3A = arith.addf %get3A_1, %get3A_4 : vector<10000x1xf32>
    %add3A_5 = arith.constant 1.000000e+00 : f32
    %add3A_6 = vector.broadcast %add3A_5 : f32 to vector<10000x1xf32>
    %add3A_7 = arith.addf %add3A, %add3A_6 : vector<10000x1xf32>
    %rsqrt3A = math.rsqrt %add3A_7 : vector<10000x1xf32>
    %swap3A = arith.constant 0 : index
    %swap3A_8 = arith.constant 0 : index
    %swap3A_9 = vector.load %arg4[%swap3A, %swap3A_8] : memref<10000x1xf32, #tpu.memory_space<vmem>>, vector<10000x1xf32>
    tpu.vector_store %arg4[%swap3A, %swap3A_8], %rsqrt3A {strides = array<i32>} : memref<10000x1xf32, #tpu.memory_space<vmem>>, vector<10000x1xf32>,
    %get3A_10 = arith.constant 0 : index
    %get3A_11 = arith.constant 0 : index
    %get3A_12 = vector.load %arg0[%get3A_10, %get3A_11] : memref<10000x128xf32, #tpu.memory_space<vmem>>, vector<10000x128xf32>
    %get3A_13 = arith.constant 0 : index
    %get3A_14 = arith.constant 0 : index
    %get3A_15 = vector.load %arg1[%get3A_13, %get3A_14] : memref<128x128xf32, #tpu.memory_space<vmem>>, vector<128x128xf32>
    %dot_general3A = arith.constant dense<0.000000e+00> : vector<10000x128xf32>
    %dot_general3A_16 = tpu.matmul %get3A_12, %get3A_15, %dot_general3A {dimension_numbers = #tpu.dot_dimension_numbers<[1], [0], [0], [1], [0, 0, 1, 1], [], []>, transpose_lhs_hint = false} : vector<10000x128xf32>, vector<128x128xf32>, vector<10000x128xf32> -> vector<10000x128xf32>
    %mul3A = vector.broadcast %rsqrt3A : vector<10000x1xf32> to vector<10000x128xf32>
    %mul3A_17 = arith.mulf %dot_general3A_16, %mul3A : vector<10000x128xf32>
    %swap3A_18 = arith.constant 0 : index
    %swap3A_19 = arith.constant 0 : index
    %swap3A_20 = vector.load %arg3[%swap3A_18, %swap3A_19] : memref<10000x128xf32, #tpu.memory_space<vmem>>, vector<10000x128xf32>
    tpu.vector_store %arg3[%swap3A_18, %swap3A_19], %mul3A_17 {strides = array<i32>} : memref<10000x128xf32, #tpu.memory_space<vmem>>, vector<10000x128xf32>,
    return
  }
}

module attributes {stable_mosaic.version = 14 : i64} {
  func.func @body(%arg0: memref<20000x128xf32, #tpu.memory_space<vmem>>, %arg1: memref<10000x128xf32, #tpu.memory_space<vmem>>, %arg2: memref<10000x1xf32, #tpu.memory_space<vmem>>, %arg3: memref<1x128xf32, #tpu.memory_space<vmem>>, %arg4: memref<128x64xf32, #tpu.memory_space<vmem>>, %arg5: memref<10000x64xf32, #tpu.memory_space<vmem>>) attributes {dimension_semantics = [], scalar_prefetch = 0 : i64, scratch_operands = 0 : i64, tpu.core_type = #tpu.core_type<tc>} {
    %get3A = arith.constant 0 : index
    %get3A_0 = arith.constant 0 : index
    %get3A_1 = vector.load %arg0[%get3A, %get3A_0] : memref<20000x128xf32, #tpu.memory_space<vmem>>, vector<10000x128xf32>
    %get3A_2 = arith.constant 10000 : index
    %get3A_3 = arith.constant 0 : index
    %get3A_4 = vector.load %arg0[%get3A_2, %get3A_3] : memref<20000x128xf32, #tpu.memory_space<vmem>>, vector<10000x128xf32>
    %add3A = arith.addf %get3A_1, %get3A_4 : vector<10000x128xf32>
    %get3A_5 = arith.constant 0 : index
    %get3A_6 = arith.constant 0 : index
    %get3A_7 = vector.load %arg1[%get3A_5, %get3A_6] : memref<10000x128xf32, #tpu.memory_space<vmem>>, vector<10000x128xf32>
    %add3A_8 = arith.addf %add3A, %get3A_7 : vector<10000x128xf32>
    %get3A_9 = arith.constant 0 : index
    %get3A_10 = arith.constant 0 : index
    %get3A_11 = vector.load %arg2[%get3A_9, %get3A_10] : memref<10000x1xf32, #tpu.memory_space<vmem>>, vector<10000x1xf32>
    %mul3A = vector.broadcast %get3A_11 : vector<10000x1xf32> to vector<10000x128xf32>
    %mul3A_12 = arith.mulf %add3A_8, %mul3A : vector<10000x128xf32>
    %get3A_13 = arith.constant 0 : index
    %get3A_14 = arith.constant 0 : index
    %get3A_15 = vector.load %arg3[%get3A_13, %get3A_14] : memref<1x128xf32, #tpu.memory_space<vmem>>, vector<1x128xf32>
    %add3A_16 = vector.broadcast %get3A_15 : vector<1x128xf32> to vector<10000x128xf32>
    %add3A_17 = arith.addf %mul3A_12, %add3A_16 : vector<10000x128xf32>
    %max3A = arith.constant 0.000000e+00 : f32
    %max3A_18 = vector.broadcast %max3A : f32 to vector<10000x128xf32>
    %max3A_19 = arith.maximumf %add3A_17, %max3A_18 : vector<10000x128xf32>
    %get3A_20 = arith.constant 0 : index
    %get3A_21 = arith.constant 0 : index
    %get3A_22 = vector.load %arg4[%get3A_20, %get3A_21] : memref<128x64xf32, #tpu.memory_space<vmem>>, vector<128x64xf32>
    %dot_general3A = arith.constant dense<0.000000e+00> : vector<10000x64xf32>
    %dot_general3A_23 = tpu.matmul %max3A_19, %get3A_22, %dot_general3A {dimension_numbers = #tpu.dot_dimension_numbers<[1], [0], [0], [1], [0, 0, 1, 1], [], []>, transpose_lhs_hint = false} : vector<10000x128xf32>, vector<128x64xf32>, vector<10000x64xf32> -> vector<10000x64xf32>
    %get3A_24 = arith.constant 0 : index
    %get3A_25 = arith.constant 0 : index
    %get3A_26 = vector.load %arg2[%get3A_24, %get3A_25] : memref<10000x1xf32, #tpu.memory_space<vmem>>, vector<10000x1xf32>
    %mul3A_27 = vector.broadcast %get3A_26 : vector<10000x1xf32> to vector<10000x64xf32>
    %mul3A_28 = arith.mulf %dot_general3A_23, %mul3A_27 : vector<10000x64xf32>
    %swap3A = arith.constant 0 : index
    %swap3A_29 = arith.constant 0 : index
    %swap3A_30 = vector.load %arg5[%swap3A, %swap3A_29] : memref<10000x64xf32, #tpu.memory_space<vmem>>, vector<10000x64xf32>
    tpu.vector_store %arg5[%swap3A, %swap3A_29], %mul3A_28 {strides = array<i32>} : memref<10000x64xf32, #tpu.memory_space<vmem>>, vector<10000x64xf32>,
    return
  }
}

module attributes {stable_mosaic.version = 14 : i64} {
  func.func @body(%arg0: memref<20000x64xf32, #tpu.memory_space<vmem>>, %arg1: memref<10000x64xf32, #tpu.memory_space<vmem>>, %arg2: memref<10000x1xf32, #tpu.memory_space<vmem>>, %arg3: memref<1x64xf32, #tpu.memory_space<vmem>>, %arg4: memref<64x64xf32, #tpu.memory_space<vmem>>, %arg5: memref<10000x64xf32, #tpu.memory_space<vmem>>) attributes {dimension_semantics = [], scalar_prefetch = 0 : i64, scratch_operands = 0 : i64, tpu.core_type = #tpu.core_type<tc>} {
    %get3A = arith.constant 0 : index
    %get3A_0 = arith.constant 0 : index
    %get3A_1 = vector.load %arg0[%get3A, %get3A_0] : memref<20000x64xf32, #tpu.memory_space<vmem>>, vector<10000x64xf32>
    %get3A_2 = arith.constant 10000 : index
    %get3A_3 = arith.constant 0 : index
    %get3A_4 = vector.load %arg0[%get3A_2, %get3A_3] : memref<20000x64xf32, #tpu.memory_space<vmem>>, vector<10000x64xf32>
    %add3A = arith.addf %get3A_1, %get3A_4 : vector<10000x64xf32>
    %get3A_5 = arith.constant 0 : index
    %get3A_6 = arith.constant 0 : index
    %get3A_7 = vector.load %arg1[%get3A_5, %get3A_6] : memref<10000x64xf32, #tpu.memory_space<vmem>>, vector<10000x64xf32>
    %add3A_8 = arith.addf %add3A, %get3A_7 : vector<10000x64xf32>
    %get3A_9 = arith.constant 0 : index
    %get3A_10 = arith.constant 0 : index
    %get3A_11 = vector.load %arg2[%get3A_9, %get3A_10] : memref<10000x1xf32, #tpu.memory_space<vmem>>, vector<10000x1xf32>
    %mul3A = vector.broadcast %get3A_11 : vector<10000x1xf32> to vector<10000x64xf32>
    %mul3A_12 = arith.mulf %add3A_8, %mul3A : vector<10000x64xf32>
    %get3A_13 = arith.constant 0 : index
    %get3A_14 = arith.constant 0 : index
    %get3A_15 = vector.load %arg3[%get3A_13, %get3A_14] : memref<1x64xf32, #tpu.memory_space<vmem>>, vector<1x64xf32>
    %add3A_16 = vector.broadcast %get3A_15 : vector<1x64xf32> to vector<10000x64xf32>
    %add3A_17 = arith.addf %mul3A_12, %add3A_16 : vector<10000x64xf32>
    %max3A = arith.constant 0.000000e+00 : f32
    %max3A_18 = vector.broadcast %max3A : f32 to vector<10000x64xf32>
    %max3A_19 = arith.maximumf %add3A_17, %max3A_18 : vector<10000x64xf32>
    %get3A_20 = arith.constant 0 : index
    %get3A_21 = arith.constant 0 : index
    %get3A_22 = vector.load %arg4[%get3A_20, %get3A_21] : memref<64x64xf32, #tpu.memory_space<vmem>>, vector<64x64xf32>
    %dot_general3A = arith.constant dense<0.000000e+00> : vector<10000x64xf32>
    %dot_general3A_23 = tpu.matmul %max3A_19, %get3A_22, %dot_general3A {dimension_numbers = #tpu.dot_dimension_numbers<[1], [0], [0], [1], [0, 0, 1, 1], [], []>, transpose_lhs_hint = false} : vector<10000x64xf32>, vector<64x64xf32>, vector<10000x64xf32> -> vector<10000x64xf32>
    %get3A_24 = arith.constant 0 : index
    %get3A_25 = arith.constant 0 : index
    %get3A_26 = vector.load %arg2[%get3A_24, %get3A_25] : memref<10000x1xf32, #tpu.memory_space<vmem>>, vector<10000x1xf32>
    %mul3A_27 = vector.broadcast %get3A_26 : vector<10000x1xf32> to vector<10000x64xf32>
    %mul3A_28 = arith.mulf %dot_general3A_23, %mul3A_27 : vector<10000x64xf32>
    %swap3A = arith.constant 0 : index
    %swap3A_29 = arith.constant 0 : index
    %swap3A_30 = vector.load %arg5[%swap3A, %swap3A_29] : memref<10000x64xf32, #tpu.memory_space<vmem>>, vector<10000x64xf32>
    tpu.vector_store %arg5[%swap3A, %swap3A_29], %mul3A_28 {strides = array<i32>} : memref<10000x64xf32, #tpu.memory_space<vmem>>, vector<10000x64xf32>,
    return
  }
}

module attributes {stable_mosaic.version = 14 : i64} {
  func.func @body(%arg0: memref<20000x64xf32, #tpu.memory_space<vmem>>, %arg1: memref<10000x64xf32, #tpu.memory_space<vmem>>, %arg2: memref<10000x1xf32, #tpu.memory_space<vmem>>, %arg3: memref<1x64xf32, #tpu.memory_space<vmem>>, %arg4: memref<64x32xf32, #tpu.memory_space<vmem>>, %arg5: memref<10000x32xf32, #tpu.memory_space<vmem>>) attributes {dimension_semantics = [], scalar_prefetch = 0 : i64, scratch_operands = 0 : i64, tpu.core_type = #tpu.core_type<tc>} {
    %get3A = arith.constant 0 : index
    %get3A_0 = arith.constant 0 : index
    %get3A_1 = vector.load %arg0[%get3A, %get3A_0] : memref<20000x64xf32, #tpu.memory_space<vmem>>, vector<10000x64xf32>
    %get3A_2 = arith.constant 10000 : index
    %get3A_3 = arith.constant 0 : index
    %get3A_4 = vector.load %arg0[%get3A_2, %get3A_3] : memref<20000x64xf32, #tpu.memory_space<vmem>>, vector<10000x64xf32>
    %add3A = arith.addf %get3A_1, %get3A_4 : vector<10000x64xf32>
    %get3A_5 = arith.constant 0 : index
    %get3A_6 = arith.constant 0 : index
    %get3A_7 = vector.load %arg1[%get3A_5, %get3A_6] : memref<10000x64xf32, #tpu.memory_space<vmem>>, vector<10000x64xf32>
    %add3A_8 = arith.addf %add3A, %get3A_7 : vector<10000x64xf32>
    %get3A_9 = arith.constant 0 : index
    %get3A_10 = arith.constant 0 : index
    %get3A_11 = vector.load %arg2[%get3A_9, %get3A_10] : memref<10000x1xf32, #tpu.memory_space<vmem>>, vector<10000x1xf32>
    %mul3A = vector.broadcast %get3A_11 : vector<10000x1xf32> to vector<10000x64xf32>
    %mul3A_12 = arith.mulf %add3A_8, %mul3A : vector<10000x64xf32>
    %get3A_13 = arith.constant 0 : index
    %get3A_14 = arith.constant 0 : index
    %get3A_15 = vector.load %arg3[%get3A_13, %get3A_14] : memref<1x64xf32, #tpu.memory_space<vmem>>, vector<1x64xf32>
    %add3A_16 = vector.broadcast %get3A_15 : vector<1x64xf32> to vector<10000x64xf32>
    %add3A_17 = arith.addf %mul3A_12, %add3A_16 : vector<10000x64xf32>
    %max3A = arith.constant 0.000000e+00 : f32
    %max3A_18 = vector.broadcast %max3A : f32 to vector<10000x64xf32>
    %max3A_19 = arith.maximumf %add3A_17, %max3A_18 : vector<10000x64xf32>
    %get3A_20 = arith.constant 0 : index
    %get3A_21 = arith.constant 0 : index
    %get3A_22 = vector.load %arg4[%get3A_20, %get3A_21] : memref<64x32xf32, #tpu.memory_space<vmem>>, vector<64x32xf32>
    %dot_general3A = arith.constant dense<0.000000e+00> : vector<10000x32xf32>
    %dot_general3A_23 = tpu.matmul %max3A_19, %get3A_22, %dot_general3A {dimension_numbers = #tpu.dot_dimension_numbers<[1], [0], [0], [1], [0, 0, 1, 1], [], []>, transpose_lhs_hint = false} : vector<10000x64xf32>, vector<64x32xf32>, vector<10000x32xf32> -> vector<10000x32xf32>
    %get3A_24 = arith.constant 0 : index
    %get3A_25 = arith.constant 0 : index
    %get3A_26 = vector.load %arg2[%get3A_24, %get3A_25] : memref<10000x1xf32, #tpu.memory_space<vmem>>, vector<10000x1xf32>
    %mul3A_27 = vector.broadcast %get3A_26 : vector<10000x1xf32> to vector<10000x32xf32>
    %mul3A_28 = arith.mulf %dot_general3A_23, %mul3A_27 : vector<10000x32xf32>
    %swap3A = arith.constant 0 : index
    %swap3A_29 = arith.constant 0 : index
    %swap3A_30 = vector.load %arg5[%swap3A, %swap3A_29] : memref<10000x32xf32, #tpu.memory_space<vmem>>, vector<10000x32xf32>
    tpu.vector_store %arg5[%swap3A, %swap3A_29], %mul3A_28 {strides = array<i32>} : memref<10000x32xf32, #tpu.memory_space<vmem>>, vector<10000x32xf32>,
    return
  }
}

module attributes {stable_mosaic.version = 14 : i64} {
  func.func @body(%arg0: memref<20000x32xf32, #tpu.memory_space<vmem>>, %arg1: memref<10000x32xf32, #tpu.memory_space<vmem>>, %arg2: memref<10000x1xf32, #tpu.memory_space<vmem>>, %arg3: memref<1x32xf32, #tpu.memory_space<vmem>>, %arg4: memref<1x10000xi32, #tpu.memory_space<vmem>>, %arg5: memref<32x1xf32, #tpu.memory_space<vmem>>, %arg6: memref<1x1xf32, #tpu.memory_space<vmem>>, %arg7: memref<64x1xf32, #tpu.memory_space<vmem>>) attributes {dimension_semantics = [], scalar_prefetch = 0 : i64, scratch_operands = 0 : i64, tpu.core_type = #tpu.core_type<tc>} {
    %get3A = arith.constant 0 : index
    %get3A_0 = arith.constant 0 : index
    %get3A_1 = vector.load %arg0[%get3A, %get3A_0] : memref<20000x32xf32, #tpu.memory_space<vmem>>, vector<10000x32xf32>
    %get3A_2 = arith.constant 10000 : index
    %get3A_3 = arith.constant 0 : index
    %get3A_4 = vector.load %arg0[%get3A_2, %get3A_3] : memref<20000x32xf32, #tpu.memory_space<vmem>>, vector<10000x32xf32>
    %add3A = arith.addf %get3A_1, %get3A_4 : vector<10000x32xf32>
    %get3A_5 = arith.constant 0 : index
    %get3A_6 = arith.constant 0 : index
    %get3A_7 = vector.load %arg1[%get3A_5, %get3A_6] : memref<10000x32xf32, #tpu.memory_space<vmem>>, vector<10000x32xf32>
    %add3A_8 = arith.addf %add3A, %get3A_7 : vector<10000x32xf32>
    %get3A_9 = arith.constant 0 : index
    %get3A_10 = arith.constant 0 : index
    %get3A_11 = vector.load %arg2[%get3A_9, %get3A_10] : memref<10000x1xf32, #tpu.memory_space<vmem>>, vector<10000x1xf32>
    %mul3A = vector.broadcast %get3A_11 : vector<10000x1xf32> to vector<10000x32xf32>
    %mul3A_12 = arith.mulf %add3A_8, %mul3A : vector<10000x32xf32>
    %get3A_13 = arith.constant 0 : index
    %get3A_14 = arith.constant 0 : index
    %get3A_15 = vector.load %arg3[%get3A_13, %get3A_14] : memref<1x32xf32, #tpu.memory_space<vmem>>, vector<1x32xf32>
    %add3A_16 = vector.broadcast %get3A_15 : vector<1x32xf32> to vector<10000x32xf32>
    %add3A_17 = arith.addf %mul3A_12, %add3A_16 : vector<10000x32xf32>
    %max3A = arith.constant 0.000000e+00 : f32
    %max3A_18 = vector.broadcast %max3A : f32 to vector<10000x32xf32>
    %max3A_19 = arith.maximumf %add3A_17, %max3A_18 : vector<10000x32xf32>
    %iota3A = tpu.iota {dimensions = array<i32: 0>} : vector<64x10000xi32>
    %get3A_20 = arith.constant 0 : index
    %get3A_21 = arith.constant 0 : index
    %get3A_22 = vector.load %arg4[%get3A_20, %get3A_21] : memref<1x10000xi32, #tpu.memory_space<vmem>>, vector<1x10000xi32>
    %eq3A = vector.broadcast %get3A_22 : vector<1x10000xi32> to vector<64x10000xi32>
    %eq3A_23 = arith.cmpi eq, %eq3A, %iota3A : vector<64x10000xi32>
    %convert_element_type3A = arith.extui %eq3A_23 : vector<64x10000xi1> to vector<64x10000xi32>
    %convert_element_type3A_24 = arith.sitofp %convert_element_type3A : vector<64x10000xi32> to vector<64x10000xf32>
    %dot_general3A = arith.constant dense<0.000000e+00> : vector<64x32xf32>
    %dot_general3A_25 = tpu.matmul %convert_element_type3A_24, %max3A_19, %dot_general3A {dimension_numbers = #tpu.dot_dimension_numbers<[1], [0], [0], [1], [0, 0, 1, 1], [], []>, precision = #tpu.contract_precision<fp32>, transpose_lhs_hint = false} : vector<64x10000xf32>, vector<10000x32xf32>, vector<64x32xf32> -> vector<64x32xf32>
    %reduce_sum3A = arith.constant dense<0.000000e+00> : vector<64xf32>
    %reduce_sum3A_26 = vector.multi_reduction <add>, %convert_element_type3A_24, %reduce_sum3A [1] : vector<64x10000xf32> to vector<64xf32>
    %max3A_27 = arith.constant 1.000000e+00 : f32
    %max3A_28 = vector.broadcast %max3A_27 : f32 to vector<64xf32>
    %max3A_29 = arith.maximumf %reduce_sum3A_26, %max3A_28 : vector<64xf32>
    %broadcast_in_dim3A = vector.shape_cast %max3A_29 : vector<64xf32> to vector<64x1xf32>
    %div3A = vector.broadcast %broadcast_in_dim3A : vector<64x1xf32> to vector<64x32xf32>
    %div3A_30 = arith.divf %dot_general3A_25, %div3A : vector<64x32xf32>
    %get3A_31 = arith.constant 0 : index
    %get3A_32 = arith.constant 0 : index
    %get3A_33 = vector.load %arg5[%get3A_31, %get3A_32] : memref<32x1xf32, #tpu.memory_space<vmem>>, vector<32x1xf32>
    %dot_general3A_34 = arith.constant dense<0.000000e+00> : vector<64x1xf32>
    %dot_general3A_35 = tpu.matmul %div3A_30, %get3A_33, %dot_general3A_34 {dimension_numbers = #tpu.dot_dimension_numbers<[1], [0], [0], [1], [0, 0, 1, 1], [], []>, transpose_lhs_hint = false} : vector<64x32xf32>, vector<32x1xf32>, vector<64x1xf32> -> vector<64x1xf32>
    %get3A_36 = arith.constant 0 : index
    %get3A_37 = arith.constant 0 : index
    %get3A_38 = vector.load %arg6[%get3A_36, %get3A_37] : memref<1x1xf32, #tpu.memory_space<vmem>>, vector<1x1xf32>
    %add3A_39 = vector.broadcast %get3A_38 : vector<1x1xf32> to vector<64x1xf32>
    %add3A_40 = arith.addf %dot_general3A_35, %add3A_39 : vector<64x1xf32>
    %swap3A = arith.constant 0 : index
    %swap3A_41 = arith.constant 0 : index
    %swap3A_42 = vector.load %arg7[%swap3A, %swap3A_41] : memref<64x1xf32, #tpu.memory_space<vmem>>, vector<64x1xf32>
    tpu.vector_store %arg7[%swap3A, %swap3A_41], %add3A_40 {strides = array<i32>} : memref<64x1xf32, #tpu.memory_space<vmem>>, vector<64x1xf32>,
    return
  }
}

</mosaic_0001>

<sc_bundles>
// kernel: kernel.12.cloned.1.call-start
scs
__scs_entry_jumppad:
0x0: {  	(pc) =	sbr.rel $0x88, $3  }
0x1: {  	(tag) =	ssettag $0x0;
	lr =	simm.s32 $0x1  }
0x2: {  	[smem:$0x3F94] =	sst lr;
	_ =	strace $0xD0000000  }
0x3: {  	_ = 	snop  }
0x4: {  	_ = 	snop  }
0x5: {  	_ = 	snop  }
0x6: {  	_ = 	snop  }
0x7: {  	_ = 	snop  }
__scs_overlays_trampoline_lowered:
0x8: {  	[smem:$0x3FA3] =	sst s0  }
0x9: {  	[smem:$0x3FA4] =	sst s1  }
0xa: {  	[smem:$0x3FA5] =	sst s2  }
0xb: {  	[smem:$0x3FA6] =	sst s3  }
0xc: {  	[smem:$0x3FA7] =	sst s4  }
0xd: {  	[smem:$0x3FA8] =	sst s5  }
0xe: {  	[smem:$0x3FA9] =	sst s6  }
0xf: {  	[smem:$0x3FAA] =	sst s7  }
0x10: {  	[smem:$0x3FAB] =	sst s8  }
0x11: {  	[smem:$0x3FAC] =	sst s9;
	s0 =	simm.s32 @!p0 $0x0  }
0x12: {  	s1 =	sld [smem:$0x3F92];
	s0 =	simm.s32 @p0 $0x1  }
0x13: {  	[smem:$0x3FAD] =	sst s0;
	s0 =	simm.s32 @!p1 $0x0  }
0x14: {  	s2 =	sld [smem:$0x3F91];
	s0 =	simm.s32 @p1 $0x1  }
0x15: {  	[smem:$0x3FAE] =	sst s0;
	s0 =	simm.s32 @!p2 $0x0  }
0x16: {  	s3 =	sld [smem:$0x3FDB];
	s0 =	simm.s32 @p2 $0x1  }
0x17: {  	s4 =	simm.s32 $0x1BF5;
	[smem:$0x3FB0] =	sst s0  }
0x18: {  	s0 =	sld [smem:$0x3F93];
	_ =	swait.ge [sflag:s4], $0x0  }
0x19: {  	s7 =	sld [smem:$0x3F94]  }
0x1a: {  	s8 =	sadd.s32 $0xFFFFE003, lr  }
0x1b: {  	s9 =	sadd.s32 $0xFFFFFEF7, lr;
	s5 =	simm.s32 $0xFFFFFFFF;
	p2 =	slt.u32 s8, $0xFFFFF086  }
0x1c: {  	p1 =	slt.u32 s9, $0xF7A;
	s5 =	simm.s32 @!p2 $0x0  }
0x1d: {  	s5 =	simm.s32 @p1 $0x1;
	p0 =	seq.s32 s7, s2  }
0x1e: {  	s7 =	smul.u32 @!p0 $0xF7A, s2;
	p2 =	seq.s32 @!p0 s5, $0x0  }
0x1f: {  	s9 =	smul.u32 $0xF7A, s1;
	s8 =	simm.s32 @!p0 $0x1BF5;
	p2 =	por !p2, p0  }
0x20: {  	[sflag:s8] =	ssyncset.s32 @!p0 $0xFFFFF086;
	s6 =	sadd.s32 @!p0 s3, s7;
	s7 =	simm.s32 @!p0 $0x108  }
0x21: {  	s3 =	sadd.s32 s3, s9;
	s6 =	sadd.s32 @!p0 $0x88, s6;
	s7 =	simm.s32 @p2 $0x1082  }
0x22: {  	[simem:s7], [sflag:s8] =	dma.local @!p0 [hbm:s6], $0xF7A  }
0x23: {  	s9 =	sor.u32 $0xD0000000, s2;
	s6 =	simm.s32 $0x108;
	_ =	swait.ge @!p0 [sflag:s8], $0x0  }
0x24: {  	s3 =	sadd.s32 $0x88, s3;
	s6 =	simm.s32 @!p1 $0x1082;
	[sflag:s4] =	ssyncset.s32 $0xFFFFF086  }
0x25: {  	[simem:s6], [sflag:s4] =	dma.local [hbm:s3], $0xF7A  }
0x26: {  	[smem:$0x3F94] =	sst s1;
	(tag) =	ssettag s2;
	_ =	strace s9  }
0x27: {  	s1 =	sld [smem:$0x3FA4]  }
0x28: {  	s2 =	sld [smem:$0x3FA5]  }
0x29: {  	s4 =	sld [smem:$0x3FA7]  }
0x2a: {  	p0 =	seq.s32 s5, $0x0;
	s5 =	sld [smem:$0x3FA8]  }
0x2b: {  	s6 =	sld [smem:$0x3FA9]  }
0x2c: {  	s7 =	sld [smem:$0x3FAA]  }
0x2d: {  	s3 =	simm.s32 $0x108;
	s8 =	sld [smem:$0x3FAB]  }
0x2e: {  	s3 =	simm.s32 @!p0 $0x1082;
	s9 =	sld [smem:$0x3FAC]  }
0x2f: {  	lr =	sadd.s32 s0, s3;
	s0 =	sld [smem:$0x3FA3]  }
0x30: {  	s3 =	sld [smem:$0x3FA6]  }
0x31: {  	[smem:$0x3FAF] =	sst s10  }
0x32: {  	s10 =	sld [smem:$0x3FAD];
	_ =	sdelay $0x3  }
0x33: {  	p0 =	seq.s32 s10, $0x1;
	s10 =	sld [smem:$0x3FAF];
	_ =	sdelay $0x3  }
0x34: {  	[smem:$0x3FAF] =	sst s10  }
0x35: {  	s10 =	sld [smem:$0x3FAE];
	_ =	sdelay $0x3  }
0x36: {  	p1 =	seq.s32 s10, $0x1;
	s10 =	sld [smem:$0x3FAF];
	_ =	sdelay $0x3  }
0x37: {  	[smem:$0x3FAF] =	sst s10  }
0x38: {  	s10 =	sld [smem:$0x3FB0]  }
0x39: {  	_ = 	snop;
	(pc) =	sbr.ind lr, $3  }
0x3a: {  	_ = 	snop  }
0x3b: {  	_ = 	snop  }
0x3c: {  	p2 =	seq.s32 s10, $0x1;
	s10 =	sld [smem:$0x3FAF]  }
0x3d: {  	_ =	shalt  }
0x3e: {  	_ =	shalt  }
0x3f: {  	_ =	shalt  }
0x40: {  	_ =	shalt  }
0x41: {  	_ =	shalt  }
0x42: {  	_ =	shalt  }
0x43: {  	_ =	shalt  }
0x44: {  	_ =	shalt  }
0x45: {  	_ =	shalt  }
0x46: {  	_ =	shalt  }
0x47: {  	_ =	shalt  }
0x48: {  	_ =	shalt  }
0x49: {  	_ =	shalt  }
0x4a: {  	_ =	shalt  }
0x4b: {  	_ =	shalt  }
0x4c: {  	_ =	shalt  }
0x4d: {  	_ =	shalt  }
0x4e: {  	_ =	shalt  }
0x4f: {  	_ =	shalt  }
0x50: {  	_ =	shalt  }
0x51: {  	_ =	shalt  }
0x52: {  	_ =	shalt  }
0x53: {  	_ =	shalt  }
0x54: {  	_ =	shalt  }
0x55: {  	_ =	shalt  }
0x56: {  	_ =	shalt  }
0x57: {  	_ =	shalt  }
0x58: {  	_ =	shalt  }
0x59: {  	_ =	shalt  }
0x5a: {  	_ =	shalt  }
0x5b: {  	_ =	shalt  }
0x5c: {  	_ =	shalt  }
0x5d: {  	_ =	shalt  }
0x5e: {  	_ =	shalt  }
0x5f: {  	_ =	shalt  }
0x60: {  	_ =	shalt  }
0x61: {  	_ =	shalt  }
0x62: {  	_ =	shalt  }
0x63: {  	_ =	shalt  }
0x64: {  	_ =	shalt  }
0x65: {  	_ =	shalt  }
0x66: {  	_ =	shalt  }
0x67: {  	_ =	shalt  }
0x68: {  	_ =	shalt  }
0x69: {  	_ =	shalt  }
0x6a: {  	_ =	shalt  }
0x6b: {  	_ =	shalt  }
0x6c: {  	_ =	shalt  }
0x6d: {  	_ =	shalt  }
0x6e: {  	_ =	shalt  }
0x6f: {  	_ =	shalt  }
0x70: {  	_ =	shalt  }
0x71: {  	_ =	shalt  }
0x72: {  	_ =	shalt  }
0x73: {  	_ =	shalt  }
0x74: {  	_ =	shalt  }
0x75: {  	_ =	shalt  }
0x76: {  	_ =	shalt  }
0x77: {  	_ =	shalt  }
0x78: {  	_ =	shalt  }
0x79: {  	_ =	shalt  }
0x7a: {  	_ =	shalt  }
0x7b: {  	_ =	shalt  }
0x7c: {  	_ =	shalt  }
0x7d: {  	_ =	shalt  }
0x7e: {  	_ =	shalt  }
0x7f: {  	_ =	shalt  }
0x80: {  	_ =	shalt  }
0x81: {  	_ =	shalt  }
0x82: {  	_ =	shalt  }
0x83: {  	_ =	shalt  }
0x84: {  	_ =	shalt  }
0x85: {  	_ =	shalt  }
0x86: {  	_ =	shalt  }
0x87: {  	_ =	shalt  }
.Lfunc_end0:
.L_simem_size_0:
called_computation_lowered:
.L_overlay_start_0:
0x88: {  	s2 =	sld [smem:$0x3FD9]  }
0x89: {  	s3 =	sld [smem:$0x3FFE];
	_ =	sdelay $0x1  }
0x8a: {  	s1 =	srdreg.scid  }
0x8b: {  	s0 =	sand.u32 $0x1, s1  }
0x8c: {  	s16 =	sshll.u32 s0, $0xA;
	s2 =	sadd.s32 s3, s2  }
0x8d: {  	s2 =	sadd.s32 s2, s16  }
0x8e: {  	[smem:$0x3FBB] =	sst s2  }
0x8f: {  	_ = 	snop  }
0x90: {  	(tm) =	ssettm $0x1  }
0x91: {  	s17 =	sld [smem:$0x3FFB];
	_ =	sdelay $0x3  }
0x92: {  	_ =	strace s17  }
0x93: {  	s2 =	sld [smem:$0x3FFC];
	_ =	sdelay $0x3  }
0x94: {  	_ =	strace s2  }
0x95: {  	s2 =	sld [smem:$0x3FFD];
	_ =	sdelay $0x3  }
0x96: {  	_ =	strace s2  }
0x97: {  	_ =	strace $0x8FFFFFFF  }
0x98: {  	s18 =	sld [smem:$0x3FDB];
	_ =	sdelay $0x1  }
0x99: {  	s19 =	simm.s32 $_scs_section_size  }
0x9a: {  	s4 =	simm.s32 $_size__tile_overlayer_lowered;
	s5 =	simm.s32 $_tile_overlayer_lowered  }
0x9b: {  	s22 =	simm.s32 $0x1BFF;
	s21 =	sshll.u32 s5, $0x1;
	s2 =	sadd.s32 s19, s18  }
0x9c: {  	s6 =	simm.s32 $0x0;
	s20 =	sshll.u32 s4, $0x1;
	s4 =	sadd.s32 s21, s2  }
0x9d: {  	[timem:s6], [sflag:s22] =	dma.local [hbm:s4], s20  }
0x9e: {  	_ =	swait.ge [sflag:s22], s20  }
0x9f: {  	s3 =	ssub.s32 $0x0, s20;
	[sflag:s22] =	ssyncset.done $0x0  }
0xa0: {  	[sflag:s22] =	ssyncadd.s32 s3;
	_ =	sdelay $0x1  }
0xa1: {  	s23 =	simm.s32 $0x1B8B  }
0xa2: {  	_ =	swait.ge [sflag:s23], $0x1  }
0xa3: {  	[sflag:s23] =	ssyncset.done $0x0  }
0xa4: {  	s25 =	simm.s32 $0x1B8E;
	s24 =	sld [smem:$0x3FFE];
	[sflag:s23] =	ssyncadd.s32 $0xFFFFFFFF  }
0xa5: {  	s26 =	simm.s32 $execute0_lowered;
	[smem:$0x3FD2] =	sst s25  }
0xa6: {  	s4 =	sshll.u32 s26, $0x1;
	_ =	strace $0x80000046;
	[dreg:$0x1] =	wrdreg $0xFFFFFFFF  }
0xa7: {  	s28 =	simm.s32 $_size_execute0_lowered;
	s2 =	sadd.s32 s2, s4;
	[dreg:$0x0] =	wrdreg $0x0  }
0xa8: {  	s4 =	sshll.u32 s28, $0x1;
	[dreg:$0x2] =	wrdreg s2  }
0xa9: {  	[dreg:$0x3] =	wrdreg s4  }
0xaa: {  	[dreg:$0x4] =	wrdreg $0xC0  }
0xab: {  	_ =	task [dreg:s6], $0x5FFFF  }
0xac: {  	[dreg:$0x1] =	wrdreg $0xFFFFFFFF  }
0xad: {  	[dreg:$0x0] =	wrdreg $0x60  }
0xae: {  	[dreg:$0x2] =	wrdreg s24  }
0xaf: {  	[dreg:$0x3] =	wrdreg $0x27B00  }
0xb0: {  	[dreg:$0x4] =	wrdreg $0x9  }
0xb1: {  	_ =	task.clear_ibuf [dreg:s6], $0x5FFFF;
	_ =	strace $0x90000046  }
0xb2: {  	s29 =	simm.s32 $0x9;
	_ =	strace $0x80000048  }
0xb3: {  	_ =	swait.ge [sflag:s29], $0x1  }
0xb4: {  	[sflag:s29] =	ssyncadd.s32 $0xFFFFFFFF  }
0xb5: {  	_ =	strace $0x90000048  }
0xb6: {  	_ =	sfence  }
0xb7: {  	s30 =	sld [smem:$0x0];
	_ =	sdelay $0x2  }
0xb8: {  	s31 =	sshll.u32 s1, $0xD;
	s1 =	sshrl.u32 s1, $0x2  }
0xb9: {  	s3 =	sand.u32 $0x4000, s31;
	s1 =	sadd.s32 s1, s30  }
0xba: {  	s0 =	sor.u32 s3, s0;
	s1 =	sshll.u32 s1, $0x11  }
0xbb: {  	s0 =	sor.u32 s1, s0  }
0xbc: {  	s0 =	sadd.s32 $0x8F2B, s0  }
0xbd: {  	[sflag:s0] =	ssyncadd.remote.s32 $0x1  }
0xbe: {  	_ =	sfence.sel $0xFFFF  }
0xbf: {  	[dreg:$0x0] =	wrdreg $0xFFFFFFFF;
	(pc) =	sbr.abs _section_cstart, $3  }
0xc0: {  	[dreg:$0x1] =	wrdreg $0xFFFFFFFF  }
0xc1: {  	_ =	task.clear_ibuf [dreg:s6], $0x2FFFF;
	_ =	strace $0x9FFFFFFF  }
0xc2: {  	(tm) =	ssettm $0x7FFFFFFF  }
0xc3: {  	_ =	shalt  }
tec
execute0_lowered:
.L_overlay_start_1:
0x0: {  	(tag) =	ssettag $0x1  }
0x1: {  	s0 =	srdreg.scid  }
0x2: {  	s12 =	stileid.u32;
	s0 =	sand.u32 $0x1, s0  }
0x3: {  	s6 =	sor.u32 $0x10, s12;
	s8 =	smul.u32 $0x2710, s0  }
0x4: {  	s15 =	sor.u32 $0x20, s12;
	s14 =	smul.u32 $0x140, s6  }
0x5: {  	s1 =	sshll.u32 s0, $0x4;
	s21 =	ssub.s32 $0x2, s0;
	s0 =	smul.u32 $0x50, s12  }
0x6: {  	s16 =	sor.u32 $0x30, s12;
	s24 =	smul.u32 $0x50, s15  }
0x7: {  	s17 =	sor.u32 $0x40, s12;
	s25 =	smul.u32 $0x50, s16  }
0x8: {  	s18 =	sor.u32 $0x50, s12;
	s26 =	smul.u32 $0x50, s17  }
0x9: {  	s19 =	sor.u32 $0x60, s12;
	s28 =	smul.u32 $0x50, s18  }
0xa: {  	s20 =	sor.u32 $0x70, s12;
	s29 =	smul.u32 $0x50, s19  }
0xb: {  	s30 =	smul.u32 $0x50, s20  }
0xc: {  	s3 =	rddreg [dreg:$0x0];
	s31 =	simm.s32 $0x2760;
	s19 =	smul.u32 $0x140, s19  }
0xd: {  	p0 =	sgt.u32 s20, $0x7C;
	s1 =	sor.u32 s12, s1;
	s5 =	sshrl.u32 s21, $0x1  }
0xe: {  	s2 =	smul.u32 $0x4E2, s1;
	s1 =	simm.s32 $0x0;
	s5 =	ssub.s32 s21, s5  }
0xf: {  	s22 =	sadd.s32 s8, s0;
	s10 =	sadd.s32 s8, s24;
	s9 =	sadd.s32 s8, s25  }
0x10: {  	[smem:$0x7FF] =	sst s1;
	s9 =	sshrl.u32 s9, $0x3;
	s4 =	sadd.s32 s2, s3  }
0x11: {  	s3 =	sadd.s32 $0x16A00, s3;
	s2 =	smul.u32 $0x50, s6;
	s6 =	sshrl.u32 s22, $0x3  }
0x12: {  	s6 =	sadd.s32 s3, s6;
	s13 =	sadd.s32 s3, s9;
	s9 =	rddreg [dreg:$0x1]  }
0x13: {  	s21 =	sadd.s32 s8, s26;
	s22 =	sadd.s32 s8, s28;
	[dreg:$0x3] =	wrdreg s6  }
0x14: {  	s7 =	sadd.s32 s8, s2;
	[dreg:$0x6] =	wrdreg s13;
	s13 =	smax.u32 s5, $0x1  }
0x15: {  	s24 =	sadd.s32 s24, s9;
	s25 =	sadd.s32 s25, s9;
	s26 =	sadd.s32 s26, s9  }
0x16: {  	s28 =	sadd.s32 s28, s9;
	s23 =	sshrl.u32 s7, $0x3;
	s7 =	sshrl.u32 s10, $0x3  }
0x17: {  	s6 =	sadd.s32 s3, s23;
	s11 =	sadd.s32 s3, s7;
	s7 =	sshrl.u32 s22, $0x3  }
0x18: {  	s23 =	sadd.s32 s8, s29;
	s8 =	sadd.s32 s8, s30;
	s22 =	smul.u32 $0x140, s17  }
0x19: {  	s29 =	sadd.s32 s29, s9;
	s30 =	sadd.s32 s30, s9;
	[dreg:$0x4] =	wrdreg s6  }
0x1a: {  	[dreg:$0x5] =	wrdreg s11;
	s6 =	sshrl.u32 s21, $0x3;
	s7 =	sadd.s32 s3, s7  }
0x1b: {  	s10 =	sshrl.u32 s23, $0x3;
	s8 =	sshrl.u32 s8, $0x3;
	s21 =	smul.u32 $0x140, s16  }
0x1c: {  	s6 =	sadd.s32 s3, s6;
	s10 =	sadd.s32 s3, s10;
	s11 =	sadd.s32 s3, s8  }
0x1d: {  	s8 =	smul.u32 $0x140, s15;
	s15 =	sshrl.u32 s14, $0x2;
	[dreg:$0x7] =	wrdreg s6  }
0x1e: {  	s6 =	smul.u32 $0x140, s12;
	s12 =	sadd.s32 $0xCC00, s4;
	s15 =	sadd.s32 s15, s9  }
0x1f: {  	s23 =	sshrl.u32 s21, $0x2;
	s21 =	smul.u32 $0x140, s20;
	_ =	strace $0x80000047  }
0x20: {  	s4 =	sshrl.u32 s8, $0x2;
	s17 =	sadd.s32 s23, s9;
	s8 =	simm.s32 $0x1  }
0x21: {  	s3 =	sshrl.u32 s6, $0x2;
	s6 =	smul.u32 $0x140, s18;
	s16 =	sadd.s32 s4, s9  }
0x22: {  	s4 =	sshrl.u32 s19, $0x2;
	s23 =	sshrl.u32 s21, $0x2;
	s14 =	sadd.s32 s3, s9  }
0x23: {  	s3 =	sshrl.u32 s22, $0x2;
	s20 =	sadd.s32 s4, s9;
	s21 =	sadd.s32 s23, s9  }
0x24: {  	s23 =	sadd.s32 s2, s9;
	s2 =	simm.s32 $0x2710;
	s4 =	simm.s32 $0x0  }
0x25: {  	s18 =	sadd.s32 s3, s9;
	s22 =	sshrl.u32 s6, $0x2;
	s3 =	simm.s32 $0x2  }
0x26: {  	v0 =	vimm.f32 $1.000000000e+00;
	v1 =	vimm.f32 $0.0e+00;
	s19 =	sadd.s32 s22, s9;
	s22 =	sadd.s32 s0, s9;
	s0 =	simm.s32 $0x50  }
.LBB2_1:
0x27: {  	[tilespmem:$0x2710] =	vst v0  }
0x28: {  	[tilespmem:$0x2760] =	vst v1  }
0x29: {  	[tilespmem:$0x2720] =	vst v0  }
0x2a: {  	[tilespmem:$0x2770] =	vst v1  }
0x2b: {  	[tilespmem:$0x2730] =	vst v0  }
0x2c: {  	[tilespmem:$0x2780] =	vst v1  }
0x2d: {  	[tilespmem:$0x2740] =	vst v0  }
0x2e: {  	[tilespmem:$0x2790] =	vst v1  }
0x2f: {  	[tilespmem:$0x2750] =	vst v0  }
0x30: {  	[tilespmem:$0x27A0] =	vst v1  }
0x31: {  	[spmem:s14] =	stream.linear.scatter [tilespmem:s31], [sflag:$0x1], $0x50, $0x38;
	[tilespmem:$0x2A28] =	vst v63  }
0x32: {  	_ =	swait.ge [sflag:s8], $0x50  }
0x33: {  	[sflag:s8] =	ssyncset.done $0x0  }
0x34: {  	[sflag:s8] =	ssyncadd.s32 $0xFFFFFFB0  }
0x35: {  	[spmem:s15] =	stream.linear.scatter [tilespmem:s31], [sflag:$0x1], $0x50, $0x38;
	[tilespmem:$0x2A28] =	vst v63  }
0x36: {  	_ =	swait.ge [sflag:s8], $0x50  }
0x37: {  	[sflag:s8] =	ssyncset.done $0x0  }
0x38: {  	[sflag:s8] =	ssyncadd.s32 $0xFFFFFFB0  }
0x39: {  	[spmem:s16] =	stream.linear.scatter [tilespmem:s31], [sflag:$0x1], $0x50, $0x38;
	[tilespmem:$0x2A28] =	vst v63  }
0x3a: {  	_ =	swait.ge [sflag:s8], $0x50  }
0x3b: {  	[sflag:s8] =	ssyncset.done $0x0  }
0x3c: {  	[sflag:s8] =	ssyncadd.s32 $0xFFFFFFB0  }
0x3d: {  	[spmem:s17] =	stream.linear.scatter [tilespmem:s31], [sflag:$0x1], $0x50, $0x38;
	[tilespmem:$0x2A28] =	vst v63  }
0x3e: {  	_ =	swait.ge [sflag:s8], $0x50  }
0x3f: {  	[sflag:s8] =	ssyncset.done $0x0  }
0x40: {  	[sflag:s8] =	ssyncadd.s32 $0xFFFFFFB0  }
0x41: {  	[spmem:s18] =	stream.linear.scatter [tilespmem:s31], [sflag:$0x1], $0x50, $0x38;
	[tilespmem:$0x2A28] =	vst v63  }
0x42: {  	_ =	swait.ge [sflag:s8], $0x50  }
0x43: {  	[sflag:s8] =	ssyncset.done $0x0  }
0x44: {  	[sflag:s8] =	ssyncadd.s32 $0xFFFFFFB0  }
0x45: {  	[spmem:s19] =	stream.linear.scatter [tilespmem:s31], [sflag:$0x1], $0x50, $0x38;
	[tilespmem:$0x2A28] =	vst v63  }
0x46: {  	_ =	swait.ge [sflag:s8], $0x50  }
0x47: {  	[sflag:s8] =	ssyncset.done $0x0  }
0x48: {  	[sflag:s8] =	ssyncadd.s32 $0xFFFFFFB0  }
0x49: {  	[spmem:s20] =	stream.linear.scatter [tilespmem:s31], [sflag:$0x1], $0x50, $0x38;
	[tilespmem:$0x2A28] =	vst v63  }
0x4a: {  	_ =	swait.ge [sflag:s8], $0x50  }
0x4b: {  	[sflag:s8] =	ssyncset.done $0x0  }
0x4c: {  	s5 =	simm.s32 @!p0 $0x2760;
	[sflag:s8] =	ssyncadd.s32 $0xFFFFFFB0  }
0x4d: {  	[spmem:s21] =	stream.linear.scatter @!p0 [tilespmem:s5], [sflag:$0x1], $0x50, $0x38;
	[tilespmem:$0x2A28] =	vst v63  }
0x4e: {  	s5 =	simm.s32 @!p0 $0x1  }
0x4f: {  	_ =	swait.ge @!p0 [sflag:s5], $0x50  }
0x50: {  	[sflag:s5] =	ssyncset.done @!p0 $0x0  }
0x51: {  	[sflag:s5] =	ssyncadd.s32 @!p0 $0xFFFFFFB0  }
0x52: {  	[tilespmem:s1], [sflag:$0x1] =	stream.linear.gather [hbm4b:s12+s1], $0x2710, $0x38;
	[tilespmem:$0x2A28] =	vst v63  }
0x53: {  	_ =	swait.ge [sflag:s8], $0x2710  }
0x54: {  	[sflag:s8] =	ssyncset.done $0x0  }
0x55: {  	[sflag:s8] =	ssyncadd.s32 $0xFFFFD8F0  }
0x56: {  	s6 =	simm.s32 $0x0;
	[bflag:$0x0] =	sbarrier.arrive $0xFFFF  }
0x57: {  	[spmem:s9] =	stream.indirect.scatter.add.f32 [tilespmem:s2], [sflag:$0x1], $0x1, s6, s0, $0xb8;
	[tilespmem:$0x2A28] =	vst v63  }
0x58: {  	_ =	swait.ge [sflag:s8], $0x50  }
0x59: {  	s5 =	simm.s32 $0x140;
	[sflag:s8] =	ssyncset.done $0x0  }
.LBB2_2:
0x5a: {  	s6 =	sshra.s32 s5, $0x2;
	[sflag:s8] =	ssyncadd.s32 $0xFFFFFFB0;
	p1 =	sne.s32 s5, $0x9B00  }
0x5b: {  	[spmem:s9] =	stream.indirect.scatter.add.f32 [tilespmem:s2], [sflag:$0x1], $0x1, s6, s0, $0xb8;
	[tilespmem:$0x2A28] =	vst v63  }
.Ltmp0:
0x5c: {  	_ = 	snop;
	(pc) =	sbr.rel @p1 .LBB2_2-.Ltmp0, $4  }
0x5d: {  	_ = 	snop  }
0x5e: {  	s5 =	sadd.s32 $0x140, s5  }
0x5f: {  	_ =	swait.ge [sflag:s8], $0x50  }
0x60: {  	[sflag:s8] =	ssyncset.done $0x0  }
0x61: {  	[sflag:s8] =	ssyncadd.s32 $0xFFFFFFB0  }
0x62: {  	[bflag:$0x0] =	sbarrier.arrive $0xFFFF  }
0x63: {  	[tilespmem:s31], [sflag:$0x2] =	stream.linear.gather [spmem:s22], $0x50, $0x38;
	[tilespmem:$0x2A28] =	vst v63  }
0x64: {  	_ =	swait.ge [sflag:s3], $0x50  }
0x65: {  	[sflag:s3] =	ssyncset.done $0x0  }
0x66: {  	s5 =	rddreg [dreg:$0x3];
	[sflag:s3] =	ssyncadd.s32 $0xFFFFFFB0  }
0x67: {  	[hbm4b:s5+s1] =	stream.linear.scatter [tilespmem:s31], [sflag:$0x1], $0x50, $0x38;
	[tilespmem:$0x2A28] =	vst v63  }
0x68: {  	_ =	swait.ge [sflag:s8], $0x50  }
0x69: {  	[sflag:s8] =	ssyncset.done $0x0  }
0x6a: {  	[sflag:s8] =	ssyncadd.s32 $0xFFFFFFB0  }
0x6b: {  	[tilespmem:s31], [sflag:$0x2] =	stream.linear.gather [spmem:s23], $0x50, $0x38;
	[tilespmem:$0x2A28] =	vst v63  }
0x6c: {  	_ =	swait.ge [sflag:s3], $0x50  }
0x6d: {  	[sflag:s3] =	ssyncset.done $0x0  }
0x6e: {  	s6 =	rddreg [dreg:$0x4];
	[sflag:s3] =	ssyncadd.s32 $0xFFFFFFB0  }
0x6f: {  	[hbm4b:s6+s1] =	stream.linear.scatter [tilespmem:s31], [sflag:$0x1], $0x50, $0x38;
	[tilespmem:$0x2A28] =	vst v63  }
0x70: {  	_ =	swait.ge [sflag:s8], $0x50  }
0x71: {  	[sflag:s8] =	ssyncset.done $0x0  }
0x72: {  	[sflag:s8] =	ssyncadd.s32 $0xFFFFFFB0  }
0x73: {  	[tilespmem:s31], [sflag:$0x2] =	stream.linear.gather [spmem:s24], $0x50, $0x38;
	[tilespmem:$0x2A28] =	vst v63  }
0x74: {  	_ =	swait.ge [sflag:s3], $0x50  }
0x75: {  	[sflag:s3] =	ssyncset.done $0x0  }
0x76: {  	s6 =	rddreg [dreg:$0x5];
	[sflag:s3] =	ssyncadd.s32 $0xFFFFFFB0  }
0x77: {  	[hbm4b:s6+s1] =	stream.linear.scatter [tilespmem:s31], [sflag:$0x1], $0x50, $0x38;
	[tilespmem:$0x2A28] =	vst v63  }
0x78: {  	_ =	swait.ge [sflag:s8], $0x50  }
0x79: {  	[sflag:s8] =	ssyncset.done $0x0  }
0x7a: {  	[sflag:s8] =	ssyncadd.s32 $0xFFFFFFB0  }
0x7b: {  	[tilespmem:s31], [sflag:$0x2] =	stream.linear.gather [spmem:s25], $0x50, $0x38;
	[tilespmem:$0x2A28] =	vst v63  }
0x7c: {  	_ =	swait.ge [sflag:s3], $0x50  }
0x7d: {  	[sflag:s3] =	ssyncset.done $0x0  }
0x7e: {  	s6 =	rddreg [dreg:$0x6];
	[sflag:s3] =	ssyncadd.s32 $0xFFFFFFB0  }
0x7f: {  	[hbm4b:s6+s1] =	stream.linear.scatter [tilespmem:s31], [sflag:$0x1], $0x50, $0x38;
	[tilespmem:$0x2A28] =	vst v63  }
0x80: {  	_ =	swait.ge [sflag:s8], $0x50  }
0x81: {  	[sflag:s8] =	ssyncset.done $0x0  }
0x82: {  	[sflag:s8] =	ssyncadd.s32 $0xFFFFFFB0  }
0x83: {  	[tilespmem:s31], [sflag:$0x2] =	stream.linear.gather [spmem:s26], $0x50, $0x38;
	[tilespmem:$0x2A28] =	vst v63  }
0x84: {  	_ =	swait.ge [sflag:s3], $0x50  }
0x85: {  	[sflag:s3] =	ssyncset.done $0x0  }
0x86: {  	s6 =	rddreg [dreg:$0x7];
	[sflag:s3] =	ssyncadd.s32 $0xFFFFFFB0  }
0x87: {  	[hbm4b:s6+s1] =	stream.linear.scatter [tilespmem:s31], [sflag:$0x1], $0x50, $0x38;
	[tilespmem:$0x2A28] =	vst v63  }
0x88: {  	_ =	swait.ge [sflag:s8], $0x50  }
0x89: {  	[sflag:s8] =	ssyncset.done $0x0  }
0x8a: {  	[sflag:s8] =	ssyncadd.s32 $0xFFFFFFB0  }
0x8b: {  	[tilespmem:s31], [sflag:$0x2] =	stream.linear.gather [spmem:s28], $0x50, $0x38;
	[tilespmem:$0x2A28] =	vst v63  }
0x8c: {  	_ =	swait.ge [sflag:s3], $0x50  }
0x8d: {  	[sflag:s3] =	ssyncset.done $0x0  }
0x8e: {  	[sflag:s3] =	ssyncadd.s32 $0xFFFFFFB0  }
0x8f: {  	[hbm4b:s7+s1] =	stream.linear.scatter [tilespmem:s31], [sflag:$0x1], $0x50, $0x38;
	[tilespmem:$0x2A28] =	vst v63  }
0x90: {  	_ =	swait.ge [sflag:s8], $0x50  }
0x91: {  	[sflag:s8] =	ssyncset.done $0x0  }
0x92: {  	[sflag:s8] =	ssyncadd.s32 $0xFFFFFFB0  }
0x93: {  	[tilespmem:s31], [sflag:$0x2] =	stream.linear.gather [spmem:s29], $0x50, $0x38;
	[tilespmem:$0x2A28] =	vst v63  }
0x94: {  	_ =	swait.ge [sflag:s3], $0x50  }
0x95: {  	[sflag:s3] =	ssyncset.done $0x0  }
0x96: {  	[sflag:s3] =	ssyncadd.s32 $0xFFFFFFB0  }
0x97: {  	[hbm4b:s10+s1] =	stream.linear.scatter [tilespmem:s31], [sflag:$0x1], $0x50, $0x38;
	[tilespmem:$0x2A28] =	vst v63  }
0x98: {  	_ =	swait.ge [sflag:s8], $0x50  }
0x99: {  	[sflag:s8] =	ssyncset.done $0x0  }
0x9a: {  	s5 =	simm.s32 @!p0 $0x2760;
	s6 =	simm.s32 @!p0 $0x2;
	[sflag:s8] =	ssyncadd.s32 $0xFFFFFFB0  }
0x9b: {  	[tilespmem:s5], [sflag:$0x2] =	stream.linear.gather @!p0 [spmem:s30], $0x50, $0x38;
	[tilespmem:$0x2A28] =	vst v63  }
0x9c: {  	_ =	swait.ge @!p0 [sflag:s6], $0x50  }
0x9d: {  	s4 =	sadd.s32 $0x1, s4;
	[sflag:s6] =	ssyncset.done @!p0 $0x0  }
0x9e: {  	p1 =	sne.s32 s4, s13;
	[sflag:s6] =	ssyncadd.s32 @!p0 $0xFFFFFFB0;
	s6 =	simm.s32 @!p0 $0x0  }
0x9f: {  	[hbm4b:s11+s6] =	stream.linear.scatter @!p0 [tilespmem:s5], [sflag:$0x1], $0x50, $0x38;
	[tilespmem:$0x2A28] =	vst v63  }
.Ltmp1:
0xa0: {  	_ = 	snop;
	(pc) =	sbr.rel @p1 .LBB2_1-.Ltmp1, $4  }
0xa1: {  	s5 =	simm.s32 @!p0 $0x1  }
0xa2: {  	_ =	swait.ge @!p0 [sflag:s5], $0x50  }
0xa3: {  	[sflag:s5] =	ssyncset.done @!p0 $0x0  }
0xa4: {  	[sflag:s5] =	ssyncadd.s32 @!p0 $0xFFFFFFB0  }
0xa5: {  	_ =	sfence.sel $0x180000  }
0xa6: {  	[bflag:$0x0] =	sbarrier.arrive $0xFFFF  }
0xa7: {  	_ =	strace $0x90000047  }
0xa8: {  	s0 =	stileid.u32;
	[bflag:$0x2] =	sbarrier.arrive $0xFFFF  }
0xa9: {  	p0 =	sne.s32 s0, $0x0;
	s0 =	rddreg [dreg:$0x2]  }
0xaa: {  	s0 =	sadd.s32 @!p0 $0x100000, s0  }
0xab: {  	[sflag:s0] =	ssyncadd.tile.s32 @!p0 $0x1;
	_ =	shalt  }
.Lfunc_end2:
_tile_overlayer_lowered:
.L_overlay_start_2:
0xac: {  	(tag) =	ssettag $0x2  }
0xad: {  	s0 =	rddreg [dreg:$0x0];
	s2 =	stileid.u32  }
0xae: {  	s1 =	rddreg [dreg:$0x1];
	p0 =	sne.s32 s2, $0x0  }
0xaf: {  	s3 =	rddreg [dreg:$0x2];
	[bflag:$0x3] =	sbarrier.arrive $0xFFFF;
	s2 =	simm.s32 @!p0 $0x1C01  }
0xb0: {  	[timem:s3], [sflag:s2] =	dma.local @!p0 [hbm:s0], s1  }
0xb1: {  	s0 =	simm.s32 @!p0 $0x1  }
0xb2: {  	_ =	swait.ge @!p0 [sflag:s0], s1  }
0xb3: {  	s1 =	ssub.s32 @!p0 $0x0, s1;
	[sflag:s0] =	ssyncset.done @!p0 $0x0  }
0xb4: {  	[sflag:s0] =	ssyncadd.s32 @!p0 s1  }
0xb5: {  	[bflag:$0x3] =	sbarrier.arrive $0xFFFF  }
0xb6: {  	_ =	shalt  }

// kernel: kernel.15.cloned.1.call-start
scs
__scs_entry_jumppad:
0x0: {  	(pc) =	sbr.rel $0x88, $3  }
0x1: {  	(tag) =	ssettag $0x0;
	lr =	simm.s32 $0x1  }
0x2: {  	[smem:$0x3F94] =	sst lr;
	_ =	strace $0xD0000000  }
0x3: {  	_ = 	snop  }
0x4: {  	_ = 	snop  }
0x5: {  	_ = 	snop  }
0x6: {  	_ = 	snop  }
0x7: {  	_ = 	snop  }
__scs_overlays_trampoline_lowered:
0x8: {  	[smem:$0x3FA3] =	sst s0  }
0x9: {  	[smem:$0x3FA4] =	sst s1  }
0xa: {  	[smem:$0x3FA5] =	sst s2  }
0xb: {  	[smem:$0x3FA6] =	sst s3  }
0xc: {  	[smem:$0x3FA7] =	sst s4  }
0xd: {  	[smem:$0x3FA8] =	sst s5  }
0xe: {  	[smem:$0x3FA9] =	sst s6  }
0xf: {  	[smem:$0x3FAA] =	sst s7  }
0x10: {  	[smem:$0x3FAB] =	sst s8  }
0x11: {  	[smem:$0x3FAC] =	sst s9;
	s0 =	simm.s32 @!p0 $0x0  }
0x12: {  	s1 =	sld [smem:$0x3F92];
	s0 =	simm.s32 @p0 $0x1  }
0x13: {  	[smem:$0x3FAD] =	sst s0;
	s0 =	simm.s32 @!p1 $0x0  }
0x14: {  	s2 =	sld [smem:$0x3F91];
	s0 =	simm.s32 @p1 $0x1  }
0x15: {  	[smem:$0x3FAE] =	sst s0;
	s0 =	simm.s32 @!p2 $0x0  }
0x16: {  	s3 =	sld [smem:$0x3FDB];
	s0 =	simm.s32 @p2 $0x1  }
0x17: {  	s4 =	simm.s32 $0x1BF5;
	[smem:$0x3FB0] =	sst s0  }
0x18: {  	s0 =	sld [smem:$0x3F93];
	_ =	swait.ge [sflag:s4], $0x0  }
0x19: {  	s7 =	sld [smem:$0x3F94]  }
0x1a: {  	s8 =	sadd.s32 $0xFFFFE003, lr  }
0x1b: {  	s9 =	sadd.s32 $0xFFFFFEF7, lr;
	s5 =	simm.s32 $0xFFFFFFFF;
	p2 =	slt.u32 s8, $0xFFFFF086  }
0x1c: {  	p1 =	slt.u32 s9, $0xF7A;
	s5 =	simm.s32 @!p2 $0x0  }
0x1d: {  	s5 =	simm.s32 @p1 $0x1;
	p0 =	seq.s32 s7, s2  }
0x1e: {  	s7 =	smul.u32 @!p0 $0xF7A, s2;
	p2 =	seq.s32 @!p0 s5, $0x0  }
0x1f: {  	s9 =	smul.u32 $0xF7A, s1;
	s8 =	simm.s32 @!p0 $0x1BF5;
	p2 =	por !p2, p0  }
0x20: {  	[sflag:s8] =	ssyncset.s32 @!p0 $0xFFFFF086;
	s6 =	sadd.s32 @!p0 s3, s7;
	s7 =	simm.s32 @!p0 $0x108  }
0x21: {  	s3 =	sadd.s32 s3, s9;
	s6 =	sadd.s32 @!p0 $0x88, s6;
	s7 =	simm.s32 @p2 $0x1082  }
0x22: {  	[simem:s7], [sflag:s8] =	dma.local @!p0 [hbm:s6], $0xF7A  }
0x23: {  	s9 =	sor.u32 $0xD0000000, s2;
	s6 =	simm.s32 $0x108;
	_ =	swait.ge @!p0 [sflag:s8], $0x0  }
0x24: {  	s3 =	sadd.s32 $0x88, s3;
	s6 =	simm.s32 @!p1 $0x1082;
	[sflag:s4] =	ssyncset.s32 $0xFFFFF086  }
0x25: {  	[simem:s6], [sflag:s4] =	dma.local [hbm:s3], $0xF7A  }
0x26: {  	[smem:$0x3F94] =	sst s1;
	(tag) =	ssettag s2;
	_ =	strace s9  }
0x27: {  	s1 =	sld [smem:$0x3FA4]  }
0x28: {  	s2 =	sld [smem:$0x3FA5]  }
0x29: {  	s4 =	sld [smem:$0x3FA7]  }
0x2a: {  	p0 =	seq.s32 s5, $0x0;
	s5 =	sld [smem:$0x3FA8]  }
0x2b: {  	s6 =	sld [smem:$0x3FA9]  }
0x2c: {  	s7 =	sld [smem:$0x3FAA]  }
0x2d: {  	s3 =	simm.s32 $0x108;
	s8 =	sld [smem:$0x3FAB]  }
0x2e: {  	s3 =	simm.s32 @!p0 $0x1082;
	s9 =	sld [smem:$0x3FAC]  }
0x2f: {  	lr =	sadd.s32 s0, s3;
	s0 =	sld [smem:$0x3FA3]  }
0x30: {  	s3 =	sld [smem:$0x3FA6]  }
0x31: {  	[smem:$0x3FAF] =	sst s10  }
0x32: {  	s10 =	sld [smem:$0x3FAD];
	_ =	sdelay $0x3  }
0x33: {  	p0 =	seq.s32 s10, $0x1;
	s10 =	sld [smem:$0x3FAF];
	_ =	sdelay $0x3  }
0x34: {  	[smem:$0x3FAF] =	sst s10  }
0x35: {  	s10 =	sld [smem:$0x3FAE];
	_ =	sdelay $0x3  }
0x36: {  	p1 =	seq.s32 s10, $0x1;
	s10 =	sld [smem:$0x3FAF];
	_ =	sdelay $0x3  }
0x37: {  	[smem:$0x3FAF] =	sst s10  }
0x38: {  	s10 =	sld [smem:$0x3FB0]  }
0x39: {  	_ = 	snop;
	(pc) =	sbr.ind lr, $3  }
0x3a: {  	_ = 	snop  }
0x3b: {  	_ = 	snop  }
0x3c: {  	p2 =	seq.s32 s10, $0x1;
	s10 =	sld [smem:$0x3FAF]  }
0x3d: {  	_ =	shalt  }
0x3e: {  	_ =	shalt  }
0x3f: {  	_ =	shalt  }
0x40: {  	_ =	shalt  }
0x41: {  	_ =	shalt  }
0x42: {  	_ =	shalt  }
0x43: {  	_ =	shalt  }
0x44: {  	_ =	shalt  }
0x45: {  	_ =	shalt  }
0x46: {  	_ =	shalt  }
0x47: {  	_ =	shalt  }
0x48: {  	_ =	shalt  }
0x49: {  	_ =	shalt  }
0x4a: {  	_ =	shalt  }
0x4b: {  	_ =	shalt  }
0x4c: {  	_ =	shalt  }
0x4d: {  	_ =	shalt  }
0x4e: {  	_ =	shalt  }
0x4f: {  	_ =	shalt  }
0x50: {  	_ =	shalt  }
0x51: {  	_ =	shalt  }
0x52: {  	_ =	shalt  }
0x53: {  	_ =	shalt  }
0x54: {  	_ =	shalt  }
0x55: {  	_ =	shalt  }
0x56: {  	_ =	shalt  }
0x57: {  	_ =	shalt  }
0x58: {  	_ =	shalt  }
0x59: {  	_ =	shalt  }
0x5a: {  	_ =	shalt  }
0x5b: {  	_ =	shalt  }
0x5c: {  	_ =	shalt  }
0x5d: {  	_ =	shalt  }
0x5e: {  	_ =	shalt  }
0x5f: {  	_ =	shalt  }
0x60: {  	_ =	shalt  }
0x61: {  	_ =	shalt  }
0x62: {  	_ =	shalt  }
0x63: {  	_ =	shalt  }
0x64: {  	_ =	shalt  }
0x65: {  	_ =	shalt  }
0x66: {  	_ =	shalt  }
0x67: {  	_ =	shalt  }
0x68: {  	_ =	shalt  }
0x69: {  	_ =	shalt  }
0x6a: {  	_ =	shalt  }
0x6b: {  	_ =	shalt  }
0x6c: {  	_ =	shalt  }
0x6d: {  	_ =	shalt  }
0x6e: {  	_ =	shalt  }
0x6f: {  	_ =	shalt  }
0x70: {  	_ =	shalt  }
0x71: {  	_ =	shalt  }
0x72: {  	_ =	shalt  }
0x73: {  	_ =	shalt  }
0x74: {  	_ =	shalt  }
0x75: {  	_ =	shalt  }
0x76: {  	_ =	shalt  }
0x77: {  	_ =	shalt  }
0x78: {  	_ =	shalt  }
0x79: {  	_ =	shalt  }
0x7a: {  	_ =	shalt  }
0x7b: {  	_ =	shalt  }
0x7c: {  	_ =	shalt  }
0x7d: {  	_ =	shalt  }
0x7e: {  	_ =	shalt  }
0x7f: {  	_ =	shalt  }
0x80: {  	_ =	shalt  }
0x81: {  	_ =	shalt  }
0x82: {  	_ =	shalt  }
0x83: {  	_ =	shalt  }
0x84: {  	_ =	shalt  }
0x85: {  	_ =	shalt  }
0x86: {  	_ =	shalt  }
0x87: {  	_ =	shalt  }
.Lfunc_end0:
.L_simem_size_0:
called_computation.1_lowered:
.L_overlay_start_0:
0x88: {  	s2 =	sld [smem:$0x3FD9]  }
0x89: {  	s3 =	sld [smem:$0x3FFE];
	_ =	sdelay $0x1  }
0x8a: {  	s1 =	srdreg.scid  }
0x8b: {  	s0 =	sand.u32 $0x1, s1  }
0x8c: {  	s16 =	sshll.u32 s0, $0xA;
	s2 =	sadd.s32 s3, s2  }
0x8d: {  	s2 =	sadd.s32 s2, s16  }
0x8e: {  	[smem:$0x3FBB] =	sst s2  }
0x8f: {  	_ = 	snop  }
0x90: {  	(tm) =	ssettm $0x1  }
0x91: {  	s17 =	sld [smem:$0x3FFB];
	_ =	sdelay $0x3  }
0x92: {  	_ =	strace s17  }
0x93: {  	s2 =	sld [smem:$0x3FFC];
	_ =	sdelay $0x3  }
0x94: {  	_ =	strace s2  }
0x95: {  	s2 =	sld [smem:$0x3FFD];
	_ =	sdelay $0x3  }
0x96: {  	_ =	strace s2  }
0x97: {  	_ =	strace $0x8FFFFFFF  }
0x98: {  	s18 =	sld [smem:$0x3FDB];
	_ =	sdelay $0x1  }
0x99: {  	s19 =	simm.s32 $_scs_section_size  }
0x9a: {  	s4 =	simm.s32 $_size__tile_overlayer_lowered;
	s5 =	simm.s32 $_tile_overlayer_lowered  }
0x9b: {  	s22 =	simm.s32 $0x1BFF;
	s21 =	sshll.u32 s5, $0x1;
	s2 =	sadd.s32 s19, s18  }
0x9c: {  	s6 =	simm.s32 $0x0;
	s20 =	sshll.u32 s4, $0x1;
	s4 =	sadd.s32 s21, s2  }
0x9d: {  	[timem:s6], [sflag:s22] =	dma.local [hbm:s4], s20  }
0x9e: {  	_ =	swait.ge [sflag:s22], s20  }
0x9f: {  	s3 =	ssub.s32 $0x0, s20;
	[sflag:s22] =	ssyncset.done $0x0  }
0xa0: {  	[sflag:s22] =	ssyncadd.s32 s3;
	_ =	sdelay $0x1  }
0xa1: {  	s23 =	simm.s32 $0x1B8B  }
0xa2: {  	_ =	swait.ge [sflag:s23], $0x1  }
0xa3: {  	[sflag:s23] =	ssyncset.done $0x0  }
0xa4: {  	s25 =	simm.s32 $0x1B8E;
	s24 =	sld [smem:$0x3FFE];
	[sflag:s23] =	ssyncadd.s32 $0xFFFFFFFF  }
0xa5: {  	s26 =	simm.s32 $execute0_lowered;
	[smem:$0x3FD2] =	sst s25  }
0xa6: {  	s4 =	sshll.u32 s26, $0x1;
	_ =	strace $0x80000049;
	[dreg:$0x1] =	wrdreg $0xFFFFFFFF  }
0xa7: {  	s28 =	simm.s32 $_size_execute0_lowered;
	s2 =	sadd.s32 s2, s4;
	[dreg:$0x0] =	wrdreg $0x0  }
0xa8: {  	s4 =	sshll.u32 s28, $0x1;
	[dreg:$0x2] =	wrdreg s2  }
0xa9: {  	[dreg:$0x3] =	wrdreg s4  }
0xaa: {  	[dreg:$0x4] =	wrdreg $0xC0  }
0xab: {  	_ =	task [dreg:s6], $0x5FFFF  }
0xac: {  	[dreg:$0x1] =	wrdreg $0xFFFFFFFF  }
0xad: {  	[dreg:$0x0] =	wrdreg $0x60  }
0xae: {  	[dreg:$0x2] =	wrdreg s24  }
0xaf: {  	[dreg:$0x3] =	wrdreg $0xB2200  }
0xb0: {  	[dreg:$0x4] =	wrdreg $0x9  }
0xb1: {  	_ =	task.clear_ibuf [dreg:s6], $0x5FFFF;
	_ =	strace $0x90000049  }
0xb2: {  	s29 =	simm.s32 $0x9;
	_ =	strace $0x8000004B  }
0xb3: {  	_ =	swait.ge [sflag:s29], $0x1  }
0xb4: {  	[sflag:s29] =	ssyncadd.s32 $0xFFFFFFFF  }
0xb5: {  	_ =	strace $0x9000004B  }
0xb6: {  	_ =	sfence  }
0xb7: {  	s30 =	sld [smem:$0x0];
	_ =	sdelay $0x2  }
0xb8: {  	s31 =	sshll.u32 s1, $0xD;
	s1 =	sshrl.u32 s1, $0x2  }
0xb9: {  	s3 =	sand.u32 $0x4000, s31;
	s1 =	sadd.s32 s1, s30  }
0xba: {  	s0 =	sor.u32 s3, s0;
	s1 =	sshll.u32 s1, $0x11  }
0xbb: {  	s0 =	sor.u32 s1, s0  }
0xbc: {  	s0 =	sadd.s32 $0x8F2B, s0  }
0xbd: {  	[sflag:s0] =	ssyncadd.remote.s32 $0x1  }
0xbe: {  	_ =	sfence.sel $0xFFFF  }
0xbf: {  	[dreg:$0x0] =	wrdreg $0xFFFFFFFF;
	(pc) =	sbr.abs _section_cstart, $3  }
0xc0: {  	[dreg:$0x1] =	wrdreg $0xFFFFFFFF  }
0xc1: {  	_ =	task.clear_ibuf [dreg:s6], $0x2FFFF;
	_ =	strace $0x9FFFFFFF  }
0xc2: {  	(tm) =	ssettm $0x7FFFFFFF  }
0xc3: {  	_ =	shalt  }
tec
execute0_lowered:
.L_overlay_start_1:
0x0: {  	(tag) =	ssettag $0x1  }
0x1: {  	s5 =	rddreg [dreg:$0x0]  }
0x2: {  	s0 =	srdreg.scid;
	s2 =	rddreg [dreg:$0x1]  }
0x3: {  	s1 =	stileid.u32;
	s3 =	simm.s32 $0x0;
	s12 =	simm.s32 $0x28  }
0x4: {  	s13 =	simm.s32 $0x4E20;
	s14 =	simm.s32 $0x6220;
	s16 =	simm.s32 $0x7620  }
0x5: {  	s18 =	simm.s32 $0x8A20;
	s20 =	simm.s32 $0x9E20;
	s21 =	simm.s32 $0x1  }
0x6: {  	s22 =	simm.s32 $0x2;
	s23 =	simm.s32 $0x3;
	s24 =	simm.s32 $0x4  }
0x7: {  	s25 =	simm.s32 $0x5;
	s29 =	simm.s32 $0x4DA8;
	s30 =	simm.s32 $0x4DD0  }
0x8: {  	s31 =	simm.s32 $0x4DF8;
	s0 =	sand.u32 $0x1, s0;
	s8 =	smul.u32 $0x5000, s1  }
0x9: {  	[smem:$0x7FF] =	sst s3;
	s10 =	smul.u32 $0x280, s1;
	s4 =	sshll.u32 s0, $0x4  }
0xa: {  	_ =	strace $0x8000004A;
	s7 =	smul.u32 $0x27100, s0;
	s0 =	ssub.s32 $0x2, s0  }
0xb: {  	s4 =	sor.u32 s1, s4;
	s9 =	sshrl.u32 s0, $0x1;
	s8 =	sshrl.u32 s8, $0x2  }
0xc: {  	s6 =	smul.u32 $0x4E2, s4;
	s4 =	sadd.s32 $0x16A00, s5;
	s7 =	sadd.s32 s7, s5  }
0xd: {  	s0 =	ssub.s32 s0, s9;
	s8 =	sadd.s32 s8, s2;
	s28 =	sadd.s32 s10, s7  }
0xe: {  	s7 =	smax.u32 s0, $0x1;
	s10 =	simm.s32 $0x6;
	s6 =	sadd.s32 s6, s5  }
0xf: {  	v0 =	vimm.f32 $0.0e+00;
	s9 =	sadd.s32 $0x3DC00, s28;
	s5 =	sadd.s32 $0x2E00, s6;
	s6 =	sadd.s32 $0xCC00, s6  }
.LBB2_1:
0x10: {  	s0 =	simm.s32 $0x70;
	s11 =	simm.s32 $0x3C0  }
.LBB2_2:
0x11: {  	p0 =	sne.s32 s11, $0x4FC0;
	[tilespmem:s0+$0x4E20] =	vst v0  }
0x12: {  	[tilespmem:s0+$0x4DB0] =	vst v0  }
0x13: {  	[tilespmem:s0+$0x4DC0] =	vst v0  }
.Ltmp0:
0x14: {  	[tilespmem:s0+$0x4DD0] =	vst v0;
	(pc) =	sbr.rel @p0 .LBB2_2-.Ltmp0, $4  }
0x15: {  	[tilespmem:s0+$0x4DE0] =	vst v0  }
0x16: {  	[tilespmem:s0+$0x4DF0] =	vst v0  }
0x17: {  	[tilespmem:s0+$0x4E00] =	vst v0  }
0x18: {  	[tilespmem:s0+$0x4E10] =	vst v0;
	s0 =	sshra.s32 s11, $0x2;
	s11 =	sadd.s32 $0x200, s11  }
0x19: {  	[tilespmem:s0+$0x4E20] =	vst v0  }
0x1a: {  	[tilespmem:s0+$0x4DB0] =	vst v0  }
0x1b: {  	[tilespmem:s0+$0x4DC0] =	vst v0  }
0x1c: {  	[tilespmem:s0+$0x4DD0] =	vst v0  }
0x1d: {  	[tilespmem:s0+$0x4DE0] =	vst v0  }
0x1e: {  	[tilespmem:s0+$0x4DF0] =	vst v0;
	s11 =	sadd.s32 $0x0, s1  }
0x1f: {  	[tilespmem:s0+$0x4E00] =	vst v0;
	p0 =	sgt.u32 s11, $0xF9  }
0x20: {  	[tilespmem:s0+$0x4E10] =	vst v0;
	s0 =	simm.s32 @!p0 $0x4E20;
	s17 =	simm.s32 @!p0 $0x6  }
0x21: {  	[spmem:s8] =	stream.linear.scatter @!p0 [tilespmem:s0], [sflag:$0x6], $0x1400, $0x38;
	[tilespmem:$0x1EAA0] =	vst v63  }
0x22: {  	s15 =	simm.s32 $0x20;
	_ =	swait.ge @!p0 [sflag:s17], $0x1400  }
0x23: {  	s11 =	simm.s32 $0x10;
	s0 =	sadd.s32 $0x14000, s8;
	[sflag:s17] =	ssyncset.done @!p0 $0x0  }
.LBB2_4:
0x24: {  	s19 =	sadd.s32 s11, s1;
	s11 =	smov.u32 s15;
	s15 =	sadd.s32 $0x10, s15  }
0x25: {  	[sflag:s17] =	ssyncadd.s32 @!p0 $0xFFFFEC00;
	p1 =	sne.s32 s15, $0x100  }
.Ltmp1:
0x26: {  	p0 =	sgt.u32 s19, $0xF9;
	(pc) =	sbr.rel @p1 .LBB2_4-.Ltmp1, $4  }
0x27: {  	s19 =	simm.s32 @!p0 $0x4E20;
	s17 =	simm.s32 @!p0 $0x6  }
0x28: {  	[spmem:s0] =	stream.linear.scatter @!p0 [tilespmem:s19], [sflag:$0x6], $0x1400, $0x38;
	[tilespmem:$0x1EAA0] =	vst v63  }
0x29: {  	_ =	swait.ge @!p0 [sflag:s17], $0x1400  }
0x2a: {  	s0 =	sadd.s32 $0x14000, s0;
	[sflag:s17] =	ssyncset.done @!p0 $0x0  }
0x2b: {  	s11 =	sadd.s32 s11, s1  }
0x2c: {  	p1 =	sgt.u32 s11, $0xF9  }
0x2d: {  	[sflag:s17] =	ssyncadd.s32 @!p0 $0xFFFFEC00;
	s11 =	simm.s32 @!p1 $0x4E20;
	s15 =	simm.s32 @!p1 $0x6  }
0x2e: {  	[spmem:s0] =	stream.linear.scatter @!p1 [tilespmem:s11], [sflag:$0x6], $0x1400, $0x38;
	[tilespmem:$0x1EAA0] =	vst v63  }
0x2f: {  	_ =	swait.ge @!p1 [sflag:s15], $0x1400  }
0x30: {  	[sflag:s15] =	ssyncset.done @!p1 $0x0  }
0x31: {  	s26 =	simm.s32 $0x0;
	[sflag:s15] =	ssyncadd.s32 @!p1 $0xFFFFEC00  }
0x32: {  	[tilespmem:s26], [sflag:$0x6] =	stream.linear.gather [hbm4b:s5+s26], $0x2710, $0x38;
	[tilespmem:$0x1EAA0] =	vst v63  }
0x33: {  	_ =	swait.ge [sflag:s10], $0x2710  }
0x34: {  	[sflag:s10] =	ssyncset.done $0x0  }
0x35: {  	s28 =	simm.s32 $0x2710;
	[sflag:s10] =	ssyncadd.s32 $0xFFFFD8F0  }
0x36: {  	[tilespmem:s28], [sflag:$0x6] =	stream.linear.gather [hbm4b:s6+s26], $0x2710, $0x38;
	[tilespmem:$0x1EAA0] =	vst v63  }
0x37: {  	_ =	swait.ge [sflag:s10], $0x2710  }
0x38: {  	[sflag:s10] =	ssyncset.done $0x0  }
0x39: {  	[sflag:s10] =	ssyncadd.s32 $0xFFFFD8F0  }
0x3a: {  	[bflag:$0x0] =	sbarrier.arrive $0xFFFF  }
0x3b: {  	[tilespmem:s13], [sflag:$0x1] =	stream.indirect.gather [hbm4b:s4+s12], $0x80, s26, s12, $0xb8;
	[tilespmem:$0x1EAA0] =	vst v63  }
0x3c: {  	_ = 	snop  }
0x3d: {  	[tilespmem:s14], [sflag:$0x2] =	stream.indirect.gather [hbm4b:s4+s12], $0x80, s12, s12, $0xb8;
	[tilespmem:$0x1EAA0] =	vst v63  }
0x3e: {  	s11 =	simm.s32 $0x50  }
0x3f: {  	[tilespmem:s16], [sflag:$0x3] =	stream.indirect.gather [hbm4b:s4+s12], $0x80, s11, s12, $0xb8;
	[tilespmem:$0x1EAA0] =	vst v63  }
0x40: {  	s15 =	simm.s32 $0x78  }
0x41: {  	[tilespmem:s18], [sflag:$0x4] =	stream.indirect.gather [hbm4b:s4+s12], $0x80, s15, s12, $0xb8;
	[tilespmem:$0x1EAA0] =	vst v63  }
0x42: {  	s17 =	simm.s32 $0xA0  }
0x43: {  	[tilespmem:s20], [sflag:$0x5] =	stream.indirect.gather [hbm4b:s4+s12], $0x80, s17, s12, $0xb8;
	[tilespmem:$0x1EAA0] =	vst v63  }
0x44: {  	_ =	swait.ge [sflag:s21], $0x1400  }
0x45: {  	[sflag:s21] =	ssyncset.done $0x0  }
0x46: {  	s19 =	simm.s32 $0x2710;
	[sflag:s21] =	ssyncadd.s32 $0xFFFFEC00  }
0x47: {  	[spmem:s2] =	stream.indirect.scatter.add.f32 [tilespmem:s13], [sflag:$0x6], $0x80, s19, s12, $0xb8;
	[tilespmem:$0x1EAA0] =	vst v63  }
0x48: {  	_ =	swait.ge [sflag:s10], $0x1400  }
0x49: {  	[sflag:s10] =	ssyncset.done $0x0  }
0x4a: {  	s26 =	simm.s32 $0xC8;
	[sflag:s10] =	ssyncadd.s32 $0xFFFFEC00  }
0x4b: {  	[tilespmem:s13], [sflag:$0x1] =	stream.indirect.gather [hbm4b:s4+s12], $0x80, s26, s12, $0xb8;
	[tilespmem:$0x1EAA0] =	vst v63  }
0x4c: {  	_ =	swait.ge [sflag:s22], $0x1400  }
0x4d: {  	[sflag:s22] =	ssyncset.done $0x0  }
0x4e: {  	s28 =	simm.s32 $0x2738;
	[sflag:s22] =	ssyncadd.s32 $0xFFFFEC00  }
0x4f: {  	[spmem:s2] =	stream.indirect.scatter.add.f32 [tilespmem:s14], [sflag:$0x6], $0x80, s28, s12, $0xb8;
	[tilespmem:$0x1EAA0] =	vst v63  }
0x50: {  	_ =	swait.ge [sflag:s10], $0x1400  }
0x51: {  	[sflag:s10] =	ssyncset.done $0x0  }
0x52: {  	s11 =	simm.s32 $0xF0;
	[sflag:s10] =	ssyncadd.s32 $0xFFFFEC00  }
0x53: {  	[tilespmem:s14], [sflag:$0x2] =	stream.indirect.gather [hbm4b:s4+s12], $0x80, s11, s12, $0xb8;
	[tilespmem:$0x1EAA0] =	vst v63  }
0x54: {  	_ =	swait.ge [sflag:s23], $0x1400  }
0x55: {  	[sflag:s23] =	ssyncset.done $0x0  }
0x56: {  	s15 =	simm.s32 $0x2760;
	[sflag:s23] =	ssyncadd.s32 $0xFFFFEC00  }
0x57: {  	[spmem:s2] =	stream.indirect.scatter.add.f32 [tilespmem:s16], [sflag:$0x6], $0x80, s15, s12, $0xb8;
	[tilespmem:$0x1EAA0] =	vst v63  }
0x58: {  	_ =	swait.ge [sflag:s10], $0x1400  }
0x59: {  	[sflag:s10] =	ssyncset.done $0x0  }
0x5a: {  	s17 =	simm.s32 $0x118;
	[sflag:s10] =	ssyncadd.s32 $0xFFFFEC00  }
0x5b: {  	[tilespmem:s16], [sflag:$0x3] =	stream.indirect.gather [hbm4b:s4+s12], $0x80, s17, s12, $0xb8;
	[tilespmem:$0x1EAA0] =	vst v63  }
0x5c: {  	_ =	swait.ge [sflag:s24], $0x1400  }
0x5d: {  	[sflag:s24] =	ssyncset.done $0x0  }
0x5e: {  	s19 =	simm.s32 $0x2788;
	[sflag:s24] =	ssyncadd.s32 $0xFFFFEC00  }
0x5f: {  	[spmem:s2] =	stream.indirect.scatter.add.f32 [tilespmem:s18], [sflag:$0x6], $0x80, s19, s12, $0xb8;
	[tilespmem:$0x1EAA0] =	vst v63  }
0x60: {  	_ =	swait.ge [sflag:s10], $0x1400  }
0x61: {  	[sflag:s10] =	ssyncset.done $0x0  }
0x62: {  	s26 =	simm.s32 $0x140;
	[sflag:s10] =	ssyncadd.s32 $0xFFFFEC00  }
0x63: {  	[tilespmem:s18], [sflag:$0x4] =	stream.indirect.gather [hbm4b:s4+s12], $0x80, s26, s12, $0xb8;
	[tilespmem:$0x1EAA0] =	vst v63  }
0x64: {  	_ =	swait.ge [sflag:s25], $0x1400  }
0x65: {  	[sflag:s25] =	ssyncset.done $0x0  }
0x66: {  	s28 =	simm.s32 $0x27B0;
	[sflag:s25] =	ssyncadd.s32 $0xFFFFEC00  }
0x67: {  	[spmem:s2] =	stream.indirect.scatter.add.f32 [tilespmem:s20], [sflag:$0x6], $0x80, s28, s12, $0xb8;
	[tilespmem:$0x1EAA0] =	vst v63  }
0x68: {  	_ =	swait.ge [sflag:s10], $0x1400  }
0x69: {  	[sflag:s10] =	ssyncset.done $0x0  }
0x6a: {  	s0 =	simm.s32 $0x320;
	s11 =	simm.s32 $0x168;
	[sflag:s10] =	ssyncadd.s32 $0xFFFFEC00  }
.LBB2_6:
0x6b: {  	[tilespmem:s20], [sflag:$0x5] =	stream.indirect.gather [hbm4b:s4+s12], $0x80, s11, s12, $0xb8;
	[tilespmem:$0x1EAA0] =	vst v63  }
0x6c: {  	s11 =	smov.u32 s0  }
0x6d: {  	p0 =	sne.s32 s0, $0x9600;
	s0 =	sadd.s32 $0x320, s0;
	_ =	swait.ge [sflag:s21], $0x1400  }
0x6e: {  	s11 =	sshra.s32 s11, $0x2;
	[sflag:s21] =	ssyncset.done $0x0  }
0x6f: {  	s15 =	sadd.s32 $0x2710, s11;
	[sflag:s21] =	ssyncadd.s32 $0xFFFFEC00  }
0x70: {  	[spmem:s2] =	stream.indirect.scatter.add.f32 [tilespmem:s13], [sflag:$0x6], $0x80, s15, s12, $0xb8;
	[tilespmem:$0x1EAA0] =	vst v63  }
0x71: {  	_ =	swait.ge [sflag:s10], $0x1400  }
0x72: {  	[sflag:s10] =	ssyncset.done $0x0  }
0x73: {  	s15 =	sadd.s32 $0xC8, s11;
	[sflag:s10] =	ssyncadd.s32 $0xFFFFEC00  }
0x74: {  	[tilespmem:s13], [sflag:$0x1] =	stream.indirect.gather [hbm4b:s4+s12], $0x80, s15, s12, $0xb8;
	[tilespmem:$0x1EAA0] =	vst v63  }
0x75: {  	_ =	swait.ge [sflag:s22], $0x1400  }
0x76: {  	[sflag:s22] =	ssyncset.done $0x0  }
0x77: {  	s15 =	sadd.s32 $0x2738, s11;
	[sflag:s22] =	ssyncadd.s32 $0xFFFFEC00  }
0x78: {  	[spmem:s2] =	stream.indirect.scatter.add.f32 [tilespmem:s14], [sflag:$0x6], $0x80, s15, s12, $0xb8;
	[tilespmem:$0x1EAA0] =	vst v63  }
0x79: {  	_ =	swait.ge [sflag:s10], $0x1400  }
0x7a: {  	[sflag:s10] =	ssyncset.done $0x0  }
0x7b: {  	s15 =	sadd.s32 $0xF0, s11;
	[sflag:s10] =	ssyncadd.s32 $0xFFFFEC00  }
0x7c: {  	[tilespmem:s14], [sflag:$0x2] =	stream.indirect.gather [hbm4b:s4+s12], $0x80, s15, s12, $0xb8;
	[tilespmem:$0x1EAA0] =	vst v63  }
0x7d: {  	_ =	swait.ge [sflag:s23], $0x1400  }
0x7e: {  	[sflag:s23] =	ssyncset.done $0x0  }
0x7f: {  	s15 =	sadd.s32 $0x2760, s11;
	[sflag:s23] =	ssyncadd.s32 $0xFFFFEC00  }
0x80: {  	[spmem:s2] =	stream.indirect.scatter.add.f32 [tilespmem:s16], [sflag:$0x6], $0x80, s15, s12, $0xb8;
	[tilespmem:$0x1EAA0] =	vst v63  }
0x81: {  	_ =	swait.ge [sflag:s10], $0x1400  }
0x82: {  	[sflag:s10] =	ssyncset.done $0x0  }
0x83: {  	s15 =	sadd.s32 $0x118, s11;
	[sflag:s10] =	ssyncadd.s32 $0xFFFFEC00  }
0x84: {  	[tilespmem:s16], [sflag:$0x3] =	stream.indirect.gather [hbm4b:s4+s12], $0x80, s15, s12, $0xb8;
	[tilespmem:$0x1EAA0] =	vst v63  }
0x85: {  	_ =	swait.ge [sflag:s24], $0x1400  }
0x86: {  	[sflag:s24] =	ssyncset.done $0x0  }
0x87: {  	s15 =	sadd.s32 $0x2788, s11;
	[sflag:s24] =	ssyncadd.s32 $0xFFFFEC00  }
0x88: {  	[spmem:s2] =	stream.indirect.scatter.add.f32 [tilespmem:s18], [sflag:$0x6], $0x80, s15, s12, $0xb8;
	[tilespmem:$0x1EAA0] =	vst v63  }
0x89: {  	_ =	swait.ge [sflag:s10], $0x1400  }
0x8a: {  	[sflag:s10] =	ssyncset.done $0x0  }
0x8b: {  	s15 =	sadd.s32 $0x140, s11;
	[sflag:s10] =	ssyncadd.s32 $0xFFFFEC00  }
0x8c: {  	[tilespmem:s18], [sflag:$0x4] =	stream.indirect.gather [hbm4b:s4+s12], $0x80, s15, s12, $0xb8;
	[tilespmem:$0x1EAA0] =	vst v63  }
0x8d: {  	_ =	swait.ge [sflag:s25], $0x1400  }
0x8e: {  	[sflag:s25] =	ssyncset.done $0x0  }
.Ltmp2:
0x8f: {  	s15 =	sadd.s32 $0x27B0, s11;
	[sflag:s25] =	ssyncadd.s32 $0xFFFFEC00;
	(pc) =	sbr.rel @p0 .LBB2_6-.Ltmp2, $4  }
0x90: {  	[spmem:s2] =	stream.indirect.scatter.add.f32 [tilespmem:s20], [sflag:$0x6], $0x80, s15, s12, $0xb8;
	[tilespmem:$0x1EAA0] =	vst v63  }
0x91: {  	_ =	swait.ge [sflag:s10], $0x1400  }
0x92: {  	[sflag:s10] =	ssyncset.done $0x0  }
0x93: {  	s11 =	sadd.s32 $0x168, s11;
	[sflag:s10] =	ssyncadd.s32 $0xFFFFEC00  }
0x94: {  	[tilespmem:s20], [sflag:$0x5] =	stream.indirect.gather [hbm4b:s4+s12], $0x80, s11, s12, $0xb8;
	[tilespmem:$0x1EAA0] =	vst v63  }
0x95: {  	_ =	swait.ge [sflag:s21], $0x1400  }
0x96: {  	[sflag:s21] =	ssyncset.done $0x0  }
0x97: {  	s0 =	simm.s32 $0x4D58;
	[sflag:s21] =	ssyncadd.s32 $0xFFFFEC00  }
0x98: {  	[spmem:s2] =	stream.indirect.scatter.add.f32 [tilespmem:s13], [sflag:$0x6], $0x80, s0, s12, $0xb8;
	[tilespmem:$0x1EAA0] =	vst v63  }
0x99: {  	_ =	swait.ge [sflag:s10], $0x1400  }
0x9a: {  	[sflag:s10] =	ssyncset.done $0x0  }
0x9b: {  	[sflag:s10] =	ssyncadd.s32 $0xFFFFEC00  }
0x9c: {  	_ =	swait.ge [sflag:s22], $0x1400  }
0x9d: {  	[sflag:s22] =	ssyncset.done $0x0  }
0x9e: {  	s19 =	simm.s32 $0x4D80;
	[sflag:s22] =	ssyncadd.s32 $0xFFFFEC00  }
0x9f: {  	[spmem:s2] =	stream.indirect.scatter.add.f32 [tilespmem:s14], [sflag:$0x6], $0x80, s19, s12, $0xb8;
	[tilespmem:$0x1EAA0] =	vst v63  }
0xa0: {  	_ =	swait.ge [sflag:s10], $0x1400  }
0xa1: {  	[sflag:s10] =	ssyncset.done $0x0  }
0xa2: {  	[sflag:s10] =	ssyncadd.s32 $0xFFFFEC00  }
0xa3: {  	_ =	swait.ge [sflag:s23], $0x1400  }
0xa4: {  	[sflag:s23] =	ssyncset.done $0x0  }
0xa5: {  	[sflag:s23] =	ssyncadd.s32 $0xFFFFEC00  }
0xa6: {  	[spmem:s2] =	stream.indirect.scatter.add.f32 [tilespmem:s16], [sflag:$0x6], $0x80, s29, s12, $0xb8;
	[tilespmem:$0x1EAA0] =	vst v63  }
0xa7: {  	_ =	swait.ge [sflag:s10], $0x1400  }
0xa8: {  	[sflag:s10] =	ssyncset.done $0x0  }
0xa9: {  	[sflag:s10] =	ssyncadd.s32 $0xFFFFEC00  }
0xaa: {  	_ =	swait.ge [sflag:s24], $0x1400  }
0xab: {  	[sflag:s24] =	ssyncset.done $0x0  }
0xac: {  	[sflag:s24] =	ssyncadd.s32 $0xFFFFEC00  }
0xad: {  	[spmem:s2] =	stream.indirect.scatter.add.f32 [tilespmem:s18], [sflag:$0x6], $0x80, s30, s12, $0xb8;
	[tilespmem:$0x1EAA0] =	vst v63  }
0xae: {  	_ =	swait.ge [sflag:s10], $0x1400  }
0xaf: {  	[sflag:s10] =	ssyncset.done $0x0  }
0xb0: {  	[sflag:s10] =	ssyncadd.s32 $0xFFFFEC00  }
0xb1: {  	_ =	swait.ge [sflag:s25], $0x1400  }
0xb2: {  	[sflag:s25] =	ssyncset.done $0x0  }
0xb3: {  	[sflag:s25] =	ssyncadd.s32 $0xFFFFEC00  }
0xb4: {  	[spmem:s2] =	stream.indirect.scatter.add.f32 [tilespmem:s20], [sflag:$0x6], $0x80, s31, s12, $0xb8;
	[tilespmem:$0x1EAA0] =	vst v63  }
0xb5: {  	s26 =	sadd.s32 $0x0, s1;
	_ =	swait.ge [sflag:s10], $0x1400  }
0xb6: {  	p0 =	sgt.u32 s26, $0xF9;
	[sflag:s10] =	ssyncset.done $0x0  }
0xb7: {  	s15 =	simm.s32 @!p0 $0x7;
	[sflag:s10] =	ssyncadd.s32 $0xFFFFEC00  }
0xb8: {  	s0 =	simm.s32 @!p0 $0x4E20;
	p0 =	por p0, p0;
	[bflag:$0x0] =	sbarrier.arrive $0xFFFF  }
0xb9: {  	[tilespmem:s0], [sflag:$0x7] =	stream.linear.gather @!p0 [spmem:s8], $0x1400, $0x38;
	[tilespmem:$0x1EAA0] =	vst v63  }
0xba: {  	_ =	swait.ge @!p0 [sflag:s15], $0x1400  }
0xbb: {  	s28 =	sadd.s32 $0x10, s1;
	[sflag:s15] =	ssyncset.done @!p0 $0x0  }
0xbc: {  	s17 =	simm.s32 @!p0 $0x6;
	[sflag:s15] =	ssyncadd.s32 @!p0 $0xFFFFEC00;
	s15 =	simm.s32 @!p0 $0x0  }
0xbd: {  	[hbm4b:s9+s15] =	stream.linear.scatter @!p0 [tilespmem:s0], [sflag:$0x6], $0x1400, $0x38;
	[tilespmem:$0x1EAA0] =	vst v63  }
0xbe: {  	s11 =	simm.s32 $0x20;
	p1 =	sgt.u32 s28, $0xF9;
	_ =	swait.ge @!p0 [sflag:s17], $0x1400  }
0xbf: {  	s0 =	sadd.s32 $0x2800, s9;
	s15 =	sadd.s32 $0x14000, s8;
	[sflag:s17] =	ssyncset.done @!p0 $0x0  }
.LBB2_8:
0xc0: {  	s19 =	simm.s32 @!p1 $0x4E20;
	s26 =	simm.s32 @!p1 $0x7;
	[sflag:s17] =	ssyncadd.s32 @!p0 $0xFFFFEC00  }
0xc1: {  	s28 =	smov.u32 s11;
	p0 =	por p1, p1;
	s11 =	sadd.s32 $0x10, s11  }
0xc2: {  	[tilespmem:s19], [sflag:$0x7] =	stream.linear.gather @!p0 [spmem:s15], $0x1400, $0x38;
	[tilespmem:$0x1EAA0] =	vst v63  }
0xc3: {  	p2 =	sne.s32 s11, $0x100;
	_ =	swait.ge @!p0 [sflag:s26], $0x1400  }
.Ltmp3:
0xc4: {  	[sflag:s26] =	ssyncset.done @!p0 $0x0;
	(pc) =	sbr.rel @p2 .LBB2_8-.Ltmp3, $4  }
0xc5: {  	s17 =	simm.s32 @!p0 $0x6;
	[sflag:s26] =	ssyncadd.s32 @!p0 $0xFFFFEC00;
	s26 =	simm.s32 @!p0 $0x0  }
0xc6: {  	[hbm4b:s0+s26] =	stream.linear.scatter @!p0 [tilespmem:s19], [sflag:$0x6], $0x1400, $0x38;
	[tilespmem:$0x1EAA0] =	vst v63  }
0xc7: {  	s19 =	sadd.s32 s28, s1;
	s0 =	sadd.s32 $0x2800, s0;
	_ =	swait.ge @!p0 [sflag:s17], $0x1400  }
0xc8: {  	s15 =	sadd.s32 $0x14000, s15;
	p1 =	sgt.u32 s19, $0xF9;
	[sflag:s17] =	ssyncset.done @!p0 $0x0  }
0xc9: {  	s11 =	simm.s32 @!p1 $0x4E20  }
0xca: {  	s19 =	simm.s32 @!p1 $0x7;
	[sflag:s17] =	ssyncadd.s32 @!p0 $0xFFFFEC00;
	p0 =	por p1, p1  }
0xcb: {  	[tilespmem:s11], [sflag:$0x7] =	stream.linear.gather @!p0 [spmem:s15], $0x1400, $0x38;
	[tilespmem:$0x1EAA0] =	vst v63  }
0xcc: {  	s3 =	sadd.s32 $0x1, s3;
	_ =	swait.ge @!p0 [sflag:s19], $0x1400  }
0xcd: {  	s15 =	simm.s32 @!p0 $0x0;
	p1 =	sne.s32 s3, s7;
	[sflag:s19] =	ssyncset.done @!p0 $0x0  }
.Ltmp4:
0xce: {  	s17 =	simm.s32 @!p0 $0x6;
	[sflag:s19] =	ssyncadd.s32 @!p0 $0xFFFFEC00;
	(pc) =	sbr.rel @p1 .LBB2_1-.Ltmp4, $4  }
0xcf: {  	[hbm4b:s0+s15] =	stream.linear.scatter @!p0 [tilespmem:s11], [sflag:$0x6], $0x1400, $0x38;
	[tilespmem:$0x1EAA0] =	vst v63  }
0xd0: {  	_ =	swait.ge @!p0 [sflag:s17], $0x1400  }
0xd1: {  	[sflag:s17] =	ssyncset.done @!p0 $0x0  }
0xd2: {  	[sflag:s17] =	ssyncadd.s32 @!p0 $0xFFFFEC00  }
0xd3: {  	_ =	sfence.sel $0x180000  }
0xd4: {  	[bflag:$0x0] =	sbarrier.arrive $0xFFFF  }
0xd5: {  	_ =	strace $0x9000004A  }
0xd6: {  	[bflag:$0x2] =	sbarrier.arrive $0xFFFF  }
0xd7: {  	p0 =	sne.s32 s1, $0x0;
	s0 =	rddreg [dreg:$0x2]  }
0xd8: {  	s0 =	sadd.s32 @!p0 $0x100000, s0  }
0xd9: {  	[sflag:s0] =	ssyncadd.tile.s32 @!p0 $0x1;
	_ =	shalt  }
.Lfunc_end2:
_tile_overlayer_lowered:
.L_overlay_start_2:
0xda: {  	(tag) =	ssettag $0x2  }
0xdb: {  	s0 =	rddreg [dreg:$0x0];
	s2 =	stileid.u32  }
0xdc: {  	s1 =	rddreg [dreg:$0x1];
	p0 =	sne.s32 s2, $0x0  }
0xdd: {  	s3 =	rddreg [dreg:$0x2];
	[bflag:$0x3] =	sbarrier.arrive $0xFFFF;
	s2 =	simm.s32 @!p0 $0x1C06  }
0xde: {  	[timem:s3], [sflag:s2] =	dma.local @!p0 [hbm:s0], s1  }
0xdf: {  	s0 =	simm.s32 @!p0 $0x6  }
0xe0: {  	_ =	swait.ge @!p0 [sflag:s0], s1  }
0xe1: {  	s1 =	ssub.s32 @!p0 $0x0, s1;
	[sflag:s0] =	ssyncset.done @!p0 $0x0  }
0xe2: {  	[sflag:s0] =	ssyncadd.s32 @!p0 s1  }
0xe3: {  	[bflag:$0x3] =	sbarrier.arrive $0xFFFF  }
0xe4: {  	_ =	shalt  }

// kernel: kernel.18.cloned.1.call-start
scs
__scs_entry_jumppad:
0x0: {  	(pc) =	sbr.rel $0x88, $3  }
0x1: {  	(tag) =	ssettag $0x0;
	lr =	simm.s32 $0x1  }
0x2: {  	[smem:$0x3F94] =	sst lr;
	_ =	strace $0xD0000000  }
0x3: {  	_ = 	snop  }
0x4: {  	_ = 	snop  }
0x5: {  	_ = 	snop  }
0x6: {  	_ = 	snop  }
0x7: {  	_ = 	snop  }
__scs_overlays_trampoline_lowered:
0x8: {  	[smem:$0x3FA3] =	sst s0  }
0x9: {  	[smem:$0x3FA4] =	sst s1  }
0xa: {  	[smem:$0x3FA5] =	sst s2  }
0xb: {  	[smem:$0x3FA6] =	sst s3  }
0xc: {  	[smem:$0x3FA7] =	sst s4  }
0xd: {  	[smem:$0x3FA8] =	sst s5  }
0xe: {  	[smem:$0x3FA9] =	sst s6  }
0xf: {  	[smem:$0x3FAA] =	sst s7  }
0x10: {  	[smem:$0x3FAB] =	sst s8  }
0x11: {  	[smem:$0x3FAC] =	sst s9;
	s0 =	simm.s32 @!p0 $0x0  }
0x12: {  	s1 =	sld [smem:$0x3F92];
	s0 =	simm.s32 @p0 $0x1  }
0x13: {  	[smem:$0x3FAD] =	sst s0;
	s0 =	simm.s32 @!p1 $0x0  }
0x14: {  	s2 =	sld [smem:$0x3F91];
	s0 =	simm.s32 @p1 $0x1  }
0x15: {  	[smem:$0x3FAE] =	sst s0;
	s0 =	simm.s32 @!p2 $0x0  }
0x16: {  	s3 =	sld [smem:$0x3FDB];
	s0 =	simm.s32 @p2 $0x1  }
0x17: {  	s4 =	simm.s32 $0x1BF5;
	[smem:$0x3FB0] =	sst s0  }
0x18: {  	s0 =	sld [smem:$0x3F93];
	_ =	swait.ge [sflag:s4], $0x0  }
0x19: {  	s7 =	sld [smem:$0x3F94]  }
0x1a: {  	s8 =	sadd.s32 $0xFFFFE003, lr  }
0x1b: {  	s9 =	sadd.s32 $0xFFFFFEF7, lr;
	s5 =	simm.s32 $0xFFFFFFFF;
	p2 =	slt.u32 s8, $0xFFFFF086  }
0x1c: {  	p1 =	slt.u32 s9, $0xF7A;
	s5 =	simm.s32 @!p2 $0x0  }
0x1d: {  	s5 =	simm.s32 @p1 $0x1;
	p0 =	seq.s32 s7, s2  }
0x1e: {  	s7 =	smul.u32 @!p0 $0xF7A, s2;
	p2 =	seq.s32 @!p0 s5, $0x0  }
0x1f: {  	s9 =	smul.u32 $0xF7A, s1;
	s8 =	simm.s32 @!p0 $0x1BF5;
	p2 =	por !p2, p0  }
0x20: {  	[sflag:s8] =	ssyncset.s32 @!p0 $0xFFFFF086;
	s6 =	sadd.s32 @!p0 s3, s7;
	s7 =	simm.s32 @!p0 $0x108  }
0x21: {  	s3 =	sadd.s32 s3, s9;
	s6 =	sadd.s32 @!p0 $0x88, s6;
	s7 =	simm.s32 @p2 $0x1082  }
0x22: {  	[simem:s7], [sflag:s8] =	dma.local @!p0 [hbm:s6], $0xF7A  }
0x23: {  	s9 =	sor.u32 $0xD0000000, s2;
	s6 =	simm.s32 $0x108;
	_ =	swait.ge @!p0 [sflag:s8], $0x0  }
0x24: {  	s3 =	sadd.s32 $0x88, s3;
	s6 =	simm.s32 @!p1 $0x1082;
	[sflag:s4] =	ssyncset.s32 $0xFFFFF086  }
0x25: {  	[simem:s6], [sflag:s4] =	dma.local [hbm:s3], $0xF7A  }
0x26: {  	[smem:$0x3F94] =	sst s1;
	(tag) =	ssettag s2;
	_ =	strace s9  }
0x27: {  	s1 =	sld [smem:$0x3FA4]  }
0x28: {  	s2 =	sld [smem:$0x3FA5]  }
0x29: {  	s4 =	sld [smem:$0x3FA7]  }
0x2a: {  	p0 =	seq.s32 s5, $0x0;
	s5 =	sld [smem:$0x3FA8]  }
0x2b: {  	s6 =	sld [smem:$0x3FA9]  }
0x2c: {  	s7 =	sld [smem:$0x3FAA]  }
0x2d: {  	s3 =	simm.s32 $0x108;
	s8 =	sld [smem:$0x3FAB]  }
0x2e: {  	s3 =	simm.s32 @!p0 $0x1082;
	s9 =	sld [smem:$0x3FAC]  }
0x2f: {  	lr =	sadd.s32 s0, s3;
	s0 =	sld [smem:$0x3FA3]  }
0x30: {  	s3 =	sld [smem:$0x3FA6]  }
0x31: {  	[smem:$0x3FAF] =	sst s10  }
0x32: {  	s10 =	sld [smem:$0x3FAD];
	_ =	sdelay $0x3  }
0x33: {  	p0 =	seq.s32 s10, $0x1;
	s10 =	sld [smem:$0x3FAF];
	_ =	sdelay $0x3  }
0x34: {  	[smem:$0x3FAF] =	sst s10  }
0x35: {  	s10 =	sld [smem:$0x3FAE];
	_ =	sdelay $0x3  }
0x36: {  	p1 =	seq.s32 s10, $0x1;
	s10 =	sld [smem:$0x3FAF];
	_ =	sdelay $0x3  }
0x37: {  	[smem:$0x3FAF] =	sst s10  }
0x38: {  	s10 =	sld [smem:$0x3FB0]  }
0x39: {  	_ = 	snop;
	(pc) =	sbr.ind lr, $3  }
0x3a: {  	_ = 	snop  }
0x3b: {  	_ = 	snop  }
0x3c: {  	p2 =	seq.s32 s10, $0x1;
	s10 =	sld [smem:$0x3FAF]  }
0x3d: {  	_ =	shalt  }
0x3e: {  	_ =	shalt  }
0x3f: {  	_ =	shalt  }
0x40: {  	_ =	shalt  }
0x41: {  	_ =	shalt  }
0x42: {  	_ =	shalt  }
0x43: {  	_ =	shalt  }
0x44: {  	_ =	shalt  }
0x45: {  	_ =	shalt  }
0x46: {  	_ =	shalt  }
0x47: {  	_ =	shalt  }
0x48: {  	_ =	shalt  }
0x49: {  	_ =	shalt  }
0x4a: {  	_ =	shalt  }
0x4b: {  	_ =	shalt  }
0x4c: {  	_ =	shalt  }
0x4d: {  	_ =	shalt  }
0x4e: {  	_ =	shalt  }
0x4f: {  	_ =	shalt  }
0x50: {  	_ =	shalt  }
0x51: {  	_ =	shalt  }
0x52: {  	_ =	shalt  }
0x53: {  	_ =	shalt  }
0x54: {  	_ =	shalt  }
0x55: {  	_ =	shalt  }
0x56: {  	_ =	shalt  }
0x57: {  	_ =	shalt  }
0x58: {  	_ =	shalt  }
0x59: {  	_ =	shalt  }
0x5a: {  	_ =	shalt  }
0x5b: {  	_ =	shalt  }
0x5c: {  	_ =	shalt  }
0x5d: {  	_ =	shalt  }
0x5e: {  	_ =	shalt  }
0x5f: {  	_ =	shalt  }
0x60: {  	_ =	shalt  }
0x61: {  	_ =	shalt  }
0x62: {  	_ =	shalt  }
0x63: {  	_ =	shalt  }
0x64: {  	_ =	shalt  }
0x65: {  	_ =	shalt  }
0x66: {  	_ =	shalt  }
0x67: {  	_ =	shalt  }
0x68: {  	_ =	shalt  }
0x69: {  	_ =	shalt  }
0x6a: {  	_ =	shalt  }
0x6b: {  	_ =	shalt  }
0x6c: {  	_ =	shalt  }
0x6d: {  	_ =	shalt  }
0x6e: {  	_ =	shalt  }
0x6f: {  	_ =	shalt  }
0x70: {  	_ =	shalt  }
0x71: {  	_ =	shalt  }
0x72: {  	_ =	shalt  }
0x73: {  	_ =	shalt  }
0x74: {  	_ =	shalt  }
0x75: {  	_ =	shalt  }
0x76: {  	_ =	shalt  }
0x77: {  	_ =	shalt  }
0x78: {  	_ =	shalt  }
0x79: {  	_ =	shalt  }
0x7a: {  	_ =	shalt  }
0x7b: {  	_ =	shalt  }
0x7c: {  	_ =	shalt  }
0x7d: {  	_ =	shalt  }
0x7e: {  	_ =	shalt  }
0x7f: {  	_ =	shalt  }
0x80: {  	_ =	shalt  }
0x81: {  	_ =	shalt  }
0x82: {  	_ =	shalt  }
0x83: {  	_ =	shalt  }
0x84: {  	_ =	shalt  }
0x85: {  	_ =	shalt  }
0x86: {  	_ =	shalt  }
0x87: {  	_ =	shalt  }
.Lfunc_end0:
.L_simem_size_0:
called_computation.2_lowered:
.L_overlay_start_0:
0x88: {  	s2 =	sld [smem:$0x3FD9]  }
0x89: {  	s3 =	sld [smem:$0x3FFE];
	_ =	sdelay $0x1  }
0x8a: {  	s1 =	srdreg.scid  }
0x8b: {  	s0 =	sand.u32 $0x1, s1  }
0x8c: {  	s16 =	sshll.u32 s0, $0xA;
	s2 =	sadd.s32 s3, s2  }
0x8d: {  	s2 =	sadd.s32 s2, s16  }
0x8e: {  	[smem:$0x3FBB] =	sst s2  }
0x8f: {  	_ = 	snop  }
0x90: {  	(tm) =	ssettm $0x1  }
0x91: {  	s17 =	sld [smem:$0x3FFB];
	_ =	sdelay $0x3  }
0x92: {  	_ =	strace s17  }
0x93: {  	s2 =	sld [smem:$0x3FFC];
	_ =	sdelay $0x3  }
0x94: {  	_ =	strace s2  }
0x95: {  	s2 =	sld [smem:$0x3FFD];
	_ =	sdelay $0x3  }
0x96: {  	_ =	strace s2  }
0x97: {  	_ =	strace $0x8FFFFFFF  }
0x98: {  	s18 =	sld [smem:$0x3FDB];
	_ =	sdelay $0x1  }
0x99: {  	s19 =	simm.s32 $_scs_section_size  }
0x9a: {  	s4 =	simm.s32 $_size__tile_overlayer_lowered;
	s5 =	simm.s32 $_tile_overlayer_lowered  }
0x9b: {  	s22 =	simm.s32 $0x1BFF;
	s21 =	sshll.u32 s5, $0x1;
	s2 =	sadd.s32 s19, s18  }
0x9c: {  	s6 =	simm.s32 $0x0;
	s20 =	sshll.u32 s4, $0x1;
	s4 =	sadd.s32 s21, s2  }
0x9d: {  	[timem:s6], [sflag:s22] =	dma.local [hbm:s4], s20  }
0x9e: {  	_ =	swait.ge [sflag:s22], s20  }
0x9f: {  	s3 =	ssub.s32 $0x0, s20;
	[sflag:s22] =	ssyncset.done $0x0  }
0xa0: {  	[sflag:s22] =	ssyncadd.s32 s3;
	_ =	sdelay $0x1  }
0xa1: {  	s23 =	simm.s32 $0x1B8B  }
0xa2: {  	_ =	swait.ge [sflag:s23], $0x1  }
0xa3: {  	[sflag:s23] =	ssyncset.done $0x0  }
0xa4: {  	s25 =	simm.s32 $0x1B8E;
	s24 =	sld [smem:$0x3FFE];
	[sflag:s23] =	ssyncadd.s32 $0xFFFFFFFF  }
0xa5: {  	s26 =	simm.s32 $execute0_lowered;
	[smem:$0x3FD2] =	sst s25  }
0xa6: {  	s4 =	sshll.u32 s26, $0x1;
	_ =	strace $0x8000004C;
	[dreg:$0x1] =	wrdreg $0xFFFFFFFF  }
0xa7: {  	s28 =	simm.s32 $_size_execute0_lowered;
	s2 =	sadd.s32 s2, s4;
	[dreg:$0x0] =	wrdreg $0x0  }
0xa8: {  	s4 =	sshll.u32 s28, $0x1;
	[dreg:$0x2] =	wrdreg s2  }
0xa9: {  	[dreg:$0x3] =	wrdreg s4  }
0xaa: {  	[dreg:$0x4] =	wrdreg $0xC0  }
0xab: {  	_ =	task [dreg:s6], $0x5FFFF  }
0xac: {  	[dreg:$0x1] =	wrdreg $0xFFFFFFFF  }
0xad: {  	[dreg:$0x0] =	wrdreg $0x60  }
0xae: {  	[dreg:$0x2] =	wrdreg s24  }
0xaf: {  	[dreg:$0x3] =	wrdreg $0xB2200  }
0xb0: {  	[dreg:$0x4] =	wrdreg $0x9  }
0xb1: {  	_ =	task.clear_ibuf [dreg:s6], $0x5FFFF;
	_ =	strace $0x9000004C  }
0xb2: {  	s29 =	simm.s32 $0x9;
	_ =	strace $0x8000004E  }
0xb3: {  	_ =	swait.ge [sflag:s29], $0x1  }
0xb4: {  	[sflag:s29] =	ssyncadd.s32 $0xFFFFFFFF  }
0xb5: {  	_ =	strace $0x9000004E  }
0xb6: {  	_ =	sfence  }
0xb7: {  	s30 =	sld [smem:$0x0];
	_ =	sdelay $0x2  }
0xb8: {  	s31 =	sshll.u32 s1, $0xD;
	s1 =	sshrl.u32 s1, $0x2  }
0xb9: {  	s3 =	sand.u32 $0x4000, s31;
	s1 =	sadd.s32 s1, s30  }
0xba: {  	s0 =	sor.u32 s3, s0;
	s1 =	sshll.u32 s1, $0x11  }
0xbb: {  	s0 =	sor.u32 s1, s0  }
0xbc: {  	s0 =	sadd.s32 $0x8F2B, s0  }
0xbd: {  	[sflag:s0] =	ssyncadd.remote.s32 $0x1  }
0xbe: {  	_ =	sfence.sel $0xFFFF  }
0xbf: {  	[dreg:$0x0] =	wrdreg $0xFFFFFFFF;
	(pc) =	sbr.abs _section_cstart, $3  }
0xc0: {  	[dreg:$0x1] =	wrdreg $0xFFFFFFFF  }
0xc1: {  	_ =	task.clear_ibuf [dreg:s6], $0x2FFFF;
	_ =	strace $0x9FFFFFFF  }
0xc2: {  	(tm) =	ssettm $0x7FFFFFFF  }
0xc3: {  	_ =	shalt  }
tec
execute0_lowered:
.L_overlay_start_1:
0x0: {  	(tag) =	ssettag $0x1  }
0x1: {  	s20 =	stileid.u32  }
0x2: {  	s0 =	srdreg.scid;
	s19 =	smul.u32 $0x5000, s20  }
0x3: {  	s0 =	sand.u32 $0x1, s0;
	s24 =	smul.u32 $0x280, s20  }
0x4: {  	s7 =	sor.u32 $0x10, s20;
	s6 =	smul.u32 $0x13880, s0  }
0x5: {  	s12 =	sor.u32 $0x20, s20;
	s9 =	smul.u32 $0x5000, s7  }
0x6: {  	s13 =	sor.u32 $0x30, s20;
	s10 =	smul.u32 $0x5000, s12  }
0x7: {  	s1 =	rddreg [dreg:$0x0];
	s14 =	sor.u32 $0x40, s20;
	s11 =	smul.u32 $0x5000, s13  }
0x8: {  	s2 =	rddreg [dreg:$0x1];
	s15 =	sor.u32 $0x50, s20;
	s22 =	smul.u32 $0x5000, s14  }
0x9: {  	s28 =	simm.s32 $0x50;
	s17 =	sor.u32 $0x60, s20;
	s16 =	smul.u32 $0x5000, s15  }
0xa: {  	s29 =	simm.s32 $0x6220;
	s31 =	simm.s32 $0x7620;
	s23 =	smul.u32 $0x5000, s17  }
0xb: {  	s30 =	simm.s32 $0x9E20;
	s18 =	sor.u32 $0x70, s20;
	s7 =	smul.u32 $0x280, s7  }
0xc: {  	s3 =	sshll.u32 s0, $0x4;
	s0 =	ssub.s32 $0x2, s0;
	s25 =	smul.u32 $0x280, s12  }
0xd: {  	p0 =	sgt.u32 s18, $0x7C;
	s4 =	sor.u32 s20, s3;
	s3 =	simm.s32 $0x0  }
0xe: {  	s8 =	sshrl.u32 s0, $0x1;
	s5 =	smul.u32 $0x4E2, s4;
	[smem:$0x7FF] =	sst s3  }
0xf: {  	s4 =	sadd.s32 $0x16A00, s1;
	s0 =	ssub.s32 s0, s8;
	s9 =	sshrl.u32 s9, $0x2  }
0x10: {  	s10 =	sshrl.u32 s10, $0x2;
	s11 =	sshrl.u32 s11, $0x2;
	s16 =	sshrl.u32 s16, $0x2  }
0x11: {  	_ =	strace $0x8000004D;
	s0 =	smax.u32 s0, $0x1;
	s9 =	sadd.s32 s9, s2  }
0x12: {  	s10 =	sadd.s32 s10, s2;
	s11 =	sadd.s32 s11, s2;
	s5 =	sadd.s32 s5, s1  }
0x13: {  	s1 =	sadd.s32 s6, s1;
	[dreg:$0x5] =	wrdreg s0;
	s6 =	sshrl.u32 s19, $0x2  }
0x14: {  	s19 =	smul.u32 $0x5000, s18;
	s0 =	sshrl.u32 s23, $0x2;
	s21 =	sadd.s32 $0x2E00, s5  }
0x15: {  	s5 =	sadd.s32 $0xCC00, s5;
	s1 =	sadd.s32 $0x2A400, s1;
	[dreg:$0x3] =	wrdreg s21  }
0x16: {  	s8 =	sadd.s32 s6, s2;
	[dreg:$0x4] =	wrdreg s5;
	s21 =	smul.u32 $0x280, s13  }
0x17: {  	s5 =	sshrl.u32 s22, $0x2;
	s26 =	sshrl.u32 s19, $0x2;
	s19 =	smul.u32 $0x280, s15  }
0x18: {  	s13 =	sadd.s32 s16, s2;
	s22 =	smul.u32 $0x280, s17;
	s6 =	sadd.s32 s1, s24  }
0x19: {  	s23 =	sadd.s32 s1, s7;
	s24 =	smul.u32 $0x280, s18;
	s25 =	sadd.s32 s1, s25  }
0x1a: {  	s7 =	simm.s32 $0x5;
	s16 =	simm.s32 $0x7;
	s17 =	simm.s32 $0x0  }
0x1b: {  	s12 =	sadd.s32 s5, s2;
	s5 =	smul.u32 $0x280, s14;
	[dreg:$0x6] =	wrdreg s6  }
0x1c: {  	s14 =	sadd.s32 s0, s2;
	s15 =	sadd.s32 s26, s2;
	[dreg:$0x7] =	wrdreg s23  }
0x1d: {  	[dreg:$0x8] =	wrdreg s25;
	s25 =	simm.s32 $0x6;
	s0 =	simm.s32 $0x8A20  }
0x1e: {  	s6 =	simm.s32 $0x4;
	s26 =	sadd.s32 s1, s21;
	s21 =	sadd.s32 s1, s19  }
0x1f: {  	s22 =	sadd.s32 s1, s22;
	s23 =	sadd.s32 s1, s24;
	s24 =	simm.s32 $0x4E20  }
0x20: {  	[dreg:$0x9] =	wrdreg s26;
	s5 =	sadd.s32 s1, s5;
	s1 =	simm.s32 $0x1  }
0x21: {  	v0 =	vimm.f32 $0.0e+00;
	s26 =	simm.s32 $0x2;
	[dreg:$0xa] =	wrdreg s5;
	s5 =	simm.s32 $0x3  }
.LBB2_1:
0x22: {  	s19 =	simm.s32 $0x100;
	s18 =	simm.s32 $0x0  }
.LBB2_2:
0x23: {  	p1 =	sne.s32 s19, $0x4F00;
	[tilespmem:s18+$0x4E50] =	vst v0;
	s20 =	smov.u32 s19;
	s19 =	sadd.s32 $0x100, s19  }
.Ltmp0:
0x24: {  	[tilespmem:s18+$0x4E40] =	vst v0;
	(pc) =	sbr.rel @p1 .LBB2_2-.Ltmp0, $3  }
0x25: {  	[tilespmem:s18+$0x4E20] =	vst v0  }
0x26: {  	[tilespmem:s18+$0x4E30] =	vst v0;
	_ =	sdelay $0x1  }
0x27: {  	s18 =	sshra.s32 s20, $0x2  }
0x28: {  	[tilespmem:s18+$0x4E50] =	vst v0  }
0x29: {  	[tilespmem:s18+$0x4E40] =	vst v0  }
0x2a: {  	[tilespmem:s18+$0x4E20] =	vst v0  }
0x2b: {  	[tilespmem:s18+$0x4E30] =	vst v0  }
0x2c: {  	[spmem:s8] =	stream.linear.scatter [tilespmem:s24], [sflag:$0x6], $0x1400, $0x38;
	[tilespmem:$0x14E60] =	vst v63  }
0x2d: {  	_ =	swait.ge [sflag:s25], $0x1400  }
0x2e: {  	[sflag:s25] =	ssyncset.done $0x0  }
0x2f: {  	[sflag:s25] =	ssyncadd.s32 $0xFFFFEC00  }
0x30: {  	[spmem:s9] =	stream.linear.scatter [tilespmem:s24], [sflag:$0x6], $0x1400, $0x38;
	[tilespmem:$0x14E60] =	vst v63  }
0x31: {  	_ =	swait.ge [sflag:s25], $0x1400  }
0x32: {  	[sflag:s25] =	ssyncset.done $0x0  }
0x33: {  	[sflag:s25] =	ssyncadd.s32 $0xFFFFEC00  }
0x34: {  	[spmem:s10] =	stream.linear.scatter [tilespmem:s24], [sflag:$0x6], $0x1400, $0x38;
	[tilespmem:$0x14E60] =	vst v63  }
0x35: {  	_ =	swait.ge [sflag:s25], $0x1400  }
0x36: {  	[sflag:s25] =	ssyncset.done $0x0  }
0x37: {  	[sflag:s25] =	ssyncadd.s32 $0xFFFFEC00  }
0x38: {  	[spmem:s11] =	stream.linear.scatter [tilespmem:s24], [sflag:$0x6], $0x1400, $0x38;
	[tilespmem:$0x14E60] =	vst v63  }
0x39: {  	_ =	swait.ge [sflag:s25], $0x1400  }
0x3a: {  	[sflag:s25] =	ssyncset.done $0x0  }
0x3b: {  	[sflag:s25] =	ssyncadd.s32 $0xFFFFEC00  }
0x3c: {  	[spmem:s12] =	stream.linear.scatter [tilespmem:s24], [sflag:$0x6], $0x1400, $0x38;
	[tilespmem:$0x14E60] =	vst v63  }
0x3d: {  	_ =	swait.ge [sflag:s25], $0x1400  }
0x3e: {  	[sflag:s25] =	ssyncset.done $0x0  }
0x3f: {  	[sflag:s25] =	ssyncadd.s32 $0xFFFFEC00  }
0x40: {  	[spmem:s13] =	stream.linear.scatter [tilespmem:s24], [sflag:$0x6], $0x1400, $0x38;
	[tilespmem:$0x14E60] =	vst v63  }
0x41: {  	_ =	swait.ge [sflag:s25], $0x1400  }
0x42: {  	[sflag:s25] =	ssyncset.done $0x0  }
0x43: {  	[sflag:s25] =	ssyncadd.s32 $0xFFFFEC00  }
0x44: {  	[spmem:s14] =	stream.linear.scatter [tilespmem:s24], [sflag:$0x6], $0x1400, $0x38;
	[tilespmem:$0x14E60] =	vst v63  }
0x45: {  	_ =	swait.ge [sflag:s25], $0x1400  }
0x46: {  	[sflag:s25] =	ssyncset.done $0x0  }
0x47: {  	s18 =	simm.s32 @!p0 $0x4E20;
	[sflag:s25] =	ssyncadd.s32 $0xFFFFEC00  }
0x48: {  	[spmem:s15] =	stream.linear.scatter @!p0 [tilespmem:s18], [sflag:$0x6], $0x1400, $0x38;
	[tilespmem:$0x14E60] =	vst v63  }
0x49: {  	s18 =	simm.s32 @!p0 $0x6  }
0x4a: {  	_ =	swait.ge @!p0 [sflag:s18], $0x1400  }
0x4b: {  	[sflag:s18] =	ssyncset.done @!p0 $0x0  }
0x4c: {  	s19 =	rddreg [dreg:$0x3];
	[sflag:s18] =	ssyncadd.s32 @!p0 $0xFFFFEC00;
	s18 =	simm.s32 $0x0  }
0x4d: {  	[tilespmem:s18], [sflag:$0x6] =	stream.linear.gather [hbm4b:s19+s18], $0x2710, $0x38;
	[tilespmem:$0x14E60] =	vst v63  }
0x4e: {  	_ =	swait.ge [sflag:s25], $0x2710  }
0x4f: {  	[sflag:s25] =	ssyncset.done $0x0  }
0x50: {  	s20 =	simm.s32 $0x2710;
	s19 =	rddreg [dreg:$0x4];
	[sflag:s25] =	ssyncadd.s32 $0xFFFFD8F0  }
0x51: {  	[tilespmem:s20], [sflag:$0x6] =	stream.linear.gather [hbm4b:s19+s18], $0x2710, $0x38;
	[tilespmem:$0x14E60] =	vst v63  }
0x52: {  	_ =	swait.ge [sflag:s25], $0x2710  }
0x53: {  	[sflag:s25] =	ssyncset.done $0x0  }
0x54: {  	[sflag:s25] =	ssyncadd.s32 $0xFFFFD8F0  }
0x55: {  	[bflag:$0x0] =	sbarrier.arrive $0xFFFF  }
0x56: {  	[tilespmem:s24], [sflag:$0x1] =	stream.indirect.gather [hbm4b:s4+s28], $0x40, s18, s28, $0xb8;
	[tilespmem:$0x14E60] =	vst v63  }
0x57: {  	_ = 	snop  }
0x58: {  	[tilespmem:s29], [sflag:$0x2] =	stream.indirect.gather [hbm4b:s4+s28], $0x40, s28, s28, $0xb8;
	[tilespmem:$0x14E60] =	vst v63  }
0x59: {  	s19 =	simm.s32 $0xA0  }
0x5a: {  	[tilespmem:s31], [sflag:$0x3] =	stream.indirect.gather [hbm4b:s4+s28], $0x40, s19, s28, $0xb8;
	[tilespmem:$0x14E60] =	vst v63  }
0x5b: {  	s20 =	simm.s32 $0xF0  }
0x5c: {  	[tilespmem:s0], [sflag:$0x4] =	stream.indirect.gather [hbm4b:s4+s28], $0x40, s20, s28, $0xb8;
	[tilespmem:$0x14E60] =	vst v63  }
0x5d: {  	s19 =	simm.s32 $0x140  }
0x5e: {  	[tilespmem:s30], [sflag:$0x5] =	stream.indirect.gather [hbm4b:s4+s28], $0x40, s19, s28, $0xb8;
	[tilespmem:$0x14E60] =	vst v63  }
0x5f: {  	_ =	swait.ge [sflag:s1], $0x1400  }
0x60: {  	[sflag:s1] =	ssyncset.done $0x0  }
0x61: {  	s20 =	simm.s32 $0x2710;
	[sflag:s1] =	ssyncadd.s32 $0xFFFFEC00  }
0x62: {  	[spmem:s2] =	stream.indirect.scatter.add.f32 [tilespmem:s24], [sflag:$0x6], $0x40, s20, s28, $0xb8;
	[tilespmem:$0x14E60] =	vst v63  }
0x63: {  	_ =	swait.ge [sflag:s25], $0x1400  }
0x64: {  	[sflag:s25] =	ssyncset.done $0x0  }
0x65: {  	s19 =	simm.s32 $0x190;
	[sflag:s25] =	ssyncadd.s32 $0xFFFFEC00  }
0x66: {  	[tilespmem:s24], [sflag:$0x1] =	stream.indirect.gather [hbm4b:s4+s28], $0x40, s19, s28, $0xb8;
	[tilespmem:$0x14E60] =	vst v63  }
0x67: {  	_ =	swait.ge [sflag:s26], $0x1400  }
0x68: {  	[sflag:s26] =	ssyncset.done $0x0  }
0x69: {  	s20 =	simm.s32 $0x2760;
	[sflag:s26] =	ssyncadd.s32 $0xFFFFEC00  }
0x6a: {  	[spmem:s2] =	stream.indirect.scatter.add.f32 [tilespmem:s29], [sflag:$0x6], $0x40, s20, s28, $0xb8;
	[tilespmem:$0x14E60] =	vst v63  }
0x6b: {  	_ =	swait.ge [sflag:s25], $0x1400  }
0x6c: {  	[sflag:s25] =	ssyncset.done $0x0  }
0x6d: {  	s19 =	simm.s32 $0x1E0;
	[sflag:s25] =	ssyncadd.s32 $0xFFFFEC00  }
0x6e: {  	[tilespmem:s29], [sflag:$0x2] =	stream.indirect.gather [hbm4b:s4+s28], $0x40, s19, s28, $0xb8;
	[tilespmem:$0x14E60] =	vst v63  }
0x6f: {  	_ =	swait.ge [sflag:s5], $0x1400  }
0x70: {  	[sflag:s5] =	ssyncset.done $0x0  }
0x71: {  	s20 =	simm.s32 $0x27B0;
	[sflag:s5] =	ssyncadd.s32 $0xFFFFEC00  }
0x72: {  	[spmem:s2] =	stream.indirect.scatter.add.f32 [tilespmem:s31], [sflag:$0x6], $0x40, s20, s28, $0xb8;
	[tilespmem:$0x14E60] =	vst v63  }
0x73: {  	_ =	swait.ge [sflag:s25], $0x1400  }
0x74: {  	[sflag:s25] =	ssyncset.done $0x0  }
0x75: {  	s19 =	simm.s32 $0x230;
	[sflag:s25] =	ssyncadd.s32 $0xFFFFEC00  }
0x76: {  	[tilespmem:s31], [sflag:$0x3] =	stream.indirect.gather [hbm4b:s4+s28], $0x40, s19, s28, $0xb8;
	[tilespmem:$0x14E60] =	vst v63  }
0x77: {  	_ =	swait.ge [sflag:s6], $0x1400  }
0x78: {  	[sflag:s6] =	ssyncset.done $0x0  }
0x79: {  	s20 =	simm.s32 $0x2800;
	[sflag:s6] =	ssyncadd.s32 $0xFFFFEC00  }
0x7a: {  	[spmem:s2] =	stream.indirect.scatter.add.f32 [tilespmem:s0], [sflag:$0x6], $0x40, s20, s28, $0xb8;
	[tilespmem:$0x14E60] =	vst v63  }
0x7b: {  	_ =	swait.ge [sflag:s25], $0x1400  }
0x7c: {  	[sflag:s25] =	ssyncset.done $0x0  }
0x7d: {  	s19 =	simm.s32 $0x280;
	[sflag:s25] =	ssyncadd.s32 $0xFFFFEC00  }
0x7e: {  	[tilespmem:s0], [sflag:$0x4] =	stream.indirect.gather [hbm4b:s4+s28], $0x40, s19, s28, $0xb8;
	[tilespmem:$0x14E60] =	vst v63  }
0x7f: {  	_ =	swait.ge [sflag:s7], $0x1400  }
0x80: {  	[sflag:s7] =	ssyncset.done $0x0  }
0x81: {  	s20 =	simm.s32 $0x2850;
	[sflag:s7] =	ssyncadd.s32 $0xFFFFEC00  }
0x82: {  	[spmem:s2] =	stream.indirect.scatter.add.f32 [tilespmem:s30], [sflag:$0x6], $0x40, s20, s28, $0xb8;
	[tilespmem:$0x14E60] =	vst v63  }
0x83: {  	_ =	swait.ge [sflag:s25], $0x1400  }
0x84: {  	[sflag:s25] =	ssyncset.done $0x0  }
0x85: {  	s18 =	simm.s32 $0x640;
	s19 =	simm.s32 $0x2D0;
	[sflag:s25] =	ssyncadd.s32 $0xFFFFEC00  }
.LBB2_4:
0x86: {  	[tilespmem:s30], [sflag:$0x5] =	stream.indirect.gather [hbm4b:s4+s28], $0x40, s19, s28, $0xb8;
	[tilespmem:$0x14E60] =	vst v63  }
0x87: {  	s19 =	smov.u32 s18  }
0x88: {  	p1 =	sne.s32 s18, $0x8FC0;
	s18 =	sadd.s32 $0x640, s18;
	_ =	swait.ge [sflag:s1], $0x1400  }
0x89: {  	s19 =	sshra.s32 s19, $0x2;
	[sflag:s1] =	ssyncset.done $0x0  }
0x8a: {  	s20 =	sadd.s32 $0x2710, s19;
	[sflag:s1] =	ssyncadd.s32 $0xFFFFEC00  }
0x8b: {  	[spmem:s2] =	stream.indirect.scatter.add.f32 [tilespmem:s24], [sflag:$0x6], $0x40, s20, s28, $0xb8;
	[tilespmem:$0x14E60] =	vst v63  }
0x8c: {  	_ =	swait.ge [sflag:s25], $0x1400  }
0x8d: {  	[sflag:s25] =	ssyncset.done $0x0  }
0x8e: {  	s20 =	sadd.s32 $0x190, s19;
	[sflag:s25] =	ssyncadd.s32 $0xFFFFEC00  }
0x8f: {  	[tilespmem:s24], [sflag:$0x1] =	stream.indirect.gather [hbm4b:s4+s28], $0x40, s20, s28, $0xb8;
	[tilespmem:$0x14E60] =	vst v63  }
0x90: {  	_ =	swait.ge [sflag:s26], $0x1400  }
0x91: {  	[sflag:s26] =	ssyncset.done $0x0  }
0x92: {  	s20 =	sadd.s32 $0x2760, s19;
	[sflag:s26] =	ssyncadd.s32 $0xFFFFEC00  }
0x93: {  	[spmem:s2] =	stream.indirect.scatter.add.f32 [tilespmem:s29], [sflag:$0x6], $0x40, s20, s28, $0xb8;
	[tilespmem:$0x14E60] =	vst v63  }
0x94: {  	_ =	swait.ge [sflag:s25], $0x1400  }
0x95: {  	[sflag:s25] =	ssyncset.done $0x0  }
0x96: {  	s20 =	sadd.s32 $0x1E0, s19;
	[sflag:s25] =	ssyncadd.s32 $0xFFFFEC00  }
0x97: {  	[tilespmem:s29], [sflag:$0x2] =	stream.indirect.gather [hbm4b:s4+s28], $0x40, s20, s28, $0xb8;
	[tilespmem:$0x14E60] =	vst v63  }
0x98: {  	_ =	swait.ge [sflag:s5], $0x1400  }
0x99: {  	[sflag:s5] =	ssyncset.done $0x0  }
0x9a: {  	s20 =	sadd.s32 $0x27B0, s19;
	[sflag:s5] =	ssyncadd.s32 $0xFFFFEC00  }
0x9b: {  	[spmem:s2] =	stream.indirect.scatter.add.f32 [tilespmem:s31], [sflag:$0x6], $0x40, s20, s28, $0xb8;
	[tilespmem:$0x14E60] =	vst v63  }
0x9c: {  	_ =	swait.ge [sflag:s25], $0x1400  }
0x9d: {  	[sflag:s25] =	ssyncset.done $0x0  }
0x9e: {  	s20 =	sadd.s32 $0x230, s19;
	[sflag:s25] =	ssyncadd.s32 $0xFFFFEC00  }
0x9f: {  	[tilespmem:s31], [sflag:$0x3] =	stream.indirect.gather [hbm4b:s4+s28], $0x40, s20, s28, $0xb8;
	[tilespmem:$0x14E60] =	vst v63  }
0xa0: {  	_ =	swait.ge [sflag:s6], $0x1400  }
0xa1: {  	[sflag:s6] =	ssyncset.done $0x0  }
0xa2: {  	s20 =	sadd.s32 $0x2800, s19;
	[sflag:s6] =	ssyncadd.s32 $0xFFFFEC00  }
0xa3: {  	[spmem:s2] =	stream.indirect.scatter.add.f32 [tilespmem:s0], [sflag:$0x6], $0x40, s20, s28, $0xb8;
	[tilespmem:$0x14E60] =	vst v63  }
0xa4: {  	_ =	swait.ge [sflag:s25], $0x1400  }
0xa5: {  	[sflag:s25] =	ssyncset.done $0x0  }
0xa6: {  	s20 =	sadd.s32 $0x280, s19;
	[sflag:s25] =	ssyncadd.s32 $0xFFFFEC00  }
0xa7: {  	[tilespmem:s0], [sflag:$0x4] =	stream.indirect.gather [hbm4b:s4+s28], $0x40, s20, s28, $0xb8;
	[tilespmem:$0x14E60] =	vst v63  }
0xa8: {  	_ =	swait.ge [sflag:s7], $0x1400  }
0xa9: {  	[sflag:s7] =	ssyncset.done $0x0  }
.Ltmp1:
0xaa: {  	s20 =	sadd.s32 $0x2850, s19;
	[sflag:s7] =	ssyncadd.s32 $0xFFFFEC00;
	(pc) =	sbr.rel @p1 .LBB2_4-.Ltmp1, $4  }
0xab: {  	[spmem:s2] =	stream.indirect.scatter.add.f32 [tilespmem:s30], [sflag:$0x6], $0x40, s20, s28, $0xb8;
	[tilespmem:$0x14E60] =	vst v63  }
0xac: {  	_ =	swait.ge [sflag:s25], $0x1400  }
0xad: {  	[sflag:s25] =	ssyncset.done $0x0  }
0xae: {  	s19 =	sadd.s32 $0x2D0, s19;
	[sflag:s25] =	ssyncadd.s32 $0xFFFFEC00  }
0xaf: {  	[tilespmem:s30], [sflag:$0x5] =	stream.indirect.gather [hbm4b:s4+s28], $0x40, s19, s28, $0xb8;
	[tilespmem:$0x14E60] =	vst v63  }
0xb0: {  	_ =	swait.ge [sflag:s1], $0x1400  }
0xb1: {  	[sflag:s1] =	ssyncset.done $0x0  }
0xb2: {  	s18 =	simm.s32 $0x4C90;
	[sflag:s1] =	ssyncadd.s32 $0xFFFFEC00  }
0xb3: {  	[spmem:s2] =	stream.indirect.scatter.add.f32 [tilespmem:s24], [sflag:$0x6], $0x40, s18, s28, $0xb8;
	[tilespmem:$0x14E60] =	vst v63  }
0xb4: {  	_ =	swait.ge [sflag:s25], $0x1400  }
0xb5: {  	[sflag:s25] =	ssyncset.done $0x0  }
0xb6: {  	[sflag:s25] =	ssyncadd.s32 $0xFFFFEC00  }
0xb7: {  	_ =	swait.ge [sflag:s26], $0x1400  }
0xb8: {  	[sflag:s26] =	ssyncset.done $0x0  }
0xb9: {  	s19 =	simm.s32 $0x4CE0;
	[sflag:s26] =	ssyncadd.s32 $0xFFFFEC00  }
0xba: {  	[spmem:s2] =	stream.indirect.scatter.add.f32 [tilespmem:s29], [sflag:$0x6], $0x40, s19, s28, $0xb8;
	[tilespmem:$0x14E60] =	vst v63  }
0xbb: {  	_ =	swait.ge [sflag:s25], $0x1400  }
0xbc: {  	[sflag:s25] =	ssyncset.done $0x0  }
0xbd: {  	[sflag:s25] =	ssyncadd.s32 $0xFFFFEC00  }
0xbe: {  	_ =	swait.ge [sflag:s5], $0x1400  }
0xbf: {  	[sflag:s5] =	ssyncset.done $0x0  }
0xc0: {  	s20 =	simm.s32 $0x4D30;
	[sflag:s5] =	ssyncadd.s32 $0xFFFFEC00  }
0xc1: {  	[spmem:s2] =	stream.indirect.scatter.add.f32 [tilespmem:s31], [sflag:$0x6], $0x40, s20, s28, $0xb8;
	[tilespmem:$0x14E60] =	vst v63  }
0xc2: {  	_ =	swait.ge [sflag:s25], $0x1400  }
0xc3: {  	[sflag:s25] =	ssyncset.done $0x0  }
0xc4: {  	[sflag:s25] =	ssyncadd.s32 $0xFFFFEC00  }
0xc5: {  	_ =	swait.ge [sflag:s6], $0x1400  }
0xc6: {  	[sflag:s6] =	ssyncset.done $0x0  }
0xc7: {  	s19 =	simm.s32 $0x4D80;
	[sflag:s6] =	ssyncadd.s32 $0xFFFFEC00  }
0xc8: {  	[spmem:s2] =	stream.indirect.scatter.add.f32 [tilespmem:s0], [sflag:$0x6], $0x40, s19, s28, $0xb8;
	[tilespmem:$0x14E60] =	vst v63  }
0xc9: {  	_ =	swait.ge [sflag:s25], $0x1400  }
0xca: {  	[sflag:s25] =	ssyncset.done $0x0  }
0xcb: {  	[sflag:s25] =	ssyncadd.s32 $0xFFFFEC00  }
0xcc: {  	_ =	swait.ge [sflag:s7], $0x1400  }
0xcd: {  	[sflag:s7] =	ssyncset.done $0x0  }
0xce: {  	s20 =	simm.s32 $0x4DD0;
	[sflag:s7] =	ssyncadd.s32 $0xFFFFEC00  }
0xcf: {  	[spmem:s2] =	stream.indirect.scatter.add.f32 [tilespmem:s30], [sflag:$0x6], $0x40, s20, s28, $0xb8;
	[tilespmem:$0x14E60] =	vst v63  }
0xd0: {  	_ =	swait.ge [sflag:s25], $0x1400  }
0xd1: {  	[sflag:s25] =	ssyncset.done $0x0  }
0xd2: {  	[sflag:s25] =	ssyncadd.s32 $0xFFFFEC00  }
0xd3: {  	[bflag:$0x0] =	sbarrier.arrive $0xFFFF  }
0xd4: {  	[tilespmem:s24], [sflag:$0x7] =	stream.linear.gather [spmem:s8], $0x1400, $0x38;
	[tilespmem:$0x14E60] =	vst v63  }
0xd5: {  	_ =	swait.ge [sflag:s16], $0x1400  }
0xd6: {  	[sflag:s16] =	ssyncset.done $0x0  }
0xd7: {  	s19 =	rddreg [dreg:$0x6];
	[sflag:s16] =	ssyncadd.s32 $0xFFFFEC00  }
0xd8: {  	[hbm4b:s19+s3] =	stream.linear.scatter [tilespmem:s24], [sflag:$0x6], $0x1400, $0x38;
	[tilespmem:$0x14E60] =	vst v63  }
0xd9: {  	_ =	swait.ge [sflag:s25], $0x1400  }
0xda: {  	[sflag:s25] =	ssyncset.done $0x0  }
0xdb: {  	[sflag:s25] =	ssyncadd.s32 $0xFFFFEC00  }
0xdc: {  	[tilespmem:s24], [sflag:$0x7] =	stream.linear.gather [spmem:s9], $0x1400, $0x38;
	[tilespmem:$0x14E60] =	vst v63  }
0xdd: {  	_ =	swait.ge [sflag:s16], $0x1400  }
0xde: {  	[sflag:s16] =	ssyncset.done $0x0  }
0xdf: {  	s20 =	rddreg [dreg:$0x7];
	[sflag:s16] =	ssyncadd.s32 $0xFFFFEC00  }
0xe0: {  	[hbm4b:s20+s3] =	stream.linear.scatter [tilespmem:s24], [sflag:$0x6], $0x1400, $0x38;
	[tilespmem:$0x14E60] =	vst v63  }
0xe1: {  	_ =	swait.ge [sflag:s25], $0x1400  }
0xe2: {  	[sflag:s25] =	ssyncset.done $0x0  }
0xe3: {  	[sflag:s25] =	ssyncadd.s32 $0xFFFFEC00  }
0xe4: {  	[tilespmem:s24], [sflag:$0x7] =	stream.linear.gather [spmem:s10], $0x1400, $0x38;
	[tilespmem:$0x14E60] =	vst v63  }
0xe5: {  	_ =	swait.ge [sflag:s16], $0x1400  }
0xe6: {  	[sflag:s16] =	ssyncset.done $0x0  }
0xe7: {  	s19 =	rddreg [dreg:$0x8];
	[sflag:s16] =	ssyncadd.s32 $0xFFFFEC00  }
0xe8: {  	[hbm4b:s19+s3] =	stream.linear.scatter [tilespmem:s24], [sflag:$0x6], $0x1400, $0x38;
	[tilespmem:$0x14E60] =	vst v63  }
0xe9: {  	_ =	swait.ge [sflag:s25], $0x1400  }
0xea: {  	[sflag:s25] =	ssyncset.done $0x0  }
0xeb: {  	[sflag:s25] =	ssyncadd.s32 $0xFFFFEC00  }
0xec: {  	[tilespmem:s24], [sflag:$0x7] =	stream.linear.gather [spmem:s11], $0x1400, $0x38;
	[tilespmem:$0x14E60] =	vst v63  }
0xed: {  	_ =	swait.ge [sflag:s16], $0x1400  }
0xee: {  	[sflag:s16] =	ssyncset.done $0x0  }
0xef: {  	s20 =	rddreg [dreg:$0x9];
	[sflag:s16] =	ssyncadd.s32 $0xFFFFEC00  }
0xf0: {  	[hbm4b:s20+s3] =	stream.linear.scatter [tilespmem:s24], [sflag:$0x6], $0x1400, $0x38;
	[tilespmem:$0x14E60] =	vst v63  }
0xf1: {  	_ =	swait.ge [sflag:s25], $0x1400  }
0xf2: {  	[sflag:s25] =	ssyncset.done $0x0  }
0xf3: {  	[sflag:s25] =	ssyncadd.s32 $0xFFFFEC00  }
0xf4: {  	[tilespmem:s24], [sflag:$0x7] =	stream.linear.gather [spmem:s12], $0x1400, $0x38;
	[tilespmem:$0x14E60] =	vst v63  }
0xf5: {  	_ =	swait.ge [sflag:s16], $0x1400  }
0xf6: {  	[sflag:s16] =	ssyncset.done $0x0  }
0xf7: {  	s19 =	rddreg [dreg:$0xa];
	[sflag:s16] =	ssyncadd.s32 $0xFFFFEC00  }
0xf8: {  	[hbm4b:s19+s3] =	stream.linear.scatter [tilespmem:s24], [sflag:$0x6], $0x1400, $0x38;
	[tilespmem:$0x14E60] =	vst v63  }
0xf9: {  	_ =	swait.ge [sflag:s25], $0x1400  }
0xfa: {  	[sflag:s25] =	ssyncset.done $0x0  }
0xfb: {  	[sflag:s25] =	ssyncadd.s32 $0xFFFFEC00  }
0xfc: {  	[tilespmem:s24], [sflag:$0x7] =	stream.linear.gather [spmem:s13], $0x1400, $0x38;
	[tilespmem:$0x14E60] =	vst v63  }
0xfd: {  	_ =	swait.ge [sflag:s16], $0x1400  }
0xfe: {  	[sflag:s16] =	ssyncset.done $0x0  }
0xff: {  	[sflag:s16] =	ssyncadd.s32 $0xFFFFEC00  }
0x100: {  	[hbm4b:s21+s3] =	stream.linear.scatter [tilespmem:s24], [sflag:$0x6], $0x1400, $0x38;
	[tilespmem:$0x14E60] =	vst v63  }
0x101: {  	_ =	swait.ge [sflag:s25], $0x1400  }
0x102: {  	[sflag:s25] =	ssyncset.done $0x0  }
0x103: {  	[sflag:s25] =	ssyncadd.s32 $0xFFFFEC00  }
0x104: {  	[tilespmem:s24], [sflag:$0x7] =	stream.linear.gather [spmem:s14], $0x1400, $0x38;
	[tilespmem:$0x14E60] =	vst v63  }
0x105: {  	_ =	swait.ge [sflag:s16], $0x1400  }
0x106: {  	[sflag:s16] =	ssyncset.done $0x0  }
0x107: {  	[sflag:s16] =	ssyncadd.s32 $0xFFFFEC00  }
0x108: {  	[hbm4b:s22+s3] =	stream.linear.scatter [tilespmem:s24], [sflag:$0x6], $0x1400, $0x38;
	[tilespmem:$0x14E60] =	vst v63  }
0x109: {  	_ =	swait.ge [sflag:s25], $0x1400  }
0x10a: {  	[sflag:s25] =	ssyncset.done $0x0  }
0x10b: {  	s18 =	simm.s32 @!p0 $0x4E20;
	s19 =	simm.s32 @!p0 $0x7;
	[sflag:s25] =	ssyncadd.s32 $0xFFFFEC00  }
0x10c: {  	[tilespmem:s18], [sflag:$0x7] =	stream.linear.gather @!p0 [spmem:s15], $0x1400, $0x38;
	[tilespmem:$0x14E60] =	vst v63  }
0x10d: {  	_ =	swait.ge @!p0 [sflag:s19], $0x1400  }
0x10e: {  	[sflag:s19] =	ssyncset.done @!p0 $0x0  }
0x10f: {  	[sflag:s19] =	ssyncadd.s32 @!p0 $0xFFFFEC00;
	s19 =	simm.s32 @!p0 $0x0  }
0x110: {  	[hbm4b:s23+s19] =	stream.linear.scatter @!p0 [tilespmem:s18], [sflag:$0x6], $0x1400, $0x38;
	[tilespmem:$0x14E60] =	vst v63  }
0x111: {  	s18 =	simm.s32 @!p0 $0x6  }
0x112: {  	_ =	swait.ge @!p0 [sflag:s18], $0x1400  }
0x113: {  	s17 =	sadd.s32 $0x1, s17;
	s20 =	rddreg [dreg:$0x5]  }
0x114: {  	p1 =	sne.s32 s17, s20  }
.Ltmp2:
0x115: {  	_ = 	snop;
	(pc) =	sbr.rel @p1 .LBB2_1-.Ltmp2, $3  }
0x116: {  	_ =	sdelay $0x1  }
0x117: {  	[sflag:s18] =	ssyncset.done @!p0 $0x0  }
0x118: {  	[sflag:s18] =	ssyncadd.s32 @!p0 $0xFFFFEC00  }
0x119: {  	_ =	sfence.sel $0x180000  }
0x11a: {  	[bflag:$0x0] =	sbarrier.arrive $0xFFFF  }
0x11b: {  	_ =	strace $0x9000004D  }
0x11c: {  	s0 =	stileid.u32;
	[bflag:$0x2] =	sbarrier.arrive $0xFFFF  }
0x11d: {  	p0 =	sne.s32 s0, $0x0;
	s0 =	rddreg [dreg:$0x2]  }
0x11e: {  	s0 =	sadd.s32 @!p0 $0x100000, s0  }
0x11f: {  	[sflag:s0] =	ssyncadd.tile.s32 @!p0 $0x1;
	_ =	shalt  }
.Lfunc_end2:
_tile_overlayer_lowered:
.L_overlay_start_2:
0x120: {  	(tag) =	ssettag $0x2  }
0x121: {  	s0 =	rddreg [dreg:$0x0];
	s2 =	stileid.u32  }
0x122: {  	s1 =	rddreg [dreg:$0x1];
	p0 =	sne.s32 s2, $0x0  }
0x123: {  	s3 =	rddreg [dreg:$0x2];
	[bflag:$0x3] =	sbarrier.arrive $0xFFFF;
	s2 =	simm.s32 @!p0 $0x1C06  }
0x124: {  	[timem:s3], [sflag:s2] =	dma.local @!p0 [hbm:s0], s1  }
0x125: {  	s0 =	simm.s32 @!p0 $0x6  }
0x126: {  	_ =	swait.ge @!p0 [sflag:s0], s1  }
0x127: {  	s1 =	ssub.s32 @!p0 $0x0, s1;
	[sflag:s0] =	ssyncset.done @!p0 $0x0  }
0x128: {  	[sflag:s0] =	ssyncadd.s32 @!p0 s1  }
0x129: {  	[bflag:$0x3] =	sbarrier.arrive $0xFFFF  }
0x12a: {  	_ =	shalt  }

// kernel: kernel.21.cloned.1.call-start
scs
__scs_entry_jumppad:
0x0: {  	(pc) =	sbr.rel $0x88, $3  }
0x1: {  	(tag) =	ssettag $0x0;
	lr =	simm.s32 $0x1  }
0x2: {  	[smem:$0x3F94] =	sst lr;
	_ =	strace $0xD0000000  }
0x3: {  	_ = 	snop  }
0x4: {  	_ = 	snop  }
0x5: {  	_ = 	snop  }
0x6: {  	_ = 	snop  }
0x7: {  	_ = 	snop  }
__scs_overlays_trampoline_lowered:
0x8: {  	[smem:$0x3FA3] =	sst s0  }
0x9: {  	[smem:$0x3FA4] =	sst s1  }
0xa: {  	[smem:$0x3FA5] =	sst s2  }
0xb: {  	[smem:$0x3FA6] =	sst s3  }
0xc: {  	[smem:$0x3FA7] =	sst s4  }
0xd: {  	[smem:$0x3FA8] =	sst s5  }
0xe: {  	[smem:$0x3FA9] =	sst s6  }
0xf: {  	[smem:$0x3FAA] =	sst s7  }
0x10: {  	[smem:$0x3FAB] =	sst s8  }
0x11: {  	[smem:$0x3FAC] =	sst s9;
	s0 =	simm.s32 @!p0 $0x0  }
0x12: {  	s1 =	sld [smem:$0x3F92];
	s0 =	simm.s32 @p0 $0x1  }
0x13: {  	[smem:$0x3FAD] =	sst s0;
	s0 =	simm.s32 @!p1 $0x0  }
0x14: {  	s2 =	sld [smem:$0x3F91];
	s0 =	simm.s32 @p1 $0x1  }
0x15: {  	[smem:$0x3FAE] =	sst s0;
	s0 =	simm.s32 @!p2 $0x0  }
0x16: {  	s3 =	sld [smem:$0x3FDB];
	s0 =	simm.s32 @p2 $0x1  }
0x17: {  	s4 =	simm.s32 $0x1BF5;
	[smem:$0x3FB0] =	sst s0  }
0x18: {  	s0 =	sld [smem:$0x3F93];
	_ =	swait.ge [sflag:s4], $0x0  }
0x19: {  	s7 =	sld [smem:$0x3F94]  }
0x1a: {  	s8 =	sadd.s32 $0xFFFFE003, lr  }
0x1b: {  	s9 =	sadd.s32 $0xFFFFFEF7, lr;
	s5 =	simm.s32 $0xFFFFFFFF;
	p2 =	slt.u32 s8, $0xFFFFF086  }
0x1c: {  	p1 =	slt.u32 s9, $0xF7A;
	s5 =	simm.s32 @!p2 $0x0  }
0x1d: {  	s5 =	simm.s32 @p1 $0x1;
	p0 =	seq.s32 s7, s2  }
0x1e: {  	s7 =	smul.u32 @!p0 $0xF7A, s2;
	p2 =	seq.s32 @!p0 s5, $0x0  }
0x1f: {  	s9 =	smul.u32 $0xF7A, s1;
	s8 =	simm.s32 @!p0 $0x1BF5;
	p2 =	por !p2, p0  }
0x20: {  	[sflag:s8] =	ssyncset.s32 @!p0 $0xFFFFF086;
	s6 =	sadd.s32 @!p0 s3, s7;
	s7 =	simm.s32 @!p0 $0x108  }
0x21: {  	s3 =	sadd.s32 s3, s9;
	s6 =	sadd.s32 @!p0 $0x88, s6;
	s7 =	simm.s32 @p2 $0x1082  }
0x22: {  	[simem:s7], [sflag:s8] =	dma.local @!p0 [hbm:s6], $0xF7A  }
0x23: {  	s9 =	sor.u32 $0xD0000000, s2;
	s6 =	simm.s32 $0x108;
	_ =	swait.ge @!p0 [sflag:s8], $0x0  }
0x24: {  	s3 =	sadd.s32 $0x88, s3;
	s6 =	simm.s32 @!p1 $0x1082;
	[sflag:s4] =	ssyncset.s32 $0xFFFFF086  }
0x25: {  	[simem:s6], [sflag:s4] =	dma.local [hbm:s3], $0xF7A  }
0x26: {  	[smem:$0x3F94] =	sst s1;
	(tag) =	ssettag s2;
	_ =	strace s9  }
0x27: {  	s1 =	sld [smem:$0x3FA4]  }
0x28: {  	s2 =	sld [smem:$0x3FA5]  }
0x29: {  	s4 =	sld [smem:$0x3FA7]  }
0x2a: {  	p0 =	seq.s32 s5, $0x0;
	s5 =	sld [smem:$0x3FA8]  }
0x2b: {  	s6 =	sld [smem:$0x3FA9]  }
0x2c: {  	s7 =	sld [smem:$0x3FAA]  }
0x2d: {  	s3 =	simm.s32 $0x108;
	s8 =	sld [smem:$0x3FAB]  }
0x2e: {  	s3 =	simm.s32 @!p0 $0x1082;
	s9 =	sld [smem:$0x3FAC]  }
0x2f: {  	lr =	sadd.s32 s0, s3;
	s0 =	sld [smem:$0x3FA3]  }
0x30: {  	s3 =	sld [smem:$0x3FA6]  }
0x31: {  	[smem:$0x3FAF] =	sst s10  }
0x32: {  	s10 =	sld [smem:$0x3FAD];
	_ =	sdelay $0x3  }
0x33: {  	p0 =	seq.s32 s10, $0x1;
	s10 =	sld [smem:$0x3FAF];
	_ =	sdelay $0x3  }
0x34: {  	[smem:$0x3FAF] =	sst s10  }
0x35: {  	s10 =	sld [smem:$0x3FAE];
	_ =	sdelay $0x3  }
0x36: {  	p1 =	seq.s32 s10, $0x1;
	s10 =	sld [smem:$0x3FAF];
	_ =	sdelay $0x3  }
0x37: {  	[smem:$0x3FAF] =	sst s10  }
0x38: {  	s10 =	sld [smem:$0x3FB0]  }
0x39: {  	_ = 	snop;
	(pc) =	sbr.ind lr, $3  }
0x3a: {  	_ = 	snop  }
0x3b: {  	_ = 	snop  }
0x3c: {  	p2 =	seq.s32 s10, $0x1;
	s10 =	sld [smem:$0x3FAF]  }
0x3d: {  	_ =	shalt  }
0x3e: {  	_ =	shalt  }
0x3f: {  	_ =	shalt  }
0x40: {  	_ =	shalt  }
0x41: {  	_ =	shalt  }
0x42: {  	_ =	shalt  }
0x43: {  	_ =	shalt  }
0x44: {  	_ =	shalt  }
0x45: {  	_ =	shalt  }
0x46: {  	_ =	shalt  }
0x47: {  	_ =	shalt  }
0x48: {  	_ =	shalt  }
0x49: {  	_ =	shalt  }
0x4a: {  	_ =	shalt  }
0x4b: {  	_ =	shalt  }
0x4c: {  	_ =	shalt  }
0x4d: {  	_ =	shalt  }
0x4e: {  	_ =	shalt  }
0x4f: {  	_ =	shalt  }
0x50: {  	_ =	shalt  }
0x51: {  	_ =	shalt  }
0x52: {  	_ =	shalt  }
0x53: {  	_ =	shalt  }
0x54: {  	_ =	shalt  }
0x55: {  	_ =	shalt  }
0x56: {  	_ =	shalt  }
0x57: {  	_ =	shalt  }
0x58: {  	_ =	shalt  }
0x59: {  	_ =	shalt  }
0x5a: {  	_ =	shalt  }
0x5b: {  	_ =	shalt  }
0x5c: {  	_ =	shalt  }
0x5d: {  	_ =	shalt  }
0x5e: {  	_ =	shalt  }
0x5f: {  	_ =	shalt  }
0x60: {  	_ =	shalt  }
0x61: {  	_ =	shalt  }
0x62: {  	_ =	shalt  }
0x63: {  	_ =	shalt  }
0x64: {  	_ =	shalt  }
0x65: {  	_ =	shalt  }
0x66: {  	_ =	shalt  }
0x67: {  	_ =	shalt  }
0x68: {  	_ =	shalt  }
0x69: {  	_ =	shalt  }
0x6a: {  	_ =	shalt  }
0x6b: {  	_ =	shalt  }
0x6c: {  	_ =	shalt  }
0x6d: {  	_ =	shalt  }
0x6e: {  	_ =	shalt  }
0x6f: {  	_ =	shalt  }
0x70: {  	_ =	shalt  }
0x71: {  	_ =	shalt  }
0x72: {  	_ =	shalt  }
0x73: {  	_ =	shalt  }
0x74: {  	_ =	shalt  }
0x75: {  	_ =	shalt  }
0x76: {  	_ =	shalt  }
0x77: {  	_ =	shalt  }
0x78: {  	_ =	shalt  }
0x79: {  	_ =	shalt  }
0x7a: {  	_ =	shalt  }
0x7b: {  	_ =	shalt  }
0x7c: {  	_ =	shalt  }
0x7d: {  	_ =	shalt  }
0x7e: {  	_ =	shalt  }
0x7f: {  	_ =	shalt  }
0x80: {  	_ =	shalt  }
0x81: {  	_ =	shalt  }
0x82: {  	_ =	shalt  }
0x83: {  	_ =	shalt  }
0x84: {  	_ =	shalt  }
0x85: {  	_ =	shalt  }
0x86: {  	_ =	shalt  }
0x87: {  	_ =	shalt  }
.Lfunc_end0:
.L_simem_size_0:
called_computation.3_lowered:
.L_overlay_start_0:
0x88: {  	s2 =	sld [smem:$0x3FD9]  }
0x89: {  	s3 =	sld [smem:$0x3FFE];
	_ =	sdelay $0x1  }
0x8a: {  	s1 =	srdreg.scid  }
0x8b: {  	s0 =	sand.u32 $0x1, s1  }
0x8c: {  	s16 =	sshll.u32 s0, $0xA;
	s2 =	sadd.s32 s3, s2  }
0x8d: {  	s2 =	sadd.s32 s2, s16  }
0x8e: {  	[smem:$0x3FBB] =	sst s2  }
0x8f: {  	_ = 	snop  }
0x90: {  	(tm) =	ssettm $0x1  }
0x91: {  	s17 =	sld [smem:$0x3FFB];
	_ =	sdelay $0x3  }
0x92: {  	_ =	strace s17  }
0x93: {  	s2 =	sld [smem:$0x3FFC];
	_ =	sdelay $0x3  }
0x94: {  	_ =	strace s2  }
0x95: {  	s2 =	sld [smem:$0x3FFD];
	_ =	sdelay $0x3  }
0x96: {  	_ =	strace s2  }
0x97: {  	_ =	strace $0x8FFFFFFF  }
0x98: {  	s18 =	sld [smem:$0x3FDB];
	_ =	sdelay $0x1  }
0x99: {  	s19 =	simm.s32 $_scs_section_size  }
0x9a: {  	s4 =	simm.s32 $_size__tile_overlayer_lowered;
	s5 =	simm.s32 $_tile_overlayer_lowered  }
0x9b: {  	s22 =	simm.s32 $0x1BFF;
	s21 =	sshll.u32 s5, $0x1;
	s2 =	sadd.s32 s19, s18  }
0x9c: {  	s6 =	simm.s32 $0x0;
	s20 =	sshll.u32 s4, $0x1;
	s4 =	sadd.s32 s21, s2  }
0x9d: {  	[timem:s6], [sflag:s22] =	dma.local [hbm:s4], s20  }
0x9e: {  	_ =	swait.ge [sflag:s22], s20  }
0x9f: {  	s3 =	ssub.s32 $0x0, s20;
	[sflag:s22] =	ssyncset.done $0x0  }
0xa0: {  	[sflag:s22] =	ssyncadd.s32 s3;
	_ =	sdelay $0x1  }
0xa1: {  	s23 =	simm.s32 $0x1B8B  }
0xa2: {  	_ =	swait.ge [sflag:s23], $0x1  }
0xa3: {  	[sflag:s23] =	ssyncset.done $0x0  }
0xa4: {  	s25 =	simm.s32 $0x1B8E;
	s24 =	sld [smem:$0x3FFE];
	[sflag:s23] =	ssyncadd.s32 $0xFFFFFFFF  }
0xa5: {  	s26 =	simm.s32 $execute0_lowered;
	[smem:$0x3FD2] =	sst s25  }
0xa6: {  	s4 =	sshll.u32 s26, $0x1;
	_ =	strace $0x8000004F;
	[dreg:$0x1] =	wrdreg $0xFFFFFFFF  }
0xa7: {  	s28 =	simm.s32 $_size_execute0_lowered;
	s2 =	sadd.s32 s2, s4;
	[dreg:$0x0] =	wrdreg $0x0  }
0xa8: {  	s4 =	sshll.u32 s28, $0x1;
	[dreg:$0x2] =	wrdreg s2  }
0xa9: {  	[dreg:$0x3] =	wrdreg s4  }
0xaa: {  	[dreg:$0x4] =	wrdreg $0xC0  }
0xab: {  	_ =	task [dreg:s6], $0x5FFFF  }
0xac: {  	[dreg:$0x1] =	wrdreg $0xFFFFFFFF  }
0xad: {  	[dreg:$0x0] =	wrdreg $0x60  }
0xae: {  	[dreg:$0x2] =	wrdreg s24  }
0xaf: {  	[dreg:$0x3] =	wrdreg $0xB2200  }
0xb0: {  	[dreg:$0x4] =	wrdreg $0x9  }
0xb1: {  	_ =	task.clear_ibuf [dreg:s6], $0x5FFFF;
	_ =	strace $0x9000004F  }
0xb2: {  	s29 =	simm.s32 $0x9;
	_ =	strace $0x80000051  }
0xb3: {  	_ =	swait.ge [sflag:s29], $0x1  }
0xb4: {  	[sflag:s29] =	ssyncadd.s32 $0xFFFFFFFF  }
0xb5: {  	_ =	strace $0x90000051  }
0xb6: {  	_ =	sfence  }
0xb7: {  	s30 =	sld [smem:$0x0];
	_ =	sdelay $0x2  }
0xb8: {  	s31 =	sshll.u32 s1, $0xD;
	s1 =	sshrl.u32 s1, $0x2  }
0xb9: {  	s3 =	sand.u32 $0x4000, s31;
	s1 =	sadd.s32 s1, s30  }
0xba: {  	s0 =	sor.u32 s3, s0;
	s1 =	sshll.u32 s1, $0x11  }
0xbb: {  	s0 =	sor.u32 s1, s0  }
0xbc: {  	s0 =	sadd.s32 $0x8F2B, s0  }
0xbd: {  	[sflag:s0] =	ssyncadd.remote.s32 $0x1  }
0xbe: {  	_ =	sfence.sel $0xFFFF  }
0xbf: {  	[dreg:$0x0] =	wrdreg $0xFFFFFFFF;
	(pc) =	sbr.abs _section_cstart, $3  }
0xc0: {  	[dreg:$0x1] =	wrdreg $0xFFFFFFFF  }
0xc1: {  	_ =	task.clear_ibuf [dreg:s6], $0x2FFFF;
	_ =	strace $0x9FFFFFFF  }
0xc2: {  	(tm) =	ssettm $0x7FFFFFFF  }
0xc3: {  	_ =	shalt  }
tec
execute0_lowered:
.L_overlay_start_1:
0x0: {  	(tag) =	ssettag $0x1  }
0x1: {  	s20 =	stileid.u32  }
0x2: {  	s0 =	srdreg.scid;
	s19 =	smul.u32 $0x5000, s20  }
0x3: {  	s0 =	sand.u32 $0x1, s0;
	s24 =	smul.u32 $0x280, s20  }
0x4: {  	s7 =	sor.u32 $0x10, s20;
	s6 =	smul.u32 $0x13880, s0  }
0x5: {  	s12 =	sor.u32 $0x20, s20;
	s9 =	smul.u32 $0x5000, s7  }
0x6: {  	s13 =	sor.u32 $0x30, s20;
	s10 =	smul.u32 $0x5000, s12  }
0x7: {  	s1 =	rddreg [dreg:$0x0];
	s14 =	sor.u32 $0x40, s20;
	s11 =	smul.u32 $0x5000, s13  }
0x8: {  	s2 =	rddreg [dreg:$0x1];
	s15 =	sor.u32 $0x50, s20;
	s22 =	smul.u32 $0x5000, s14  }
0x9: {  	s28 =	simm.s32 $0x50;
	s17 =	sor.u32 $0x60, s20;
	s16 =	smul.u32 $0x5000, s15  }
0xa: {  	s29 =	simm.s32 $0x6220;
	s31 =	simm.s32 $0x7620;
	s23 =	smul.u32 $0x5000, s17  }
0xb: {  	s30 =	simm.s32 $0x9E20;
	s18 =	sor.u32 $0x70, s20;
	s7 =	smul.u32 $0x280, s7  }
0xc: {  	s3 =	sshll.u32 s0, $0x4;
	s0 =	ssub.s32 $0x2, s0;
	s25 =	smul.u32 $0x280, s12  }
0xd: {  	p0 =	sgt.u32 s18, $0x7C;
	s4 =	sor.u32 s20, s3;
	s3 =	simm.s32 $0x0  }
0xe: {  	s8 =	sshrl.u32 s0, $0x1;
	s5 =	smul.u32 $0x4E2, s4;
	[smem:$0x7FF] =	sst s3  }
0xf: {  	s4 =	sadd.s32 $0x16A00, s1;
	s0 =	ssub.s32 s0, s8;
	s9 =	sshrl.u32 s9, $0x2  }
0x10: {  	s10 =	sshrl.u32 s10, $0x2;
	s11 =	sshrl.u32 s11, $0x2;
	s16 =	sshrl.u32 s16, $0x2  }
0x11: {  	_ =	strace $0x80000050;
	s0 =	smax.u32 s0, $0x1;
	s9 =	sadd.s32 s9, s2  }
0x12: {  	s10 =	sadd.s32 s10, s2;
	s11 =	sadd.s32 s11, s2;
	s5 =	sadd.s32 s5, s1  }
0x13: {  	s1 =	sadd.s32 s6, s1;
	[dreg:$0x5] =	wrdreg s0;
	s6 =	sshrl.u32 s19, $0x2  }
0x14: {  	s19 =	smul.u32 $0x5000, s18;
	s0 =	sshrl.u32 s23, $0x2;
	s21 =	sadd.s32 $0x2E00, s5  }
0x15: {  	s5 =	sadd.s32 $0xCC00, s5;
	s1 =	sadd.s32 $0x2A400, s1;
	[dreg:$0x3] =	wrdreg s21  }
0x16: {  	s8 =	sadd.s32 s6, s2;
	[dreg:$0x4] =	wrdreg s5;
	s21 =	smul.u32 $0x280, s13  }
0x17: {  	s5 =	sshrl.u32 s22, $0x2;
	s26 =	sshrl.u32 s19, $0x2;
	s19 =	smul.u32 $0x280, s15  }
0x18: {  	s13 =	sadd.s32 s16, s2;
	s22 =	smul.u32 $0x280, s17;
	s6 =	sadd.s32 s1, s24  }
0x19: {  	s23 =	sadd.s32 s1, s7;
	s24 =	smul.u32 $0x280, s18;
	s25 =	sadd.s32 s1, s25  }
0x1a: {  	s7 =	simm.s32 $0x5;
	s16 =	simm.s32 $0x7;
	s17 =	simm.s32 $0x0  }
0x1b: {  	s12 =	sadd.s32 s5, s2;
	s5 =	smul.u32 $0x280, s14;
	[dreg:$0x6] =	wrdreg s6  }
0x1c: {  	s14 =	sadd.s32 s0, s2;
	s15 =	sadd.s32 s26, s2;
	[dreg:$0x7] =	wrdreg s23  }
0x1d: {  	[dreg:$0x8] =	wrdreg s25;
	s25 =	simm.s32 $0x6;
	s0 =	simm.s32 $0x8A20  }
0x1e: {  	s6 =	simm.s32 $0x4;
	s26 =	sadd.s32 s1, s21;
	s21 =	sadd.s32 s1, s19  }
0x1f: {  	s22 =	sadd.s32 s1, s22;
	s23 =	sadd.s32 s1, s24;
	s24 =	simm.s32 $0x4E20  }
0x20: {  	[dreg:$0x9] =	wrdreg s26;
	s5 =	sadd.s32 s1, s5;
	s1 =	simm.s32 $0x1  }
0x21: {  	v0 =	vimm.f32 $0.0e+00;
	s26 =	simm.s32 $0x2;
	[dreg:$0xa] =	wrdreg s5;
	s5 =	simm.s32 $0x3  }
.LBB2_1:
0x22: {  	s19 =	simm.s32 $0x100;
	s18 =	simm.s32 $0x0  }
.LBB2_2:
0x23: {  	p1 =	sne.s32 s19, $0x4F00;
	[tilespmem:s18+$0x4E50] =	vst v0;
	s20 =	smov.u32 s19;
	s19 =	sadd.s32 $0x100, s19  }
.Ltmp0:
0x24: {  	[tilespmem:s18+$0x4E40] =	vst v0;
	(pc) =	sbr.rel @p1 .LBB2_2-.Ltmp0, $3  }
0x25: {  	[tilespmem:s18+$0x4E20] =	vst v0  }
0x26: {  	[tilespmem:s18+$0x4E30] =	vst v0;
	_ =	sdelay $0x1  }
0x27: {  	s18 =	sshra.s32 s20, $0x2  }
0x28: {  	[tilespmem:s18+$0x4E50] =	vst v0  }
0x29: {  	[tilespmem:s18+$0x4E40] =	vst v0  }
0x2a: {  	[tilespmem:s18+$0x4E20] =	vst v0  }
0x2b: {  	[tilespmem:s18+$0x4E30] =	vst v0  }
0x2c: {  	[spmem:s8] =	stream.linear.scatter [tilespmem:s24], [sflag:$0x6], $0x1400, $0x38;
	[tilespmem:$0x14E60] =	vst v63  }
0x2d: {  	_ =	swait.ge [sflag:s25], $0x1400  }
0x2e: {  	[sflag:s25] =	ssyncset.done $0x0  }
0x2f: {  	[sflag:s25] =	ssyncadd.s32 $0xFFFFEC00  }
0x30: {  	[spmem:s9] =	stream.linear.scatter [tilespmem:s24], [sflag:$0x6], $0x1400, $0x38;
	[tilespmem:$0x14E60] =	vst v63  }
0x31: {  	_ =	swait.ge [sflag:s25], $0x1400  }
0x32: {  	[sflag:s25] =	ssyncset.done $0x0  }
0x33: {  	[sflag:s25] =	ssyncadd.s32 $0xFFFFEC00  }
0x34: {  	[spmem:s10] =	stream.linear.scatter [tilespmem:s24], [sflag:$0x6], $0x1400, $0x38;
	[tilespmem:$0x14E60] =	vst v63  }
0x35: {  	_ =	swait.ge [sflag:s25], $0x1400  }
0x36: {  	[sflag:s25] =	ssyncset.done $0x0  }
0x37: {  	[sflag:s25] =	ssyncadd.s32 $0xFFFFEC00  }
0x38: {  	[spmem:s11] =	stream.linear.scatter [tilespmem:s24], [sflag:$0x6], $0x1400, $0x38;
	[tilespmem:$0x14E60] =	vst v63  }
0x39: {  	_ =	swait.ge [sflag:s25], $0x1400  }
0x3a: {  	[sflag:s25] =	ssyncset.done $0x0  }
0x3b: {  	[sflag:s25] =	ssyncadd.s32 $0xFFFFEC00  }
0x3c: {  	[spmem:s12] =	stream.linear.scatter [tilespmem:s24], [sflag:$0x6], $0x1400, $0x38;
	[tilespmem:$0x14E60] =	vst v63  }
0x3d: {  	_ =	swait.ge [sflag:s25], $0x1400  }
0x3e: {  	[sflag:s25] =	ssyncset.done $0x0  }
0x3f: {  	[sflag:s25] =	ssyncadd.s32 $0xFFFFEC00  }
0x40: {  	[spmem:s13] =	stream.linear.scatter [tilespmem:s24], [sflag:$0x6], $0x1400, $0x38;
	[tilespmem:$0x14E60] =	vst v63  }
0x41: {  	_ =	swait.ge [sflag:s25], $0x1400  }
0x42: {  	[sflag:s25] =	ssyncset.done $0x0  }
0x43: {  	[sflag:s25] =	ssyncadd.s32 $0xFFFFEC00  }
0x44: {  	[spmem:s14] =	stream.linear.scatter [tilespmem:s24], [sflag:$0x6], $0x1400, $0x38;
	[tilespmem:$0x14E60] =	vst v63  }
0x45: {  	_ =	swait.ge [sflag:s25], $0x1400  }
0x46: {  	[sflag:s25] =	ssyncset.done $0x0  }
0x47: {  	s18 =	simm.s32 @!p0 $0x4E20;
	[sflag:s25] =	ssyncadd.s32 $0xFFFFEC00  }
0x48: {  	[spmem:s15] =	stream.linear.scatter @!p0 [tilespmem:s18], [sflag:$0x6], $0x1400, $0x38;
	[tilespmem:$0x14E60] =	vst v63  }
0x49: {  	s18 =	simm.s32 @!p0 $0x6  }
0x4a: {  	_ =	swait.ge @!p0 [sflag:s18], $0x1400  }
0x4b: {  	[sflag:s18] =	ssyncset.done @!p0 $0x0  }
0x4c: {  	s19 =	rddreg [dreg:$0x3];
	[sflag:s18] =	ssyncadd.s32 @!p0 $0xFFFFEC00;
	s18 =	simm.s32 $0x0  }
0x4d: {  	[tilespmem:s18], [sflag:$0x6] =	stream.linear.gather [hbm4b:s19+s18], $0x2710, $0x38;
	[tilespmem:$0x14E60] =	vst v63  }
0x4e: {  	_ =	swait.ge [sflag:s25], $0x2710  }
0x4f: {  	[sflag:s25] =	ssyncset.done $0x0  }
0x50: {  	s20 =	simm.s32 $0x2710;
	s19 =	rddreg [dreg:$0x4];
	[sflag:s25] =	ssyncadd.s32 $0xFFFFD8F0  }
0x51: {  	[tilespmem:s20], [sflag:$0x6] =	stream.linear.gather [hbm4b:s19+s18], $0x2710, $0x38;
	[tilespmem:$0x14E60] =	vst v63  }
0x52: {  	_ =	swait.ge [sflag:s25], $0x2710  }
0x53: {  	[sflag:s25] =	ssyncset.done $0x0  }
0x54: {  	[sflag:s25] =	ssyncadd.s32 $0xFFFFD8F0  }
0x55: {  	[bflag:$0x0] =	sbarrier.arrive $0xFFFF  }
0x56: {  	[tilespmem:s24], [sflag:$0x1] =	stream.indirect.gather [hbm4b:s4+s28], $0x40, s18, s28, $0xb8;
	[tilespmem:$0x14E60] =	vst v63  }
0x57: {  	_ = 	snop  }
0x58: {  	[tilespmem:s29], [sflag:$0x2] =	stream.indirect.gather [hbm4b:s4+s28], $0x40, s28, s28, $0xb8;
	[tilespmem:$0x14E60] =	vst v63  }
0x59: {  	s19 =	simm.s32 $0xA0  }
0x5a: {  	[tilespmem:s31], [sflag:$0x3] =	stream.indirect.gather [hbm4b:s4+s28], $0x40, s19, s28, $0xb8;
	[tilespmem:$0x14E60] =	vst v63  }
0x5b: {  	s20 =	simm.s32 $0xF0  }
0x5c: {  	[tilespmem:s0], [sflag:$0x4] =	stream.indirect.gather [hbm4b:s4+s28], $0x40, s20, s28, $0xb8;
	[tilespmem:$0x14E60] =	vst v63  }
0x5d: {  	s19 =	simm.s32 $0x140  }
0x5e: {  	[tilespmem:s30], [sflag:$0x5] =	stream.indirect.gather [hbm4b:s4+s28], $0x40, s19, s28, $0xb8;
	[tilespmem:$0x14E60] =	vst v63  }
0x5f: {  	_ =	swait.ge [sflag:s1], $0x1400  }
0x60: {  	[sflag:s1] =	ssyncset.done $0x0  }
0x61: {  	s20 =	simm.s32 $0x2710;
	[sflag:s1] =	ssyncadd.s32 $0xFFFFEC00  }
0x62: {  	[spmem:s2] =	stream.indirect.scatter.add.f32 [tilespmem:s24], [sflag:$0x6], $0x40, s20, s28, $0xb8;
	[tilespmem:$0x14E60] =	vst v63  }
0x63: {  	_ =	swait.ge [sflag:s25], $0x1400  }
0x64: {  	[sflag:s25] =	ssyncset.done $0x0  }
0x65: {  	s19 =	simm.s32 $0x190;
	[sflag:s25] =	ssyncadd.s32 $0xFFFFEC00  }
0x66: {  	[tilespmem:s24], [sflag:$0x1] =	stream.indirect.gather [hbm4b:s4+s28], $0x40, s19, s28, $0xb8;
	[tilespmem:$0x14E60] =	vst v63  }
0x67: {  	_ =	swait.ge [sflag:s26], $0x1400  }
0x68: {  	[sflag:s26] =	ssyncset.done $0x0  }
0x69: {  	s20 =	simm.s32 $0x2760;
	[sflag:s26] =	ssyncadd.s32 $0xFFFFEC00  }
0x6a: {  	[spmem:s2] =	stream.indirect.scatter.add.f32 [tilespmem:s29], [sflag:$0x6], $0x40, s20, s28, $0xb8;
	[tilespmem:$0x14E60] =	vst v63  }
0x6b: {  	_ =	swait.ge [sflag:s25], $0x1400  }
0x6c: {  	[sflag:s25] =	ssyncset.done $0x0  }
0x6d: {  	s19 =	simm.s32 $0x1E0;
	[sflag:s25] =	ssyncadd.s32 $0xFFFFEC00  }
0x6e: {  	[tilespmem:s29], [sflag:$0x2] =	stream.indirect.gather [hbm4b:s4+s28], $0x40, s19, s28, $0xb8;
	[tilespmem:$0x14E60] =	vst v63  }
0x6f: {  	_ =	swait.ge [sflag:s5], $0x1400  }
0x70: {  	[sflag:s5] =	ssyncset.done $0x0  }
0x71: {  	s20 =	simm.s32 $0x27B0;
	[sflag:s5] =	ssyncadd.s32 $0xFFFFEC00  }
0x72: {  	[spmem:s2] =	stream.indirect.scatter.add.f32 [tilespmem:s31], [sflag:$0x6], $0x40, s20, s28, $0xb8;
	[tilespmem:$0x14E60] =	vst v63  }
0x73: {  	_ =	swait.ge [sflag:s25], $0x1400  }
0x74: {  	[sflag:s25] =	ssyncset.done $0x0  }
0x75: {  	s19 =	simm.s32 $0x230;
	[sflag:s25] =	ssyncadd.s32 $0xFFFFEC00  }
0x76: {  	[tilespmem:s31], [sflag:$0x3] =	stream.indirect.gather [hbm4b:s4+s28], $0x40, s19, s28, $0xb8;
	[tilespmem:$0x14E60] =	vst v63  }
0x77: {  	_ =	swait.ge [sflag:s6], $0x1400  }
0x78: {  	[sflag:s6] =	ssyncset.done $0x0  }
0x79: {  	s20 =	simm.s32 $0x2800;
	[sflag:s6] =	ssyncadd.s32 $0xFFFFEC00  }
0x7a: {  	[spmem:s2] =	stream.indirect.scatter.add.f32 [tilespmem:s0], [sflag:$0x6], $0x40, s20, s28, $0xb8;
	[tilespmem:$0x14E60] =	vst v63  }
0x7b: {  	_ =	swait.ge [sflag:s25], $0x1400  }
0x7c: {  	[sflag:s25] =	ssyncset.done $0x0  }
0x7d: {  	s19 =	simm.s32 $0x280;
	[sflag:s25] =	ssyncadd.s32 $0xFFFFEC00  }
0x7e: {  	[tilespmem:s0], [sflag:$0x4] =	stream.indirect.gather [hbm4b:s4+s28], $0x40, s19, s28, $0xb8;
	[tilespmem:$0x14E60] =	vst v63  }
0x7f: {  	_ =	swait.ge [sflag:s7], $0x1400  }
0x80: {  	[sflag:s7] =	ssyncset.done $0x0  }
0x81: {  	s20 =	simm.s32 $0x2850;
	[sflag:s7] =	ssyncadd.s32 $0xFFFFEC00  }
0x82: {  	[spmem:s2] =	stream.indirect.scatter.add.f32 [tilespmem:s30], [sflag:$0x6], $0x40, s20, s28, $0xb8;
	[tilespmem:$0x14E60] =	vst v63  }
0x83: {  	_ =	swait.ge [sflag:s25], $0x1400  }
0x84: {  	[sflag:s25] =	ssyncset.done $0x0  }
0x85: {  	s18 =	simm.s32 $0x640;
	s19 =	simm.s32 $0x2D0;
	[sflag:s25] =	ssyncadd.s32 $0xFFFFEC00  }
.LBB2_4:
0x86: {  	[tilespmem:s30], [sflag:$0x5] =	stream.indirect.gather [hbm4b:s4+s28], $0x40, s19, s28, $0xb8;
	[tilespmem:$0x14E60] =	vst v63  }
0x87: {  	s19 =	smov.u32 s18  }
0x88: {  	p1 =	sne.s32 s18, $0x8FC0;
	s18 =	sadd.s32 $0x640, s18;
	_ =	swait.ge [sflag:s1], $0x1400  }
0x89: {  	s19 =	sshra.s32 s19, $0x2;
	[sflag:s1] =	ssyncset.done $0x0  }
0x8a: {  	s20 =	sadd.s32 $0x2710, s19;
	[sflag:s1] =	ssyncadd.s32 $0xFFFFEC00  }
0x8b: {  	[spmem:s2] =	stream.indirect.scatter.add.f32 [tilespmem:s24], [sflag:$0x6], $0x40, s20, s28, $0xb8;
	[tilespmem:$0x14E60] =	vst v63  }
0x8c: {  	_ =	swait.ge [sflag:s25], $0x1400  }
0x8d: {  	[sflag:s25] =	ssyncset.done $0x0  }
0x8e: {  	s20 =	sadd.s32 $0x190, s19;
	[sflag:s25] =	ssyncadd.s32 $0xFFFFEC00  }
0x8f: {  	[tilespmem:s24], [sflag:$0x1] =	stream.indirect.gather [hbm4b:s4+s28], $0x40, s20, s28, $0xb8;
	[tilespmem:$0x14E60] =	vst v63  }
0x90: {  	_ =	swait.ge [sflag:s26], $0x1400  }
0x91: {  	[sflag:s26] =	ssyncset.done $0x0  }
0x92: {  	s20 =	sadd.s32 $0x2760, s19;
	[sflag:s26] =	ssyncadd.s32 $0xFFFFEC00  }
0x93: {  	[spmem:s2] =	stream.indirect.scatter.add.f32 [tilespmem:s29], [sflag:$0x6], $0x40, s20, s28, $0xb8;
	[tilespmem:$0x14E60] =	vst v63  }
0x94: {  	_ =	swait.ge [sflag:s25], $0x1400  }
0x95: {  	[sflag:s25] =	ssyncset.done $0x0  }
0x96: {  	s20 =	sadd.s32 $0x1E0, s19;
	[sflag:s25] =	ssyncadd.s32 $0xFFFFEC00  }
0x97: {  	[tilespmem:s29], [sflag:$0x2] =	stream.indirect.gather [hbm4b:s4+s28], $0x40, s20, s28, $0xb8;
	[tilespmem:$0x14E60] =	vst v63  }
0x98: {  	_ =	swait.ge [sflag:s5], $0x1400  }
0x99: {  	[sflag:s5] =	ssyncset.done $0x0  }
0x9a: {  	s20 =	sadd.s32 $0x27B0, s19;
	[sflag:s5] =	ssyncadd.s32 $0xFFFFEC00  }
0x9b: {  	[spmem:s2] =	stream.indirect.scatter.add.f32 [tilespmem:s31], [sflag:$0x6], $0x40, s20, s28, $0xb8;
	[tilespmem:$0x14E60] =	vst v63  }
0x9c: {  	_ =	swait.ge [sflag:s25], $0x1400  }
0x9d: {  	[sflag:s25] =	ssyncset.done $0x0  }
0x9e: {  	s20 =	sadd.s32 $0x230, s19;
	[sflag:s25] =	ssyncadd.s32 $0xFFFFEC00  }
0x9f: {  	[tilespmem:s31], [sflag:$0x3] =	stream.indirect.gather [hbm4b:s4+s28], $0x40, s20, s28, $0xb8;
	[tilespmem:$0x14E60] =	vst v63  }
0xa0: {  	_ =	swait.ge [sflag:s6], $0x1400  }
0xa1: {  	[sflag:s6] =	ssyncset.done $0x0  }
0xa2: {  	s20 =	sadd.s32 $0x2800, s19;
	[sflag:s6] =	ssyncadd.s32 $0xFFFFEC00  }
0xa3: {  	[spmem:s2] =	stream.indirect.scatter.add.f32 [tilespmem:s0], [sflag:$0x6], $0x40, s20, s28, $0xb8;
	[tilespmem:$0x14E60] =	vst v63  }
0xa4: {  	_ =	swait.ge [sflag:s25], $0x1400  }
0xa5: {  	[sflag:s25] =	ssyncset.done $0x0  }
0xa6: {  	s20 =	sadd.s32 $0x280, s19;
	[sflag:s25] =	ssyncadd.s32 $0xFFFFEC00  }
0xa7: {  	[tilespmem:s0], [sflag:$0x4] =	stream.indirect.gather [hbm4b:s4+s28], $0x40, s20, s28, $0xb8;
	[tilespmem:$0x14E60] =	vst v63  }
0xa8: {  	_ =	swait.ge [sflag:s7], $0x1400  }
0xa9: {  	[sflag:s7] =	ssyncset.done $0x0  }
.Ltmp1:
0xaa: {  	s20 =	sadd.s32 $0x2850, s19;
	[sflag:s7] =	ssyncadd.s32 $0xFFFFEC00;
	(pc) =	sbr.rel @p1 .LBB2_4-.Ltmp1, $4  }
0xab: {  	[spmem:s2] =	stream.indirect.scatter.add.f32 [tilespmem:s30], [sflag:$0x6], $0x40, s20, s28, $0xb8;
	[tilespmem:$0x14E60] =	vst v63  }
0xac: {  	_ =	swait.ge [sflag:s25], $0x1400  }
0xad: {  	[sflag:s25] =	ssyncset.done $0x0  }
0xae: {  	s19 =	sadd.s32 $0x2D0, s19;
	[sflag:s25] =	ssyncadd.s32 $0xFFFFEC00  }
0xaf: {  	[tilespmem:s30], [sflag:$0x5] =	stream.indirect.gather [hbm4b:s4+s28], $0x40, s19, s28, $0xb8;
	[tilespmem:$0x14E60] =	vst v63  }
0xb0: {  	_ =	swait.ge [sflag:s1], $0x1400  }
0xb1: {  	[sflag:s1] =	ssyncset.done $0x0  }
0xb2: {  	s18 =	simm.s32 $0x4C90;
	[sflag:s1] =	ssyncadd.s32 $0xFFFFEC00  }
0xb3: {  	[spmem:s2] =	stream.indirect.scatter.add.f32 [tilespmem:s24], [sflag:$0x6], $0x40, s18, s28, $0xb8;
	[tilespmem:$0x14E60] =	vst v63  }
0xb4: {  	_ =	swait.ge [sflag:s25], $0x1400  }
0xb5: {  	[sflag:s25] =	ssyncset.done $0x0  }
0xb6: {  	[sflag:s25] =	ssyncadd.s32 $0xFFFFEC00  }
0xb7: {  	_ =	swait.ge [sflag:s26], $0x1400  }
0xb8: {  	[sflag:s26] =	ssyncset.done $0x0  }
0xb9: {  	s19 =	simm.s32 $0x4CE0;
	[sflag:s26] =	ssyncadd.s32 $0xFFFFEC00  }
0xba: {  	[spmem:s2] =	stream.indirect.scatter.add.f32 [tilespmem:s29], [sflag:$0x6], $0x40, s19, s28, $0xb8;
	[tilespmem:$0x14E60] =	vst v63  }
0xbb: {  	_ =	swait.ge [sflag:s25], $0x1400  }
0xbc: {  	[sflag:s25] =	ssyncset.done $0x0  }
0xbd: {  	[sflag:s25] =	ssyncadd.s32 $0xFFFFEC00  }
0xbe: {  	_ =	swait.ge [sflag:s5], $0x1400  }
0xbf: {  	[sflag:s5] =	ssyncset.done $0x0  }
0xc0: {  	s20 =	simm.s32 $0x4D30;
	[sflag:s5] =	ssyncadd.s32 $0xFFFFEC00  }
0xc1: {  	[spmem:s2] =	stream.indirect.scatter.add.f32 [tilespmem:s31], [sflag:$0x6], $0x40, s20, s28, $0xb8;
	[tilespmem:$0x14E60] =	vst v63  }
0xc2: {  	_ =	swait.ge [sflag:s25], $0x1400  }
0xc3: {  	[sflag:s25] =	ssyncset.done $0x0  }
0xc4: {  	[sflag:s25] =	ssyncadd.s32 $0xFFFFEC00  }
0xc5: {  	_ =	swait.ge [sflag:s6], $0x1400  }
0xc6: {  	[sflag:s6] =	ssyncset.done $0x0  }
0xc7: {  	s19 =	simm.s32 $0x4D80;
	[sflag:s6] =	ssyncadd.s32 $0xFFFFEC00  }
0xc8: {  	[spmem:s2] =	stream.indirect.scatter.add.f32 [tilespmem:s0], [sflag:$0x6], $0x40, s19, s28, $0xb8;
	[tilespmem:$0x14E60] =	vst v63  }
0xc9: {  	_ =	swait.ge [sflag:s25], $0x1400  }
0xca: {  	[sflag:s25] =	ssyncset.done $0x0  }
0xcb: {  	[sflag:s25] =	ssyncadd.s32 $0xFFFFEC00  }
0xcc: {  	_ =	swait.ge [sflag:s7], $0x1400  }
0xcd: {  	[sflag:s7] =	ssyncset.done $0x0  }
0xce: {  	s20 =	simm.s32 $0x4DD0;
	[sflag:s7] =	ssyncadd.s32 $0xFFFFEC00  }
0xcf: {  	[spmem:s2] =	stream.indirect.scatter.add.f32 [tilespmem:s30], [sflag:$0x6], $0x40, s20, s28, $0xb8;
	[tilespmem:$0x14E60] =	vst v63  }
0xd0: {  	_ =	swait.ge [sflag:s25], $0x1400  }
0xd1: {  	[sflag:s25] =	ssyncset.done $0x0  }
0xd2: {  	[sflag:s25] =	ssyncadd.s32 $0xFFFFEC00  }
0xd3: {  	[bflag:$0x0] =	sbarrier.arrive $0xFFFF  }
0xd4: {  	[tilespmem:s24], [sflag:$0x7] =	stream.linear.gather [spmem:s8], $0x1400, $0x38;
	[tilespmem:$0x14E60] =	vst v63  }
0xd5: {  	_ =	swait.ge [sflag:s16], $0x1400  }
0xd6: {  	[sflag:s16] =	ssyncset.done $0x0  }
0xd7: {  	s19 =	rddreg [dreg:$0x6];
	[sflag:s16] =	ssyncadd.s32 $0xFFFFEC00  }
0xd8: {  	[hbm4b:s19+s3] =	stream.linear.scatter [tilespmem:s24], [sflag:$0x6], $0x1400, $0x38;
	[tilespmem:$0x14E60] =	vst v63  }
0xd9: {  	_ =	swait.ge [sflag:s25], $0x1400  }
0xda: {  	[sflag:s25] =	ssyncset.done $0x0  }
0xdb: {  	[sflag:s25] =	ssyncadd.s32 $0xFFFFEC00  }
0xdc: {  	[tilespmem:s24], [sflag:$0x7] =	stream.linear.gather [spmem:s9], $0x1400, $0x38;
	[tilespmem:$0x14E60] =	vst v63  }
0xdd: {  	_ =	swait.ge [sflag:s16], $0x1400  }
0xde: {  	[sflag:s16] =	ssyncset.done $0x0  }
0xdf: {  	s20 =	rddreg [dreg:$0x7];
	[sflag:s16] =	ssyncadd.s32 $0xFFFFEC00  }
0xe0: {  	[hbm4b:s20+s3] =	stream.linear.scatter [tilespmem:s24], [sflag:$0x6], $0x1400, $0x38;
	[tilespmem:$0x14E60] =	vst v63  }
0xe1: {  	_ =	swait.ge [sflag:s25], $0x1400  }
0xe2: {  	[sflag:s25] =	ssyncset.done $0x0  }
0xe3: {  	[sflag:s25] =	ssyncadd.s32 $0xFFFFEC00  }
0xe4: {  	[tilespmem:s24], [sflag:$0x7] =	stream.linear.gather [spmem:s10], $0x1400, $0x38;
	[tilespmem:$0x14E60] =	vst v63  }
0xe5: {  	_ =	swait.ge [sflag:s16], $0x1400  }
0xe6: {  	[sflag:s16] =	ssyncset.done $0x0  }
0xe7: {  	s19 =	rddreg [dreg:$0x8];
	[sflag:s16] =	ssyncadd.s32 $0xFFFFEC00  }
0xe8: {  	[hbm4b:s19+s3] =	stream.linear.scatter [tilespmem:s24], [sflag:$0x6], $0x1400, $0x38;
	[tilespmem:$0x14E60] =	vst v63  }
0xe9: {  	_ =	swait.ge [sflag:s25], $0x1400  }
0xea: {  	[sflag:s25] =	ssyncset.done $0x0  }
0xeb: {  	[sflag:s25] =	ssyncadd.s32 $0xFFFFEC00  }
0xec: {  	[tilespmem:s24], [sflag:$0x7] =	stream.linear.gather [spmem:s11], $0x1400, $0x38;
	[tilespmem:$0x14E60] =	vst v63  }
0xed: {  	_ =	swait.ge [sflag:s16], $0x1400  }
0xee: {  	[sflag:s16] =	ssyncset.done $0x0  }
0xef: {  	s20 =	rddreg [dreg:$0x9];
	[sflag:s16] =	ssyncadd.s32 $0xFFFFEC00  }
0xf0: {  	[hbm4b:s20+s3] =	stream.linear.scatter [tilespmem:s24], [sflag:$0x6], $0x1400, $0x38;
	[tilespmem:$0x14E60] =	vst v63  }
0xf1: {  	_ =	swait.ge [sflag:s25], $0x1400  }
0xf2: {  	[sflag:s25] =	ssyncset.done $0x0  }
0xf3: {  	[sflag:s25] =	ssyncadd.s32 $0xFFFFEC00  }
0xf4: {  	[tilespmem:s24], [sflag:$0x7] =	stream.linear.gather [spmem:s12], $0x1400, $0x38;
	[tilespmem:$0x14E60] =	vst v63  }
0xf5: {  	_ =	swait.ge [sflag:s16], $0x1400  }
0xf6: {  	[sflag:s16] =	ssyncset.done $0x0  }
0xf7: {  	s19 =	rddreg [dreg:$0xa];
	[sflag:s16] =	ssyncadd.s32 $0xFFFFEC00  }
0xf8: {  	[hbm4b:s19+s3] =	stream.linear.scatter [tilespmem:s24], [sflag:$0x6], $0x1400, $0x38;
	[tilespmem:$0x14E60] =	vst v63  }
0xf9: {  	_ =	swait.ge [sflag:s25], $0x1400  }
0xfa: {  	[sflag:s25] =	ssyncset.done $0x0  }
0xfb: {  	[sflag:s25] =	ssyncadd.s32 $0xFFFFEC00  }
0xfc: {  	[tilespmem:s24], [sflag:$0x7] =	stream.linear.gather [spmem:s13], $0x1400, $0x38;
	[tilespmem:$0x14E60] =	vst v63  }
0xfd: {  	_ =	swait.ge [sflag:s16], $0x1400  }
0xfe: {  	[sflag:s16] =	ssyncset.done $0x0  }
0xff: {  	[sflag:s16] =	ssyncadd.s32 $0xFFFFEC00  }
0x100: {  	[hbm4b:s21+s3] =	stream.linear.scatter [tilespmem:s24], [sflag:$0x6], $0x1400, $0x38;
	[tilespmem:$0x14E60] =	vst v63  }
0x101: {  	_ =	swait.ge [sflag:s25], $0x1400  }
0x102: {  	[sflag:s25] =	ssyncset.done $0x0  }
0x103: {  	[sflag:s25] =	ssyncadd.s32 $0xFFFFEC00  }
0x104: {  	[tilespmem:s24], [sflag:$0x7] =	stream.linear.gather [spmem:s14], $0x1400, $0x38;
	[tilespmem:$0x14E60] =	vst v63  }
0x105: {  	_ =	swait.ge [sflag:s16], $0x1400  }
0x106: {  	[sflag:s16] =	ssyncset.done $0x0  }
0x107: {  	[sflag:s16] =	ssyncadd.s32 $0xFFFFEC00  }
0x108: {  	[hbm4b:s22+s3] =	stream.linear.scatter [tilespmem:s24], [sflag:$0x6], $0x1400, $0x38;
	[tilespmem:$0x14E60] =	vst v63  }
0x109: {  	_ =	swait.ge [sflag:s25], $0x1400  }
0x10a: {  	[sflag:s25] =	ssyncset.done $0x0  }
0x10b: {  	s18 =	simm.s32 @!p0 $0x4E20;
	s19 =	simm.s32 @!p0 $0x7;
	[sflag:s25] =	ssyncadd.s32 $0xFFFFEC00  }
0x10c: {  	[tilespmem:s18], [sflag:$0x7] =	stream.linear.gather @!p0 [spmem:s15], $0x1400, $0x38;
	[tilespmem:$0x14E60] =	vst v63  }
0x10d: {  	_ =	swait.ge @!p0 [sflag:s19], $0x1400  }
0x10e: {  	[sflag:s19] =	ssyncset.done @!p0 $0x0  }
0x10f: {  	[sflag:s19] =	ssyncadd.s32 @!p0 $0xFFFFEC00;
	s19 =	simm.s32 @!p0 $0x0  }
0x110: {  	[hbm4b:s23+s19] =	stream.linear.scatter @!p0 [tilespmem:s18], [sflag:$0x6], $0x1400, $0x38;
	[tilespmem:$0x14E60] =	vst v63  }
0x111: {  	s18 =	simm.s32 @!p0 $0x6  }
0x112: {  	_ =	swait.ge @!p0 [sflag:s18], $0x1400  }
0x113: {  	s17 =	sadd.s32 $0x1, s17;
	s20 =	rddreg [dreg:$0x5]  }
0x114: {  	p1 =	sne.s32 s17, s20  }
.Ltmp2:
0x115: {  	_ = 	snop;
	(pc) =	sbr.rel @p1 .LBB2_1-.Ltmp2, $3  }
0x116: {  	_ =	sdelay $0x1  }
0x117: {  	[sflag:s18] =	ssyncset.done @!p0 $0x0  }
0x118: {  	[sflag:s18] =	ssyncadd.s32 @!p0 $0xFFFFEC00  }
0x119: {  	_ =	sfence.sel $0x180000  }
0x11a: {  	[bflag:$0x0] =	sbarrier.arrive $0xFFFF  }
0x11b: {  	_ =	strace $0x90000050  }
0x11c: {  	s0 =	stileid.u32;
	[bflag:$0x2] =	sbarrier.arrive $0xFFFF  }
0x11d: {  	p0 =	sne.s32 s0, $0x0;
	s0 =	rddreg [dreg:$0x2]  }
0x11e: {  	s0 =	sadd.s32 @!p0 $0x100000, s0  }
0x11f: {  	[sflag:s0] =	ssyncadd.tile.s32 @!p0 $0x1;
	_ =	shalt  }
.Lfunc_end2:
_tile_overlayer_lowered:
.L_overlay_start_2:
0x120: {  	(tag) =	ssettag $0x2  }
0x121: {  	s0 =	rddreg [dreg:$0x0];
	s2 =	stileid.u32  }
0x122: {  	s1 =	rddreg [dreg:$0x1];
	p0 =	sne.s32 s2, $0x0  }
0x123: {  	s3 =	rddreg [dreg:$0x2];
	[bflag:$0x3] =	sbarrier.arrive $0xFFFF;
	s2 =	simm.s32 @!p0 $0x1C06  }
0x124: {  	[timem:s3], [sflag:s2] =	dma.local @!p0 [hbm:s0], s1  }
0x125: {  	s0 =	simm.s32 @!p0 $0x6  }
0x126: {  	_ =	swait.ge @!p0 [sflag:s0], s1  }
0x127: {  	s1 =	ssub.s32 @!p0 $0x0, s1;
	[sflag:s0] =	ssyncset.done @!p0 $0x0  }
0x128: {  	[sflag:s0] =	ssyncadd.s32 @!p0 s1  }
0x129: {  	[bflag:$0x3] =	sbarrier.arrive $0xFFFF  }
0x12a: {  	_ =	shalt  }

// kernel: kernel.24.cloned.1.call-start
scs
__scs_entry_jumppad:
0x0: {  	(pc) =	sbr.rel $0x88, $3  }
0x1: {  	(tag) =	ssettag $0x0;
	lr =	simm.s32 $0x1  }
0x2: {  	[smem:$0x3F94] =	sst lr;
	_ =	strace $0xD0000000  }
0x3: {  	_ = 	snop  }
0x4: {  	_ = 	snop  }
0x5: {  	_ = 	snop  }
0x6: {  	_ = 	snop  }
0x7: {  	_ = 	snop  }
__scs_overlays_trampoline_lowered:
0x8: {  	[smem:$0x3FA3] =	sst s0  }
0x9: {  	[smem:$0x3FA4] =	sst s1  }
0xa: {  	[smem:$0x3FA5] =	sst s2  }
0xb: {  	[smem:$0x3FA6] =	sst s3  }
0xc: {  	[smem:$0x3FA7] =	sst s4  }
0xd: {  	[smem:$0x3FA8] =	sst s5  }
0xe: {  	[smem:$0x3FA9] =	sst s6  }
0xf: {  	[smem:$0x3FAA] =	sst s7  }
0x10: {  	[smem:$0x3FAB] =	sst s8  }
0x11: {  	[smem:$0x3FAC] =	sst s9;
	s0 =	simm.s32 @!p0 $0x0  }
0x12: {  	s1 =	sld [smem:$0x3F92];
	s0 =	simm.s32 @p0 $0x1  }
0x13: {  	[smem:$0x3FAD] =	sst s0;
	s0 =	simm.s32 @!p1 $0x0  }
0x14: {  	s2 =	sld [smem:$0x3F91];
	s0 =	simm.s32 @p1 $0x1  }
0x15: {  	[smem:$0x3FAE] =	sst s0;
	s0 =	simm.s32 @!p2 $0x0  }
0x16: {  	s3 =	sld [smem:$0x3FDB];
	s0 =	simm.s32 @p2 $0x1  }
0x17: {  	s4 =	simm.s32 $0x1BF5;
	[smem:$0x3FB0] =	sst s0  }
0x18: {  	s0 =	sld [smem:$0x3F93];
	_ =	swait.ge [sflag:s4], $0x0  }
0x19: {  	s7 =	sld [smem:$0x3F94]  }
0x1a: {  	s8 =	sadd.s32 $0xFFFFE003, lr  }
0x1b: {  	s9 =	sadd.s32 $0xFFFFFEF7, lr;
	s5 =	simm.s32 $0xFFFFFFFF;
	p2 =	slt.u32 s8, $0xFFFFF086  }
0x1c: {  	p1 =	slt.u32 s9, $0xF7A;
	s5 =	simm.s32 @!p2 $0x0  }
0x1d: {  	s5 =	simm.s32 @p1 $0x1;
	p0 =	seq.s32 s7, s2  }
0x1e: {  	s7 =	smul.u32 @!p0 $0xF7A, s2;
	p2 =	seq.s32 @!p0 s5, $0x0  }
0x1f: {  	s9 =	smul.u32 $0xF7A, s1;
	s8 =	simm.s32 @!p0 $0x1BF5;
	p2 =	por !p2, p0  }
0x20: {  	[sflag:s8] =	ssyncset.s32 @!p0 $0xFFFFF086;
	s6 =	sadd.s32 @!p0 s3, s7;
	s7 =	simm.s32 @!p0 $0x108  }
0x21: {  	s3 =	sadd.s32 s3, s9;
	s6 =	sadd.s32 @!p0 $0x88, s6;
	s7 =	simm.s32 @p2 $0x1082  }
0x22: {  	[simem:s7], [sflag:s8] =	dma.local @!p0 [hbm:s6], $0xF7A  }
0x23: {  	s9 =	sor.u32 $0xD0000000, s2;
	s6 =	simm.s32 $0x108;
	_ =	swait.ge @!p0 [sflag:s8], $0x0  }
0x24: {  	s3 =	sadd.s32 $0x88, s3;
	s6 =	simm.s32 @!p1 $0x1082;
	[sflag:s4] =	ssyncset.s32 $0xFFFFF086  }
0x25: {  	[simem:s6], [sflag:s4] =	dma.local [hbm:s3], $0xF7A  }
0x26: {  	[smem:$0x3F94] =	sst s1;
	(tag) =	ssettag s2;
	_ =	strace s9  }
0x27: {  	s1 =	sld [smem:$0x3FA4]  }
0x28: {  	s2 =	sld [smem:$0x3FA5]  }
0x29: {  	s4 =	sld [smem:$0x3FA7]  }
0x2a: {  	p0 =	seq.s32 s5, $0x0;
	s5 =	sld [smem:$0x3FA8]  }
0x2b: {  	s6 =	sld [smem:$0x3FA9]  }
0x2c: {  	s7 =	sld [smem:$0x3FAA]  }
0x2d: {  	s3 =	simm.s32 $0x108;
	s8 =	sld [smem:$0x3FAB]  }
0x2e: {  	s3 =	simm.s32 @!p0 $0x1082;
	s9 =	sld [smem:$0x3FAC]  }
0x2f: {  	lr =	sadd.s32 s0, s3;
	s0 =	sld [smem:$0x3FA3]  }
0x30: {  	s3 =	sld [smem:$0x3FA6]  }
0x31: {  	[smem:$0x3FAF] =	sst s10  }
0x32: {  	s10 =	sld [smem:$0x3FAD];
	_ =	sdelay $0x3  }
0x33: {  	p0 =	seq.s32 s10, $0x1;
	s10 =	sld [smem:$0x3FAF];
	_ =	sdelay $0x3  }
0x34: {  	[smem:$0x3FAF] =	sst s10  }
0x35: {  	s10 =	sld [smem:$0x3FAE];
	_ =	sdelay $0x3  }
0x36: {  	p1 =	seq.s32 s10, $0x1;
	s10 =	sld [smem:$0x3FAF];
	_ =	sdelay $0x3  }
0x37: {  	[smem:$0x3FAF] =	sst s10  }
0x38: {  	s10 =	sld [smem:$0x3FB0]  }
0x39: {  	_ = 	snop;
	(pc) =	sbr.ind lr, $3  }
0x3a: {  	_ = 	snop  }
0x3b: {  	_ = 	snop  }
0x3c: {  	p2 =	seq.s32 s10, $0x1;
	s10 =	sld [smem:$0x3FAF]  }
0x3d: {  	_ =	shalt  }
0x3e: {  	_ =	shalt  }
0x3f: {  	_ =	shalt  }
0x40: {  	_ =	shalt  }
0x41: {  	_ =	shalt  }
0x42: {  	_ =	shalt  }
0x43: {  	_ =	shalt  }
0x44: {  	_ =	shalt  }
0x45: {  	_ =	shalt  }
0x46: {  	_ =	shalt  }
0x47: {  	_ =	shalt  }
0x48: {  	_ =	shalt  }
0x49: {  	_ =	shalt  }
0x4a: {  	_ =	shalt  }
0x4b: {  	_ =	shalt  }
0x4c: {  	_ =	shalt  }
0x4d: {  	_ =	shalt  }
0x4e: {  	_ =	shalt  }
0x4f: {  	_ =	shalt  }
0x50: {  	_ =	shalt  }
0x51: {  	_ =	shalt  }
0x52: {  	_ =	shalt  }
0x53: {  	_ =	shalt  }
0x54: {  	_ =	shalt  }
0x55: {  	_ =	shalt  }
0x56: {  	_ =	shalt  }
0x57: {  	_ =	shalt  }
0x58: {  	_ =	shalt  }
0x59: {  	_ =	shalt  }
0x5a: {  	_ =	shalt  }
0x5b: {  	_ =	shalt  }
0x5c: {  	_ =	shalt  }
0x5d: {  	_ =	shalt  }
0x5e: {  	_ =	shalt  }
0x5f: {  	_ =	shalt  }
0x60: {  	_ =	shalt  }
0x61: {  	_ =	shalt  }
0x62: {  	_ =	shalt  }
0x63: {  	_ =	shalt  }
0x64: {  	_ =	shalt  }
0x65: {  	_ =	shalt  }
0x66: {  	_ =	shalt  }
0x67: {  	_ =	shalt  }
0x68: {  	_ =	shalt  }
0x69: {  	_ =	shalt  }
0x6a: {  	_ =	shalt  }
0x6b: {  	_ =	shalt  }
0x6c: {  	_ =	shalt  }
0x6d: {  	_ =	shalt  }
0x6e: {  	_ =	shalt  }
0x6f: {  	_ =	shalt  }
0x70: {  	_ =	shalt  }
0x71: {  	_ =	shalt  }
0x72: {  	_ =	shalt  }
0x73: {  	_ =	shalt  }
0x74: {  	_ =	shalt  }
0x75: {  	_ =	shalt  }
0x76: {  	_ =	shalt  }
0x77: {  	_ =	shalt  }
0x78: {  	_ =	shalt  }
0x79: {  	_ =	shalt  }
0x7a: {  	_ =	shalt  }
0x7b: {  	_ =	shalt  }
0x7c: {  	_ =	shalt  }
0x7d: {  	_ =	shalt  }
0x7e: {  	_ =	shalt  }
0x7f: {  	_ =	shalt  }
0x80: {  	_ =	shalt  }
0x81: {  	_ =	shalt  }
0x82: {  	_ =	shalt  }
0x83: {  	_ =	shalt  }
0x84: {  	_ =	shalt  }
0x85: {  	_ =	shalt  }
0x86: {  	_ =	shalt  }
0x87: {  	_ =	shalt  }
.Lfunc_end0:
.L_simem_size_0:
called_computation.4_lowered:
.L_overlay_start_0:
0x88: {  	s2 =	sld [smem:$0x3FD9]  }
0x89: {  	s3 =	sld [smem:$0x3FFE];
	_ =	sdelay $0x1  }
0x8a: {  	s1 =	srdreg.scid  }
0x8b: {  	s0 =	sand.u32 $0x1, s1  }
0x8c: {  	s16 =	sshll.u32 s0, $0xA;
	s2 =	sadd.s32 s3, s2  }
0x8d: {  	s2 =	sadd.s32 s2, s16  }
0x8e: {  	[smem:$0x3FBB] =	sst s2  }
0x8f: {  	_ = 	snop  }
0x90: {  	(tm) =	ssettm $0x1  }
0x91: {  	s17 =	sld [smem:$0x3FFB];
	_ =	sdelay $0x3  }
0x92: {  	_ =	strace s17  }
0x93: {  	s2 =	sld [smem:$0x3FFC];
	_ =	sdelay $0x3  }
0x94: {  	_ =	strace s2  }
0x95: {  	s2 =	sld [smem:$0x3FFD];
	_ =	sdelay $0x3  }
0x96: {  	_ =	strace s2  }
0x97: {  	_ =	strace $0x8FFFFFFF  }
0x98: {  	s18 =	sld [smem:$0x3FDB];
	_ =	sdelay $0x1  }
0x99: {  	s19 =	simm.s32 $_scs_section_size  }
0x9a: {  	s4 =	simm.s32 $_size__tile_overlayer_lowered;
	s5 =	simm.s32 $_tile_overlayer_lowered  }
0x9b: {  	s22 =	simm.s32 $0x1BFF;
	s21 =	sshll.u32 s5, $0x1;
	s2 =	sadd.s32 s19, s18  }
0x9c: {  	s6 =	simm.s32 $0x0;
	s20 =	sshll.u32 s4, $0x1;
	s4 =	sadd.s32 s21, s2  }
0x9d: {  	[timem:s6], [sflag:s22] =	dma.local [hbm:s4], s20  }
0x9e: {  	_ =	swait.ge [sflag:s22], s20  }
0x9f: {  	s3 =	ssub.s32 $0x0, s20;
	[sflag:s22] =	ssyncset.done $0x0  }
0xa0: {  	[sflag:s22] =	ssyncadd.s32 s3;
	_ =	sdelay $0x1  }
0xa1: {  	s23 =	simm.s32 $0x1B8B  }
0xa2: {  	_ =	swait.ge [sflag:s23], $0x1  }
0xa3: {  	[sflag:s23] =	ssyncset.done $0x0  }
0xa4: {  	s25 =	simm.s32 $0x1B8E;
	s24 =	sld [smem:$0x3FFE];
	[sflag:s23] =	ssyncadd.s32 $0xFFFFFFFF  }
0xa5: {  	s26 =	simm.s32 $execute0_lowered;
	[smem:$0x3FD2] =	sst s25  }
0xa6: {  	s4 =	sshll.u32 s26, $0x1;
	_ =	strace $0x80000052;
	[dreg:$0x1] =	wrdreg $0xFFFFFFFF  }
0xa7: {  	s28 =	simm.s32 $_size_execute0_lowered;
	s2 =	sadd.s32 s2, s4;
	[dreg:$0x0] =	wrdreg $0x0  }
0xa8: {  	s4 =	sshll.u32 s28, $0x1;
	[dreg:$0x2] =	wrdreg s2  }
0xa9: {  	[dreg:$0x3] =	wrdreg s4  }
0xaa: {  	[dreg:$0x4] =	wrdreg $0xC0  }
0xab: {  	_ =	task [dreg:s6], $0x5FFFF  }
0xac: {  	[dreg:$0x1] =	wrdreg $0xFFFFFFFF  }
0xad: {  	[dreg:$0x0] =	wrdreg $0x60  }
0xae: {  	[dreg:$0x2] =	wrdreg s24  }
0xaf: {  	[dreg:$0x3] =	wrdreg $0x80200  }
0xb0: {  	[dreg:$0x4] =	wrdreg $0x9  }
0xb1: {  	_ =	task.clear_ibuf [dreg:s6], $0x5FFFF;
	_ =	strace $0x90000052  }
0xb2: {  	s29 =	simm.s32 $0x9;
	_ =	strace $0x80000054  }
0xb3: {  	_ =	swait.ge [sflag:s29], $0x1  }
0xb4: {  	[sflag:s29] =	ssyncadd.s32 $0xFFFFFFFF  }
0xb5: {  	_ =	strace $0x90000054  }
0xb6: {  	_ =	sfence  }
0xb7: {  	s30 =	sld [smem:$0x0];
	_ =	sdelay $0x2  }
0xb8: {  	s31 =	sshll.u32 s1, $0xD;
	s1 =	sshrl.u32 s1, $0x2  }
0xb9: {  	s3 =	sand.u32 $0x4000, s31;
	s1 =	sadd.s32 s1, s30  }
0xba: {  	s0 =	sor.u32 s3, s0;
	s1 =	sshll.u32 s1, $0x11  }
0xbb: {  	s0 =	sor.u32 s1, s0  }
0xbc: {  	s0 =	sadd.s32 $0x8F2B, s0  }
0xbd: {  	[sflag:s0] =	ssyncadd.remote.s32 $0x1  }
0xbe: {  	_ =	sfence.sel $0xFFFF  }
0xbf: {  	[dreg:$0x0] =	wrdreg $0xFFFFFFFF;
	(pc) =	sbr.abs _section_cstart, $3  }
0xc0: {  	[dreg:$0x1] =	wrdreg $0xFFFFFFFF  }
0xc1: {  	_ =	task.clear_ibuf [dreg:s6], $0x2FFFF;
	_ =	strace $0x9FFFFFFF  }
0xc2: {  	(tm) =	ssettm $0x7FFFFFFF  }
0xc3: {  	_ =	shalt  }
tec
execute0_lowered:
.L_overlay_start_1:
0x0: {  	(tag) =	ssettag $0x1  }
0x1: {  	s20 =	stileid.u32  }
0x2: {  	s0 =	srdreg.scid;
	s19 =	smul.u32 $0x2800, s20  }
0x3: {  	s0 =	sand.u32 $0x1, s0;
	s24 =	smul.u32 $0x140, s20  }
0x4: {  	s7 =	sor.u32 $0x10, s20;
	s6 =	smul.u32 $0x9C40, s0  }
0x5: {  	s12 =	sor.u32 $0x20, s20;
	s9 =	smul.u32 $0x2800, s7  }
0x6: {  	s13 =	sor.u32 $0x30, s20;
	s10 =	smul.u32 $0x2800, s12  }
0x7: {  	s1 =	rddreg [dreg:$0x0];
	s14 =	sor.u32 $0x40, s20;
	s11 =	smul.u32 $0x2800, s13  }
0x8: {  	s2 =	rddreg [dreg:$0x1];
	s15 =	sor.u32 $0x50, s20;
	s22 =	smul.u32 $0x2800, s14  }
0x9: {  	s28 =	simm.s32 $0x50;
	s17 =	sor.u32 $0x60, s20;
	s16 =	smul.u32 $0x2800, s15  }
0xa: {  	s29 =	simm.s32 $0x5820;
	s31 =	simm.s32 $0x6220;
	s23 =	smul.u32 $0x2800, s17  }
0xb: {  	s30 =	simm.s32 $0x7620;
	s18 =	sor.u32 $0x70, s20;
	s7 =	smul.u32 $0x140, s7  }
0xc: {  	s3 =	sshll.u32 s0, $0x4;
	s0 =	ssub.s32 $0x2, s0;
	s25 =	smul.u32 $0x140, s12  }
0xd: {  	p0 =	sgt.u32 s18, $0x7C;
	s4 =	sor.u32 s20, s3;
	s3 =	simm.s32 $0x0  }
0xe: {  	s8 =	sshrl.u32 s0, $0x1;
	s5 =	smul.u32 $0x4E2, s4;
	[smem:$0x7FF] =	sst s3  }
0xf: {  	s4 =	sadd.s32 $0x16A00, s1;
	s0 =	ssub.s32 s0, s8;
	s9 =	sshrl.u32 s9, $0x2  }
0x10: {  	s10 =	sshrl.u32 s10, $0x2;
	s11 =	sshrl.u32 s11, $0x2;
	s16 =	sshrl.u32 s16, $0x2  }
0x11: {  	_ =	strace $0x80000053;
	s0 =	smax.u32 s0, $0x1;
	s9 =	sadd.s32 s9, s2  }
0x12: {  	s10 =	sadd.s32 s10, s2;
	s11 =	sadd.s32 s11, s2;
	s5 =	sadd.s32 s5, s1  }
0x13: {  	s1 =	sadd.s32 s6, s1;
	[dreg:$0x5] =	wrdreg s0;
	s6 =	sshrl.u32 s19, $0x2  }
0x14: {  	s19 =	smul.u32 $0x2800, s18;
	s0 =	sshrl.u32 s23, $0x2;
	s21 =	sadd.s32 $0x2E00, s5  }
0x15: {  	s5 =	sadd.s32 $0xCC00, s5;
	s1 =	sadd.s32 $0x20800, s1;
	[dreg:$0x3] =	wrdreg s21  }
0x16: {  	s8 =	sadd.s32 s6, s2;
	[dreg:$0x4] =	wrdreg s5;
	s21 =	smul.u32 $0x140, s13  }
0x17: {  	s5 =	sshrl.u32 s22, $0x2;
	s26 =	sshrl.u32 s19, $0x2;
	s19 =	smul.u32 $0x140, s15  }
0x18: {  	s13 =	sadd.s32 s16, s2;
	s22 =	smul.u32 $0x140, s17;
	s6 =	sadd.s32 s1, s24  }
0x19: {  	s23 =	sadd.s32 s1, s7;
	s24 =	smul.u32 $0x140, s18;
	s25 =	sadd.s32 s1, s25  }
0x1a: {  	s7 =	simm.s32 $0x5;
	s16 =	simm.s32 $0x7;
	s17 =	simm.s32 $0x0  }
0x1b: {  	s12 =	sadd.s32 s5, s2;
	s5 =	smul.u32 $0x140, s14;
	[dreg:$0x6] =	wrdreg s6  }
0x1c: {  	s14 =	sadd.s32 s0, s2;
	s15 =	sadd.s32 s26, s2;
	[dreg:$0x7] =	wrdreg s23  }
0x1d: {  	[dreg:$0x8] =	wrdreg s25;
	s25 =	simm.s32 $0x6;
	s0 =	simm.s32 $0x6C20  }
0x1e: {  	s6 =	simm.s32 $0x4;
	s26 =	sadd.s32 s1, s21;
	s21 =	sadd.s32 s1, s19  }
0x1f: {  	s22 =	sadd.s32 s1, s22;
	s23 =	sadd.s32 s1, s24;
	s24 =	simm.s32 $0x4E20  }
0x20: {  	[dreg:$0x9] =	wrdreg s26;
	s5 =	sadd.s32 s1, s5;
	s1 =	simm.s32 $0x1  }
0x21: {  	v0 =	vimm.f32 $0.0e+00;
	s26 =	simm.s32 $0x2;
	[dreg:$0xa] =	wrdreg s5;
	s5 =	simm.s32 $0x3  }
.LBB2_1:
0x22: {  	s18 =	simm.s32 $0x80;
	s19 =	simm.s32 $0x0  }
.LBB2_2:
0x23: {  	p1 =	sne.s32 s18, $0x2780;
	[tilespmem:s19+$0x4E20] =	vst v0;
	s20 =	smov.u32 s18;
	s18 =	sadd.s32 $0x80, s18  }
.Ltmp0:
0x24: {  	[tilespmem:s19+$0x4E30] =	vst v0;
	(pc) =	sbr.rel @p1 .LBB2_2-.Ltmp0, $2  }
0x25: {  	_ =	sdelay $0x2  }
0x26: {  	s19 =	sshra.s32 s20, $0x2  }
0x27: {  	[tilespmem:s19+$0x4E20] =	vst v0  }
0x28: {  	[tilespmem:s19+$0x4E30] =	vst v0  }
0x29: {  	[spmem:s8] =	stream.linear.scatter [tilespmem:s24], [sflag:$0x6], $0xA00, $0x38;
	[tilespmem:$0xCE40] =	vst v63  }
0x2a: {  	_ =	swait.ge [sflag:s25], $0xA00  }
0x2b: {  	[sflag:s25] =	ssyncset.done $0x0  }
0x2c: {  	[sflag:s25] =	ssyncadd.s32 $0xFFFFF600  }
0x2d: {  	[spmem:s9] =	stream.linear.scatter [tilespmem:s24], [sflag:$0x6], $0xA00, $0x38;
	[tilespmem:$0xCE40] =	vst v63  }
0x2e: {  	_ =	swait.ge [sflag:s25], $0xA00  }
0x2f: {  	[sflag:s25] =	ssyncset.done $0x0  }
0x30: {  	[sflag:s25] =	ssyncadd.s32 $0xFFFFF600  }
0x31: {  	[spmem:s10] =	stream.linear.scatter [tilespmem:s24], [sflag:$0x6], $0xA00, $0x38;
	[tilespmem:$0xCE40] =	vst v63  }
0x32: {  	_ =	swait.ge [sflag:s25], $0xA00  }
0x33: {  	[sflag:s25] =	ssyncset.done $0x0  }
0x34: {  	[sflag:s25] =	ssyncadd.s32 $0xFFFFF600  }
0x35: {  	[spmem:s11] =	stream.linear.scatter [tilespmem:s24], [sflag:$0x6], $0xA00, $0x38;
	[tilespmem:$0xCE40] =	vst v63  }
0x36: {  	_ =	swait.ge [sflag:s25], $0xA00  }
0x37: {  	[sflag:s25] =	ssyncset.done $0x0  }
0x38: {  	[sflag:s25] =	ssyncadd.s32 $0xFFFFF600  }
0x39: {  	[spmem:s12] =	stream.linear.scatter [tilespmem:s24], [sflag:$0x6], $0xA00, $0x38;
	[tilespmem:$0xCE40] =	vst v63  }
0x3a: {  	_ =	swait.ge [sflag:s25], $0xA00  }
0x3b: {  	[sflag:s25] =	ssyncset.done $0x0  }
0x3c: {  	[sflag:s25] =	ssyncadd.s32 $0xFFFFF600  }
0x3d: {  	[spmem:s13] =	stream.linear.scatter [tilespmem:s24], [sflag:$0x6], $0xA00, $0x38;
	[tilespmem:$0xCE40] =	vst v63  }
0x3e: {  	_ =	swait.ge [sflag:s25], $0xA00  }
0x3f: {  	[sflag:s25] =	ssyncset.done $0x0  }
0x40: {  	[sflag:s25] =	ssyncadd.s32 $0xFFFFF600  }
0x41: {  	[spmem:s14] =	stream.linear.scatter [tilespmem:s24], [sflag:$0x6], $0xA00, $0x38;
	[tilespmem:$0xCE40] =	vst v63  }
0x42: {  	_ =	swait.ge [sflag:s25], $0xA00  }
0x43: {  	[sflag:s25] =	ssyncset.done $0x0  }
0x44: {  	s18 =	simm.s32 @!p0 $0x4E20;
	[sflag:s25] =	ssyncadd.s32 $0xFFFFF600  }
0x45: {  	[spmem:s15] =	stream.linear.scatter @!p0 [tilespmem:s18], [sflag:$0x6], $0xA00, $0x38;
	[tilespmem:$0xCE40] =	vst v63  }
0x46: {  	s18 =	simm.s32 @!p0 $0x6  }
0x47: {  	_ =	swait.ge @!p0 [sflag:s18], $0xA00  }
0x48: {  	[sflag:s18] =	ssyncset.done @!p0 $0x0  }
0x49: {  	s20 =	rddreg [dreg:$0x3];
	[sflag:s18] =	ssyncadd.s32 @!p0 $0xFFFFF600;
	s18 =	simm.s32 $0x0  }
0x4a: {  	[tilespmem:s18], [sflag:$0x6] =	stream.linear.gather [hbm4b:s20+s18], $0x2710, $0x38;
	[tilespmem:$0xCE40] =	vst v63  }
0x4b: {  	_ =	swait.ge [sflag:s25], $0x2710  }
0x4c: {  	[sflag:s25] =	ssyncset.done $0x0  }
0x4d: {  	s20 =	simm.s32 $0x2710;
	s19 =	rddreg [dreg:$0x4];
	[sflag:s25] =	ssyncadd.s32 $0xFFFFD8F0  }
0x4e: {  	[tilespmem:s20], [sflag:$0x6] =	stream.linear.gather [hbm4b:s19+s18], $0x2710, $0x38;
	[tilespmem:$0xCE40] =	vst v63  }
0x4f: {  	_ =	swait.ge [sflag:s25], $0x2710  }
0x50: {  	[sflag:s25] =	ssyncset.done $0x0  }
0x51: {  	[sflag:s25] =	ssyncadd.s32 $0xFFFFD8F0  }
0x52: {  	[bflag:$0x0] =	sbarrier.arrive $0xFFFF  }
0x53: {  	[tilespmem:s24], [sflag:$0x1] =	stream.indirect.gather [hbm4b:s4+s28], $0x20, s18, s28, $0xb8;
	[tilespmem:$0xCE40] =	vst v63  }
0x54: {  	_ = 	snop  }
0x55: {  	[tilespmem:s29], [sflag:$0x2] =	stream.indirect.gather [hbm4b:s4+s28], $0x20, s28, s28, $0xb8;
	[tilespmem:$0xCE40] =	vst v63  }
0x56: {  	s19 =	simm.s32 $0xA0  }
0x57: {  	[tilespmem:s31], [sflag:$0x3] =	stream.indirect.gather [hbm4b:s4+s28], $0x20, s19, s28, $0xb8;
	[tilespmem:$0xCE40] =	vst v63  }
0x58: {  	s20 =	simm.s32 $0xF0  }
0x59: {  	[tilespmem:s0], [sflag:$0x4] =	stream.indirect.gather [hbm4b:s4+s28], $0x20, s20, s28, $0xb8;
	[tilespmem:$0xCE40] =	vst v63  }
0x5a: {  	s19 =	simm.s32 $0x140  }
0x5b: {  	[tilespmem:s30], [sflag:$0x5] =	stream.indirect.gather [hbm4b:s4+s28], $0x20, s19, s28, $0xb8;
	[tilespmem:$0xCE40] =	vst v63  }
0x5c: {  	_ =	swait.ge [sflag:s1], $0xA00  }
0x5d: {  	[sflag:s1] =	ssyncset.done $0x0  }
0x5e: {  	s20 =	simm.s32 $0x2710;
	[sflag:s1] =	ssyncadd.s32 $0xFFFFF600  }
0x5f: {  	[spmem:s2] =	stream.indirect.scatter.add.f32 [tilespmem:s24], [sflag:$0x6], $0x20, s20, s28, $0xb8;
	[tilespmem:$0xCE40] =	vst v63  }
0x60: {  	_ =	swait.ge [sflag:s25], $0xA00  }
0x61: {  	[sflag:s25] =	ssyncset.done $0x0  }
0x62: {  	s19 =	simm.s32 $0x190;
	[sflag:s25] =	ssyncadd.s32 $0xFFFFF600  }
0x63: {  	[tilespmem:s24], [sflag:$0x1] =	stream.indirect.gather [hbm4b:s4+s28], $0x20, s19, s28, $0xb8;
	[tilespmem:$0xCE40] =	vst v63  }
0x64: {  	_ =	swait.ge [sflag:s26], $0xA00  }
0x65: {  	[sflag:s26] =	ssyncset.done $0x0  }
0x66: {  	s20 =	simm.s32 $0x2760;
	[sflag:s26] =	ssyncadd.s32 $0xFFFFF600  }
0x67: {  	[spmem:s2] =	stream.indirect.scatter.add.f32 [tilespmem:s29], [sflag:$0x6], $0x20, s20, s28, $0xb8;
	[tilespmem:$0xCE40] =	vst v63  }
0x68: {  	_ =	swait.ge [sflag:s25], $0xA00  }
0x69: {  	[sflag:s25] =	ssyncset.done $0x0  }
0x6a: {  	s19 =	simm.s32 $0x1E0;
	[sflag:s25] =	ssyncadd.s32 $0xFFFFF600  }
0x6b: {  	[tilespmem:s29], [sflag:$0x2] =	stream.indirect.gather [hbm4b:s4+s28], $0x20, s19, s28, $0xb8;
	[tilespmem:$0xCE40] =	vst v63  }
0x6c: {  	_ =	swait.ge [sflag:s5], $0xA00  }
0x6d: {  	[sflag:s5] =	ssyncset.done $0x0  }
0x6e: {  	s20 =	simm.s32 $0x27B0;
	[sflag:s5] =	ssyncadd.s32 $0xFFFFF600  }
0x6f: {  	[spmem:s2] =	stream.indirect.scatter.add.f32 [tilespmem:s31], [sflag:$0x6], $0x20, s20, s28, $0xb8;
	[tilespmem:$0xCE40] =	vst v63  }
0x70: {  	_ =	swait.ge [sflag:s25], $0xA00  }
0x71: {  	[sflag:s25] =	ssyncset.done $0x0  }
0x72: {  	s19 =	simm.s32 $0x230;
	[sflag:s25] =	ssyncadd.s32 $0xFFFFF600  }
0x73: {  	[tilespmem:s31], [sflag:$0x3] =	stream.indirect.gather [hbm4b:s4+s28], $0x20, s19, s28, $0xb8;
	[tilespmem:$0xCE40] =	vst v63  }
0x74: {  	_ =	swait.ge [sflag:s6], $0xA00  }
0x75: {  	[sflag:s6] =	ssyncset.done $0x0  }
0x76: {  	s20 =	simm.s32 $0x2800;
	[sflag:s6] =	ssyncadd.s32 $0xFFFFF600  }
0x77: {  	[spmem:s2] =	stream.indirect.scatter.add.f32 [tilespmem:s0], [sflag:$0x6], $0x20, s20, s28, $0xb8;
	[tilespmem:$0xCE40] =	vst v63  }
0x78: {  	_ =	swait.ge [sflag:s25], $0xA00  }
0x79: {  	[sflag:s25] =	ssyncset.done $0x0  }
0x7a: {  	s19 =	simm.s32 $0x280;
	[sflag:s25] =	ssyncadd.s32 $0xFFFFF600  }
0x7b: {  	[tilespmem:s0], [sflag:$0x4] =	stream.indirect.gather [hbm4b:s4+s28], $0x20, s19, s28, $0xb8;
	[tilespmem:$0xCE40] =	vst v63  }
0x7c: {  	_ =	swait.ge [sflag:s7], $0xA00  }
0x7d: {  	[sflag:s7] =	ssyncset.done $0x0  }
0x7e: {  	s20 =	simm.s32 $0x2850;
	[sflag:s7] =	ssyncadd.s32 $0xFFFFF600  }
0x7f: {  	[spmem:s2] =	stream.indirect.scatter.add.f32 [tilespmem:s30], [sflag:$0x6], $0x20, s20, s28, $0xb8;
	[tilespmem:$0xCE40] =	vst v63  }
0x80: {  	_ =	swait.ge [sflag:s25], $0xA00  }
0x81: {  	[sflag:s25] =	ssyncset.done $0x0  }
0x82: {  	s18 =	simm.s32 $0x640;
	s19 =	simm.s32 $0x2D0;
	[sflag:s25] =	ssyncadd.s32 $0xFFFFF600  }
.LBB2_4:
0x83: {  	[tilespmem:s30], [sflag:$0x5] =	stream.indirect.gather [hbm4b:s4+s28], $0x20, s19, s28, $0xb8;
	[tilespmem:$0xCE40] =	vst v63  }
0x84: {  	s19 =	smov.u32 s18  }
0x85: {  	p1 =	sne.s32 s18, $0x8FC0;
	s18 =	sadd.s32 $0x640, s18;
	_ =	swait.ge [sflag:s1], $0xA00  }
0x86: {  	s19 =	sshra.s32 s19, $0x2;
	[sflag:s1] =	ssyncset.done $0x0  }
0x87: {  	s20 =	sadd.s32 $0x2710, s19;
	[sflag:s1] =	ssyncadd.s32 $0xFFFFF600  }
0x88: {  	[spmem:s2] =	stream.indirect.scatter.add.f32 [tilespmem:s24], [sflag:$0x6], $0x20, s20, s28, $0xb8;
	[tilespmem:$0xCE40] =	vst v63  }
0x89: {  	_ =	swait.ge [sflag:s25], $0xA00  }
0x8a: {  	[sflag:s25] =	ssyncset.done $0x0  }
0x8b: {  	s20 =	sadd.s32 $0x190, s19;
	[sflag:s25] =	ssyncadd.s32 $0xFFFFF600  }
0x8c: {  	[tilespmem:s24], [sflag:$0x1] =	stream.indirect.gather [hbm4b:s4+s28], $0x20, s20, s28, $0xb8;
	[tilespmem:$0xCE40] =	vst v63  }
0x8d: {  	_ =	swait.ge [sflag:s26], $0xA00  }
0x8e: {  	[sflag:s26] =	ssyncset.done $0x0  }
0x8f: {  	s20 =	sadd.s32 $0x2760, s19;
	[sflag:s26] =	ssyncadd.s32 $0xFFFFF600  }
0x90: {  	[spmem:s2] =	stream.indirect.scatter.add.f32 [tilespmem:s29], [sflag:$0x6], $0x20, s20, s28, $0xb8;
	[tilespmem:$0xCE40] =	vst v63  }
0x91: {  	_ =	swait.ge [sflag:s25], $0xA00  }
0x92: {  	[sflag:s25] =	ssyncset.done $0x0  }
0x93: {  	s20 =	sadd.s32 $0x1E0, s19;
	[sflag:s25] =	ssyncadd.s32 $0xFFFFF600  }
0x94: {  	[tilespmem:s29], [sflag:$0x2] =	stream.indirect.gather [hbm4b:s4+s28], $0x20, s20, s28, $0xb8;
	[tilespmem:$0xCE40] =	vst v63  }
0x95: {  	_ =	swait.ge [sflag:s5], $0xA00  }
0x96: {  	[sflag:s5] =	ssyncset.done $0x0  }
0x97: {  	s20 =	sadd.s32 $0x27B0, s19;
	[sflag:s5] =	ssyncadd.s32 $0xFFFFF600  }
0x98: {  	[spmem:s2] =	stream.indirect.scatter.add.f32 [tilespmem:s31], [sflag:$0x6], $0x20, s20, s28, $0xb8;
	[tilespmem:$0xCE40] =	vst v63  }
0x99: {  	_ =	swait.ge [sflag:s25], $0xA00  }
0x9a: {  	[sflag:s25] =	ssyncset.done $0x0  }
0x9b: {  	s20 =	sadd.s32 $0x230, s19;
	[sflag:s25] =	ssyncadd.s32 $0xFFFFF600  }
0x9c: {  	[tilespmem:s31], [sflag:$0x3] =	stream.indirect.gather [hbm4b:s4+s28], $0x20, s20, s28, $0xb8;
	[tilespmem:$0xCE40] =	vst v63  }
0x9d: {  	_ =	swait.ge [sflag:s6], $0xA00  }
0x9e: {  	[sflag:s6] =	ssyncset.done $0x0  }
0x9f: {  	s20 =	sadd.s32 $0x2800, s19;
	[sflag:s6] =	ssyncadd.s32 $0xFFFFF600  }
0xa0: {  	[spmem:s2] =	stream.indirect.scatter.add.f32 [tilespmem:s0], [sflag:$0x6], $0x20, s20, s28, $0xb8;
	[tilespmem:$0xCE40] =	vst v63  }
0xa1: {  	_ =	swait.ge [sflag:s25], $0xA00  }
0xa2: {  	[sflag:s25] =	ssyncset.done $0x0  }
0xa3: {  	s20 =	sadd.s32 $0x280, s19;
	[sflag:s25] =	ssyncadd.s32 $0xFFFFF600  }
0xa4: {  	[tilespmem:s0], [sflag:$0x4] =	stream.indirect.gather [hbm4b:s4+s28], $0x20, s20, s28, $0xb8;
	[tilespmem:$0xCE40] =	vst v63  }
0xa5: {  	_ =	swait.ge [sflag:s7], $0xA00  }
0xa6: {  	[sflag:s7] =	ssyncset.done $0x0  }
.Ltmp1:
0xa7: {  	s20 =	sadd.s32 $0x2850, s19;
	[sflag:s7] =	ssyncadd.s32 $0xFFFFF600;
	(pc) =	sbr.rel @p1 .LBB2_4-.Ltmp1, $4  }
0xa8: {  	[spmem:s2] =	stream.indirect.scatter.add.f32 [tilespmem:s30], [sflag:$0x6], $0x20, s20, s28, $0xb8;
	[tilespmem:$0xCE40] =	vst v63  }
0xa9: {  	_ =	swait.ge [sflag:s25], $0xA00  }
0xaa: {  	[sflag:s25] =	ssyncset.done $0x0  }
0xab: {  	s19 =	sadd.s32 $0x2D0, s19;
	[sflag:s25] =	ssyncadd.s32 $0xFFFFF600  }
0xac: {  	[tilespmem:s30], [sflag:$0x5] =	stream.indirect.gather [hbm4b:s4+s28], $0x20, s19, s28, $0xb8;
	[tilespmem:$0xCE40] =	vst v63  }
0xad: {  	_ =	swait.ge [sflag:s1], $0xA00  }
0xae: {  	[sflag:s1] =	ssyncset.done $0x0  }
0xaf: {  	s18 =	simm.s32 $0x4C90;
	[sflag:s1] =	ssyncadd.s32 $0xFFFFF600  }
0xb0: {  	[spmem:s2] =	stream.indirect.scatter.add.f32 [tilespmem:s24], [sflag:$0x6], $0x20, s18, s28, $0xb8;
	[tilespmem:$0xCE40] =	vst v63  }
0xb1: {  	_ =	swait.ge [sflag:s25], $0xA00  }
0xb2: {  	[sflag:s25] =	ssyncset.done $0x0  }
0xb3: {  	[sflag:s25] =	ssyncadd.s32 $0xFFFFF600  }
0xb4: {  	_ =	swait.ge [sflag:s26], $0xA00  }
0xb5: {  	[sflag:s26] =	ssyncset.done $0x0  }
0xb6: {  	s19 =	simm.s32 $0x4CE0;
	[sflag:s26] =	ssyncadd.s32 $0xFFFFF600  }
0xb7: {  	[spmem:s2] =	stream.indirect.scatter.add.f32 [tilespmem:s29], [sflag:$0x6], $0x20, s19, s28, $0xb8;
	[tilespmem:$0xCE40] =	vst v63  }
0xb8: {  	_ =	swait.ge [sflag:s25], $0xA00  }
0xb9: {  	[sflag:s25] =	ssyncset.done $0x0  }
0xba: {  	[sflag:s25] =	ssyncadd.s32 $0xFFFFF600  }
0xbb: {  	_ =	swait.ge [sflag:s5], $0xA00  }
0xbc: {  	[sflag:s5] =	ssyncset.done $0x0  }
0xbd: {  	s20 =	simm.s32 $0x4D30;
	[sflag:s5] =	ssyncadd.s32 $0xFFFFF600  }
0xbe: {  	[spmem:s2] =	stream.indirect.scatter.add.f32 [tilespmem:s31], [sflag:$0x6], $0x20, s20, s28, $0xb8;
	[tilespmem:$0xCE40] =	vst v63  }
0xbf: {  	_ =	swait.ge [sflag:s25], $0xA00  }
0xc0: {  	[sflag:s25] =	ssyncset.done $0x0  }
0xc1: {  	[sflag:s25] =	ssyncadd.s32 $0xFFFFF600  }
0xc2: {  	_ =	swait.ge [sflag:s6], $0xA00  }
0xc3: {  	[sflag:s6] =	ssyncset.done $0x0  }
0xc4: {  	s19 =	simm.s32 $0x4D80;
	[sflag:s6] =	ssyncadd.s32 $0xFFFFF600  }
0xc5: {  	[spmem:s2] =	stream.indirect.scatter.add.f32 [tilespmem:s0], [sflag:$0x6], $0x20, s19, s28, $0xb8;
	[tilespmem:$0xCE40] =	vst v63  }
0xc6: {  	_ =	swait.ge [sflag:s25], $0xA00  }
0xc7: {  	[sflag:s25] =	ssyncset.done $0x0  }
0xc8: {  	[sflag:s25] =	ssyncadd.s32 $0xFFFFF600  }
0xc9: {  	_ =	swait.ge [sflag:s7], $0xA00  }
0xca: {  	[sflag:s7] =	ssyncset.done $0x0  }
0xcb: {  	s20 =	simm.s32 $0x4DD0;
	[sflag:s7] =	ssyncadd.s32 $0xFFFFF600  }
0xcc: {  	[spmem:s2] =	stream.indirect.scatter.add.f32 [tilespmem:s30], [sflag:$0x6], $0x20, s20, s28, $0xb8;
	[tilespmem:$0xCE40] =	vst v63  }
0xcd: {  	_ =	swait.ge [sflag:s25], $0xA00  }
0xce: {  	[sflag:s25] =	ssyncset.done $0x0  }
0xcf: {  	[sflag:s25] =	ssyncadd.s32 $0xFFFFF600  }
0xd0: {  	[bflag:$0x0] =	sbarrier.arrive $0xFFFF  }
0xd1: {  	[tilespmem:s24], [sflag:$0x7] =	stream.linear.gather [spmem:s8], $0xA00, $0x38;
	[tilespmem:$0xCE40] =	vst v63  }
0xd2: {  	_ =	swait.ge [sflag:s16], $0xA00  }
0xd3: {  	[sflag:s16] =	ssyncset.done $0x0  }
0xd4: {  	s19 =	rddreg [dreg:$0x6];
	[sflag:s16] =	ssyncadd.s32 $0xFFFFF600  }
0xd5: {  	[hbm4b:s19+s3] =	stream.linear.scatter [tilespmem:s24], [sflag:$0x6], $0xA00, $0x38;
	[tilespmem:$0xCE40] =	vst v63  }
0xd6: {  	_ =	swait.ge [sflag:s25], $0xA00  }
0xd7: {  	[sflag:s25] =	ssyncset.done $0x0  }
0xd8: {  	[sflag:s25] =	ssyncadd.s32 $0xFFFFF600  }
0xd9: {  	[tilespmem:s24], [sflag:$0x7] =	stream.linear.gather [spmem:s9], $0xA00, $0x38;
	[tilespmem:$0xCE40] =	vst v63  }
0xda: {  	_ =	swait.ge [sflag:s16], $0xA00  }
0xdb: {  	[sflag:s16] =	ssyncset.done $0x0  }
0xdc: {  	s20 =	rddreg [dreg:$0x7];
	[sflag:s16] =	ssyncadd.s32 $0xFFFFF600  }
0xdd: {  	[hbm4b:s20+s3] =	stream.linear.scatter [tilespmem:s24], [sflag:$0x6], $0xA00, $0x38;
	[tilespmem:$0xCE40] =	vst v63  }
0xde: {  	_ =	swait.ge [sflag:s25], $0xA00  }
0xdf: {  	[sflag:s25] =	ssyncset.done $0x0  }
0xe0: {  	[sflag:s25] =	ssyncadd.s32 $0xFFFFF600  }
0xe1: {  	[tilespmem:s24], [sflag:$0x7] =	stream.linear.gather [spmem:s10], $0xA00, $0x38;
	[tilespmem:$0xCE40] =	vst v63  }
0xe2: {  	_ =	swait.ge [sflag:s16], $0xA00  }
0xe3: {  	[sflag:s16] =	ssyncset.done $0x0  }
0xe4: {  	s19 =	rddreg [dreg:$0x8];
	[sflag:s16] =	ssyncadd.s32 $0xFFFFF600  }
0xe5: {  	[hbm4b:s19+s3] =	stream.linear.scatter [tilespmem:s24], [sflag:$0x6], $0xA00, $0x38;
	[tilespmem:$0xCE40] =	vst v63  }
0xe6: {  	_ =	swait.ge [sflag:s25], $0xA00  }
0xe7: {  	[sflag:s25] =	ssyncset.done $0x0  }
0xe8: {  	[sflag:s25] =	ssyncadd.s32 $0xFFFFF600  }
0xe9: {  	[tilespmem:s24], [sflag:$0x7] =	stream.linear.gather [spmem:s11], $0xA00, $0x38;
	[tilespmem:$0xCE40] =	vst v63  }
0xea: {  	_ =	swait.ge [sflag:s16], $0xA00  }
0xeb: {  	[sflag:s16] =	ssyncset.done $0x0  }
0xec: {  	s20 =	rddreg [dreg:$0x9];
	[sflag:s16] =	ssyncadd.s32 $0xFFFFF600  }
0xed: {  	[hbm4b:s20+s3] =	stream.linear.scatter [tilespmem:s24], [sflag:$0x6], $0xA00, $0x38;
	[tilespmem:$0xCE40] =	vst v63  }
0xee: {  	_ =	swait.ge [sflag:s25], $0xA00  }
0xef: {  	[sflag:s25] =	ssyncset.done $0x0  }
0xf0: {  	[sflag:s25] =	ssyncadd.s32 $0xFFFFF600  }
0xf1: {  	[tilespmem:s24], [sflag:$0x7] =	stream.linear.gather [spmem:s12], $0xA00, $0x38;
	[tilespmem:$0xCE40] =	vst v63  }
0xf2: {  	_ =	swait.ge [sflag:s16], $0xA00  }
0xf3: {  	[sflag:s16] =	ssyncset.done $0x0  }
0xf4: {  	s19 =	rddreg [dreg:$0xa];
	[sflag:s16] =	ssyncadd.s32 $0xFFFFF600  }
0xf5: {  	[hbm4b:s19+s3] =	stream.linear.scatter [tilespmem:s24], [sflag:$0x6], $0xA00, $0x38;
	[tilespmem:$0xCE40] =	vst v63  }
0xf6: {  	_ =	swait.ge [sflag:s25], $0xA00  }
0xf7: {  	[sflag:s25] =	ssyncset.done $0x0  }
0xf8: {  	[sflag:s25] =	ssyncadd.s32 $0xFFFFF600  }
0xf9: {  	[tilespmem:s24], [sflag:$0x7] =	stream.linear.gather [spmem:s13], $0xA00, $0x38;
	[tilespmem:$0xCE40] =	vst v63  }
0xfa: {  	_ =	swait.ge [sflag:s16], $0xA00  }
0xfb: {  	[sflag:s16] =	ssyncset.done $0x0  }
0xfc: {  	[sflag:s16] =	ssyncadd.s32 $0xFFFFF600  }
0xfd: {  	[hbm4b:s21+s3] =	stream.linear.scatter [tilespmem:s24], [sflag:$0x6], $0xA00, $0x38;
	[tilespmem:$0xCE40] =	vst v63  }
0xfe: {  	_ =	swait.ge [sflag:s25], $0xA00  }
0xff: {  	[sflag:s25] =	ssyncset.done $0x0  }
0x100: {  	[sflag:s25] =	ssyncadd.s32 $0xFFFFF600  }
0x101: {  	[tilespmem:s24], [sflag:$0x7] =	stream.linear.gather [spmem:s14], $0xA00, $0x38;
	[tilespmem:$0xCE40] =	vst v63  }
0x102: {  	_ =	swait.ge [sflag:s16], $0xA00  }
0x103: {  	[sflag:s16] =	ssyncset.done $0x0  }
0x104: {  	[sflag:s16] =	ssyncadd.s32 $0xFFFFF600  }
0x105: {  	[hbm4b:s22+s3] =	stream.linear.scatter [tilespmem:s24], [sflag:$0x6], $0xA00, $0x38;
	[tilespmem:$0xCE40] =	vst v63  }
0x106: {  	_ =	swait.ge [sflag:s25], $0xA00  }
0x107: {  	[sflag:s25] =	ssyncset.done $0x0  }
0x108: {  	s18 =	simm.s32 @!p0 $0x4E20;
	s19 =	simm.s32 @!p0 $0x7;
	[sflag:s25] =	ssyncadd.s32 $0xFFFFF600  }
0x109: {  	[tilespmem:s18], [sflag:$0x7] =	stream.linear.gather @!p0 [spmem:s15], $0xA00, $0x38;
	[tilespmem:$0xCE40] =	vst v63  }
0x10a: {  	_ =	swait.ge @!p0 [sflag:s19], $0xA00  }
0x10b: {  	[sflag:s19] =	ssyncset.done @!p0 $0x0  }
0x10c: {  	[sflag:s19] =	ssyncadd.s32 @!p0 $0xFFFFF600;
	s19 =	simm.s32 @!p0 $0x0  }
0x10d: {  	[hbm4b:s23+s19] =	stream.linear.scatter @!p0 [tilespmem:s18], [sflag:$0x6], $0xA00, $0x38;
	[tilespmem:$0xCE40] =	vst v63  }
0x10e: {  	s18 =	simm.s32 @!p0 $0x6  }
0x10f: {  	_ =	swait.ge @!p0 [sflag:s18], $0xA00  }
0x110: {  	s17 =	sadd.s32 $0x1, s17;
	s20 =	rddreg [dreg:$0x5]  }
0x111: {  	p1 =	sne.s32 s17, s20  }
.Ltmp2:
0x112: {  	_ = 	snop;
	(pc) =	sbr.rel @p1 .LBB2_1-.Ltmp2, $3  }
0x113: {  	_ =	sdelay $0x1  }
0x114: {  	[sflag:s18] =	ssyncset.done @!p0 $0x0  }
0x115: {  	[sflag:s18] =	ssyncadd.s32 @!p0 $0xFFFFF600  }
0x116: {  	_ =	sfence.sel $0x180000  }
0x117: {  	[bflag:$0x0] =	sbarrier.arrive $0xFFFF  }
0x118: {  	_ =	strace $0x90000053  }
0x119: {  	s0 =	stileid.u32;
	[bflag:$0x2] =	sbarrier.arrive $0xFFFF  }
0x11a: {  	p0 =	sne.s32 s0, $0x0;
	s0 =	rddreg [dreg:$0x2]  }
0x11b: {  	s0 =	sadd.s32 @!p0 $0x100000, s0  }
0x11c: {  	[sflag:s0] =	ssyncadd.tile.s32 @!p0 $0x1;
	_ =	shalt  }
.Lfunc_end2:
_tile_overlayer_lowered:
.L_overlay_start_2:
0x11d: {  	(tag) =	ssettag $0x2  }
0x11e: {  	s0 =	rddreg [dreg:$0x0];
	s2 =	stileid.u32  }
0x11f: {  	s1 =	rddreg [dreg:$0x1];
	p0 =	sne.s32 s2, $0x0  }
0x120: {  	s3 =	rddreg [dreg:$0x2];
	[bflag:$0x3] =	sbarrier.arrive $0xFFFF;
	s2 =	simm.s32 @!p0 $0x1C06  }
0x121: {  	[timem:s3], [sflag:s2] =	dma.local @!p0 [hbm:s0], s1  }
0x122: {  	s0 =	simm.s32 @!p0 $0x6  }
0x123: {  	_ =	swait.ge @!p0 [sflag:s0], s1  }
0x124: {  	s1 =	ssub.s32 @!p0 $0x0, s1;
	[sflag:s0] =	ssyncset.done @!p0 $0x0  }
0x125: {  	[sflag:s0] =	ssyncadd.s32 @!p0 s1  }
0x126: {  	[bflag:$0x3] =	sbarrier.arrive $0xFFFF  }
0x127: {  	_ =	shalt  }

</sc_bundles>
